<compile_context>
chip_gen: v7x
topology: tpu7x:2x2x1
jax: 0.10.2.dev20260603
libtpu: 0.0.44.dev20260713+nightly
codegen_flags: <defaults>
</compile_context>

<pallas_src>
import jax
import jax.numpy as jnp
from jax import lax
from jax.experimental import pallas as pl
from jax.experimental.pallas import tpu as pltpu
from jax.experimental.pallas import tpu_sc as plsc

N = 10000
E = 320000
D_IN = 128
H = 16

NC = 2
NS = 16
NW = NC * NS

CB = 80
ROWS_TOT = E // CB
ROWS_W = ROWS_TOT // NW
EDGES_W = E // NW
NBUF = 5
NOUTER = ROWS_W // NBUF
N_PAD = 10240
NSTRIPE = N_PAD // NS
NP8 = N_PAD // 8
EP8 = E // 8
SBLK = 2000

_MESH = plsc.VectorSubcoreMesh(
    core_axis_name="c", subcore_axis_name="s", num_cores=NC, num_subcores=NS)
_SC_PARAMS = pltpu.CompilerParams(use_tc_tiling_on_sc=False)



def _dense_in(xp, wl, wr, b):
    def body(x_ref, wl_ref, wr_ref, b_ref, p_ref, r_ref):
        xb = x_ref[...]
        p_ref[...] = jnp.dot(xb, wl_ref[...], preferred_element_type=jnp.float32)
        r_ref[...] = jnp.dot(xb, wr_ref[...], preferred_element_type=jnp.float32) + b_ref[...]
    return pl.pallas_call(
        body,
        out_shape=[jax.ShapeDtypeStruct((NP8, 128), jnp.float32)] * 2,
    )(xp, wl, wr, b)


def _mid(accp, cntp, r1, wl, wr, b):
    def body(a_ref, c_ref, r1_ref, wl_ref, wr_ref, b_ref, p_ref, r_ref, inv_ref):
        acc = a_ref[0] + a_ref[1]
        cnt = c_ref[0] + c_ref[1]
        inv = 1.0 / jnp.maximum(cnt, 1.0)
        h = jnp.maximum(acc * inv + r1_ref[...], 0.0)
        p_ref[...] = jnp.dot(h, wl_ref[...], preferred_element_type=jnp.float32)
        r_ref[...] = jnp.dot(h, wr_ref[...], preferred_element_type=jnp.float32) + b_ref[...]
        inv_ref[...] = inv
    return pl.pallas_call(
        body,
        out_shape=[jax.ShapeDtypeStruct((NP8, 128), jnp.float32)] * 3,
    )(accp, cntp, r1, wl, wr, b)


def _post(accp, inv, r2, wa, wb, b):
    def body(a_ref, inv_ref, r2_ref, wa_ref, wb_ref, b_ref, ta_ref, tb_ref):
        acc = a_ref[0] + a_ref[1]
        h = jnp.maximum(acc * inv_ref[...] + r2_ref[...], 0.0)
        ta_ref[...] = jnp.dot(h, wa_ref[...], preferred_element_type=jnp.float32) + b_ref[...]
        tb_ref[...] = jnp.dot(h, wb_ref[...], preferred_element_type=jnp.float32)
    return pl.pallas_call(
        body,
        out_shape=[jax.ShapeDtypeStruct((NP8, 128), jnp.float32)] * 2,
    )(accp, inv, r2, wa, wb, b)


def _edge_mlp(ea, eb, w, g, b):
    BLKP = SBLK
    def body(ea_ref, eb_ref, w_ref, g_ref, b_ref, o_ref):
        t = jnp.maximum(ea_ref[...] + eb_ref[...], 0.0)
        o = jnp.dot(t, w_ref[...], preferred_element_type=jnp.float32) + b_ref[...]
        m = jnp.max(o, axis=1, keepdims=True)
        om = o - m
        z = jnp.exp(om)
        s = jnp.dot(z, g_ref[...], preferred_element_type=jnp.float32)
        d = om - jnp.log(s)
        dt = d.T
        for si in range(8):
            o_ref[:, si * BLKP:(si + 1) * BLKP] = dt[16 * si:16 * si + 16, :]
    return pl.pallas_call(
        body,
        grid=(EP8 // BLKP,),
        in_specs=[
            pl.BlockSpec((BLKP, 128), lambda i: (i, 0)),
            pl.BlockSpec((BLKP, 128), lambda i: (i, 0)),
            pl.BlockSpec((128, 128), lambda i: (0, 0)),
            pl.BlockSpec((128, 128), lambda i: (0, 0)),
            pl.BlockSpec((1, 128), lambda i: (0, 0)),
        ],
        out_specs=pl.BlockSpec((H, BLKP * 8), lambda i: (0, i)),
        out_shape=jax.ShapeDtypeStruct((H, E), jnp.float32),
    )(ea, eb, w, g, b)



def _agg_impl(with_count, tbl, srcm, dstm, ones_rows):
    def body(*refs):
        if with_count:
            (tbl_hbm, srcm_hbm, dstm_hbm, ones_hbm, acc_out, cnt_out,
             idxs_v, idxd_v, rows_v, ones_v, zer_v, tbl_sh, acc_sh, cnt_sh,
             sem_g, sem_a, sem_c) = refs
        else:
            (tbl_hbm, srcm_hbm, dstm_hbm, ones_hbm, acc_out,
             idxs_v, idxd_v, rows_v, ones_v, zer_v, tbl_sh, acc_sh,
             sem_g, sem_a, sem_c) = refs
        cid = lax.axis_index("c")
        sid = lax.axis_index("s")
        wid = sid * NC + cid
        pltpu.sync_copy(srcm_hbm.at[wid], idxs_v.at[pl.ds(0, ROWS_W)])
        pltpu.sync_copy(dstm_hbm.at[wid], idxd_v)
        pltpu.sync_copy(ones_hbm, ones_v)
        for k in range(NBUF):
            for i in range(CB // 16):
                idxs_v[ROWS_W + k, pl.ds(i * 16, 16)] = jnp.zeros((16,), jnp.int32)

        def zfill(i, carry):
            zer_v[i] = jnp.zeros((H,), jnp.float32)
            return carry
        lax.fori_loop(0, NSTRIPE, zfill, 0)
        stripe = pl.ds(sid * NSTRIPE, NSTRIPE)
        pltpu.sync_copy(zer_v, acc_sh.at[stripe])
        if with_count:
            pltpu.sync_copy(zer_v, cnt_sh.at[stripe])
        pltpu.sync_copy(tbl_hbm.at[stripe], tbl_sh.at[stripe])
        plsc.subcore_barrier()

        for b in range(NBUF - 1):
            pltpu.async_copy(tbl_sh.at[idxs_v.at[b]], rows_v.at[b], sem_g)

        def outer(jo, carry):
            j0 = jo * NBUF
            for b in range(NBUF):
                j = j0 + b
                if b == 0:
                    @pl.when(jo > 0)
                    def _():
                        pltpu.make_async_copy(ones_hbm, rows_v.at[NBUF - 1], sem_a).wait()
                        if with_count:
                            pltpu.make_async_copy(ones_hbm, ones_v, sem_c).wait()
                else:
                    pltpu.make_async_copy(ones_hbm, rows_v.at[b - 1], sem_a).wait()
                    if with_count:
                        pltpu.make_async_copy(ones_hbm, ones_v, sem_c).wait()
                pltpu.make_async_copy(ones_hbm, rows_v.at[b], sem_g).wait()
                pltpu.async_copy(rows_v.at[b], acc_sh.at[idxd_v.at[j]], sem_a, add=True)
                if with_count:
                    pltpu.async_copy(ones_v, cnt_sh.at[idxd_v.at[j]], sem_c, add=True)
                pltpu.async_copy(tbl_sh.at[idxs_v.at[j + NBUF - 1]],
                                 rows_v.at[(b - 1) % NBUF], sem_g)
            return carry
        lax.fori_loop(0, NOUTER, outer, 0)

        pltpu.make_async_copy(ones_hbm, rows_v.at[0], sem_a).wait()
        if with_count:
            pltpu.make_async_copy(ones_hbm, ones_v, sem_c).wait()
        for b in range(NBUF - 1):
            pltpu.make_async_copy(ones_hbm, rows_v.at[b], sem_g).wait()

        plsc.subcore_barrier()
        pltpu.sync_copy(acc_sh.at[stripe], acc_out.at[cid, stripe])
        if with_count:
            pltpu.sync_copy(cnt_sh.at[stripe], cnt_out.at[cid, stripe])

    ot = jax.ShapeDtypeStruct((NC, N_PAD, H), jnp.float32)
    shared = [pltpu.VMEM_SHARED((N_PAD, H), jnp.float32)] * (2 if with_count else 1)
    f = pl.kernel(
        body,
        out_type=[ot, ot] if with_count else ot,
        mesh=_MESH,
        compiler_params=_SC_PARAMS,
        scratch_types=[
            pltpu.VMEM((ROWS_W + NBUF, CB), jnp.int32),
            pltpu.VMEM((ROWS_W, CB), jnp.int32),
            pltpu.VMEM((NBUF, CB, H), jnp.float32),
            pltpu.VMEM((CB, H), jnp.float32),
            pltpu.VMEM((NSTRIPE, H), jnp.float32),
            pltpu.VMEM_SHARED((N_PAD, H), jnp.float32),
        ] + shared + [
            pltpu.SemaphoreType.DMA,
            pltpu.SemaphoreType.DMA,
            pltpu.SemaphoreType.DMA,
        ],
    )
    out = f(tbl, srcm, dstm, ones_rows)
    return out if with_count else (out,)


def _edge_gather(ta, tb, srcm, dstm):
    def body(ta_hbm, tb_hbm, srcm_hbm, dstm_hbm, ea_out, eb_out,
             idxs_v, idxd_v, rowsa_v, rowsb_v, ta_sh, tb_sh, sem_ga, sem_gb, sem_w):
        cid = lax.axis_index("c")
        sid = lax.axis_index("s")
        wid = sid * NC + cid
        pltpu.sync_copy(srcm_hbm.at[wid], idxs_v.at[pl.ds(0, ROWS_W)])
        pltpu.sync_copy(dstm_hbm.at[wid], idxd_v.at[pl.ds(0, ROWS_W)])
        for k in range(NBUF):
            for i in range(CB // 16):
                idxs_v[ROWS_W + k, pl.ds(i * 16, 16)] = jnp.zeros((16,), jnp.int32)
                idxd_v[ROWS_W + k, pl.ds(i * 16, 16)] = jnp.zeros((16,), jnp.int32)
        base_e = wid * EDGES_W
        stripe = pl.ds(sid * NSTRIPE, NSTRIPE)
        pltpu.sync_copy(ta_hbm.at[stripe], ta_sh.at[stripe])
        pltpu.sync_copy(tb_hbm.at[stripe], tb_sh.at[stripe])
        plsc.subcore_barrier()

        for b in range(NBUF - 1):
            pltpu.async_copy(ta_sh.at[idxs_v.at[b]], rowsa_v.at[b], sem_ga)
            pltpu.async_copy(tb_sh.at[idxd_v.at[b]], rowsb_v.at[b], sem_gb)

        def outer(jo, carry):
            j0 = jo * NBUF
            for b in range(NBUF):
                j = j0 + b
                if b == 0:
                    @pl.when(jo > 0)
                    def _():
                        pltpu.make_async_copy(ta_hbm.at[pl.ds(0, CB)], rowsa_v.at[NBUF - 1], sem_w).wait()
                        pltpu.make_async_copy(ta_hbm.at[pl.ds(0, CB)], rowsb_v.at[NBUF - 1], sem_w).wait()
                else:
                    pltpu.make_async_copy(ta_hbm.at[pl.ds(0, CB)], rowsa_v.at[b - 1], sem_w).wait()
                    pltpu.make_async_copy(ta_hbm.at[pl.ds(0, CB)], rowsb_v.at[b - 1], sem_w).wait()
                pltpu.make_async_copy(ta_hbm.at[pl.ds(0, CB)], rowsa_v.at[b], sem_ga).wait()
                pltpu.make_async_copy(ta_hbm.at[pl.ds(0, CB)], rowsb_v.at[b], sem_gb).wait()
                off = base_e + j * CB
                pltpu.async_copy(rowsa_v.at[b], ea_out.at[pl.ds(off, CB)], sem_w)
                pltpu.async_copy(rowsb_v.at[b], eb_out.at[pl.ds(off, CB)], sem_w)
                pltpu.async_copy(ta_sh.at[idxs_v.at[j + NBUF - 1]],
                                 rowsa_v.at[(b - 1) % NBUF], sem_ga)
                pltpu.async_copy(tb_sh.at[idxd_v.at[j + NBUF - 1]],
                                 rowsb_v.at[(b - 1) % NBUF], sem_gb)
            return carry
        lax.fori_loop(0, NOUTER, outer, 0)

        pltpu.make_async_copy(ta_hbm.at[pl.ds(0, CB)], rowsa_v.at[0], sem_w).wait()
        pltpu.make_async_copy(ta_hbm.at[pl.ds(0, CB)], rowsb_v.at[0], sem_w).wait()
        for b in range(NBUF - 1):
            pltpu.make_async_copy(ta_hbm.at[pl.ds(0, CB)], rowsa_v.at[b], sem_ga).wait()
            pltpu.make_async_copy(ta_hbm.at[pl.ds(0, CB)], rowsb_v.at[b], sem_gb).wait()

    f = pl.kernel(
        body,
        out_type=[jax.ShapeDtypeStruct((E, H), jnp.float32)] * 2,
        mesh=_MESH,
        compiler_params=_SC_PARAMS,
        scratch_types=[
            pltpu.VMEM((ROWS_W + NBUF, CB), jnp.int32),
            pltpu.VMEM((ROWS_W + NBUF, CB), jnp.int32),
            pltpu.VMEM((NBUF, CB, H), jnp.float32),
            pltpu.VMEM((NBUF, CB, H), jnp.float32),
            pltpu.VMEM_SHARED((N_PAD, H), jnp.float32),
            pltpu.VMEM_SHARED((N_PAD, H), jnp.float32),
            pltpu.SemaphoreType.DMA,
            pltpu.SemaphoreType.DMA,
            pltpu.SemaphoreType.DMA,
        ],
    )
    return f(ta, tb, srcm, dstm)



def kernel(x, edge_index, W1_l, W1_r, b1, W2_l, W2_r, b2, fc1_W, fc1_b, fc2_W, fc2_b):
    src = edge_index[0].astype(jnp.int32).reshape(E // (8 * SBLK), 8, SBLK).transpose(0, 2, 1).reshape(E)
    dst = edge_index[1].astype(jnp.int32).reshape(E // (8 * SBLK), 8, SBLK).transpose(0, 2, 1).reshape(E)
    srcm = src.reshape(NW, ROWS_W, CB)
    dstm = dst.reshape(NW, ROWS_W, CB)
    ones_rows = jnp.ones((CB, H), jnp.float32)
    eye8 = jnp.eye(8, dtype=jnp.float32)

    xp = jnp.zeros((N_PAD, D_IN), jnp.float32).at[:N].set(x).reshape(NP8, 8 * D_IN)
    p1p, r1p = _dense_in(xp, jnp.kron(eye8, W1_l), jnp.kron(eye8, W1_r),
                         jnp.tile(b1, 8)[None])
    accp1, cntp = _agg_impl(True, p1p.reshape(N_PAD, H), srcm, dstm, ones_rows)
    p2p, r2p, invp = _mid(accp1.reshape(NC, NP8, 128), cntp.reshape(NC, NP8, 128),
                          r1p, jnp.kron(eye8, W2_l), jnp.kron(eye8, W2_r),
                          jnp.tile(b2, 8)[None])
    accp2, = _agg_impl(False, p2p.reshape(N_PAD, H), srcm, dstm, ones_rows)
    tap, tbp = _post(accp2.reshape(NC, NP8, 128), invp, r2p,
                     jnp.kron(eye8, fc1_W[:H]), jnp.kron(eye8, fc1_W[H:]),
                     jnp.tile(fc1_b, 8)[None])
    ea, eb = _edge_gather(tap.reshape(N_PAD, H), tbp.reshape(N_PAD, H), srcm, dstm)
    out_t = _edge_mlp(ea.reshape(EP8, 128), eb.reshape(EP8, 128),
                      jnp.kron(eye8, fc2_W),
                      jnp.kron(eye8, jnp.ones((H, H), jnp.float32)),
                      jnp.tile(fc2_b, 8)[None])
    return out_t.T

# --- scband reference (transcript-rebuilt; emitter-appended) ---
"""Pipeline reference for scband-graph-sage2-67551245631650 (READ-ONLY COPY).

The authoritative reference and input builder live on the scoring server;
editing this copy changes nothing except your own understanding.
"""

import jax, jax.numpy as jnp
import numpy as np

N = 10000
E = 320000
D_IN = 128
H = 16
N_CLASSES = 16


def _sage_conv(x, src, dst, W_l, W_r, b, num_nodes):
    # PyG SAGEConv with aggr='mean': out = lin_l(mean_{j in N(i)} x_j) + lin_r(x_i)
    msgs = x[src]
    agg = jax.ops.segment_sum(msgs, dst, num_segments=num_nodes)
    cnt = jax.ops.segment_sum(jnp.ones((msgs.shape[0], 1), dtype=x.dtype), dst, num_segments=num_nodes)
    agg = agg / jnp.clip(cnt, 1.0)
    return agg @ W_l + b + x @ W_r


def setup_inputs(seed: int = 0) -> dict:
    key = jax.random.key(seed)
    ks = jax.random.split(key, 12)
    x = jax.random.normal(ks[0], (N, D_IN), dtype=jnp.float32)
    edge_index = jax.random.randint(ks[1], (2, E), 0, N, dtype=jnp.int64)
    s1 = 1.0 / np.sqrt(D_IN)
    s2 = 1.0 / np.sqrt(H)
    s3 = 1.0 / np.sqrt(2 * H)
    W1_l = jax.random.uniform(ks[2], (D_IN, H), jnp.float32, -s1, s1)
    W1_r = jax.random.uniform(ks[3], (D_IN, H), jnp.float32, -s1, s1)
    b1 = jax.random.uniform(ks[4], (H,), jnp.float32, -s1, s1)
    W2_l = jax.random.uniform(ks[5], (H, H), jnp.float32, -s2, s2)
    W2_r = jax.random.uniform(ks[6], (H, H), jnp.float32, -s2, s2)
    b2 = jax.random.uniform(ks[7], (H,), jnp.float32, -s2, s2)
    fc1_W = jax.random.uniform(ks[8], (2 * H, H), jnp.float32, -s3, s3)
    fc1_b = jax.random.uniform(ks[9], (H,), jnp.float32, -s3, s3)
    fc2_W = jax.random.uniform(ks[10], (H, N_CLASSES), jnp.float32, -s2, s2)
    fc2_b = jax.random.uniform(ks[11], (N_CLASSES,), jnp.float32, -s2, s2)
    return {"x": x, "edge_index": edge_index, "W1_l": W1_l, "W1_r": W1_r, "b1": b1,
            "W2_l": W2_l, "W2_r": W2_r, "b2": b2, "fc1_W": fc1_W, "fc1_b": fc1_b,
            "fc2_W": fc2_W, "fc2_b": fc2_b}


def reference(x, edge_index, W1_l, W1_r, b1, W2_l, W2_r, b2, fc1_W, fc1_b, fc2_W, fc2_b):
    src = edge_index[0]
    dst = edge_index[1]
    h = jax.nn.relu(_sage_conv(x, src, dst, W1_l, W1_r, b1, x.shape[0]))
    h = jax.nn.relu(_sage_conv(h, src, dst, W2_l, W2_r, b2, x.shape[0]))
    edge_features = jnp.concatenate([h[src], h[dst]], axis=1)
    edge_features = jax.nn.relu(edge_features @ fc1_W + fc1_b)
    out = edge_features @ fc2_W + fc2_b
    return jax.nn.log_softmax(out, axis=1)

if __name__ == "__main__":
    import jax
    _d = setup_inputs()
    print(jax.jit(kernel)(*tuple(_d.values())))

</pallas_src>

<mosaic_0001>
#map = affine_map<(d0, d1) -> (0, 0)>
#map1 = affine_map<(d0, d1) -> (0, 0, 0)>
module attributes {stable_mosaic.version = 14 : i64} {
  func.func @body(%arg0: i32, %arg1: i32, %arg2: memref<10240x16xf32, #tpu.memory_space<hbm>>, %arg3: memref<32x125x80xi32, #tpu.memory_space<hbm>>, %arg4: memref<32x125x80xi32, #tpu.memory_space<hbm>>, %arg5: memref<80x16xf32, #tpu.memory_space<hbm>>, %arg6: memref<2x10240x16xf32, #tpu.memory_space<hbm>>, %arg7: memref<130x80xi32, #tpu.memory_space<vmem>>, %arg8: memref<125x80xi32, #tpu.memory_space<vmem>>, %arg9: memref<5x80x16xf32, #tpu.memory_space<vmem>>, %arg10: memref<80x16xf32, #tpu.memory_space<vmem>>, %arg11: memref<640x16xf32, #tpu.memory_space<vmem>>, %arg12: memref<10240x16xf32, #tpu.memory_space<vmem_shared>>, %arg13: memref<10240x16xf32, #tpu.memory_space<vmem_shared>>, %arg14: memref<!tpu.dma_semaphore, #tpu.memory_space<semaphore_mem>>, %arg15: memref<!tpu.dma_semaphore, #tpu.memory_space<semaphore_mem>>, %arg16: memref<!tpu.dma_semaphore, #tpu.memory_space<semaphore_mem>>) attributes {dimension_semantics = [#tpu.dimension_semantics<core_parallel>, #tpu.dimension_semantics<subcore_parallel>], iteration_bounds = array<i64: 2, 16>, scalar_prefetch = 0 : i64, scratch_operands = 10 : i64, tpu.core_type = #tpu.core_type<sc_vector_subcore>, window_params = [{transform_indices = #map}, {transform_indices = #map1}, {transform_indices = #map1}, {transform_indices = #map}, {transform_indices = #map1}]} {
    %mul3A = arith.constant 2 : i32
    %mul3A_0 = arith.muli %arg1, %mul3A : i32
    %add3A = arith.addi %mul3A_0, %arg0 : i32
    "tpu.region"() ({
      %run_scoped3A = tpu.sem_alloc : memref<!tpu.dma_semaphore, #tpu.memory_space<semaphore_mem>>
      %dma_start3A_304 = arith.constant 0 : i32
      %dma_start3A_305 = arith.constant 0 : i32
      %dma_start3A_306 = tpu.memref_slice %arg7[%dma_start3A_304, %dma_start3A_305] : memref<130x80xi32, #tpu.memory_space<vmem>> -> memref<125x80xi32, #tpu.memory_space<vmem>>
      %dma_start3A_307 = arith.constant 0 : i32
      %dma_start3A_308 = arith.constant 0 : i32
      %dma_start3A_309 = tpu.memref_slice %arg3[%add3A, %dma_start3A_307, %dma_start3A_308] : memref<32x125x80xi32, #tpu.memory_space<hbm>> -> memref<1x125x80xi32, #tpu.memory_space<hbm>>
      %dma_start3A_310 = tpu.memref_squeeze %dma_start3A_309 : memref<1x125x80xi32, #tpu.memory_space<hbm>> -> memref<125x80xi32, #tpu.memory_space<hbm>>
      %dma_start3A_311 = arith.constant 0 : i32
      %dma_start3A_312 = arith.constant 0 : i32
      %dma_start3A_313 = tpu.memref_slice %arg7[%dma_start3A_311, %dma_start3A_312] : memref<130x80xi32, #tpu.memory_space<vmem>> -> memref<125x80xi32, #tpu.memory_space<vmem>>
      %dma_start3A_314 = arith.constant 0 : i32
      %dma_start3A_315 = arith.constant 0 : i32
      %dma_start3A_316 = tpu.memref_slice %arg3[%add3A, %dma_start3A_314, %dma_start3A_315] : memref<32x125x80xi32, #tpu.memory_space<hbm>> -> memref<1x125x80xi32, #tpu.memory_space<hbm>>
      %dma_start3A_317 = tpu.memref_squeeze %dma_start3A_316 : memref<1x125x80xi32, #tpu.memory_space<hbm>> -> memref<125x80xi32, #tpu.memory_space<hbm>>
      tpu.enqueue_dma source(%dma_start3A_317 : memref<125x80xi32, #tpu.memory_space<hbm>>) target(%dma_start3A_313 : memref<125x80xi32, #tpu.memory_space<vmem>>) target_semaphore(%run_scoped3A : memref<!tpu.dma_semaphore, #tpu.memory_space<semaphore_mem>>)
      %dma_wait3A_318 = arith.constant 0 : i32
      %dma_wait3A_319 = arith.constant 0 : i32
      %dma_wait3A_320 = tpu.memref_slice %arg7[%dma_wait3A_318, %dma_wait3A_319] : memref<130x80xi32, #tpu.memory_space<vmem>> -> memref<125x80xi32, #tpu.memory_space<vmem>>
      %dma_wait3A_321 = arith.constant 0 : i32
      %dma_wait3A_322 = arith.constant 0 : i32
      %dma_wait3A_323 = tpu.memref_slice %arg3[%add3A, %dma_wait3A_321, %dma_wait3A_322] : memref<32x125x80xi32, #tpu.memory_space<hbm>> -> memref<1x125x80xi32, #tpu.memory_space<hbm>>
      %dma_wait3A_324 = tpu.memref_squeeze %dma_wait3A_323 : memref<1x125x80xi32, #tpu.memory_space<hbm>> -> memref<125x80xi32, #tpu.memory_space<hbm>>
      %dma_wait3A_325 = arith.constant 0 : i32
      %dma_wait3A_326 = arith.constant 0 : i32
      %dma_wait3A_327 = tpu.memref_slice %arg7[%dma_wait3A_325, %dma_wait3A_326] : memref<130x80xi32, #tpu.memory_space<vmem>> -> memref<125x80xi32, #tpu.memory_space<vmem>>
      %dma_wait3A_328 = arith.constant 0 : i32
      %dma_wait3A_329 = arith.constant 0 : i32
      %dma_wait3A_330 = tpu.memref_slice %arg3[%add3A, %dma_wait3A_328, %dma_wait3A_329] : memref<32x125x80xi32, #tpu.memory_space<hbm>> -> memref<1x125x80xi32, #tpu.memory_space<hbm>>
      %dma_wait3A_331 = tpu.memref_squeeze %dma_wait3A_330 : memref<1x125x80xi32, #tpu.memory_space<hbm>> -> memref<125x80xi32, #tpu.memory_space<hbm>>
      tpu.wait_dma2 semaphore(%run_scoped3A : memref<!tpu.dma_semaphore, #tpu.memory_space<semaphore_mem>>) src(%dma_wait3A_331 : memref<125x80xi32, #tpu.memory_space<hbm>>) dst(%dma_wait3A_327 : memref<125x80xi32, #tpu.memory_space<vmem>>)
      tpu.yield
    }) : () -> ()
    "tpu.region"() ({
      %run_scoped3A = tpu.sem_alloc : memref<!tpu.dma_semaphore, #tpu.memory_space<semaphore_mem>>
      %dma_start3A_304 = arith.constant 0 : i32
      %dma_start3A_305 = arith.constant 0 : i32
      %dma_start3A_306 = tpu.memref_slice %arg4[%add3A, %dma_start3A_304, %dma_start3A_305] : memref<32x125x80xi32, #tpu.memory_space<hbm>> -> memref<1x125x80xi32, #tpu.memory_space<hbm>>
      %dma_start3A_307 = tpu.memref_squeeze %dma_start3A_306 : memref<1x125x80xi32, #tpu.memory_space<hbm>> -> memref<125x80xi32, #tpu.memory_space<hbm>>
      %dma_start3A_308 = arith.constant 0 : i32
      %dma_start3A_309 = arith.constant 0 : i32
      %dma_start3A_310 = tpu.memref_slice %arg4[%add3A, %dma_start3A_308, %dma_start3A_309] : memref<32x125x80xi32, #tpu.memory_space<hbm>> -> memref<1x125x80xi32, #tpu.memory_space<hbm>>
      %dma_start3A_311 = tpu.memref_squeeze %dma_start3A_310 : memref<1x125x80xi32, #tpu.memory_space<hbm>> -> memref<125x80xi32, #tpu.memory_space<hbm>>
      tpu.enqueue_dma source(%dma_start3A_311 : memref<125x80xi32, #tpu.memory_space<hbm>>) target(%arg8 : memref<125x80xi32, #tpu.memory_space<vmem>>) target_semaphore(%run_scoped3A : memref<!tpu.dma_semaphore, #tpu.memory_space<semaphore_mem>>)
      %dma_wait3A_312 = arith.constant 0 : i32
      %dma_wait3A_313 = arith.constant 0 : i32
      %dma_wait3A_314 = tpu.memref_slice %arg4[%add3A, %dma_wait3A_312, %dma_wait3A_313] : memref<32x125x80xi32, #tpu.memory_space<hbm>> -> memref<1x125x80xi32, #tpu.memory_space<hbm>>
      %dma_wait3A_315 = tpu.memref_squeeze %dma_wait3A_314 : memref<1x125x80xi32, #tpu.memory_space<hbm>> -> memref<125x80xi32, #tpu.memory_space<hbm>>
      %dma_wait3A_316 = arith.constant 0 : i32
      %dma_wait3A_317 = arith.constant 0 : i32
      %dma_wait3A_318 = tpu.memref_slice %arg4[%add3A, %dma_wait3A_316, %dma_wait3A_317] : memref<32x125x80xi32, #tpu.memory_space<hbm>> -> memref<1x125x80xi32, #tpu.memory_space<hbm>>
      %dma_wait3A_319 = tpu.memref_squeeze %dma_wait3A_318 : memref<1x125x80xi32, #tpu.memory_space<hbm>> -> memref<125x80xi32, #tpu.memory_space<hbm>>
      tpu.wait_dma2 semaphore(%run_scoped3A : memref<!tpu.dma_semaphore, #tpu.memory_space<semaphore_mem>>) src(%dma_wait3A_319 : memref<125x80xi32, #tpu.memory_space<hbm>>) dst(%arg8 : memref<125x80xi32, #tpu.memory_space<vmem>>)
      tpu.yield
    }) : () -> ()
    "tpu.region"() ({
      %run_scoped3A = tpu.sem_alloc : memref<!tpu.dma_semaphore, #tpu.memory_space<semaphore_mem>>
      tpu.enqueue_dma source(%arg5 : memref<80x16xf32, #tpu.memory_space<hbm>>) target(%arg10 : memref<80x16xf32, #tpu.memory_space<vmem>>) target_semaphore(%run_scoped3A : memref<!tpu.dma_semaphore, #tpu.memory_space<semaphore_mem>>)
      tpu.wait_dma2 semaphore(%run_scoped3A : memref<!tpu.dma_semaphore, #tpu.memory_space<semaphore_mem>>) src(%arg5 : memref<80x16xf32, #tpu.memory_space<hbm>>) dst(%arg10 : memref<80x16xf32, #tpu.memory_space<vmem>>)
      tpu.yield
    }) : () -> ()
    %broadcast_in_dim3A = arith.constant 0 : i32
    %broadcast_in_dim3A_1 = vector.broadcast %broadcast_in_dim3A : i32 to vector<16xi32>
    %swap3A = arith.constant 125 : i32
    %swap3A_2 = arith.index_cast %swap3A : i32 to index
    %swap3A_3 = arith.constant 0 : index
    %swap3A_4 = tpu.vector_load %arg7[%swap3A_2, %swap3A_3] {strides = array<i32>} : memref<130x80xi32, #tpu.memory_space<vmem>>, vector<1x16xi32>,
    %swap3A_5 = vector.shape_cast %swap3A_4 : vector<1x16xi32> to vector<16xi32>
    %swap3A_6 = vector.shape_cast %broadcast_in_dim3A_1 : vector<16xi32> to vector<1x16xi32>
    tpu.vector_store %arg7[%swap3A_2, %swap3A_3], %swap3A_6 {strides = array<i32>} : memref<130x80xi32, #tpu.memory_space<vmem>>, vector<1x16xi32>,
    %broadcast_in_dim3A_7 = arith.constant 0 : i32
    %broadcast_in_dim3A_8 = vector.broadcast %broadcast_in_dim3A_7 : i32 to vector<16xi32>
    %swap3A_9 = arith.constant 125 : i32
    %swap3A_10 = arith.index_cast %swap3A_9 : i32 to index
    %swap3A_11 = arith.constant 16 : index
    %swap3A_12 = tpu.vector_load %arg7[%swap3A_10, %swap3A_11] {strides = array<i32>} : memref<130x80xi32, #tpu.memory_space<vmem>>, vector<1x16xi32>,
    %swap3A_13 = vector.shape_cast %swap3A_12 : vector<1x16xi32> to vector<16xi32>
    %swap3A_14 = vector.shape_cast %broadcast_in_dim3A_8 : vector<16xi32> to vector<1x16xi32>
    tpu.vector_store %arg7[%swap3A_10, %swap3A_11], %swap3A_14 {strides = array<i32>} : memref<130x80xi32, #tpu.memory_space<vmem>>, vector<1x16xi32>,
    %broadcast_in_dim3A_15 = arith.constant 0 : i32
    %broadcast_in_dim3A_16 = vector.broadcast %broadcast_in_dim3A_15 : i32 to vector<16xi32>
    %swap3A_17 = arith.constant 125 : i32
    %swap3A_18 = arith.index_cast %swap3A_17 : i32 to index
    %swap3A_19 = arith.constant 32 : index
    %swap3A_20 = tpu.vector_load %arg7[%swap3A_18, %swap3A_19] {strides = array<i32>} : memref<130x80xi32, #tpu.memory_space<vmem>>, vector<1x16xi32>,
    %swap3A_21 = vector.shape_cast %swap3A_20 : vector<1x16xi32> to vector<16xi32>
    %swap3A_22 = vector.shape_cast %broadcast_in_dim3A_16 : vector<16xi32> to vector<1x16xi32>
    tpu.vector_store %arg7[%swap3A_18, %swap3A_19], %swap3A_22 {strides = array<i32>} : memref<130x80xi32, #tpu.memory_space<vmem>>, vector<1x16xi32>,
    %broadcast_in_dim3A_23 = arith.constant 0 : i32
    %broadcast_in_dim3A_24 = vector.broadcast %broadcast_in_dim3A_23 : i32 to vector<16xi32>
    %swap3A_25 = arith.constant 125 : i32
    %swap3A_26 = arith.index_cast %swap3A_25 : i32 to index
    %swap3A_27 = arith.constant 48 : index
    %swap3A_28 = tpu.vector_load %arg7[%swap3A_26, %swap3A_27] {strides = array<i32>} : memref<130x80xi32, #tpu.memory_space<vmem>>, vector<1x16xi32>,
    %swap3A_29 = vector.shape_cast %swap3A_28 : vector<1x16xi32> to vector<16xi32>
    %swap3A_30 = vector.shape_cast %broadcast_in_dim3A_24 : vector<16xi32> to vector<1x16xi32>
    tpu.vector_store %arg7[%swap3A_26, %swap3A_27], %swap3A_30 {strides = array<i32>} : memref<130x80xi32, #tpu.memory_space<vmem>>, vector<1x16xi32>,
    %broadcast_in_dim3A_31 = arith.constant 0 : i32
    %broadcast_in_dim3A_32 = vector.broadcast %broadcast_in_dim3A_31 : i32 to vector<16xi32>
    %swap3A_33 = arith.constant 125 : i32
    %swap3A_34 = arith.index_cast %swap3A_33 : i32 to index
    %swap3A_35 = arith.constant 64 : index
    %swap3A_36 = tpu.vector_load %arg7[%swap3A_34, %swap3A_35] {strides = array<i32>} : memref<130x80xi32, #tpu.memory_space<vmem>>, vector<1x16xi32>,
    %swap3A_37 = vector.shape_cast %swap3A_36 : vector<1x16xi32> to vector<16xi32>
    %swap3A_38 = vector.shape_cast %broadcast_in_dim3A_32 : vector<16xi32> to vector<1x16xi32>
    tpu.vector_store %arg7[%swap3A_34, %swap3A_35], %swap3A_38 {strides = array<i32>} : memref<130x80xi32, #tpu.memory_space<vmem>>, vector<1x16xi32>,
    %broadcast_in_dim3A_39 = arith.constant 0 : i32
    %broadcast_in_dim3A_40 = vector.broadcast %broadcast_in_dim3A_39 : i32 to vector<16xi32>
    %swap3A_41 = arith.constant 126 : i32
    %swap3A_42 = arith.index_cast %swap3A_41 : i32 to index
    %swap3A_43 = arith.constant 0 : index
    %swap3A_44 = tpu.vector_load %arg7[%swap3A_42, %swap3A_43] {strides = array<i32>} : memref<130x80xi32, #tpu.memory_space<vmem>>, vector<1x16xi32>,
    %swap3A_45 = vector.shape_cast %swap3A_44 : vector<1x16xi32> to vector<16xi32>
    %swap3A_46 = vector.shape_cast %broadcast_in_dim3A_40 : vector<16xi32> to vector<1x16xi32>
    tpu.vector_store %arg7[%swap3A_42, %swap3A_43], %swap3A_46 {strides = array<i32>} : memref<130x80xi32, #tpu.memory_space<vmem>>, vector<1x16xi32>,
    %broadcast_in_dim3A_47 = arith.constant 0 : i32
    %broadcast_in_dim3A_48 = vector.broadcast %broadcast_in_dim3A_47 : i32 to vector<16xi32>
    %swap3A_49 = arith.constant 126 : i32
    %swap3A_50 = arith.index_cast %swap3A_49 : i32 to index
    %swap3A_51 = arith.constant 16 : index
    %swap3A_52 = tpu.vector_load %arg7[%swap3A_50, %swap3A_51] {strides = array<i32>} : memref<130x80xi32, #tpu.memory_space<vmem>>, vector<1x16xi32>,
    %swap3A_53 = vector.shape_cast %swap3A_52 : vector<1x16xi32> to vector<16xi32>
    %swap3A_54 = vector.shape_cast %broadcast_in_dim3A_48 : vector<16xi32> to vector<1x16xi32>
    tpu.vector_store %arg7[%swap3A_50, %swap3A_51], %swap3A_54 {strides = array<i32>} : memref<130x80xi32, #tpu.memory_space<vmem>>, vector<1x16xi32>,
    %broadcast_in_dim3A_55 = arith.constant 0 : i32
    %broadcast_in_dim3A_56 = vector.broadcast %broadcast_in_dim3A_55 : i32 to vector<16xi32>
    %swap3A_57 = arith.constant 126 : i32
    %swap3A_58 = arith.index_cast %swap3A_57 : i32 to index
    %swap3A_59 = arith.constant 32 : index
    %swap3A_60 = tpu.vector_load %arg7[%swap3A_58, %swap3A_59] {strides = array<i32>} : memref<130x80xi32, #tpu.memory_space<vmem>>, vector<1x16xi32>,
    %swap3A_61 = vector.shape_cast %swap3A_60 : vector<1x16xi32> to vector<16xi32>
    %swap3A_62 = vector.shape_cast %broadcast_in_dim3A_56 : vector<16xi32> to vector<1x16xi32>
    tpu.vector_store %arg7[%swap3A_58, %swap3A_59], %swap3A_62 {strides = array<i32>} : memref<130x80xi32, #tpu.memory_space<vmem>>, vector<1x16xi32>,
    %broadcast_in_dim3A_63 = arith.constant 0 : i32
    %broadcast_in_dim3A_64 = vector.broadcast %broadcast_in_dim3A_63 : i32 to vector<16xi32>
    %swap3A_65 = arith.constant 126 : i32
    %swap3A_66 = arith.index_cast %swap3A_65 : i32 to index
    %swap3A_67 = arith.constant 48 : index
    %swap3A_68 = tpu.vector_load %arg7[%swap3A_66, %swap3A_67] {strides = array<i32>} : memref<130x80xi32, #tpu.memory_space<vmem>>, vector<1x16xi32>,
    %swap3A_69 = vector.shape_cast %swap3A_68 : vector<1x16xi32> to vector<16xi32>
    %swap3A_70 = vector.shape_cast %broadcast_in_dim3A_64 : vector<16xi32> to vector<1x16xi32>
    tpu.vector_store %arg7[%swap3A_66, %swap3A_67], %swap3A_70 {strides = array<i32>} : memref<130x80xi32, #tpu.memory_space<vmem>>, vector<1x16xi32>,
    %broadcast_in_dim3A_71 = arith.constant 0 : i32
    %broadcast_in_dim3A_72 = vector.broadcast %broadcast_in_dim3A_71 : i32 to vector<16xi32>
    %swap3A_73 = arith.constant 126 : i32
    %swap3A_74 = arith.index_cast %swap3A_73 : i32 to index
    %swap3A_75 = arith.constant 64 : index
    %swap3A_76 = tpu.vector_load %arg7[%swap3A_74, %swap3A_75] {strides = array<i32>} : memref<130x80xi32, #tpu.memory_space<vmem>>, vector<1x16xi32>,
    %swap3A_77 = vector.shape_cast %swap3A_76 : vector<1x16xi32> to vector<16xi32>
    %swap3A_78 = vector.shape_cast %broadcast_in_dim3A_72 : vector<16xi32> to vector<1x16xi32>
    tpu.vector_store %arg7[%swap3A_74, %swap3A_75], %swap3A_78 {strides = array<i32>} : memref<130x80xi32, #tpu.memory_space<vmem>>, vector<1x16xi32>,
    %broadcast_in_dim3A_79 = arith.constant 0 : i32
    %broadcast_in_dim3A_80 = vector.broadcast %broadcast_in_dim3A_79 : i32 to vector<16xi32>
    %swap3A_81 = arith.constant 127 : i32
    %swap3A_82 = arith.index_cast %swap3A_81 : i32 to index
    %swap3A_83 = arith.constant 0 : index
    %swap3A_84 = tpu.vector_load %arg7[%swap3A_82, %swap3A_83] {strides = array<i32>} : memref<130x80xi32, #tpu.memory_space<vmem>>, vector<1x16xi32>,
    %swap3A_85 = vector.shape_cast %swap3A_84 : vector<1x16xi32> to vector<16xi32>
    %swap3A_86 = vector.shape_cast %broadcast_in_dim3A_80 : vector<16xi32> to vector<1x16xi32>
    tpu.vector_store %arg7[%swap3A_82, %swap3A_83], %swap3A_86 {strides = array<i32>} : memref<130x80xi32, #tpu.memory_space<vmem>>, vector<1x16xi32>,
    %broadcast_in_dim3A_87 = arith.constant 0 : i32
    %broadcast_in_dim3A_88 = vector.broadcast %broadcast_in_dim3A_87 : i32 to vector<16xi32>
    %swap3A_89 = arith.constant 127 : i32
    %swap3A_90 = arith.index_cast %swap3A_89 : i32 to index
    %swap3A_91 = arith.constant 16 : index
    %swap3A_92 = tpu.vector_load %arg7[%swap3A_90, %swap3A_91] {strides = array<i32>} : memref<130x80xi32, #tpu.memory_space<vmem>>, vector<1x16xi32>,
    %swap3A_93 = vector.shape_cast %swap3A_92 : vector<1x16xi32> to vector<16xi32>
    %swap3A_94 = vector.shape_cast %broadcast_in_dim3A_88 : vector<16xi32> to vector<1x16xi32>
    tpu.vector_store %arg7[%swap3A_90, %swap3A_91], %swap3A_94 {strides = array<i32>} : memref<130x80xi32, #tpu.memory_space<vmem>>, vector<1x16xi32>,
    %broadcast_in_dim3A_95 = arith.constant 0 : i32
    %broadcast_in_dim3A_96 = vector.broadcast %broadcast_in_dim3A_95 : i32 to vector<16xi32>
    %swap3A_97 = arith.constant 127 : i32
    %swap3A_98 = arith.index_cast %swap3A_97 : i32 to index
    %swap3A_99 = arith.constant 32 : index
    %swap3A_100 = tpu.vector_load %arg7[%swap3A_98, %swap3A_99] {strides = array<i32>} : memref<130x80xi32, #tpu.memory_space<vmem>>, vector<1x16xi32>,
    %swap3A_101 = vector.shape_cast %swap3A_100 : vector<1x16xi32> to vector<16xi32>
    %swap3A_102 = vector.shape_cast %broadcast_in_dim3A_96 : vector<16xi32> to vector<1x16xi32>
    tpu.vector_store %arg7[%swap3A_98, %swap3A_99], %swap3A_102 {strides = array<i32>} : memref<130x80xi32, #tpu.memory_space<vmem>>, vector<1x16xi32>,
    %broadcast_in_dim3A_103 = arith.constant 0 : i32
    %broadcast_in_dim3A_104 = vector.broadcast %broadcast_in_dim3A_103 : i32 to vector<16xi32>
    %swap3A_105 = arith.constant 127 : i32
    %swap3A_106 = arith.index_cast %swap3A_105 : i32 to index
    %swap3A_107 = arith.constant 48 : index
    %swap3A_108 = tpu.vector_load %arg7[%swap3A_106, %swap3A_107] {strides = array<i32>} : memref<130x80xi32, #tpu.memory_space<vmem>>, vector<1x16xi32>,
    %swap3A_109 = vector.shape_cast %swap3A_108 : vector<1x16xi32> to vector<16xi32>
    %swap3A_110 = vector.shape_cast %broadcast_in_dim3A_104 : vector<16xi32> to vector<1x16xi32>
    tpu.vector_store %arg7[%swap3A_106, %swap3A_107], %swap3A_110 {strides = array<i32>} : memref<130x80xi32, #tpu.memory_space<vmem>>, vector<1x16xi32>,
    %broadcast_in_dim3A_111 = arith.constant 0 : i32
    %broadcast_in_dim3A_112 = vector.broadcast %broadcast_in_dim3A_111 : i32 to vector<16xi32>
    %swap3A_113 = arith.constant 127 : i32
    %swap3A_114 = arith.index_cast %swap3A_113 : i32 to index
    %swap3A_115 = arith.constant 64 : index
    %swap3A_116 = tpu.vector_load %arg7[%swap3A_114, %swap3A_115] {strides = array<i32>} : memref<130x80xi32, #tpu.memory_space<vmem>>, vector<1x16xi32>,
    %swap3A_117 = vector.shape_cast %swap3A_116 : vector<1x16xi32> to vector<16xi32>
    %swap3A_118 = vector.shape_cast %broadcast_in_dim3A_112 : vector<16xi32> to vector<1x16xi32>
    tpu.vector_store %arg7[%swap3A_114, %swap3A_115], %swap3A_118 {strides = array<i32>} : memref<130x80xi32, #tpu.memory_space<vmem>>, vector<1x16xi32>,
    %broadcast_in_dim3A_119 = arith.constant 0 : i32
    %broadcast_in_dim3A_120 = vector.broadcast %broadcast_in_dim3A_119 : i32 to vector<16xi32>
    %swap3A_121 = arith.constant 128 : i32
    %swap3A_122 = arith.index_cast %swap3A_121 : i32 to index
    %swap3A_123 = arith.constant 0 : index
    %swap3A_124 = tpu.vector_load %arg7[%swap3A_122, %swap3A_123] {strides = array<i32>} : memref<130x80xi32, #tpu.memory_space<vmem>>, vector<1x16xi32>,
    %swap3A_125 = vector.shape_cast %swap3A_124 : vector<1x16xi32> to vector<16xi32>
    %swap3A_126 = vector.shape_cast %broadcast_in_dim3A_120 : vector<16xi32> to vector<1x16xi32>
    tpu.vector_store %arg7[%swap3A_122, %swap3A_123], %swap3A_126 {strides = array<i32>} : memref<130x80xi32, #tpu.memory_space<vmem>>, vector<1x16xi32>,
    %broadcast_in_dim3A_127 = arith.constant 0 : i32
    %broadcast_in_dim3A_128 = vector.broadcast %broadcast_in_dim3A_127 : i32 to vector<16xi32>
    %swap3A_129 = arith.constant 128 : i32
    %swap3A_130 = arith.index_cast %swap3A_129 : i32 to index
    %swap3A_131 = arith.constant 16 : index
    %swap3A_132 = tpu.vector_load %arg7[%swap3A_130, %swap3A_131] {strides = array<i32>} : memref<130x80xi32, #tpu.memory_space<vmem>>, vector<1x16xi32>,
    %swap3A_133 = vector.shape_cast %swap3A_132 : vector<1x16xi32> to vector<16xi32>
    %swap3A_134 = vector.shape_cast %broadcast_in_dim3A_128 : vector<16xi32> to vector<1x16xi32>
    tpu.vector_store %arg7[%swap3A_130, %swap3A_131], %swap3A_134 {strides = array<i32>} : memref<130x80xi32, #tpu.memory_space<vmem>>, vector<1x16xi32>,
    %broadcast_in_dim3A_135 = arith.constant 0 : i32
    %broadcast_in_dim3A_136 = vector.broadcast %broadcast_in_dim3A_135 : i32 to vector<16xi32>
    %swap3A_137 = arith.constant 128 : i32
    %swap3A_138 = arith.index_cast %swap3A_137 : i32 to index
    %swap3A_139 = arith.constant 32 : index
    %swap3A_140 = tpu.vector_load %arg7[%swap3A_138, %swap3A_139] {strides = array<i32>} : memref<130x80xi32, #tpu.memory_space<vmem>>, vector<1x16xi32>,
    %swap3A_141 = vector.shape_cast %swap3A_140 : vector<1x16xi32> to vector<16xi32>
    %swap3A_142 = vector.shape_cast %broadcast_in_dim3A_136 : vector<16xi32> to vector<1x16xi32>
    tpu.vector_store %arg7[%swap3A_138, %swap3A_139], %swap3A_142 {strides = array<i32>} : memref<130x80xi32, #tpu.memory_space<vmem>>, vector<1x16xi32>,
    %broadcast_in_dim3A_143 = arith.constant 0 : i32
    %broadcast_in_dim3A_144 = vector.broadcast %broadcast_in_dim3A_143 : i32 to vector<16xi32>
    %swap3A_145 = arith.constant 128 : i32
    %swap3A_146 = arith.index_cast %swap3A_145 : i32 to index
    %swap3A_147 = arith.constant 48 : index
    %swap3A_148 = tpu.vector_load %arg7[%swap3A_146, %swap3A_147] {strides = array<i32>} : memref<130x80xi32, #tpu.memory_space<vmem>>, vector<1x16xi32>,
    %swap3A_149 = vector.shape_cast %swap3A_148 : vector<1x16xi32> to vector<16xi32>
    %swap3A_150 = vector.shape_cast %broadcast_in_dim3A_144 : vector<16xi32> to vector<1x16xi32>
    tpu.vector_store %arg7[%swap3A_146, %swap3A_147], %swap3A_150 {strides = array<i32>} : memref<130x80xi32, #tpu.memory_space<vmem>>, vector<1x16xi32>,
    %broadcast_in_dim3A_151 = arith.constant 0 : i32
    %broadcast_in_dim3A_152 = vector.broadcast %broadcast_in_dim3A_151 : i32 to vector<16xi32>
    %swap3A_153 = arith.constant 128 : i32
    %swap3A_154 = arith.index_cast %swap3A_153 : i32 to index
    %swap3A_155 = arith.constant 64 : index
    %swap3A_156 = tpu.vector_load %arg7[%swap3A_154, %swap3A_155] {strides = array<i32>} : memref<130x80xi32, #tpu.memory_space<vmem>>, vector<1x16xi32>,
    %swap3A_157 = vector.shape_cast %swap3A_156 : vector<1x16xi32> to vector<16xi32>
    %swap3A_158 = vector.shape_cast %broadcast_in_dim3A_152 : vector<16xi32> to vector<1x16xi32>
    tpu.vector_store %arg7[%swap3A_154, %swap3A_155], %swap3A_158 {strides = array<i32>} : memref<130x80xi32, #tpu.memory_space<vmem>>, vector<1x16xi32>,
    %broadcast_in_dim3A_159 = arith.constant 0 : i32
    %broadcast_in_dim3A_160 = vector.broadcast %broadcast_in_dim3A_159 : i32 to vector<16xi32>
    %swap3A_161 = arith.constant 129 : i32
    %swap3A_162 = arith.index_cast %swap3A_161 : i32 to index
    %swap3A_163 = arith.constant 0 : index
    %swap3A_164 = tpu.vector_load %arg7[%swap3A_162, %swap3A_163] {strides = array<i32>} : memref<130x80xi32, #tpu.memory_space<vmem>>, vector<1x16xi32>,
    %swap3A_165 = vector.shape_cast %swap3A_164 : vector<1x16xi32> to vector<16xi32>
    %swap3A_166 = vector.shape_cast %broadcast_in_dim3A_160 : vector<16xi32> to vector<1x16xi32>
    tpu.vector_store %arg7[%swap3A_162, %swap3A_163], %swap3A_166 {strides = array<i32>} : memref<130x80xi32, #tpu.memory_space<vmem>>, vector<1x16xi32>,
    %broadcast_in_dim3A_167 = arith.constant 0 : i32
    %broadcast_in_dim3A_168 = vector.broadcast %broadcast_in_dim3A_167 : i32 to vector<16xi32>
    %swap3A_169 = arith.constant 129 : i32
    %swap3A_170 = arith.index_cast %swap3A_169 : i32 to index
    %swap3A_171 = arith.constant 16 : index
    %swap3A_172 = tpu.vector_load %arg7[%swap3A_170, %swap3A_171] {strides = array<i32>} : memref<130x80xi32, #tpu.memory_space<vmem>>, vector<1x16xi32>,
    %swap3A_173 = vector.shape_cast %swap3A_172 : vector<1x16xi32> to vector<16xi32>
    %swap3A_174 = vector.shape_cast %broadcast_in_dim3A_168 : vector<16xi32> to vector<1x16xi32>
    tpu.vector_store %arg7[%swap3A_170, %swap3A_171], %swap3A_174 {strides = array<i32>} : memref<130x80xi32, #tpu.memory_space<vmem>>, vector<1x16xi32>,
    %broadcast_in_dim3A_175 = arith.constant 0 : i32
    %broadcast_in_dim3A_176 = vector.broadcast %broadcast_in_dim3A_175 : i32 to vector<16xi32>
    %swap3A_177 = arith.constant 129 : i32
    %swap3A_178 = arith.index_cast %swap3A_177 : i32 to index
    %swap3A_179 = arith.constant 32 : index
    %swap3A_180 = tpu.vector_load %arg7[%swap3A_178, %swap3A_179] {strides = array<i32>} : memref<130x80xi32, #tpu.memory_space<vmem>>, vector<1x16xi32>,
    %swap3A_181 = vector.shape_cast %swap3A_180 : vector<1x16xi32> to vector<16xi32>
    %swap3A_182 = vector.shape_cast %broadcast_in_dim3A_176 : vector<16xi32> to vector<1x16xi32>
    tpu.vector_store %arg7[%swap3A_178, %swap3A_179], %swap3A_182 {strides = array<i32>} : memref<130x80xi32, #tpu.memory_space<vmem>>, vector<1x16xi32>,
    %broadcast_in_dim3A_183 = arith.constant 0 : i32
    %broadcast_in_dim3A_184 = vector.broadcast %broadcast_in_dim3A_183 : i32 to vector<16xi32>
    %swap3A_185 = arith.constant 129 : i32
    %swap3A_186 = arith.index_cast %swap3A_185 : i32 to index
    %swap3A_187 = arith.constant 48 : index
    %swap3A_188 = tpu.vector_load %arg7[%swap3A_186, %swap3A_187] {strides = array<i32>} : memref<130x80xi32, #tpu.memory_space<vmem>>, vector<1x16xi32>,
    %swap3A_189 = vector.shape_cast %swap3A_188 : vector<1x16xi32> to vector<16xi32>
    %swap3A_190 = vector.shape_cast %broadcast_in_dim3A_184 : vector<16xi32> to vector<1x16xi32>
    tpu.vector_store %arg7[%swap3A_186, %swap3A_187], %swap3A_190 {strides = array<i32>} : memref<130x80xi32, #tpu.memory_space<vmem>>, vector<1x16xi32>,
    %broadcast_in_dim3A_191 = arith.constant 0 : i32
    %broadcast_in_dim3A_192 = vector.broadcast %broadcast_in_dim3A_191 : i32 to vector<16xi32>
    %swap3A_193 = arith.constant 129 : i32
    %swap3A_194 = arith.index_cast %swap3A_193 : i32 to index
    %swap3A_195 = arith.constant 64 : index
    %swap3A_196 = tpu.vector_load %arg7[%swap3A_194, %swap3A_195] {strides = array<i32>} : memref<130x80xi32, #tpu.memory_space<vmem>>, vector<1x16xi32>,
    %swap3A_197 = vector.shape_cast %swap3A_196 : vector<1x16xi32> to vector<16xi32>
    %swap3A_198 = vector.shape_cast %broadcast_in_dim3A_192 : vector<16xi32> to vector<1x16xi32>
    tpu.vector_store %arg7[%swap3A_194, %swap3A_195], %swap3A_198 {strides = array<i32>} : memref<130x80xi32, #tpu.memory_space<vmem>>, vector<1x16xi32>,
    %scan3A = arith.constant 0 : i32
    %scan3A_199 = arith.constant 0 : i32
    %scan3A_200 = arith.constant 640 : i32
    %scan3A_201 = arith.addi %scan3A_199, %scan3A_200 : i32
    %scan3A_202 = arith.constant 1 : i32
    scf.for %scan3A_304 = %scan3A_199 to %scan3A_201 step %scan3A_202  : i32 {
      %broadcast_in_dim3A_305 = arith.constant 0.000000e+00 : f32
      %broadcast_in_dim3A_306 = vector.broadcast %broadcast_in_dim3A_305 : f32 to vector<16xf32>
      %swap3A_307 = arith.index_cast %scan3A_304 : i32 to index
      %swap3A_308 = arith.constant 0 : index
      %swap3A_309 = tpu.vector_load %arg11[%swap3A_307, %swap3A_308] {strides = array<i32>} : memref<640x16xf32, #tpu.memory_space<vmem>>, vector<1x16xf32>,
      %swap3A_310 = vector.shape_cast %swap3A_309 : vector<1x16xf32> to vector<16xf32>
      %swap3A_311 = vector.shape_cast %broadcast_in_dim3A_306 : vector<16xf32> to vector<1x16xf32>
      tpu.vector_store %arg11[%swap3A_307, %swap3A_308], %swap3A_311 {strides = array<i32>} : memref<640x16xf32, #tpu.memory_space<vmem>>, vector<1x16xf32>,
    }
    %scan3A_203 = arith.constant 640 : i32
    %mul3A_204 = arith.constant 640 : i32
    %mul3A_205 = arith.muli %arg1, %mul3A_204 : i32
    "tpu.region"() ({
      %run_scoped3A = tpu.sem_alloc : memref<!tpu.dma_semaphore, #tpu.memory_space<semaphore_mem>>
      %dma_start3A_304 = arith.constant 0 : i32
      %dma_start3A_305 = tpu.memref_slice %arg13[%mul3A_205, %dma_start3A_304] : memref<10240x16xf32, #tpu.memory_space<vmem_shared>> -> memref<640x16xf32, #tpu.memory_space<vmem_shared>>
      %dma_start3A_306 = arith.constant 0 : i32
      %dma_start3A_307 = tpu.memref_slice %arg13[%mul3A_205, %dma_start3A_306] : memref<10240x16xf32, #tpu.memory_space<vmem_shared>> -> memref<640x16xf32, #tpu.memory_space<vmem_shared>>
      tpu.enqueue_dma source(%arg11 : memref<640x16xf32, #tpu.memory_space<vmem>>) target(%dma_start3A_307 : memref<640x16xf32, #tpu.memory_space<vmem_shared>>) target_semaphore(%run_scoped3A : memref<!tpu.dma_semaphore, #tpu.memory_space<semaphore_mem>>)
      %dma_wait3A_308 = arith.constant 0 : i32
      %dma_wait3A_309 = tpu.memref_slice %arg13[%mul3A_205, %dma_wait3A_308] : memref<10240x16xf32, #tpu.memory_space<vmem_shared>> -> memref<640x16xf32, #tpu.memory_space<vmem_shared>>
      %dma_wait3A_310 = arith.constant 0 : i32
      %dma_wait3A_311 = tpu.memref_slice %arg13[%mul3A_205, %dma_wait3A_310] : memref<10240x16xf32, #tpu.memory_space<vmem_shared>> -> memref<640x16xf32, #tpu.memory_space<vmem_shared>>
      tpu.wait_dma2 semaphore(%run_scoped3A : memref<!tpu.dma_semaphore, #tpu.memory_space<semaphore_mem>>) src(%arg11 : memref<640x16xf32, #tpu.memory_space<vmem>>) dst(%dma_wait3A_311 : memref<640x16xf32, #tpu.memory_space<vmem_shared>>)
      tpu.yield
    }) : () -> ()
    "tpu.region"() ({
      %run_scoped3A = tpu.sem_alloc : memref<!tpu.dma_semaphore, #tpu.memory_space<semaphore_mem>>
      %dma_start3A_304 = arith.constant 0 : i32
      %dma_start3A_305 = tpu.memref_slice %arg12[%mul3A_205, %dma_start3A_304] : memref<10240x16xf32, #tpu.memory_space<vmem_shared>> -> memref<640x16xf32, #tpu.memory_space<vmem_shared>>
      %dma_start3A_306 = arith.constant 0 : i32
      %dma_start3A_307 = tpu.memref_slice %arg2[%mul3A_205, %dma_start3A_306] : memref<10240x16xf32, #tpu.memory_space<hbm>> -> memref<640x16xf32, #tpu.memory_space<hbm>>
      tpu.enqueue_dma source(%dma_start3A_307 : memref<640x16xf32, #tpu.memory_space<hbm>>) target(%dma_start3A_305 : memref<640x16xf32, #tpu.memory_space<vmem_shared>>) target_semaphore(%run_scoped3A : memref<!tpu.dma_semaphore, #tpu.memory_space<semaphore_mem>>)
      %dma_wait3A_308 = arith.constant 0 : i32
      %dma_wait3A_309 = tpu.memref_slice %arg12[%mul3A_205, %dma_wait3A_308] : memref<10240x16xf32, #tpu.memory_space<vmem_shared>> -> memref<640x16xf32, #tpu.memory_space<vmem_shared>>
      %dma_wait3A_310 = arith.constant 0 : i32
      %dma_wait3A_311 = tpu.memref_slice %arg2[%mul3A_205, %dma_wait3A_310] : memref<10240x16xf32, #tpu.memory_space<hbm>> -> memref<640x16xf32, #tpu.memory_space<hbm>>
      tpu.wait_dma2 semaphore(%run_scoped3A : memref<!tpu.dma_semaphore, #tpu.memory_space<semaphore_mem>>) src(%dma_wait3A_311 : memref<640x16xf32, #tpu.memory_space<hbm>>) dst(%dma_wait3A_309 : memref<640x16xf32, #tpu.memory_space<vmem_shared>>)
      tpu.yield
    }) : () -> ()
    %barrier3A = arith.constant 0 : index
    tpu.barrier barrier_id(%barrier3A)
    %dma_start3A = arith.constant 0 : i32
    %dma_start3A_206 = arith.constant 0 : i32
    %dma_start3A_207 = arith.constant 0 : i32
    %dma_start3A_208 = arith.constant 0 : i32
    %dma_start3A_209 = tpu.memref_slice %arg9[%dma_start3A_206, %dma_start3A_207, %dma_start3A_208] : memref<5x80x16xf32, #tpu.memory_space<vmem>> -> memref<1x80x16xf32, #tpu.memory_space<vmem>>
    %dma_start3A_210 = tpu.memref_squeeze %dma_start3A_209 : memref<1x80x16xf32, #tpu.memory_space<vmem>> -> memref<80x16xf32, #tpu.memory_space<vmem>>
    %dma_start3A_211 = arith.constant 0 : i32
    %dma_start3A_212 = tpu.memref_slice %arg7[%dma_start3A, %dma_start3A_211] : memref<130x80xi32, #tpu.memory_space<vmem>> -> memref<1x80xi32, #tpu.memory_space<vmem>>
    %dma_start3A_213 = tpu.memref_squeeze %dma_start3A_212 : memref<1x80xi32, #tpu.memory_space<vmem>> -> memref<80xi32, #tpu.memory_space<vmem>>
    %dma_start3A_214 = arith.constant 0 : i32
    %dma_start3A_215 = arith.constant 0 : i32
    %dma_start3A_216 = tpu.memref_slice %arg12[%dma_start3A_214, %dma_start3A_215] : memref<10240x16xf32, #tpu.memory_space<vmem_shared>> -> memref<10240x16xf32, #tpu.memory_space<vmem_shared>>
    tpu.enqueue_indirect_dma source(%dma_start3A_216 : memref<10240x16xf32, #tpu.memory_space<vmem_shared>>) target(%dma_start3A_210 : memref<80x16xf32, #tpu.memory_space<vmem>>) offsets(%dma_start3A_213 : memref<80xi32, #tpu.memory_space<vmem>>) semaphore(%arg14 : memref<!tpu.dma_semaphore, #tpu.memory_space<semaphore_mem>>)
    %dma_start3A_217 = arith.constant 1 : i32
    %dma_start3A_218 = arith.constant 1 : i32
    %dma_start3A_219 = arith.constant 0 : i32
    %dma_start3A_220 = arith.constant 0 : i32
    %dma_start3A_221 = tpu.memref_slice %arg9[%dma_start3A_218, %dma_start3A_219, %dma_start3A_220] : memref<5x80x16xf32, #tpu.memory_space<vmem>> -> memref<1x80x16xf32, #tpu.memory_space<vmem>>
    %dma_start3A_222 = tpu.memref_squeeze %dma_start3A_221 : memref<1x80x16xf32, #tpu.memory_space<vmem>> -> memref<80x16xf32, #tpu.memory_space<vmem>>
    %dma_start3A_223 = arith.constant 0 : i32
    %dma_start3A_224 = tpu.memref_slice %arg7[%dma_start3A_217, %dma_start3A_223] : memref<130x80xi32, #tpu.memory_space<vmem>> -> memref<1x80xi32, #tpu.memory_space<vmem>>
    %dma_start3A_225 = tpu.memref_squeeze %dma_start3A_224 : memref<1x80xi32, #tpu.memory_space<vmem>> -> memref<80xi32, #tpu.memory_space<vmem>>
    %dma_start3A_226 = arith.constant 0 : i32
    %dma_start3A_227 = arith.constant 0 : i32
    %dma_start3A_228 = tpu.memref_slice %arg12[%dma_start3A_226, %dma_start3A_227] : memref<10240x16xf32, #tpu.memory_space<vmem_shared>> -> memref<10240x16xf32, #tpu.memory_space<vmem_shared>>
    tpu.enqueue_indirect_dma source(%dma_start3A_228 : memref<10240x16xf32, #tpu.memory_space<vmem_shared>>) target(%dma_start3A_222 : memref<80x16xf32, #tpu.memory_space<vmem>>) offsets(%dma_start3A_225 : memref<80xi32, #tpu.memory_space<vmem>>) semaphore(%arg14 : memref<!tpu.dma_semaphore, #tpu.memory_space<semaphore_mem>>)
    %dma_start3A_229 = arith.constant 2 : i32
    %dma_start3A_230 = arith.constant 2 : i32
    %dma_start3A_231 = arith.constant 0 : i32
    %dma_start3A_232 = arith.constant 0 : i32
    %dma_start3A_233 = tpu.memref_slice %arg9[%dma_start3A_230, %dma_start3A_231, %dma_start3A_232] : memref<5x80x16xf32, #tpu.memory_space<vmem>> -> memref<1x80x16xf32, #tpu.memory_space<vmem>>
    %dma_start3A_234 = tpu.memref_squeeze %dma_start3A_233 : memref<1x80x16xf32, #tpu.memory_space<vmem>> -> memref<80x16xf32, #tpu.memory_space<vmem>>
    %dma_start3A_235 = arith.constant 0 : i32
    %dma_start3A_236 = tpu.memref_slice %arg7[%dma_start3A_229, %dma_start3A_235] : memref<130x80xi32, #tpu.memory_space<vmem>> -> memref<1x80xi32, #tpu.memory_space<vmem>>
    %dma_start3A_237 = tpu.memref_squeeze %dma_start3A_236 : memref<1x80xi32, #tpu.memory_space<vmem>> -> memref<80xi32, #tpu.memory_space<vmem>>
    %dma_start3A_238 = arith.constant 0 : i32
    %dma_start3A_239 = arith.constant 0 : i32
    %dma_start3A_240 = tpu.memref_slice %arg12[%dma_start3A_238, %dma_start3A_239] : memref<10240x16xf32, #tpu.memory_space<vmem_shared>> -> memref<10240x16xf32, #tpu.memory_space<vmem_shared>>
    tpu.enqueue_indirect_dma source(%dma_start3A_240 : memref<10240x16xf32, #tpu.memory_space<vmem_shared>>) target(%dma_start3A_234 : memref<80x16xf32, #tpu.memory_space<vmem>>) offsets(%dma_start3A_237 : memref<80xi32, #tpu.memory_space<vmem>>) semaphore(%arg14 : memref<!tpu.dma_semaphore, #tpu.memory_space<semaphore_mem>>)
    %dma_start3A_241 = arith.constant 3 : i32
    %dma_start3A_242 = arith.constant 3 : i32
    %dma_start3A_243 = arith.constant 0 : i32
    %dma_start3A_244 = arith.constant 0 : i32
    %dma_start3A_245 = tpu.memref_slice %arg9[%dma_start3A_242, %dma_start3A_243, %dma_start3A_244] : memref<5x80x16xf32, #tpu.memory_space<vmem>> -> memref<1x80x16xf32, #tpu.memory_space<vmem>>
    %dma_start3A_246 = tpu.memref_squeeze %dma_start3A_245 : memref<1x80x16xf32, #tpu.memory_space<vmem>> -> memref<80x16xf32, #tpu.memory_space<vmem>>
    %dma_start3A_247 = arith.constant 0 : i32
    %dma_start3A_248 = tpu.memref_slice %arg7[%dma_start3A_241, %dma_start3A_247] : memref<130x80xi32, #tpu.memory_space<vmem>> -> memref<1x80xi32, #tpu.memory_space<vmem>>
    %dma_start3A_249 = tpu.memref_squeeze %dma_start3A_248 : memref<1x80xi32, #tpu.memory_space<vmem>> -> memref<80xi32, #tpu.memory_space<vmem>>
    %dma_start3A_250 = arith.constant 0 : i32
    %dma_start3A_251 = arith.constant 0 : i32
    %dma_start3A_252 = tpu.memref_slice %arg12[%dma_start3A_250, %dma_start3A_251] : memref<10240x16xf32, #tpu.memory_space<vmem_shared>> -> memref<10240x16xf32, #tpu.memory_space<vmem_shared>>
    tpu.enqueue_indirect_dma source(%dma_start3A_252 : memref<10240x16xf32, #tpu.memory_space<vmem_shared>>) target(%dma_start3A_246 : memref<80x16xf32, #tpu.memory_space<vmem>>) offsets(%dma_start3A_249 : memref<80xi32, #tpu.memory_space<vmem>>) semaphore(%arg14 : memref<!tpu.dma_semaphore, #tpu.memory_space<semaphore_mem>>)
    %scan3A_253 = arith.constant 0 : i32
    %scan3A_254 = arith.constant 0 : i32
    %scan3A_255 = arith.constant 25 : i32
    %scan3A_256 = arith.addi %scan3A_254, %scan3A_255 : i32
    %scan3A_257 = arith.constant 1 : i32
    scf.for %scan3A_304 = %scan3A_254 to %scan3A_256 step %scan3A_257  : i32 {
      %mul3A_305 = arith.constant 5 : i32
      %mul3A_306 = arith.muli %scan3A_304, %mul3A_305 : i32
      %add3A_307 = arith.constant 0 : i32
      %add3A_308 = arith.addi %mul3A_306, %add3A_307 : i32
      %gt3A = arith.constant 0 : i32
      %gt3A_309 = arith.cmpi sgt, %scan3A_304, %gt3A : i32
      %convert_element_type3A = arith.extui %gt3A_309 : i1 to i32
      %cond3A = arith.constant 0 : i32
      %cond3A_310 = arith.cmpi ne, %convert_element_type3A, %cond3A : i32
      scf.if %cond3A_310 {
        %dma_wait3A_529 = arith.constant 4 : i32
        %dma_wait3A_530 = arith.constant 0 : i32
        %dma_wait3A_531 = arith.constant 0 : i32
        %dma_wait3A_532 = tpu.memref_slice %arg9[%dma_wait3A_529, %dma_wait3A_530, %dma_wait3A_531] : memref<5x80x16xf32, #tpu.memory_space<vmem>> -> memref<1x80x16xf32, #tpu.memory_space<vmem>>
        %dma_wait3A_533 = tpu.memref_squeeze %dma_wait3A_532 : memref<1x80x16xf32, #tpu.memory_space<vmem>> -> memref<80x16xf32, #tpu.memory_space<vmem>>
        %dma_wait3A_534 = arith.constant 0 : i32
        %dma_wait3A_535 = arith.constant 0 : i32
        %dma_wait3A_536 = tpu.memref_slice %arg9[%dma_wait3A_529, %dma_wait3A_534, %dma_wait3A_535] : memref<5x80x16xf32, #tpu.memory_space<vmem>> -> memref<1x80x16xf32, #tpu.memory_space<vmem>>
        %dma_wait3A_537 = tpu.memref_squeeze %dma_wait3A_536 : memref<1x80x16xf32, #tpu.memory_space<vmem>> -> memref<80x16xf32, #tpu.memory_space<vmem>>
        tpu.wait_dma2 semaphore(%arg15 : memref<!tpu.dma_semaphore, #tpu.memory_space<semaphore_mem>>) src(%arg5 : memref<80x16xf32, #tpu.memory_space<hbm>>) dst(%dma_wait3A_537 : memref<80x16xf32, #tpu.memory_space<vmem>>)
      } else {
      }
      %dma_wait3A_311 = arith.constant 0 : i32
      %dma_wait3A_312 = arith.constant 0 : i32
      %dma_wait3A_313 = arith.constant 0 : i32
      %dma_wait3A_314 = tpu.memref_slice %arg9[%dma_wait3A_311, %dma_wait3A_312, %dma_wait3A_313] : memref<5x80x16xf32, #tpu.memory_space<vmem>> -> memref<1x80x16xf32, #tpu.memory_space<vmem>>
      %dma_wait3A_315 = tpu.memref_squeeze %dma_wait3A_314 : memref<1x80x16xf32, #tpu.memory_space<vmem>> -> memref<80x16xf32, #tpu.memory_space<vmem>>
      %dma_wait3A_316 = arith.constant 0 : i32
      %dma_wait3A_317 = arith.constant 0 : i32
      %dma_wait3A_318 = tpu.memref_slice %arg9[%dma_wait3A_311, %dma_wait3A_316, %dma_wait3A_317] : memref<5x80x16xf32, #tpu.memory_space<vmem>> -> memref<1x80x16xf32, #tpu.memory_space<vmem>>
      %dma_wait3A_319 = tpu.memref_squeeze %dma_wait3A_318 : memref<1x80x16xf32, #tpu.memory_space<vmem>> -> memref<80x16xf32, #tpu.memory_space<vmem>>
      tpu.wait_dma2 semaphore(%arg14 : memref<!tpu.dma_semaphore, #tpu.memory_space<semaphore_mem>>) src(%arg5 : memref<80x16xf32, #tpu.memory_space<hbm>>) dst(%dma_wait3A_319 : memref<80x16xf32, #tpu.memory_space<vmem>>)
      %dma_start3A_320 = arith.constant 0 : i32
      %dma_start3A_321 = arith.constant 0 : i32
      %dma_start3A_322 = arith.constant 0 : i32
      %dma_start3A_323 = tpu.memref_slice %arg9[%dma_start3A_320, %dma_start3A_321, %dma_start3A_322] : memref<5x80x16xf32, #tpu.memory_space<vmem>> -> memref<1x80x16xf32, #tpu.memory_space<vmem>>
      %dma_start3A_324 = tpu.memref_squeeze %dma_start3A_323 : memref<1x80x16xf32, #tpu.memory_space<vmem>> -> memref<80x16xf32, #tpu.memory_space<vmem>>
      %dma_start3A_325 = arith.constant 0 : i32
      %dma_start3A_326 = tpu.memref_slice %arg8[%add3A_308, %dma_start3A_325] : memref<125x80xi32, #tpu.memory_space<vmem>> -> memref<1x80xi32, #tpu.memory_space<vmem>>
      %dma_start3A_327 = tpu.memref_squeeze %dma_start3A_326 : memref<1x80xi32, #tpu.memory_space<vmem>> -> memref<80xi32, #tpu.memory_space<vmem>>
      %dma_start3A_328 = arith.constant 0 : i32
      %dma_start3A_329 = arith.constant 0 : i32
      %dma_start3A_330 = tpu.memref_slice %arg13[%dma_start3A_328, %dma_start3A_329] : memref<10240x16xf32, #tpu.memory_space<vmem_shared>> -> memref<10240x16xf32, #tpu.memory_space<vmem_shared>>
      tpu.enqueue_indirect_dma source(%dma_start3A_324 : memref<80x16xf32, #tpu.memory_space<vmem>>) target(%dma_start3A_330 : memref<10240x16xf32, #tpu.memory_space<vmem_shared>>) offsets(%dma_start3A_327 : memref<80xi32, #tpu.memory_space<vmem>>) semaphore(%arg15 : memref<!tpu.dma_semaphore, #tpu.memory_space<semaphore_mem>>) {add = true}
      %add3A_331 = arith.constant 5 : i32
      %add3A_332 = arith.addi %add3A_308, %add3A_331 : i32
      %sub3A = arith.constant 1 : i32
      %sub3A_333 = arith.subi %add3A_332, %sub3A : i32
      %dma_start3A_334 = arith.constant 4 : i32
      %dma_start3A_335 = arith.constant 0 : i32
      %dma_start3A_336 = arith.constant 0 : i32
      %dma_start3A_337 = tpu.memref_slice %arg9[%dma_start3A_334, %dma_start3A_335, %dma_start3A_336] : memref<5x80x16xf32, #tpu.memory_space<vmem>> -> memref<1x80x16xf32, #tpu.memory_space<vmem>>
      %dma_start3A_338 = tpu.memref_squeeze %dma_start3A_337 : memref<1x80x16xf32, #tpu.memory_space<vmem>> -> memref<80x16xf32, #tpu.memory_space<vmem>>
      %dma_start3A_339 = arith.constant 0 : i32
      %dma_start3A_340 = tpu.memref_slice %arg7[%sub3A_333, %dma_start3A_339] : memref<130x80xi32, #tpu.memory_space<vmem>> -> memref<1x80xi32, #tpu.memory_space<vmem>>
      %dma_start3A_341 = tpu.memref_squeeze %dma_start3A_340 : memref<1x80xi32, #tpu.memory_space<vmem>> -> memref<80xi32, #tpu.memory_space<vmem>>
      %dma_start3A_342 = arith.constant 0 : i32
      %dma_start3A_343 = arith.constant 0 : i32
      %dma_start3A_344 = tpu.memref_slice %arg12[%dma_start3A_342, %dma_start3A_343] : memref<10240x16xf32, #tpu.memory_space<vmem_shared>> -> memref<10240x16xf32, #tpu.memory_space<vmem_shared>>
      tpu.enqueue_indirect_dma source(%dma_start3A_344 : memref<10240x16xf32, #tpu.memory_space<vmem_shared>>) target(%dma_start3A_338 : memref<80x16xf32, #tpu.memory_space<vmem>>) offsets(%dma_start3A_341 : memref<80xi32, #tpu.memory_space<vmem>>) semaphore(%arg14 : memref<!tpu.dma_semaphore, #tpu.memory_space<semaphore_mem>>)
      %add3A_345 = arith.constant 1 : i32
      %add3A_346 = arith.addi %mul3A_306, %add3A_345 : i32
      %dma_wait3A_347 = arith.constant 0 : i32
      %dma_wait3A_348 = arith.constant 0 : i32
      %dma_wait3A_349 = arith.constant 0 : i32
      %dma_wait3A_350 = tpu.memref_slice %arg9[%dma_wait3A_347, %dma_wait3A_348, %dma_wait3A_349] : memref<5x80x16xf32, #tpu.memory_space<vmem>> -> memref<1x80x16xf32, #tpu.memory_space<vmem>>
      %dma_wait3A_351 = tpu.memref_squeeze %dma_wait3A_350 : memref<1x80x16xf32, #tpu.memory_space<vmem>> -> memref<80x16xf32, #tpu.memory_space<vmem>>
      %dma_wait3A_352 = arith.constant 0 : i32
      %dma_wait3A_353 = arith.constant 0 : i32
      %dma_wait3A_354 = tpu.memref_slice %arg9[%dma_wait3A_347, %dma_wait3A_352, %dma_wait3A_353] : memref<5x80x16xf32, #tpu.memory_space<vmem>> -> memref<1x80x16xf32, #tpu.memory_space<vmem>>
      %dma_wait3A_355 = tpu.memref_squeeze %dma_wait3A_354 : memref<1x80x16xf32, #tpu.memory_space<vmem>> -> memref<80x16xf32, #tpu.memory_space<vmem>>
      tpu.wait_dma2 semaphore(%arg15 : memref<!tpu.dma_semaphore, #tpu.memory_space<semaphore_mem>>) src(%arg5 : memref<80x16xf32, #tpu.memory_space<hbm>>) dst(%dma_wait3A_355 : memref<80x16xf32, #tpu.memory_space<vmem>>)
      %dma_wait3A_356 = arith.constant 1 : i32
      %dma_wait3A_357 = arith.constant 0 : i32
      %dma_wait3A_358 = arith.constant 0 : i32
      %dma_wait3A_359 = tpu.memref_slice %arg9[%dma_wait3A_356, %dma_wait3A_357, %dma_wait3A_358] : memref<5x80x16xf32, #tpu.memory_space<vmem>> -> memref<1x80x16xf32, #tpu.memory_space<vmem>>
      %dma_wait3A_360 = tpu.memref_squeeze %dma_wait3A_359 : memref<1x80x16xf32, #tpu.memory_space<vmem>> -> memref<80x16xf32, #tpu.memory_space<vmem>>
      %dma_wait3A_361 = arith.constant 0 : i32
      %dma_wait3A_362 = arith.constant 0 : i32
      %dma_wait3A_363 = tpu.memref_slice %arg9[%dma_wait3A_356, %dma_wait3A_361, %dma_wait3A_362] : memref<5x80x16xf32, #tpu.memory_space<vmem>> -> memref<1x80x16xf32, #tpu.memory_space<vmem>>
      %dma_wait3A_364 = tpu.memref_squeeze %dma_wait3A_363 : memref<1x80x16xf32, #tpu.memory_space<vmem>> -> memref<80x16xf32, #tpu.memory_space<vmem>>
      tpu.wait_dma2 semaphore(%arg14 : memref<!tpu.dma_semaphore, #tpu.memory_space<semaphore_mem>>) src(%arg5 : memref<80x16xf32, #tpu.memory_space<hbm>>) dst(%dma_wait3A_364 : memref<80x16xf32, #tpu.memory_space<vmem>>)
      %dma_start3A_365 = arith.constant 1 : i32
      %dma_start3A_366 = arith.constant 0 : i32
      %dma_start3A_367 = arith.constant 0 : i32
      %dma_start3A_368 = tpu.memref_slice %arg9[%dma_start3A_365, %dma_start3A_366, %dma_start3A_367] : memref<5x80x16xf32, #tpu.memory_space<vmem>> -> memref<1x80x16xf32, #tpu.memory_space<vmem>>
      %dma_start3A_369 = tpu.memref_squeeze %dma_start3A_368 : memref<1x80x16xf32, #tpu.memory_space<vmem>> -> memref<80x16xf32, #tpu.memory_space<vmem>>
      %dma_start3A_370 = arith.constant 0 : i32
      %dma_start3A_371 = tpu.memref_slice %arg8[%add3A_346, %dma_start3A_370] : memref<125x80xi32, #tpu.memory_space<vmem>> -> memref<1x80xi32, #tpu.memory_space<vmem>>
      %dma_start3A_372 = tpu.memref_squeeze %dma_start3A_371 : memref<1x80xi32, #tpu.memory_space<vmem>> -> memref<80xi32, #tpu.memory_space<vmem>>
      %dma_start3A_373 = arith.constant 0 : i32
      %dma_start3A_374 = arith.constant 0 : i32
      %dma_start3A_375 = tpu.memref_slice %arg13[%dma_start3A_373, %dma_start3A_374] : memref<10240x16xf32, #tpu.memory_space<vmem_shared>> -> memref<10240x16xf32, #tpu.memory_space<vmem_shared>>
      tpu.enqueue_indirect_dma source(%dma_start3A_369 : memref<80x16xf32, #tpu.memory_space<vmem>>) target(%dma_start3A_375 : memref<10240x16xf32, #tpu.memory_space<vmem_shared>>) offsets(%dma_start3A_372 : memref<80xi32, #tpu.memory_space<vmem>>) semaphore(%arg15 : memref<!tpu.dma_semaphore, #tpu.memory_space<semaphore_mem>>) {add = true}
      %add3A_376 = arith.constant 5 : i32
      %add3A_377 = arith.addi %add3A_346, %add3A_376 : i32
      %sub3A_378 = arith.constant 1 : i32
      %sub3A_379 = arith.subi %add3A_377, %sub3A_378 : i32
      %dma_start3A_380 = arith.constant 0 : i32
      %dma_start3A_381 = arith.constant 0 : i32
      %dma_start3A_382 = arith.constant 0 : i32
      %dma_start3A_383 = tpu.memref_slice %arg9[%dma_start3A_380, %dma_start3A_381, %dma_start3A_382] : memref<5x80x16xf32, #tpu.memory_space<vmem>> -> memref<1x80x16xf32, #tpu.memory_space<vmem>>
      %dma_start3A_384 = tpu.memref_squeeze %dma_start3A_383 : memref<1x80x16xf32, #tpu.memory_space<vmem>> -> memref<80x16xf32, #tpu.memory_space<vmem>>
      %dma_start3A_385 = arith.constant 0 : i32
      %dma_start3A_386 = tpu.memref_slice %arg7[%sub3A_379, %dma_start3A_385] : memref<130x80xi32, #tpu.memory_space<vmem>> -> memref<1x80xi32, #tpu.memory_space<vmem>>
      %dma_start3A_387 = tpu.memref_squeeze %dma_start3A_386 : memref<1x80xi32, #tpu.memory_space<vmem>> -> memref<80xi32, #tpu.memory_space<vmem>>
      %dma_start3A_388 = arith.constant 0 : i32
      %dma_start3A_389 = arith.constant 0 : i32
      %dma_start3A_390 = tpu.memref_slice %arg12[%dma_start3A_388, %dma_start3A_389] : memref<10240x16xf32, #tpu.memory_space<vmem_shared>> -> memref<10240x16xf32, #tpu.memory_space<vmem_shared>>
      tpu.enqueue_indirect_dma source(%dma_start3A_390 : memref<10240x16xf32, #tpu.memory_space<vmem_shared>>) target(%dma_start3A_384 : memref<80x16xf32, #tpu.memory_space<vmem>>) offsets(%dma_start3A_387 : memref<80xi32, #tpu.memory_space<vmem>>) semaphore(%arg14 : memref<!tpu.dma_semaphore, #tpu.memory_space<semaphore_mem>>)
      %add3A_391 = arith.constant 2 : i32
      %add3A_392 = arith.addi %mul3A_306, %add3A_391 : i32
      %dma_wait3A_393 = arith.constant 1 : i32
      %dma_wait3A_394 = arith.constant 0 : i32
      %dma_wait3A_395 = arith.constant 0 : i32
      %dma_wait3A_396 = tpu.memref_slice %arg9[%dma_wait3A_393, %dma_wait3A_394, %dma_wait3A_395] : memref<5x80x16xf32, #tpu.memory_space<vmem>> -> memref<1x80x16xf32, #tpu.memory_space<vmem>>
      %dma_wait3A_397 = tpu.memref_squeeze %dma_wait3A_396 : memref<1x80x16xf32, #tpu.memory_space<vmem>> -> memref<80x16xf32, #tpu.memory_space<vmem>>
      %dma_wait3A_398 = arith.constant 0 : i32
      %dma_wait3A_399 = arith.constant 0 : i32
      %dma_wait3A_400 = tpu.memref_slice %arg9[%dma_wait3A_393, %dma_wait3A_398, %dma_wait3A_399] : memref<5x80x16xf32, #tpu.memory_space<vmem>> -> memref<1x80x16xf32, #tpu.memory_space<vmem>>
      %dma_wait3A_401 = tpu.memref_squeeze %dma_wait3A_400 : memref<1x80x16xf32, #tpu.memory_space<vmem>> -> memref<80x16xf32, #tpu.memory_space<vmem>>
      tpu.wait_dma2 semaphore(%arg15 : memref<!tpu.dma_semaphore, #tpu.memory_space<semaphore_mem>>) src(%arg5 : memref<80x16xf32, #tpu.memory_space<hbm>>) dst(%dma_wait3A_401 : memref<80x16xf32, #tpu.memory_space<vmem>>)
      %dma_wait3A_402 = arith.constant 2 : i32
      %dma_wait3A_403 = arith.constant 0 : i32
      %dma_wait3A_404 = arith.constant 0 : i32
      %dma_wait3A_405 = tpu.memref_slice %arg9[%dma_wait3A_402, %dma_wait3A_403, %dma_wait3A_404] : memref<5x80x16xf32, #tpu.memory_space<vmem>> -> memref<1x80x16xf32, #tpu.memory_space<vmem>>
      %dma_wait3A_406 = tpu.memref_squeeze %dma_wait3A_405 : memref<1x80x16xf32, #tpu.memory_space<vmem>> -> memref<80x16xf32, #tpu.memory_space<vmem>>
      %dma_wait3A_407 = arith.constant 0 : i32
      %dma_wait3A_408 = arith.constant 0 : i32
      %dma_wait3A_409 = tpu.memref_slice %arg9[%dma_wait3A_402, %dma_wait3A_407, %dma_wait3A_408] : memref<5x80x16xf32, #tpu.memory_space<vmem>> -> memref<1x80x16xf32, #tpu.memory_space<vmem>>
      %dma_wait3A_410 = tpu.memref_squeeze %dma_wait3A_409 : memref<1x80x16xf32, #tpu.memory_space<vmem>> -> memref<80x16xf32, #tpu.memory_space<vmem>>
      tpu.wait_dma2 semaphore(%arg14 : memref<!tpu.dma_semaphore, #tpu.memory_space<semaphore_mem>>) src(%arg5 : memref<80x16xf32, #tpu.memory_space<hbm>>) dst(%dma_wait3A_410 : memref<80x16xf32, #tpu.memory_space<vmem>>)
      %dma_start3A_411 = arith.constant 2 : i32
      %dma_start3A_412 = arith.constant 0 : i32
      %dma_start3A_413 = arith.constant 0 : i32
      %dma_start3A_414 = tpu.memref_slice %arg9[%dma_start3A_411, %dma_start3A_412, %dma_start3A_413] : memref<5x80x16xf32, #tpu.memory_space<vmem>> -> memref<1x80x16xf32, #tpu.memory_space<vmem>>
      %dma_start3A_415 = tpu.memref_squeeze %dma_start3A_414 : memref<1x80x16xf32, #tpu.memory_space<vmem>> -> memref<80x16xf32, #tpu.memory_space<vmem>>
      %dma_start3A_416 = arith.constant 0 : i32
      %dma_start3A_417 = tpu.memref_slice %arg8[%add3A_392, %dma_start3A_416] : memref<125x80xi32, #tpu.memory_space<vmem>> -> memref<1x80xi32, #tpu.memory_space<vmem>>
      %dma_start3A_418 = tpu.memref_squeeze %dma_start3A_417 : memref<1x80xi32, #tpu.memory_space<vmem>> -> memref<80xi32, #tpu.memory_space<vmem>>
      %dma_start3A_419 = arith.constant 0 : i32
      %dma_start3A_420 = arith.constant 0 : i32
      %dma_start3A_421 = tpu.memref_slice %arg13[%dma_start3A_419, %dma_start3A_420] : memref<10240x16xf32, #tpu.memory_space<vmem_shared>> -> memref<10240x16xf32, #tpu.memory_space<vmem_shared>>
      tpu.enqueue_indirect_dma source(%dma_start3A_415 : memref<80x16xf32, #tpu.memory_space<vmem>>) target(%dma_start3A_421 : memref<10240x16xf32, #tpu.memory_space<vmem_shared>>) offsets(%dma_start3A_418 : memref<80xi32, #tpu.memory_space<vmem>>) semaphore(%arg15 : memref<!tpu.dma_semaphore, #tpu.memory_space<semaphore_mem>>) {add = true}
      %add3A_422 = arith.constant 5 : i32
      %add3A_423 = arith.addi %add3A_392, %add3A_422 : i32
      %sub3A_424 = arith.constant 1 : i32
      %sub3A_425 = arith.subi %add3A_423, %sub3A_424 : i32
      %dma_start3A_426 = arith.constant 1 : i32
      %dma_start3A_427 = arith.constant 0 : i32
      %dma_start3A_428 = arith.constant 0 : i32
      %dma_start3A_429 = tpu.memref_slice %arg9[%dma_start3A_426, %dma_start3A_427, %dma_start3A_428] : memref<5x80x16xf32, #tpu.memory_space<vmem>> -> memref<1x80x16xf32, #tpu.memory_space<vmem>>
      %dma_start3A_430 = tpu.memref_squeeze %dma_start3A_429 : memref<1x80x16xf32, #tpu.memory_space<vmem>> -> memref<80x16xf32, #tpu.memory_space<vmem>>
      %dma_start3A_431 = arith.constant 0 : i32
      %dma_start3A_432 = tpu.memref_slice %arg7[%sub3A_425, %dma_start3A_431] : memref<130x80xi32, #tpu.memory_space<vmem>> -> memref<1x80xi32, #tpu.memory_space<vmem>>
      %dma_start3A_433 = tpu.memref_squeeze %dma_start3A_432 : memref<1x80xi32, #tpu.memory_space<vmem>> -> memref<80xi32, #tpu.memory_space<vmem>>
      %dma_start3A_434 = arith.constant 0 : i32
      %dma_start3A_435 = arith.constant 0 : i32
      %dma_start3A_436 = tpu.memref_slice %arg12[%dma_start3A_434, %dma_start3A_435] : memref<10240x16xf32, #tpu.memory_space<vmem_shared>> -> memref<10240x16xf32, #tpu.memory_space<vmem_shared>>
      tpu.enqueue_indirect_dma source(%dma_start3A_436 : memref<10240x16xf32, #tpu.memory_space<vmem_shared>>) target(%dma_start3A_430 : memref<80x16xf32, #tpu.memory_space<vmem>>) offsets(%dma_start3A_433 : memref<80xi32, #tpu.memory_space<vmem>>) semaphore(%arg14 : memref<!tpu.dma_semaphore, #tpu.memory_space<semaphore_mem>>)
      %add3A_437 = arith.constant 3 : i32
      %add3A_438 = arith.addi %mul3A_306, %add3A_437 : i32
      %dma_wait3A_439 = arith.constant 2 : i32
      %dma_wait3A_440 = arith.constant 0 : i32
      %dma_wait3A_441 = arith.constant 0 : i32
      %dma_wait3A_442 = tpu.memref_slice %arg9[%dma_wait3A_439, %dma_wait3A_440, %dma_wait3A_441] : memref<5x80x16xf32, #tpu.memory_space<vmem>> -> memref<1x80x16xf32, #tpu.memory_space<vmem>>
      %dma_wait3A_443 = tpu.memref_squeeze %dma_wait3A_442 : memref<1x80x16xf32, #tpu.memory_space<vmem>> -> memref<80x16xf32, #tpu.memory_space<vmem>>
      %dma_wait3A_444 = arith.constant 0 : i32
      %dma_wait3A_445 = arith.constant 0 : i32
      %dma_wait3A_446 = tpu.memref_slice %arg9[%dma_wait3A_439, %dma_wait3A_444, %dma_wait3A_445] : memref<5x80x16xf32, #tpu.memory_space<vmem>> -> memref<1x80x16xf32, #tpu.memory_space<vmem>>
      %dma_wait3A_447 = tpu.memref_squeeze %dma_wait3A_446 : memref<1x80x16xf32, #tpu.memory_space<vmem>> -> memref<80x16xf32, #tpu.memory_space<vmem>>
      tpu.wait_dma2 semaphore(%arg15 : memref<!tpu.dma_semaphore, #tpu.memory_space<semaphore_mem>>) src(%arg5 : memref<80x16xf32, #tpu.memory_space<hbm>>) dst(%dma_wait3A_447 : memref<80x16xf32, #tpu.memory_space<vmem>>)
      %dma_wait3A_448 = arith.constant 3 : i32
      %dma_wait3A_449 = arith.constant 0 : i32
      %dma_wait3A_450 = arith.constant 0 : i32
      %dma_wait3A_451 = tpu.memref_slice %arg9[%dma_wait3A_448, %dma_wait3A_449, %dma_wait3A_450] : memref<5x80x16xf32, #tpu.memory_space<vmem>> -> memref<1x80x16xf32, #tpu.memory_space<vmem>>
      %dma_wait3A_452 = tpu.memref_squeeze %dma_wait3A_451 : memref<1x80x16xf32, #tpu.memory_space<vmem>> -> memref<80x16xf32, #tpu.memory_space<vmem>>
      %dma_wait3A_453 = arith.constant 0 : i32
      %dma_wait3A_454 = arith.constant 0 : i32
      %dma_wait3A_455 = tpu.memref_slice %arg9[%dma_wait3A_448, %dma_wait3A_453, %dma_wait3A_454] : memref<5x80x16xf32, #tpu.memory_space<vmem>> -> memref<1x80x16xf32, #tpu.memory_space<vmem>>
      %dma_wait3A_456 = tpu.memref_squeeze %dma_wait3A_455 : memref<1x80x16xf32, #tpu.memory_space<vmem>> -> memref<80x16xf32, #tpu.memory_space<vmem>>
      tpu.wait_dma2 semaphore(%arg14 : memref<!tpu.dma_semaphore, #tpu.memory_space<semaphore_mem>>) src(%arg5 : memref<80x16xf32, #tpu.memory_space<hbm>>) dst(%dma_wait3A_456 : memref<80x16xf32, #tpu.memory_space<vmem>>)
      %dma_start3A_457 = arith.constant 3 : i32
      %dma_start3A_458 = arith.constant 0 : i32
      %dma_start3A_459 = arith.constant 0 : i32
      %dma_start3A_460 = tpu.memref_slice %arg9[%dma_start3A_457, %dma_start3A_458, %dma_start3A_459] : memref<5x80x16xf32, #tpu.memory_space<vmem>> -> memref<1x80x16xf32, #tpu.memory_space<vmem>>
      %dma_start3A_461 = tpu.memref_squeeze %dma_start3A_460 : memref<1x80x16xf32, #tpu.memory_space<vmem>> -> memref<80x16xf32, #tpu.memory_space<vmem>>
      %dma_start3A_462 = arith.constant 0 : i32
      %dma_start3A_463 = tpu.memref_slice %arg8[%add3A_438, %dma_start3A_462] : memref<125x80xi32, #tpu.memory_space<vmem>> -> memref<1x80xi32, #tpu.memory_space<vmem>>
      %dma_start3A_464 = tpu.memref_squeeze %dma_start3A_463 : memref<1x80xi32, #tpu.memory_space<vmem>> -> memref<80xi32, #tpu.memory_space<vmem>>
      %dma_start3A_465 = arith.constant 0 : i32
      %dma_start3A_466 = arith.constant 0 : i32
      %dma_start3A_467 = tpu.memref_slice %arg13[%dma_start3A_465, %dma_start3A_466] : memref<10240x16xf32, #tpu.memory_space<vmem_shared>> -> memref<10240x16xf32, #tpu.memory_space<vmem_shared>>
      tpu.enqueue_indirect_dma source(%dma_start3A_461 : memref<80x16xf32, #tpu.memory_space<vmem>>) target(%dma_start3A_467 : memref<10240x16xf32, #tpu.memory_space<vmem_shared>>) offsets(%dma_start3A_464 : memref<80xi32, #tpu.memory_space<vmem>>) semaphore(%arg15 : memref<!tpu.dma_semaphore, #tpu.memory_space<semaphore_mem>>) {add = true}
      %add3A_468 = arith.constant 5 : i32
      %add3A_469 = arith.addi %add3A_438, %add3A_468 : i32
      %sub3A_470 = arith.constant 1 : i32
      %sub3A_471 = arith.subi %add3A_469, %sub3A_470 : i32
      %dma_start3A_472 = arith.constant 2 : i32
      %dma_start3A_473 = arith.constant 0 : i32
      %dma_start3A_474 = arith.constant 0 : i32
      %dma_start3A_475 = tpu.memref_slice %arg9[%dma_start3A_472, %dma_start3A_473, %dma_start3A_474] : memref<5x80x16xf32, #tpu.memory_space<vmem>> -> memref<1x80x16xf32, #tpu.memory_space<vmem>>
      %dma_start3A_476 = tpu.memref_squeeze %dma_start3A_475 : memref<1x80x16xf32, #tpu.memory_space<vmem>> -> memref<80x16xf32, #tpu.memory_space<vmem>>
      %dma_start3A_477 = arith.constant 0 : i32
      %dma_start3A_478 = tpu.memref_slice %arg7[%sub3A_471, %dma_start3A_477] : memref<130x80xi32, #tpu.memory_space<vmem>> -> memref<1x80xi32, #tpu.memory_space<vmem>>
      %dma_start3A_479 = tpu.memref_squeeze %dma_start3A_478 : memref<1x80xi32, #tpu.memory_space<vmem>> -> memref<80xi32, #tpu.memory_space<vmem>>
      %dma_start3A_480 = arith.constant 0 : i32
      %dma_start3A_481 = arith.constant 0 : i32
      %dma_start3A_482 = tpu.memref_slice %arg12[%dma_start3A_480, %dma_start3A_481] : memref<10240x16xf32, #tpu.memory_space<vmem_shared>> -> memref<10240x16xf32, #tpu.memory_space<vmem_shared>>
      tpu.enqueue_indirect_dma source(%dma_start3A_482 : memref<10240x16xf32, #tpu.memory_space<vmem_shared>>) target(%dma_start3A_476 : memref<80x16xf32, #tpu.memory_space<vmem>>) offsets(%dma_start3A_479 : memref<80xi32, #tpu.memory_space<vmem>>) semaphore(%arg14 : memref<!tpu.dma_semaphore, #tpu.memory_space<semaphore_mem>>)
      %add3A_483 = arith.constant 4 : i32
      %add3A_484 = arith.addi %mul3A_306, %add3A_483 : i32
      %dma_wait3A_485 = arith.constant 3 : i32
      %dma_wait3A_486 = arith.constant 0 : i32
      %dma_wait3A_487 = arith.constant 0 : i32
      %dma_wait3A_488 = tpu.memref_slice %arg9[%dma_wait3A_485, %dma_wait3A_486, %dma_wait3A_487] : memref<5x80x16xf32, #tpu.memory_space<vmem>> -> memref<1x80x16xf32, #tpu.memory_space<vmem>>
      %dma_wait3A_489 = tpu.memref_squeeze %dma_wait3A_488 : memref<1x80x16xf32, #tpu.memory_space<vmem>> -> memref<80x16xf32, #tpu.memory_space<vmem>>
      %dma_wait3A_490 = arith.constant 0 : i32
      %dma_wait3A_491 = arith.constant 0 : i32
      %dma_wait3A_492 = tpu.memref_slice %arg9[%dma_wait3A_485, %dma_wait3A_490, %dma_wait3A_491] : memref<5x80x16xf32, #tpu.memory_space<vmem>> -> memref<1x80x16xf32, #tpu.memory_space<vmem>>
      %dma_wait3A_493 = tpu.memref_squeeze %dma_wait3A_492 : memref<1x80x16xf32, #tpu.memory_space<vmem>> -> memref<80x16xf32, #tpu.memory_space<vmem>>
      tpu.wait_dma2 semaphore(%arg15 : memref<!tpu.dma_semaphore, #tpu.memory_space<semaphore_mem>>) src(%arg5 : memref<80x16xf32, #tpu.memory_space<hbm>>) dst(%dma_wait3A_493 : memref<80x16xf32, #tpu.memory_space<vmem>>)
      %dma_wait3A_494 = arith.constant 4 : i32
      %dma_wait3A_495 = arith.constant 0 : i32
      %dma_wait3A_496 = arith.constant 0 : i32
      %dma_wait3A_497 = tpu.memref_slice %arg9[%dma_wait3A_494, %dma_wait3A_495, %dma_wait3A_496] : memref<5x80x16xf32, #tpu.memory_space<vmem>> -> memref<1x80x16xf32, #tpu.memory_space<vmem>>
      %dma_wait3A_498 = tpu.memref_squeeze %dma_wait3A_497 : memref<1x80x16xf32, #tpu.memory_space<vmem>> -> memref<80x16xf32, #tpu.memory_space<vmem>>
      %dma_wait3A_499 = arith.constant 0 : i32
      %dma_wait3A_500 = arith.constant 0 : i32
      %dma_wait3A_501 = tpu.memref_slice %arg9[%dma_wait3A_494, %dma_wait3A_499, %dma_wait3A_500] : memref<5x80x16xf32, #tpu.memory_space<vmem>> -> memref<1x80x16xf32, #tpu.memory_space<vmem>>
      %dma_wait3A_502 = tpu.memref_squeeze %dma_wait3A_501 : memref<1x80x16xf32, #tpu.memory_space<vmem>> -> memref<80x16xf32, #tpu.memory_space<vmem>>
      tpu.wait_dma2 semaphore(%arg14 : memref<!tpu.dma_semaphore, #tpu.memory_space<semaphore_mem>>) src(%arg5 : memref<80x16xf32, #tpu.memory_space<hbm>>) dst(%dma_wait3A_502 : memref<80x16xf32, #tpu.memory_space<vmem>>)
      %dma_start3A_503 = arith.constant 4 : i32
      %dma_start3A_504 = arith.constant 0 : i32
      %dma_start3A_505 = arith.constant 0 : i32
      %dma_start3A_506 = tpu.memref_slice %arg9[%dma_start3A_503, %dma_start3A_504, %dma_start3A_505] : memref<5x80x16xf32, #tpu.memory_space<vmem>> -> memref<1x80x16xf32, #tpu.memory_space<vmem>>
      %dma_start3A_507 = tpu.memref_squeeze %dma_start3A_506 : memref<1x80x16xf32, #tpu.memory_space<vmem>> -> memref<80x16xf32, #tpu.memory_space<vmem>>
      %dma_start3A_508 = arith.constant 0 : i32
      %dma_start3A_509 = tpu.memref_slice %arg8[%add3A_484, %dma_start3A_508] : memref<125x80xi32, #tpu.memory_space<vmem>> -> memref<1x80xi32, #tpu.memory_space<vmem>>
      %dma_start3A_510 = tpu.memref_squeeze %dma_start3A_509 : memref<1x80xi32, #tpu.memory_space<vmem>> -> memref<80xi32, #tpu.memory_space<vmem>>
      %dma_start3A_511 = arith.constant 0 : i32
      %dma_start3A_512 = arith.constant 0 : i32
      %dma_start3A_513 = tpu.memref_slice %arg13[%dma_start3A_511, %dma_start3A_512] : memref<10240x16xf32, #tpu.memory_space<vmem_shared>> -> memref<10240x16xf32, #tpu.memory_space<vmem_shared>>
      tpu.enqueue_indirect_dma source(%dma_start3A_507 : memref<80x16xf32, #tpu.memory_space<vmem>>) target(%dma_start3A_513 : memref<10240x16xf32, #tpu.memory_space<vmem_shared>>) offsets(%dma_start3A_510 : memref<80xi32, #tpu.memory_space<vmem>>) semaphore(%arg15 : memref<!tpu.dma_semaphore, #tpu.memory_space<semaphore_mem>>) {add = true}
      %add3A_514 = arith.constant 5 : i32
      %add3A_515 = arith.addi %add3A_484, %add3A_514 : i32
      %sub3A_516 = arith.constant 1 : i32
      %sub3A_517 = arith.subi %add3A_515, %sub3A_516 : i32
      %dma_start3A_518 = arith.constant 3 : i32
      %dma_start3A_519 = arith.constant 0 : i32
      %dma_start3A_520 = arith.constant 0 : i32
      %dma_start3A_521 = tpu.memref_slice %arg9[%dma_start3A_518, %dma_start3A_519, %dma_start3A_520] : memref<5x80x16xf32, #tpu.memory_space<vmem>> -> memref<1x80x16xf32, #tpu.memory_space<vmem>>
      %dma_start3A_522 = tpu.memref_squeeze %dma_start3A_521 : memref<1x80x16xf32, #tpu.memory_space<vmem>> -> memref<80x16xf32, #tpu.memory_space<vmem>>
      %dma_start3A_523 = arith.constant 0 : i32
      %dma_start3A_524 = tpu.memref_slice %arg7[%sub3A_517, %dma_start3A_523] : memref<130x80xi32, #tpu.memory_space<vmem>> -> memref<1x80xi32, #tpu.memory_space<vmem>>
      %dma_start3A_525 = tpu.memref_squeeze %dma_start3A_524 : memref<1x80xi32, #tpu.memory_space<vmem>> -> memref<80xi32, #tpu.memory_space<vmem>>
      %dma_start3A_526 = arith.constant 0 : i32
      %dma_start3A_527 = arith.constant 0 : i32
      %dma_start3A_528 = tpu.memref_slice %arg12[%dma_start3A_526, %dma_start3A_527] : memref<10240x16xf32, #tpu.memory_space<vmem_shared>> -> memref<10240x16xf32, #tpu.memory_space<vmem_shared>>
      tpu.enqueue_indirect_dma source(%dma_start3A_528 : memref<10240x16xf32, #tpu.memory_space<vmem_shared>>) target(%dma_start3A_522 : memref<80x16xf32, #tpu.memory_space<vmem>>) offsets(%dma_start3A_525 : memref<80xi32, #tpu.memory_space<vmem>>) semaphore(%arg14 : memref<!tpu.dma_semaphore, #tpu.memory_space<semaphore_mem>>)
    }
    %scan3A_258 = arith.constant 25 : i32
    %dma_wait3A = arith.constant 0 : i32
    %dma_wait3A_259 = arith.constant 0 : i32
    %dma_wait3A_260 = arith.constant 0 : i32
    %dma_wait3A_261 = tpu.memref_slice %arg9[%dma_wait3A, %dma_wait3A_259, %dma_wait3A_260] : memref<5x80x16xf32, #tpu.memory_space<vmem>> -> memref<1x80x16xf32, #tpu.memory_space<vmem>>
    %dma_wait3A_262 = tpu.memref_squeeze %dma_wait3A_261 : memref<1x80x16xf32, #tpu.memory_space<vmem>> -> memref<80x16xf32, #tpu.memory_space<vmem>>
    %dma_wait3A_263 = arith.constant 0 : i32
    %dma_wait3A_264 = arith.constant 0 : i32
    %dma_wait3A_265 = tpu.memref_slice %arg9[%dma_wait3A, %dma_wait3A_263, %dma_wait3A_264] : memref<5x80x16xf32, #tpu.memory_space<vmem>> -> memref<1x80x16xf32, #tpu.memory_space<vmem>>
    %dma_wait3A_266 = tpu.memref_squeeze %dma_wait3A_265 : memref<1x80x16xf32, #tpu.memory_space<vmem>> -> memref<80x16xf32, #tpu.memory_space<vmem>>
    tpu.wait_dma2 semaphore(%arg15 : memref<!tpu.dma_semaphore, #tpu.memory_space<semaphore_mem>>) src(%arg5 : memref<80x16xf32, #tpu.memory_space<hbm>>) dst(%dma_wait3A_266 : memref<80x16xf32, #tpu.memory_space<vmem>>)
    %dma_wait3A_267 = arith.constant 0 : i32
    %dma_wait3A_268 = arith.constant 0 : i32
    %dma_wait3A_269 = arith.constant 0 : i32
    %dma_wait3A_270 = tpu.memref_slice %arg9[%dma_wait3A_267, %dma_wait3A_268, %dma_wait3A_269] : memref<5x80x16xf32, #tpu.memory_space<vmem>> -> memref<1x80x16xf32, #tpu.memory_space<vmem>>
    %dma_wait3A_271 = tpu.memref_squeeze %dma_wait3A_270 : memref<1x80x16xf32, #tpu.memory_space<vmem>> -> memref<80x16xf32, #tpu.memory_space<vmem>>
    %dma_wait3A_272 = arith.constant 0 : i32
    %dma_wait3A_273 = arith.constant 0 : i32
    %dma_wait3A_274 = tpu.memref_slice %arg9[%dma_wait3A_267, %dma_wait3A_272, %dma_wait3A_273] : memref<5x80x16xf32, #tpu.memory_space<vmem>> -> memref<1x80x16xf32, #tpu.memory_space<vmem>>
    %dma_wait3A_275 = tpu.memref_squeeze %dma_wait3A_274 : memref<1x80x16xf32, #tpu.memory_space<vmem>> -> memref<80x16xf32, #tpu.memory_space<vmem>>
    tpu.wait_dma2 semaphore(%arg14 : memref<!tpu.dma_semaphore, #tpu.memory_space<semaphore_mem>>) src(%arg5 : memref<80x16xf32, #tpu.memory_space<hbm>>) dst(%dma_wait3A_275 : memref<80x16xf32, #tpu.memory_space<vmem>>)
    %dma_wait3A_276 = arith.constant 1 : i32
    %dma_wait3A_277 = arith.constant 0 : i32
    %dma_wait3A_278 = arith.constant 0 : i32
    %dma_wait3A_279 = tpu.memref_slice %arg9[%dma_wait3A_276, %dma_wait3A_277, %dma_wait3A_278] : memref<5x80x16xf32, #tpu.memory_space<vmem>> -> memref<1x80x16xf32, #tpu.memory_space<vmem>>
    %dma_wait3A_280 = tpu.memref_squeeze %dma_wait3A_279 : memref<1x80x16xf32, #tpu.memory_space<vmem>> -> memref<80x16xf32, #tpu.memory_space<vmem>>
    %dma_wait3A_281 = arith.constant 0 : i32
    %dma_wait3A_282 = arith.constant 0 : i32
    %dma_wait3A_283 = tpu.memref_slice %arg9[%dma_wait3A_276, %dma_wait3A_281, %dma_wait3A_282] : memref<5x80x16xf32, #tpu.memory_space<vmem>> -> memref<1x80x16xf32, #tpu.memory_space<vmem>>
    %dma_wait3A_284 = tpu.memref_squeeze %dma_wait3A_283 : memref<1x80x16xf32, #tpu.memory_space<vmem>> -> memref<80x16xf32, #tpu.memory_space<vmem>>
    tpu.wait_dma2 semaphore(%arg14 : memref<!tpu.dma_semaphore, #tpu.memory_space<semaphore_mem>>) src(%arg5 : memref<80x16xf32, #tpu.memory_space<hbm>>) dst(%dma_wait3A_284 : memref<80x16xf32, #tpu.memory_space<vmem>>)
    %dma_wait3A_285 = arith.constant 2 : i32
    %dma_wait3A_286 = arith.constant 0 : i32
    %dma_wait3A_287 = arith.constant 0 : i32
    %dma_wait3A_288 = tpu.memref_slice %arg9[%dma_wait3A_285, %dma_wait3A_286, %dma_wait3A_287] : memref<5x80x16xf32, #tpu.memory_space<vmem>> -> memref<1x80x16xf32, #tpu.memory_space<vmem>>
    %dma_wait3A_289 = tpu.memref_squeeze %dma_wait3A_288 : memref<1x80x16xf32, #tpu.memory_space<vmem>> -> memref<80x16xf32, #tpu.memory_space<vmem>>
    %dma_wait3A_290 = arith.constant 0 : i32
    %dma_wait3A_291 = arith.constant 0 : i32
    %dma_wait3A_292 = tpu.memref_slice %arg9[%dma_wait3A_285, %dma_wait3A_290, %dma_wait3A_291] : memref<5x80x16xf32, #tpu.memory_space<vmem>> -> memref<1x80x16xf32, #tpu.memory_space<vmem>>
    %dma_wait3A_293 = tpu.memref_squeeze %dma_wait3A_292 : memref<1x80x16xf32, #tpu.memory_space<vmem>> -> memref<80x16xf32, #tpu.memory_space<vmem>>
    tpu.wait_dma2 semaphore(%arg14 : memref<!tpu.dma_semaphore, #tpu.memory_space<semaphore_mem>>) src(%arg5 : memref<80x16xf32, #tpu.memory_space<hbm>>) dst(%dma_wait3A_293 : memref<80x16xf32, #tpu.memory_space<vmem>>)
    %dma_wait3A_294 = arith.constant 3 : i32
    %dma_wait3A_295 = arith.constant 0 : i32
    %dma_wait3A_296 = arith.constant 0 : i32
    %dma_wait3A_297 = tpu.memref_slice %arg9[%dma_wait3A_294, %dma_wait3A_295, %dma_wait3A_296] : memref<5x80x16xf32, #tpu.memory_space<vmem>> -> memref<1x80x16xf32, #tpu.memory_space<vmem>>
    %dma_wait3A_298 = tpu.memref_squeeze %dma_wait3A_297 : memref<1x80x16xf32, #tpu.memory_space<vmem>> -> memref<80x16xf32, #tpu.memory_space<vmem>>
    %dma_wait3A_299 = arith.constant 0 : i32
    %dma_wait3A_300 = arith.constant 0 : i32
    %dma_wait3A_301 = tpu.memref_slice %arg9[%dma_wait3A_294, %dma_wait3A_299, %dma_wait3A_300] : memref<5x80x16xf32, #tpu.memory_space<vmem>> -> memref<1x80x16xf32, #tpu.memory_space<vmem>>
    %dma_wait3A_302 = tpu.memref_squeeze %dma_wait3A_301 : memref<1x80x16xf32, #tpu.memory_space<vmem>> -> memref<80x16xf32, #tpu.memory_space<vmem>>
    tpu.wait_dma2 semaphore(%arg14 : memref<!tpu.dma_semaphore, #tpu.memory_space<semaphore_mem>>) src(%arg5 : memref<80x16xf32, #tpu.memory_space<hbm>>) dst(%dma_wait3A_302 : memref<80x16xf32, #tpu.memory_space<vmem>>)
    %barrier3A_303 = arith.constant 0 : index
    tpu.barrier barrier_id(%barrier3A_303)
    "tpu.region"() ({
      %run_scoped3A = tpu.sem_alloc : memref<!tpu.dma_semaphore, #tpu.memory_space<semaphore_mem>>
      %dma_start3A_304 = arith.constant 0 : i32
      %dma_start3A_305 = tpu.memref_slice %arg6[%arg0, %mul3A_205, %dma_start3A_304] : memref<2x10240x16xf32, #tpu.memory_space<hbm>> -> memref<1x640x16xf32, #tpu.memory_space<hbm>>
      %dma_start3A_306 = tpu.memref_squeeze %dma_start3A_305 : memref<1x640x16xf32, #tpu.memory_space<hbm>> -> memref<640x16xf32, #tpu.memory_space<hbm>>
      %dma_start3A_307 = arith.constant 0 : i32
      %dma_start3A_308 = tpu.memref_slice %arg13[%mul3A_205, %dma_start3A_307] : memref<10240x16xf32, #tpu.memory_space<vmem_shared>> -> memref<640x16xf32, #tpu.memory_space<vmem_shared>>
      tpu.enqueue_dma source(%dma_start3A_308 : memref<640x16xf32, #tpu.memory_space<vmem_shared>>) target(%dma_start3A_306 : memref<640x16xf32, #tpu.memory_space<hbm>>) target_semaphore(%run_scoped3A : memref<!tpu.dma_semaphore, #tpu.memory_space<semaphore_mem>>)
      %dma_wait3A_309 = arith.constant 0 : i32
      %dma_wait3A_310 = tpu.memref_slice %arg6[%arg0, %mul3A_205, %dma_wait3A_309] : memref<2x10240x16xf32, #tpu.memory_space<hbm>> -> memref<1x640x16xf32, #tpu.memory_space<hbm>>
      %dma_wait3A_311 = tpu.memref_squeeze %dma_wait3A_310 : memref<1x640x16xf32, #tpu.memory_space<hbm>> -> memref<640x16xf32, #tpu.memory_space<hbm>>
      %dma_wait3A_312 = arith.constant 0 : i32
      %dma_wait3A_313 = tpu.memref_slice %arg13[%mul3A_205, %dma_wait3A_312] : memref<10240x16xf32, #tpu.memory_space<vmem_shared>> -> memref<640x16xf32, #tpu.memory_space<vmem_shared>>
      tpu.wait_dma2 semaphore(%run_scoped3A : memref<!tpu.dma_semaphore, #tpu.memory_space<semaphore_mem>>) src(%dma_wait3A_313 : memref<640x16xf32, #tpu.memory_space<vmem_shared>>) dst(%dma_wait3A_311 : memref<640x16xf32, #tpu.memory_space<hbm>>)
      tpu.yield
    }) : () -> ()
    return
  }
}

#map = affine_map<(d0, d1) -> (0, 0)>
#map1 = affine_map<(d0, d1) -> (0, 0, 0)>
module attributes {stable_mosaic.version = 14 : i64} {
  func.func @body(%arg0: i32, %arg1: i32, %arg2: memref<10240x16xf32, #tpu.memory_space<hbm>>, %arg3: memref<10240x16xf32, #tpu.memory_space<hbm>>, %arg4: memref<32x125x80xi32, #tpu.memory_space<hbm>>, %arg5: memref<32x125x80xi32, #tpu.memory_space<hbm>>, %arg6: memref<320000x16xf32, #tpu.memory_space<hbm>>, %arg7: memref<320000x16xf32, #tpu.memory_space<hbm>>, %arg8: memref<130x80xi32, #tpu.memory_space<vmem>>, %arg9: memref<130x80xi32, #tpu.memory_space<vmem>>, %arg10: memref<5x80x16xf32, #tpu.memory_space<vmem>>, %arg11: memref<5x80x16xf32, #tpu.memory_space<vmem>>, %arg12: memref<10240x16xf32, #tpu.memory_space<vmem_shared>>, %arg13: memref<10240x16xf32, #tpu.memory_space<vmem_shared>>, %arg14: memref<!tpu.dma_semaphore, #tpu.memory_space<semaphore_mem>>, %arg15: memref<!tpu.dma_semaphore, #tpu.memory_space<semaphore_mem>>, %arg16: memref<!tpu.dma_semaphore, #tpu.memory_space<semaphore_mem>>) attributes {dimension_semantics = [#tpu.dimension_semantics<core_parallel>, #tpu.dimension_semantics<subcore_parallel>], iteration_bounds = array<i64: 2, 16>, scalar_prefetch = 0 : i64, scratch_operands = 9 : i64, tpu.core_type = #tpu.core_type<sc_vector_subcore>, window_params = [{transform_indices = #map}, {transform_indices = #map}, {transform_indices = #map1}, {transform_indices = #map1}, {transform_indices = #map}, {transform_indices = #map}]} {
    %mul3A = arith.constant 2 : i32
    %mul3A_0 = arith.muli %arg1, %mul3A : i32
    %add3A = arith.addi %mul3A_0, %arg0 : i32
    "tpu.region"() ({
      %run_scoped3A = tpu.sem_alloc : memref<!tpu.dma_semaphore, #tpu.memory_space<semaphore_mem>>
      %dma_start3A_652 = arith.constant 0 : i32
      %dma_start3A_653 = arith.constant 0 : i32
      %dma_start3A_654 = tpu.memref_slice %arg8[%dma_start3A_652, %dma_start3A_653] : memref<130x80xi32, #tpu.memory_space<vmem>> -> memref<125x80xi32, #tpu.memory_space<vmem>>
      %dma_start3A_655 = arith.constant 0 : i32
      %dma_start3A_656 = arith.constant 0 : i32
      %dma_start3A_657 = tpu.memref_slice %arg4[%add3A, %dma_start3A_655, %dma_start3A_656] : memref<32x125x80xi32, #tpu.memory_space<hbm>> -> memref<1x125x80xi32, #tpu.memory_space<hbm>>
      %dma_start3A_658 = tpu.memref_squeeze %dma_start3A_657 : memref<1x125x80xi32, #tpu.memory_space<hbm>> -> memref<125x80xi32, #tpu.memory_space<hbm>>
      %dma_start3A_659 = arith.constant 0 : i32
      %dma_start3A_660 = arith.constant 0 : i32
      %dma_start3A_661 = tpu.memref_slice %arg8[%dma_start3A_659, %dma_start3A_660] : memref<130x80xi32, #tpu.memory_space<vmem>> -> memref<125x80xi32, #tpu.memory_space<vmem>>
      %dma_start3A_662 = arith.constant 0 : i32
      %dma_start3A_663 = arith.constant 0 : i32
      %dma_start3A_664 = tpu.memref_slice %arg4[%add3A, %dma_start3A_662, %dma_start3A_663] : memref<32x125x80xi32, #tpu.memory_space<hbm>> -> memref<1x125x80xi32, #tpu.memory_space<hbm>>
      %dma_start3A_665 = tpu.memref_squeeze %dma_start3A_664 : memref<1x125x80xi32, #tpu.memory_space<hbm>> -> memref<125x80xi32, #tpu.memory_space<hbm>>
      tpu.enqueue_dma source(%dma_start3A_665 : memref<125x80xi32, #tpu.memory_space<hbm>>) target(%dma_start3A_661 : memref<125x80xi32, #tpu.memory_space<vmem>>) target_semaphore(%run_scoped3A : memref<!tpu.dma_semaphore, #tpu.memory_space<semaphore_mem>>)
      %dma_wait3A_666 = arith.constant 0 : i32
      %dma_wait3A_667 = arith.constant 0 : i32
      %dma_wait3A_668 = tpu.memref_slice %arg8[%dma_wait3A_666, %dma_wait3A_667] : memref<130x80xi32, #tpu.memory_space<vmem>> -> memref<125x80xi32, #tpu.memory_space<vmem>>
      %dma_wait3A_669 = arith.constant 0 : i32
      %dma_wait3A_670 = arith.constant 0 : i32
      %dma_wait3A_671 = tpu.memref_slice %arg4[%add3A, %dma_wait3A_669, %dma_wait3A_670] : memref<32x125x80xi32, #tpu.memory_space<hbm>> -> memref<1x125x80xi32, #tpu.memory_space<hbm>>
      %dma_wait3A_672 = tpu.memref_squeeze %dma_wait3A_671 : memref<1x125x80xi32, #tpu.memory_space<hbm>> -> memref<125x80xi32, #tpu.memory_space<hbm>>
      %dma_wait3A_673 = arith.constant 0 : i32
      %dma_wait3A_674 = arith.constant 0 : i32
      %dma_wait3A_675 = tpu.memref_slice %arg8[%dma_wait3A_673, %dma_wait3A_674] : memref<130x80xi32, #tpu.memory_space<vmem>> -> memref<125x80xi32, #tpu.memory_space<vmem>>
      %dma_wait3A_676 = arith.constant 0 : i32
      %dma_wait3A_677 = arith.constant 0 : i32
      %dma_wait3A_678 = tpu.memref_slice %arg4[%add3A, %dma_wait3A_676, %dma_wait3A_677] : memref<32x125x80xi32, #tpu.memory_space<hbm>> -> memref<1x125x80xi32, #tpu.memory_space<hbm>>
      %dma_wait3A_679 = tpu.memref_squeeze %dma_wait3A_678 : memref<1x125x80xi32, #tpu.memory_space<hbm>> -> memref<125x80xi32, #tpu.memory_space<hbm>>
      tpu.wait_dma2 semaphore(%run_scoped3A : memref<!tpu.dma_semaphore, #tpu.memory_space<semaphore_mem>>) src(%dma_wait3A_679 : memref<125x80xi32, #tpu.memory_space<hbm>>) dst(%dma_wait3A_675 : memref<125x80xi32, #tpu.memory_space<vmem>>)
      tpu.yield
    }) : () -> ()
    "tpu.region"() ({
      %run_scoped3A = tpu.sem_alloc : memref<!tpu.dma_semaphore, #tpu.memory_space<semaphore_mem>>
      %dma_start3A_652 = arith.constant 0 : i32
      %dma_start3A_653 = arith.constant 0 : i32
      %dma_start3A_654 = tpu.memref_slice %arg9[%dma_start3A_652, %dma_start3A_653] : memref<130x80xi32, #tpu.memory_space<vmem>> -> memref<125x80xi32, #tpu.memory_space<vmem>>
      %dma_start3A_655 = arith.constant 0 : i32
      %dma_start3A_656 = arith.constant 0 : i32
      %dma_start3A_657 = tpu.memref_slice %arg5[%add3A, %dma_start3A_655, %dma_start3A_656] : memref<32x125x80xi32, #tpu.memory_space<hbm>> -> memref<1x125x80xi32, #tpu.memory_space<hbm>>
      %dma_start3A_658 = tpu.memref_squeeze %dma_start3A_657 : memref<1x125x80xi32, #tpu.memory_space<hbm>> -> memref<125x80xi32, #tpu.memory_space<hbm>>
      %dma_start3A_659 = arith.constant 0 : i32
      %dma_start3A_660 = arith.constant 0 : i32
      %dma_start3A_661 = tpu.memref_slice %arg9[%dma_start3A_659, %dma_start3A_660] : memref<130x80xi32, #tpu.memory_space<vmem>> -> memref<125x80xi32, #tpu.memory_space<vmem>>
      %dma_start3A_662 = arith.constant 0 : i32
      %dma_start3A_663 = arith.constant 0 : i32
      %dma_start3A_664 = tpu.memref_slice %arg5[%add3A, %dma_start3A_662, %dma_start3A_663] : memref<32x125x80xi32, #tpu.memory_space<hbm>> -> memref<1x125x80xi32, #tpu.memory_space<hbm>>
      %dma_start3A_665 = tpu.memref_squeeze %dma_start3A_664 : memref<1x125x80xi32, #tpu.memory_space<hbm>> -> memref<125x80xi32, #tpu.memory_space<hbm>>
      tpu.enqueue_dma source(%dma_start3A_665 : memref<125x80xi32, #tpu.memory_space<hbm>>) target(%dma_start3A_661 : memref<125x80xi32, #tpu.memory_space<vmem>>) target_semaphore(%run_scoped3A : memref<!tpu.dma_semaphore, #tpu.memory_space<semaphore_mem>>)
      %dma_wait3A_666 = arith.constant 0 : i32
      %dma_wait3A_667 = arith.constant 0 : i32
      %dma_wait3A_668 = tpu.memref_slice %arg9[%dma_wait3A_666, %dma_wait3A_667] : memref<130x80xi32, #tpu.memory_space<vmem>> -> memref<125x80xi32, #tpu.memory_space<vmem>>
      %dma_wait3A_669 = arith.constant 0 : i32
      %dma_wait3A_670 = arith.constant 0 : i32
      %dma_wait3A_671 = tpu.memref_slice %arg5[%add3A, %dma_wait3A_669, %dma_wait3A_670] : memref<32x125x80xi32, #tpu.memory_space<hbm>> -> memref<1x125x80xi32, #tpu.memory_space<hbm>>
      %dma_wait3A_672 = tpu.memref_squeeze %dma_wait3A_671 : memref<1x125x80xi32, #tpu.memory_space<hbm>> -> memref<125x80xi32, #tpu.memory_space<hbm>>
      %dma_wait3A_673 = arith.constant 0 : i32
      %dma_wait3A_674 = arith.constant 0 : i32
      %dma_wait3A_675 = tpu.memref_slice %arg9[%dma_wait3A_673, %dma_wait3A_674] : memref<130x80xi32, #tpu.memory_space<vmem>> -> memref<125x80xi32, #tpu.memory_space<vmem>>
      %dma_wait3A_676 = arith.constant 0 : i32
      %dma_wait3A_677 = arith.constant 0 : i32
      %dma_wait3A_678 = tpu.memref_slice %arg5[%add3A, %dma_wait3A_676, %dma_wait3A_677] : memref<32x125x80xi32, #tpu.memory_space<hbm>> -> memref<1x125x80xi32, #tpu.memory_space<hbm>>
      %dma_wait3A_679 = tpu.memref_squeeze %dma_wait3A_678 : memref<1x125x80xi32, #tpu.memory_space<hbm>> -> memref<125x80xi32, #tpu.memory_space<hbm>>
      tpu.wait_dma2 semaphore(%run_scoped3A : memref<!tpu.dma_semaphore, #tpu.memory_space<semaphore_mem>>) src(%dma_wait3A_679 : memref<125x80xi32, #tpu.memory_space<hbm>>) dst(%dma_wait3A_675 : memref<125x80xi32, #tpu.memory_space<vmem>>)
      tpu.yield
    }) : () -> ()
    %broadcast_in_dim3A = arith.constant 0 : i32
    %broadcast_in_dim3A_1 = vector.broadcast %broadcast_in_dim3A : i32 to vector<16xi32>
    %swap3A = arith.constant 125 : i32
    %swap3A_2 = arith.index_cast %swap3A : i32 to index
    %swap3A_3 = arith.constant 0 : index
    %swap3A_4 = tpu.vector_load %arg8[%swap3A_2, %swap3A_3] {strides = array<i32>} : memref<130x80xi32, #tpu.memory_space<vmem>>, vector<1x16xi32>,
    %swap3A_5 = vector.shape_cast %swap3A_4 : vector<1x16xi32> to vector<16xi32>
    %swap3A_6 = vector.shape_cast %broadcast_in_dim3A_1 : vector<16xi32> to vector<1x16xi32>
    tpu.vector_store %arg8[%swap3A_2, %swap3A_3], %swap3A_6 {strides = array<i32>} : memref<130x80xi32, #tpu.memory_space<vmem>>, vector<1x16xi32>,
    %broadcast_in_dim3A_7 = arith.constant 0 : i32
    %broadcast_in_dim3A_8 = vector.broadcast %broadcast_in_dim3A_7 : i32 to vector<16xi32>
    %swap3A_9 = arith.constant 125 : i32
    %swap3A_10 = arith.index_cast %swap3A_9 : i32 to index
    %swap3A_11 = arith.constant 0 : index
    %swap3A_12 = tpu.vector_load %arg9[%swap3A_10, %swap3A_11] {strides = array<i32>} : memref<130x80xi32, #tpu.memory_space<vmem>>, vector<1x16xi32>,
    %swap3A_13 = vector.shape_cast %swap3A_12 : vector<1x16xi32> to vector<16xi32>
    %swap3A_14 = vector.shape_cast %broadcast_in_dim3A_8 : vector<16xi32> to vector<1x16xi32>
    tpu.vector_store %arg9[%swap3A_10, %swap3A_11], %swap3A_14 {strides = array<i32>} : memref<130x80xi32, #tpu.memory_space<vmem>>, vector<1x16xi32>,
    %broadcast_in_dim3A_15 = arith.constant 0 : i32
    %broadcast_in_dim3A_16 = vector.broadcast %broadcast_in_dim3A_15 : i32 to vector<16xi32>
    %swap3A_17 = arith.constant 125 : i32
    %swap3A_18 = arith.index_cast %swap3A_17 : i32 to index
    %swap3A_19 = arith.constant 16 : index
    %swap3A_20 = tpu.vector_load %arg8[%swap3A_18, %swap3A_19] {strides = array<i32>} : memref<130x80xi32, #tpu.memory_space<vmem>>, vector<1x16xi32>,
    %swap3A_21 = vector.shape_cast %swap3A_20 : vector<1x16xi32> to vector<16xi32>
    %swap3A_22 = vector.shape_cast %broadcast_in_dim3A_16 : vector<16xi32> to vector<1x16xi32>
    tpu.vector_store %arg8[%swap3A_18, %swap3A_19], %swap3A_22 {strides = array<i32>} : memref<130x80xi32, #tpu.memory_space<vmem>>, vector<1x16xi32>,
    %broadcast_in_dim3A_23 = arith.constant 0 : i32
    %broadcast_in_dim3A_24 = vector.broadcast %broadcast_in_dim3A_23 : i32 to vector<16xi32>
    %swap3A_25 = arith.constant 125 : i32
    %swap3A_26 = arith.index_cast %swap3A_25 : i32 to index
    %swap3A_27 = arith.constant 16 : index
    %swap3A_28 = tpu.vector_load %arg9[%swap3A_26, %swap3A_27] {strides = array<i32>} : memref<130x80xi32, #tpu.memory_space<vmem>>, vector<1x16xi32>,
    %swap3A_29 = vector.shape_cast %swap3A_28 : vector<1x16xi32> to vector<16xi32>
    %swap3A_30 = vector.shape_cast %broadcast_in_dim3A_24 : vector<16xi32> to vector<1x16xi32>
    tpu.vector_store %arg9[%swap3A_26, %swap3A_27], %swap3A_30 {strides = array<i32>} : memref<130x80xi32, #tpu.memory_space<vmem>>, vector<1x16xi32>,
    %broadcast_in_dim3A_31 = arith.constant 0 : i32
    %broadcast_in_dim3A_32 = vector.broadcast %broadcast_in_dim3A_31 : i32 to vector<16xi32>
    %swap3A_33 = arith.constant 125 : i32
    %swap3A_34 = arith.index_cast %swap3A_33 : i32 to index
    %swap3A_35 = arith.constant 32 : index
    %swap3A_36 = tpu.vector_load %arg8[%swap3A_34, %swap3A_35] {strides = array<i32>} : memref<130x80xi32, #tpu.memory_space<vmem>>, vector<1x16xi32>,
    %swap3A_37 = vector.shape_cast %swap3A_36 : vector<1x16xi32> to vector<16xi32>
    %swap3A_38 = vector.shape_cast %broadcast_in_dim3A_32 : vector<16xi32> to vector<1x16xi32>
    tpu.vector_store %arg8[%swap3A_34, %swap3A_35], %swap3A_38 {strides = array<i32>} : memref<130x80xi32, #tpu.memory_space<vmem>>, vector<1x16xi32>,
    %broadcast_in_dim3A_39 = arith.constant 0 : i32
    %broadcast_in_dim3A_40 = vector.broadcast %broadcast_in_dim3A_39 : i32 to vector<16xi32>
    %swap3A_41 = arith.constant 125 : i32
    %swap3A_42 = arith.index_cast %swap3A_41 : i32 to index
    %swap3A_43 = arith.constant 32 : index
    %swap3A_44 = tpu.vector_load %arg9[%swap3A_42, %swap3A_43] {strides = array<i32>} : memref<130x80xi32, #tpu.memory_space<vmem>>, vector<1x16xi32>,
    %swap3A_45 = vector.shape_cast %swap3A_44 : vector<1x16xi32> to vector<16xi32>
    %swap3A_46 = vector.shape_cast %broadcast_in_dim3A_40 : vector<16xi32> to vector<1x16xi32>
    tpu.vector_store %arg9[%swap3A_42, %swap3A_43], %swap3A_46 {strides = array<i32>} : memref<130x80xi32, #tpu.memory_space<vmem>>, vector<1x16xi32>,
    %broadcast_in_dim3A_47 = arith.constant 0 : i32
    %broadcast_in_dim3A_48 = vector.broadcast %broadcast_in_dim3A_47 : i32 to vector<16xi32>
    %swap3A_49 = arith.constant 125 : i32
    %swap3A_50 = arith.index_cast %swap3A_49 : i32 to index
    %swap3A_51 = arith.constant 48 : index
    %swap3A_52 = tpu.vector_load %arg8[%swap3A_50, %swap3A_51] {strides = array<i32>} : memref<130x80xi32, #tpu.memory_space<vmem>>, vector<1x16xi32>,
    %swap3A_53 = vector.shape_cast %swap3A_52 : vector<1x16xi32> to vector<16xi32>
    %swap3A_54 = vector.shape_cast %broadcast_in_dim3A_48 : vector<16xi32> to vector<1x16xi32>
    tpu.vector_store %arg8[%swap3A_50, %swap3A_51], %swap3A_54 {strides = array<i32>} : memref<130x80xi32, #tpu.memory_space<vmem>>, vector<1x16xi32>,
    %broadcast_in_dim3A_55 = arith.constant 0 : i32
    %broadcast_in_dim3A_56 = vector.broadcast %broadcast_in_dim3A_55 : i32 to vector<16xi32>
    %swap3A_57 = arith.constant 125 : i32
    %swap3A_58 = arith.index_cast %swap3A_57 : i32 to index
    %swap3A_59 = arith.constant 48 : index
    %swap3A_60 = tpu.vector_load %arg9[%swap3A_58, %swap3A_59] {strides = array<i32>} : memref<130x80xi32, #tpu.memory_space<vmem>>, vector<1x16xi32>,
    %swap3A_61 = vector.shape_cast %swap3A_60 : vector<1x16xi32> to vector<16xi32>
    %swap3A_62 = vector.shape_cast %broadcast_in_dim3A_56 : vector<16xi32> to vector<1x16xi32>
    tpu.vector_store %arg9[%swap3A_58, %swap3A_59], %swap3A_62 {strides = array<i32>} : memref<130x80xi32, #tpu.memory_space<vmem>>, vector<1x16xi32>,
    %broadcast_in_dim3A_63 = arith.constant 0 : i32
    %broadcast_in_dim3A_64 = vector.broadcast %broadcast_in_dim3A_63 : i32 to vector<16xi32>
    %swap3A_65 = arith.constant 125 : i32
    %swap3A_66 = arith.index_cast %swap3A_65 : i32 to index
    %swap3A_67 = arith.constant 64 : index
    %swap3A_68 = tpu.vector_load %arg8[%swap3A_66, %swap3A_67] {strides = array<i32>} : memref<130x80xi32, #tpu.memory_space<vmem>>, vector<1x16xi32>,
    %swap3A_69 = vector.shape_cast %swap3A_68 : vector<1x16xi32> to vector<16xi32>
    %swap3A_70 = vector.shape_cast %broadcast_in_dim3A_64 : vector<16xi32> to vector<1x16xi32>
    tpu.vector_store %arg8[%swap3A_66, %swap3A_67], %swap3A_70 {strides = array<i32>} : memref<130x80xi32, #tpu.memory_space<vmem>>, vector<1x16xi32>,
    %broadcast_in_dim3A_71 = arith.constant 0 : i32
    %broadcast_in_dim3A_72 = vector.broadcast %broadcast_in_dim3A_71 : i32 to vector<16xi32>
    %swap3A_73 = arith.constant 125 : i32
    %swap3A_74 = arith.index_cast %swap3A_73 : i32 to index
    %swap3A_75 = arith.constant 64 : index
    %swap3A_76 = tpu.vector_load %arg9[%swap3A_74, %swap3A_75] {strides = array<i32>} : memref<130x80xi32, #tpu.memory_space<vmem>>, vector<1x16xi32>,
    %swap3A_77 = vector.shape_cast %swap3A_76 : vector<1x16xi32> to vector<16xi32>
    %swap3A_78 = vector.shape_cast %broadcast_in_dim3A_72 : vector<16xi32> to vector<1x16xi32>
    tpu.vector_store %arg9[%swap3A_74, %swap3A_75], %swap3A_78 {strides = array<i32>} : memref<130x80xi32, #tpu.memory_space<vmem>>, vector<1x16xi32>,
    %broadcast_in_dim3A_79 = arith.constant 0 : i32
    %broadcast_in_dim3A_80 = vector.broadcast %broadcast_in_dim3A_79 : i32 to vector<16xi32>
    %swap3A_81 = arith.constant 126 : i32
    %swap3A_82 = arith.index_cast %swap3A_81 : i32 to index
    %swap3A_83 = arith.constant 0 : index
    %swap3A_84 = tpu.vector_load %arg8[%swap3A_82, %swap3A_83] {strides = array<i32>} : memref<130x80xi32, #tpu.memory_space<vmem>>, vector<1x16xi32>,
    %swap3A_85 = vector.shape_cast %swap3A_84 : vector<1x16xi32> to vector<16xi32>
    %swap3A_86 = vector.shape_cast %broadcast_in_dim3A_80 : vector<16xi32> to vector<1x16xi32>
    tpu.vector_store %arg8[%swap3A_82, %swap3A_83], %swap3A_86 {strides = array<i32>} : memref<130x80xi32, #tpu.memory_space<vmem>>, vector<1x16xi32>,
    %broadcast_in_dim3A_87 = arith.constant 0 : i32
    %broadcast_in_dim3A_88 = vector.broadcast %broadcast_in_dim3A_87 : i32 to vector<16xi32>
    %swap3A_89 = arith.constant 126 : i32
    %swap3A_90 = arith.index_cast %swap3A_89 : i32 to index
    %swap3A_91 = arith.constant 0 : index
    %swap3A_92 = tpu.vector_load %arg9[%swap3A_90, %swap3A_91] {strides = array<i32>} : memref<130x80xi32, #tpu.memory_space<vmem>>, vector<1x16xi32>,
    %swap3A_93 = vector.shape_cast %swap3A_92 : vector<1x16xi32> to vector<16xi32>
    %swap3A_94 = vector.shape_cast %broadcast_in_dim3A_88 : vector<16xi32> to vector<1x16xi32>
    tpu.vector_store %arg9[%swap3A_90, %swap3A_91], %swap3A_94 {strides = array<i32>} : memref<130x80xi32, #tpu.memory_space<vmem>>, vector<1x16xi32>,
    %broadcast_in_dim3A_95 = arith.constant 0 : i32
    %broadcast_in_dim3A_96 = vector.broadcast %broadcast_in_dim3A_95 : i32 to vector<16xi32>
    %swap3A_97 = arith.constant 126 : i32
    %swap3A_98 = arith.index_cast %swap3A_97 : i32 to index
    %swap3A_99 = arith.constant 16 : index
    %swap3A_100 = tpu.vector_load %arg8[%swap3A_98, %swap3A_99] {strides = array<i32>} : memref<130x80xi32, #tpu.memory_space<vmem>>, vector<1x16xi32>,
    %swap3A_101 = vector.shape_cast %swap3A_100 : vector<1x16xi32> to vector<16xi32>
    %swap3A_102 = vector.shape_cast %broadcast_in_dim3A_96 : vector<16xi32> to vector<1x16xi32>
    tpu.vector_store %arg8[%swap3A_98, %swap3A_99], %swap3A_102 {strides = array<i32>} : memref<130x80xi32, #tpu.memory_space<vmem>>, vector<1x16xi32>,
    %broadcast_in_dim3A_103 = arith.constant 0 : i32
    %broadcast_in_dim3A_104 = vector.broadcast %broadcast_in_dim3A_103 : i32 to vector<16xi32>
    %swap3A_105 = arith.constant 126 : i32
    %swap3A_106 = arith.index_cast %swap3A_105 : i32 to index
    %swap3A_107 = arith.constant 16 : index
    %swap3A_108 = tpu.vector_load %arg9[%swap3A_106, %swap3A_107] {strides = array<i32>} : memref<130x80xi32, #tpu.memory_space<vmem>>, vector<1x16xi32>,
    %swap3A_109 = vector.shape_cast %swap3A_108 : vector<1x16xi32> to vector<16xi32>
    %swap3A_110 = vector.shape_cast %broadcast_in_dim3A_104 : vector<16xi32> to vector<1x16xi32>
    tpu.vector_store %arg9[%swap3A_106, %swap3A_107], %swap3A_110 {strides = array<i32>} : memref<130x80xi32, #tpu.memory_space<vmem>>, vector<1x16xi32>,
    %broadcast_in_dim3A_111 = arith.constant 0 : i32
    %broadcast_in_dim3A_112 = vector.broadcast %broadcast_in_dim3A_111 : i32 to vector<16xi32>
    %swap3A_113 = arith.constant 126 : i32
    %swap3A_114 = arith.index_cast %swap3A_113 : i32 to index
    %swap3A_115 = arith.constant 32 : index
    %swap3A_116 = tpu.vector_load %arg8[%swap3A_114, %swap3A_115] {strides = array<i32>} : memref<130x80xi32, #tpu.memory_space<vmem>>, vector<1x16xi32>,
    %swap3A_117 = vector.shape_cast %swap3A_116 : vector<1x16xi32> to vector<16xi32>
    %swap3A_118 = vector.shape_cast %broadcast_in_dim3A_112 : vector<16xi32> to vector<1x16xi32>
    tpu.vector_store %arg8[%swap3A_114, %swap3A_115], %swap3A_118 {strides = array<i32>} : memref<130x80xi32, #tpu.memory_space<vmem>>, vector<1x16xi32>,
    %broadcast_in_dim3A_119 = arith.constant 0 : i32
    %broadcast_in_dim3A_120 = vector.broadcast %broadcast_in_dim3A_119 : i32 to vector<16xi32>
    %swap3A_121 = arith.constant 126 : i32
    %swap3A_122 = arith.index_cast %swap3A_121 : i32 to index
    %swap3A_123 = arith.constant 32 : index
    %swap3A_124 = tpu.vector_load %arg9[%swap3A_122, %swap3A_123] {strides = array<i32>} : memref<130x80xi32, #tpu.memory_space<vmem>>, vector<1x16xi32>,
    %swap3A_125 = vector.shape_cast %swap3A_124 : vector<1x16xi32> to vector<16xi32>
    %swap3A_126 = vector.shape_cast %broadcast_in_dim3A_120 : vector<16xi32> to vector<1x16xi32>
    tpu.vector_store %arg9[%swap3A_122, %swap3A_123], %swap3A_126 {strides = array<i32>} : memref<130x80xi32, #tpu.memory_space<vmem>>, vector<1x16xi32>,
    %broadcast_in_dim3A_127 = arith.constant 0 : i32
    %broadcast_in_dim3A_128 = vector.broadcast %broadcast_in_dim3A_127 : i32 to vector<16xi32>
    %swap3A_129 = arith.constant 126 : i32
    %swap3A_130 = arith.index_cast %swap3A_129 : i32 to index
    %swap3A_131 = arith.constant 48 : index
    %swap3A_132 = tpu.vector_load %arg8[%swap3A_130, %swap3A_131] {strides = array<i32>} : memref<130x80xi32, #tpu.memory_space<vmem>>, vector<1x16xi32>,
    %swap3A_133 = vector.shape_cast %swap3A_132 : vector<1x16xi32> to vector<16xi32>
    %swap3A_134 = vector.shape_cast %broadcast_in_dim3A_128 : vector<16xi32> to vector<1x16xi32>
    tpu.vector_store %arg8[%swap3A_130, %swap3A_131], %swap3A_134 {strides = array<i32>} : memref<130x80xi32, #tpu.memory_space<vmem>>, vector<1x16xi32>,
    %broadcast_in_dim3A_135 = arith.constant 0 : i32
    %broadcast_in_dim3A_136 = vector.broadcast %broadcast_in_dim3A_135 : i32 to vector<16xi32>
    %swap3A_137 = arith.constant 126 : i32
    %swap3A_138 = arith.index_cast %swap3A_137 : i32 to index
    %swap3A_139 = arith.constant 48 : index
    %swap3A_140 = tpu.vector_load %arg9[%swap3A_138, %swap3A_139] {strides = array<i32>} : memref<130x80xi32, #tpu.memory_space<vmem>>, vector<1x16xi32>,
    %swap3A_141 = vector.shape_cast %swap3A_140 : vector<1x16xi32> to vector<16xi32>
    %swap3A_142 = vector.shape_cast %broadcast_in_dim3A_136 : vector<16xi32> to vector<1x16xi32>
    tpu.vector_store %arg9[%swap3A_138, %swap3A_139], %swap3A_142 {strides = array<i32>} : memref<130x80xi32, #tpu.memory_space<vmem>>, vector<1x16xi32>,
    %broadcast_in_dim3A_143 = arith.constant 0 : i32
    %broadcast_in_dim3A_144 = vector.broadcast %broadcast_in_dim3A_143 : i32 to vector<16xi32>
    %swap3A_145 = arith.constant 126 : i32
    %swap3A_146 = arith.index_cast %swap3A_145 : i32 to index
    %swap3A_147 = arith.constant 64 : index
    %swap3A_148 = tpu.vector_load %arg8[%swap3A_146, %swap3A_147] {strides = array<i32>} : memref<130x80xi32, #tpu.memory_space<vmem>>, vector<1x16xi32>,
    %swap3A_149 = vector.shape_cast %swap3A_148 : vector<1x16xi32> to vector<16xi32>
    %swap3A_150 = vector.shape_cast %broadcast_in_dim3A_144 : vector<16xi32> to vector<1x16xi32>
    tpu.vector_store %arg8[%swap3A_146, %swap3A_147], %swap3A_150 {strides = array<i32>} : memref<130x80xi32, #tpu.memory_space<vmem>>, vector<1x16xi32>,
    %broadcast_in_dim3A_151 = arith.constant 0 : i32
    %broadcast_in_dim3A_152 = vector.broadcast %broadcast_in_dim3A_151 : i32 to vector<16xi32>
    %swap3A_153 = arith.constant 126 : i32
    %swap3A_154 = arith.index_cast %swap3A_153 : i32 to index
    %swap3A_155 = arith.constant 64 : index
    %swap3A_156 = tpu.vector_load %arg9[%swap3A_154, %swap3A_155] {strides = array<i32>} : memref<130x80xi32, #tpu.memory_space<vmem>>, vector<1x16xi32>,
    %swap3A_157 = vector.shape_cast %swap3A_156 : vector<1x16xi32> to vector<16xi32>
    %swap3A_158 = vector.shape_cast %broadcast_in_dim3A_152 : vector<16xi32> to vector<1x16xi32>
    tpu.vector_store %arg9[%swap3A_154, %swap3A_155], %swap3A_158 {strides = array<i32>} : memref<130x80xi32, #tpu.memory_space<vmem>>, vector<1x16xi32>,
    %broadcast_in_dim3A_159 = arith.constant 0 : i32
    %broadcast_in_dim3A_160 = vector.broadcast %broadcast_in_dim3A_159 : i32 to vector<16xi32>
    %swap3A_161 = arith.constant 127 : i32
    %swap3A_162 = arith.index_cast %swap3A_161 : i32 to index
    %swap3A_163 = arith.constant 0 : index
    %swap3A_164 = tpu.vector_load %arg8[%swap3A_162, %swap3A_163] {strides = array<i32>} : memref<130x80xi32, #tpu.memory_space<vmem>>, vector<1x16xi32>,
    %swap3A_165 = vector.shape_cast %swap3A_164 : vector<1x16xi32> to vector<16xi32>
    %swap3A_166 = vector.shape_cast %broadcast_in_dim3A_160 : vector<16xi32> to vector<1x16xi32>
    tpu.vector_store %arg8[%swap3A_162, %swap3A_163], %swap3A_166 {strides = array<i32>} : memref<130x80xi32, #tpu.memory_space<vmem>>, vector<1x16xi32>,
    %broadcast_in_dim3A_167 = arith.constant 0 : i32
    %broadcast_in_dim3A_168 = vector.broadcast %broadcast_in_dim3A_167 : i32 to vector<16xi32>
    %swap3A_169 = arith.constant 127 : i32
    %swap3A_170 = arith.index_cast %swap3A_169 : i32 to index
    %swap3A_171 = arith.constant 0 : index
    %swap3A_172 = tpu.vector_load %arg9[%swap3A_170, %swap3A_171] {strides = array<i32>} : memref<130x80xi32, #tpu.memory_space<vmem>>, vector<1x16xi32>,
    %swap3A_173 = vector.shape_cast %swap3A_172 : vector<1x16xi32> to vector<16xi32>
    %swap3A_174 = vector.shape_cast %broadcast_in_dim3A_168 : vector<16xi32> to vector<1x16xi32>
    tpu.vector_store %arg9[%swap3A_170, %swap3A_171], %swap3A_174 {strides = array<i32>} : memref<130x80xi32, #tpu.memory_space<vmem>>, vector<1x16xi32>,
    %broadcast_in_dim3A_175 = arith.constant 0 : i32
    %broadcast_in_dim3A_176 = vector.broadcast %broadcast_in_dim3A_175 : i32 to vector<16xi32>
    %swap3A_177 = arith.constant 127 : i32
    %swap3A_178 = arith.index_cast %swap3A_177 : i32 to index
    %swap3A_179 = arith.constant 16 : index
    %swap3A_180 = tpu.vector_load %arg8[%swap3A_178, %swap3A_179] {strides = array<i32>} : memref<130x80xi32, #tpu.memory_space<vmem>>, vector<1x16xi32>,
    %swap3A_181 = vector.shape_cast %swap3A_180 : vector<1x16xi32> to vector<16xi32>
    %swap3A_182 = vector.shape_cast %broadcast_in_dim3A_176 : vector<16xi32> to vector<1x16xi32>
    tpu.vector_store %arg8[%swap3A_178, %swap3A_179], %swap3A_182 {strides = array<i32>} : memref<130x80xi32, #tpu.memory_space<vmem>>, vector<1x16xi32>,
    %broadcast_in_dim3A_183 = arith.constant 0 : i32
    %broadcast_in_dim3A_184 = vector.broadcast %broadcast_in_dim3A_183 : i32 to vector<16xi32>
    %swap3A_185 = arith.constant 127 : i32
    %swap3A_186 = arith.index_cast %swap3A_185 : i32 to index
    %swap3A_187 = arith.constant 16 : index
    %swap3A_188 = tpu.vector_load %arg9[%swap3A_186, %swap3A_187] {strides = array<i32>} : memref<130x80xi32, #tpu.memory_space<vmem>>, vector<1x16xi32>,
    %swap3A_189 = vector.shape_cast %swap3A_188 : vector<1x16xi32> to vector<16xi32>
    %swap3A_190 = vector.shape_cast %broadcast_in_dim3A_184 : vector<16xi32> to vector<1x16xi32>
    tpu.vector_store %arg9[%swap3A_186, %swap3A_187], %swap3A_190 {strides = array<i32>} : memref<130x80xi32, #tpu.memory_space<vmem>>, vector<1x16xi32>,
    %broadcast_in_dim3A_191 = arith.constant 0 : i32
    %broadcast_in_dim3A_192 = vector.broadcast %broadcast_in_dim3A_191 : i32 to vector<16xi32>
    %swap3A_193 = arith.constant 127 : i32
    %swap3A_194 = arith.index_cast %swap3A_193 : i32 to index
    %swap3A_195 = arith.constant 32 : index
    %swap3A_196 = tpu.vector_load %arg8[%swap3A_194, %swap3A_195] {strides = array<i32>} : memref<130x80xi32, #tpu.memory_space<vmem>>, vector<1x16xi32>,
    %swap3A_197 = vector.shape_cast %swap3A_196 : vector<1x16xi32> to vector<16xi32>
    %swap3A_198 = vector.shape_cast %broadcast_in_dim3A_192 : vector<16xi32> to vector<1x16xi32>
    tpu.vector_store %arg8[%swap3A_194, %swap3A_195], %swap3A_198 {strides = array<i32>} : memref<130x80xi32, #tpu.memory_space<vmem>>, vector<1x16xi32>,
    %broadcast_in_dim3A_199 = arith.constant 0 : i32
    %broadcast_in_dim3A_200 = vector.broadcast %broadcast_in_dim3A_199 : i32 to vector<16xi32>
    %swap3A_201 = arith.constant 127 : i32
    %swap3A_202 = arith.index_cast %swap3A_201 : i32 to index
    %swap3A_203 = arith.constant 32 : index
    %swap3A_204 = tpu.vector_load %arg9[%swap3A_202, %swap3A_203] {strides = array<i32>} : memref<130x80xi32, #tpu.memory_space<vmem>>, vector<1x16xi32>,
    %swap3A_205 = vector.shape_cast %swap3A_204 : vector<1x16xi32> to vector<16xi32>
    %swap3A_206 = vector.shape_cast %broadcast_in_dim3A_200 : vector<16xi32> to vector<1x16xi32>
    tpu.vector_store %arg9[%swap3A_202, %swap3A_203], %swap3A_206 {strides = array<i32>} : memref<130x80xi32, #tpu.memory_space<vmem>>, vector<1x16xi32>,
    %broadcast_in_dim3A_207 = arith.constant 0 : i32
    %broadcast_in_dim3A_208 = vector.broadcast %broadcast_in_dim3A_207 : i32 to vector<16xi32>
    %swap3A_209 = arith.constant 127 : i32
    %swap3A_210 = arith.index_cast %swap3A_209 : i32 to index
    %swap3A_211 = arith.constant 48 : index
    %swap3A_212 = tpu.vector_load %arg8[%swap3A_210, %swap3A_211] {strides = array<i32>} : memref<130x80xi32, #tpu.memory_space<vmem>>, vector<1x16xi32>,
    %swap3A_213 = vector.shape_cast %swap3A_212 : vector<1x16xi32> to vector<16xi32>
    %swap3A_214 = vector.shape_cast %broadcast_in_dim3A_208 : vector<16xi32> to vector<1x16xi32>
    tpu.vector_store %arg8[%swap3A_210, %swap3A_211], %swap3A_214 {strides = array<i32>} : memref<130x80xi32, #tpu.memory_space<vmem>>, vector<1x16xi32>,
    %broadcast_in_dim3A_215 = arith.constant 0 : i32
    %broadcast_in_dim3A_216 = vector.broadcast %broadcast_in_dim3A_215 : i32 to vector<16xi32>
    %swap3A_217 = arith.constant 127 : i32
    %swap3A_218 = arith.index_cast %swap3A_217 : i32 to index
    %swap3A_219 = arith.constant 48 : index
    %swap3A_220 = tpu.vector_load %arg9[%swap3A_218, %swap3A_219] {strides = array<i32>} : memref<130x80xi32, #tpu.memory_space<vmem>>, vector<1x16xi32>,
    %swap3A_221 = vector.shape_cast %swap3A_220 : vector<1x16xi32> to vector<16xi32>
    %swap3A_222 = vector.shape_cast %broadcast_in_dim3A_216 : vector<16xi32> to vector<1x16xi32>
    tpu.vector_store %arg9[%swap3A_218, %swap3A_219], %swap3A_222 {strides = array<i32>} : memref<130x80xi32, #tpu.memory_space<vmem>>, vector<1x16xi32>,
    %broadcast_in_dim3A_223 = arith.constant 0 : i32
    %broadcast_in_dim3A_224 = vector.broadcast %broadcast_in_dim3A_223 : i32 to vector<16xi32>
    %swap3A_225 = arith.constant 127 : i32
    %swap3A_226 = arith.index_cast %swap3A_225 : i32 to index
    %swap3A_227 = arith.constant 64 : index
    %swap3A_228 = tpu.vector_load %arg8[%swap3A_226, %swap3A_227] {strides = array<i32>} : memref<130x80xi32, #tpu.memory_space<vmem>>, vector<1x16xi32>,
    %swap3A_229 = vector.shape_cast %swap3A_228 : vector<1x16xi32> to vector<16xi32>
    %swap3A_230 = vector.shape_cast %broadcast_in_dim3A_224 : vector<16xi32> to vector<1x16xi32>
    tpu.vector_store %arg8[%swap3A_226, %swap3A_227], %swap3A_230 {strides = array<i32>} : memref<130x80xi32, #tpu.memory_space<vmem>>, vector<1x16xi32>,
    %broadcast_in_dim3A_231 = arith.constant 0 : i32
    %broadcast_in_dim3A_232 = vector.broadcast %broadcast_in_dim3A_231 : i32 to vector<16xi32>
    %swap3A_233 = arith.constant 127 : i32
    %swap3A_234 = arith.index_cast %swap3A_233 : i32 to index
    %swap3A_235 = arith.constant 64 : index
    %swap3A_236 = tpu.vector_load %arg9[%swap3A_234, %swap3A_235] {strides = array<i32>} : memref<130x80xi32, #tpu.memory_space<vmem>>, vector<1x16xi32>,
    %swap3A_237 = vector.shape_cast %swap3A_236 : vector<1x16xi32> to vector<16xi32>
    %swap3A_238 = vector.shape_cast %broadcast_in_dim3A_232 : vector<16xi32> to vector<1x16xi32>
    tpu.vector_store %arg9[%swap3A_234, %swap3A_235], %swap3A_238 {strides = array<i32>} : memref<130x80xi32, #tpu.memory_space<vmem>>, vector<1x16xi32>,
    %broadcast_in_dim3A_239 = arith.constant 0 : i32
    %broadcast_in_dim3A_240 = vector.broadcast %broadcast_in_dim3A_239 : i32 to vector<16xi32>
    %swap3A_241 = arith.constant 128 : i32
    %swap3A_242 = arith.index_cast %swap3A_241 : i32 to index
    %swap3A_243 = arith.constant 0 : index
    %swap3A_244 = tpu.vector_load %arg8[%swap3A_242, %swap3A_243] {strides = array<i32>} : memref<130x80xi32, #tpu.memory_space<vmem>>, vector<1x16xi32>,
    %swap3A_245 = vector.shape_cast %swap3A_244 : vector<1x16xi32> to vector<16xi32>
    %swap3A_246 = vector.shape_cast %broadcast_in_dim3A_240 : vector<16xi32> to vector<1x16xi32>
    tpu.vector_store %arg8[%swap3A_242, %swap3A_243], %swap3A_246 {strides = array<i32>} : memref<130x80xi32, #tpu.memory_space<vmem>>, vector<1x16xi32>,
    %broadcast_in_dim3A_247 = arith.constant 0 : i32
    %broadcast_in_dim3A_248 = vector.broadcast %broadcast_in_dim3A_247 : i32 to vector<16xi32>
    %swap3A_249 = arith.constant 128 : i32
    %swap3A_250 = arith.index_cast %swap3A_249 : i32 to index
    %swap3A_251 = arith.constant 0 : index
    %swap3A_252 = tpu.vector_load %arg9[%swap3A_250, %swap3A_251] {strides = array<i32>} : memref<130x80xi32, #tpu.memory_space<vmem>>, vector<1x16xi32>,
    %swap3A_253 = vector.shape_cast %swap3A_252 : vector<1x16xi32> to vector<16xi32>
    %swap3A_254 = vector.shape_cast %broadcast_in_dim3A_248 : vector<16xi32> to vector<1x16xi32>
    tpu.vector_store %arg9[%swap3A_250, %swap3A_251], %swap3A_254 {strides = array<i32>} : memref<130x80xi32, #tpu.memory_space<vmem>>, vector<1x16xi32>,
    %broadcast_in_dim3A_255 = arith.constant 0 : i32
    %broadcast_in_dim3A_256 = vector.broadcast %broadcast_in_dim3A_255 : i32 to vector<16xi32>
    %swap3A_257 = arith.constant 128 : i32
    %swap3A_258 = arith.index_cast %swap3A_257 : i32 to index
    %swap3A_259 = arith.constant 16 : index
    %swap3A_260 = tpu.vector_load %arg8[%swap3A_258, %swap3A_259] {strides = array<i32>} : memref<130x80xi32, #tpu.memory_space<vmem>>, vector<1x16xi32>,
    %swap3A_261 = vector.shape_cast %swap3A_260 : vector<1x16xi32> to vector<16xi32>
    %swap3A_262 = vector.shape_cast %broadcast_in_dim3A_256 : vector<16xi32> to vector<1x16xi32>
    tpu.vector_store %arg8[%swap3A_258, %swap3A_259], %swap3A_262 {strides = array<i32>} : memref<130x80xi32, #tpu.memory_space<vmem>>, vector<1x16xi32>,
    %broadcast_in_dim3A_263 = arith.constant 0 : i32
    %broadcast_in_dim3A_264 = vector.broadcast %broadcast_in_dim3A_263 : i32 to vector<16xi32>
    %swap3A_265 = arith.constant 128 : i32
    %swap3A_266 = arith.index_cast %swap3A_265 : i32 to index
    %swap3A_267 = arith.constant 16 : index
    %swap3A_268 = tpu.vector_load %arg9[%swap3A_266, %swap3A_267] {strides = array<i32>} : memref<130x80xi32, #tpu.memory_space<vmem>>, vector<1x16xi32>,
    %swap3A_269 = vector.shape_cast %swap3A_268 : vector<1x16xi32> to vector<16xi32>
    %swap3A_270 = vector.shape_cast %broadcast_in_dim3A_264 : vector<16xi32> to vector<1x16xi32>
    tpu.vector_store %arg9[%swap3A_266, %swap3A_267], %swap3A_270 {strides = array<i32>} : memref<130x80xi32, #tpu.memory_space<vmem>>, vector<1x16xi32>,
    %broadcast_in_dim3A_271 = arith.constant 0 : i32
    %broadcast_in_dim3A_272 = vector.broadcast %broadcast_in_dim3A_271 : i32 to vector<16xi32>
    %swap3A_273 = arith.constant 128 : i32
    %swap3A_274 = arith.index_cast %swap3A_273 : i32 to index
    %swap3A_275 = arith.constant 32 : index
    %swap3A_276 = tpu.vector_load %arg8[%swap3A_274, %swap3A_275] {strides = array<i32>} : memref<130x80xi32, #tpu.memory_space<vmem>>, vector<1x16xi32>,
    %swap3A_277 = vector.shape_cast %swap3A_276 : vector<1x16xi32> to vector<16xi32>
    %swap3A_278 = vector.shape_cast %broadcast_in_dim3A_272 : vector<16xi32> to vector<1x16xi32>
    tpu.vector_store %arg8[%swap3A_274, %swap3A_275], %swap3A_278 {strides = array<i32>} : memref<130x80xi32, #tpu.memory_space<vmem>>, vector<1x16xi32>,
    %broadcast_in_dim3A_279 = arith.constant 0 : i32
    %broadcast_in_dim3A_280 = vector.broadcast %broadcast_in_dim3A_279 : i32 to vector<16xi32>
    %swap3A_281 = arith.constant 128 : i32
    %swap3A_282 = arith.index_cast %swap3A_281 : i32 to index
    %swap3A_283 = arith.constant 32 : index
    %swap3A_284 = tpu.vector_load %arg9[%swap3A_282, %swap3A_283] {strides = array<i32>} : memref<130x80xi32, #tpu.memory_space<vmem>>, vector<1x16xi32>,
    %swap3A_285 = vector.shape_cast %swap3A_284 : vector<1x16xi32> to vector<16xi32>
    %swap3A_286 = vector.shape_cast %broadcast_in_dim3A_280 : vector<16xi32> to vector<1x16xi32>
    tpu.vector_store %arg9[%swap3A_282, %swap3A_283], %swap3A_286 {strides = array<i32>} : memref<130x80xi32, #tpu.memory_space<vmem>>, vector<1x16xi32>,
    %broadcast_in_dim3A_287 = arith.constant 0 : i32
    %broadcast_in_dim3A_288 = vector.broadcast %broadcast_in_dim3A_287 : i32 to vector<16xi32>
    %swap3A_289 = arith.constant 128 : i32
    %swap3A_290 = arith.index_cast %swap3A_289 : i32 to index
    %swap3A_291 = arith.constant 48 : index
    %swap3A_292 = tpu.vector_load %arg8[%swap3A_290, %swap3A_291] {strides = array<i32>} : memref<130x80xi32, #tpu.memory_space<vmem>>, vector<1x16xi32>,
    %swap3A_293 = vector.shape_cast %swap3A_292 : vector<1x16xi32> to vector<16xi32>
    %swap3A_294 = vector.shape_cast %broadcast_in_dim3A_288 : vector<16xi32> to vector<1x16xi32>
    tpu.vector_store %arg8[%swap3A_290, %swap3A_291], %swap3A_294 {strides = array<i32>} : memref<130x80xi32, #tpu.memory_space<vmem>>, vector<1x16xi32>,
    %broadcast_in_dim3A_295 = arith.constant 0 : i32
    %broadcast_in_dim3A_296 = vector.broadcast %broadcast_in_dim3A_295 : i32 to vector<16xi32>
    %swap3A_297 = arith.constant 128 : i32
    %swap3A_298 = arith.index_cast %swap3A_297 : i32 to index
    %swap3A_299 = arith.constant 48 : index
    %swap3A_300 = tpu.vector_load %arg9[%swap3A_298, %swap3A_299] {strides = array<i32>} : memref<130x80xi32, #tpu.memory_space<vmem>>, vector<1x16xi32>,
    %swap3A_301 = vector.shape_cast %swap3A_300 : vector<1x16xi32> to vector<16xi32>
    %swap3A_302 = vector.shape_cast %broadcast_in_dim3A_296 : vector<16xi32> to vector<1x16xi32>
    tpu.vector_store %arg9[%swap3A_298, %swap3A_299], %swap3A_302 {strides = array<i32>} : memref<130x80xi32, #tpu.memory_space<vmem>>, vector<1x16xi32>,
    %broadcast_in_dim3A_303 = arith.constant 0 : i32
    %broadcast_in_dim3A_304 = vector.broadcast %broadcast_in_dim3A_303 : i32 to vector<16xi32>
    %swap3A_305 = arith.constant 128 : i32
    %swap3A_306 = arith.index_cast %swap3A_305 : i32 to index
    %swap3A_307 = arith.constant 64 : index
    %swap3A_308 = tpu.vector_load %arg8[%swap3A_306, %swap3A_307] {strides = array<i32>} : memref<130x80xi32, #tpu.memory_space<vmem>>, vector<1x16xi32>,
    %swap3A_309 = vector.shape_cast %swap3A_308 : vector<1x16xi32> to vector<16xi32>
    %swap3A_310 = vector.shape_cast %broadcast_in_dim3A_304 : vector<16xi32> to vector<1x16xi32>
    tpu.vector_store %arg8[%swap3A_306, %swap3A_307], %swap3A_310 {strides = array<i32>} : memref<130x80xi32, #tpu.memory_space<vmem>>, vector<1x16xi32>,
    %broadcast_in_dim3A_311 = arith.constant 0 : i32
    %broadcast_in_dim3A_312 = vector.broadcast %broadcast_in_dim3A_311 : i32 to vector<16xi32>
    %swap3A_313 = arith.constant 128 : i32
    %swap3A_314 = arith.index_cast %swap3A_313 : i32 to index
    %swap3A_315 = arith.constant 64 : index
    %swap3A_316 = tpu.vector_load %arg9[%swap3A_314, %swap3A_315] {strides = array<i32>} : memref<130x80xi32, #tpu.memory_space<vmem>>, vector<1x16xi32>,
    %swap3A_317 = vector.shape_cast %swap3A_316 : vector<1x16xi32> to vector<16xi32>
    %swap3A_318 = vector.shape_cast %broadcast_in_dim3A_312 : vector<16xi32> to vector<1x16xi32>
    tpu.vector_store %arg9[%swap3A_314, %swap3A_315], %swap3A_318 {strides = array<i32>} : memref<130x80xi32, #tpu.memory_space<vmem>>, vector<1x16xi32>,
    %broadcast_in_dim3A_319 = arith.constant 0 : i32
    %broadcast_in_dim3A_320 = vector.broadcast %broadcast_in_dim3A_319 : i32 to vector<16xi32>
    %swap3A_321 = arith.constant 129 : i32
    %swap3A_322 = arith.index_cast %swap3A_321 : i32 to index
    %swap3A_323 = arith.constant 0 : index
    %swap3A_324 = tpu.vector_load %arg8[%swap3A_322, %swap3A_323] {strides = array<i32>} : memref<130x80xi32, #tpu.memory_space<vmem>>, vector<1x16xi32>,
    %swap3A_325 = vector.shape_cast %swap3A_324 : vector<1x16xi32> to vector<16xi32>
    %swap3A_326 = vector.shape_cast %broadcast_in_dim3A_320 : vector<16xi32> to vector<1x16xi32>
    tpu.vector_store %arg8[%swap3A_322, %swap3A_323], %swap3A_326 {strides = array<i32>} : memref<130x80xi32, #tpu.memory_space<vmem>>, vector<1x16xi32>,
    %broadcast_in_dim3A_327 = arith.constant 0 : i32
    %broadcast_in_dim3A_328 = vector.broadcast %broadcast_in_dim3A_327 : i32 to vector<16xi32>
    %swap3A_329 = arith.constant 129 : i32
    %swap3A_330 = arith.index_cast %swap3A_329 : i32 to index
    %swap3A_331 = arith.constant 0 : index
    %swap3A_332 = tpu.vector_load %arg9[%swap3A_330, %swap3A_331] {strides = array<i32>} : memref<130x80xi32, #tpu.memory_space<vmem>>, vector<1x16xi32>,
    %swap3A_333 = vector.shape_cast %swap3A_332 : vector<1x16xi32> to vector<16xi32>
    %swap3A_334 = vector.shape_cast %broadcast_in_dim3A_328 : vector<16xi32> to vector<1x16xi32>
    tpu.vector_store %arg9[%swap3A_330, %swap3A_331], %swap3A_334 {strides = array<i32>} : memref<130x80xi32, #tpu.memory_space<vmem>>, vector<1x16xi32>,
    %broadcast_in_dim3A_335 = arith.constant 0 : i32
    %broadcast_in_dim3A_336 = vector.broadcast %broadcast_in_dim3A_335 : i32 to vector<16xi32>
    %swap3A_337 = arith.constant 129 : i32
    %swap3A_338 = arith.index_cast %swap3A_337 : i32 to index
    %swap3A_339 = arith.constant 16 : index
    %swap3A_340 = tpu.vector_load %arg8[%swap3A_338, %swap3A_339] {strides = array<i32>} : memref<130x80xi32, #tpu.memory_space<vmem>>, vector<1x16xi32>,
    %swap3A_341 = vector.shape_cast %swap3A_340 : vector<1x16xi32> to vector<16xi32>
    %swap3A_342 = vector.shape_cast %broadcast_in_dim3A_336 : vector<16xi32> to vector<1x16xi32>
    tpu.vector_store %arg8[%swap3A_338, %swap3A_339], %swap3A_342 {strides = array<i32>} : memref<130x80xi32, #tpu.memory_space<vmem>>, vector<1x16xi32>,
    %broadcast_in_dim3A_343 = arith.constant 0 : i32
    %broadcast_in_dim3A_344 = vector.broadcast %broadcast_in_dim3A_343 : i32 to vector<16xi32>
    %swap3A_345 = arith.constant 129 : i32
    %swap3A_346 = arith.index_cast %swap3A_345 : i32 to index
    %swap3A_347 = arith.constant 16 : index
    %swap3A_348 = tpu.vector_load %arg9[%swap3A_346, %swap3A_347] {strides = array<i32>} : memref<130x80xi32, #tpu.memory_space<vmem>>, vector<1x16xi32>,
    %swap3A_349 = vector.shape_cast %swap3A_348 : vector<1x16xi32> to vector<16xi32>
    %swap3A_350 = vector.shape_cast %broadcast_in_dim3A_344 : vector<16xi32> to vector<1x16xi32>
    tpu.vector_store %arg9[%swap3A_346, %swap3A_347], %swap3A_350 {strides = array<i32>} : memref<130x80xi32, #tpu.memory_space<vmem>>, vector<1x16xi32>,
    %broadcast_in_dim3A_351 = arith.constant 0 : i32
    %broadcast_in_dim3A_352 = vector.broadcast %broadcast_in_dim3A_351 : i32 to vector<16xi32>
    %swap3A_353 = arith.constant 129 : i32
    %swap3A_354 = arith.index_cast %swap3A_353 : i32 to index
    %swap3A_355 = arith.constant 32 : index
    %swap3A_356 = tpu.vector_load %arg8[%swap3A_354, %swap3A_355] {strides = array<i32>} : memref<130x80xi32, #tpu.memory_space<vmem>>, vector<1x16xi32>,
    %swap3A_357 = vector.shape_cast %swap3A_356 : vector<1x16xi32> to vector<16xi32>
    %swap3A_358 = vector.shape_cast %broadcast_in_dim3A_352 : vector<16xi32> to vector<1x16xi32>
    tpu.vector_store %arg8[%swap3A_354, %swap3A_355], %swap3A_358 {strides = array<i32>} : memref<130x80xi32, #tpu.memory_space<vmem>>, vector<1x16xi32>,
    %broadcast_in_dim3A_359 = arith.constant 0 : i32
    %broadcast_in_dim3A_360 = vector.broadcast %broadcast_in_dim3A_359 : i32 to vector<16xi32>
    %swap3A_361 = arith.constant 129 : i32
    %swap3A_362 = arith.index_cast %swap3A_361 : i32 to index
    %swap3A_363 = arith.constant 32 : index
    %swap3A_364 = tpu.vector_load %arg9[%swap3A_362, %swap3A_363] {strides = array<i32>} : memref<130x80xi32, #tpu.memory_space<vmem>>, vector<1x16xi32>,
    %swap3A_365 = vector.shape_cast %swap3A_364 : vector<1x16xi32> to vector<16xi32>
    %swap3A_366 = vector.shape_cast %broadcast_in_dim3A_360 : vector<16xi32> to vector<1x16xi32>
    tpu.vector_store %arg9[%swap3A_362, %swap3A_363], %swap3A_366 {strides = array<i32>} : memref<130x80xi32, #tpu.memory_space<vmem>>, vector<1x16xi32>,
    %broadcast_in_dim3A_367 = arith.constant 0 : i32
    %broadcast_in_dim3A_368 = vector.broadcast %broadcast_in_dim3A_367 : i32 to vector<16xi32>
    %swap3A_369 = arith.constant 129 : i32
    %swap3A_370 = arith.index_cast %swap3A_369 : i32 to index
    %swap3A_371 = arith.constant 48 : index
    %swap3A_372 = tpu.vector_load %arg8[%swap3A_370, %swap3A_371] {strides = array<i32>} : memref<130x80xi32, #tpu.memory_space<vmem>>, vector<1x16xi32>,
    %swap3A_373 = vector.shape_cast %swap3A_372 : vector<1x16xi32> to vector<16xi32>
    %swap3A_374 = vector.shape_cast %broadcast_in_dim3A_368 : vector<16xi32> to vector<1x16xi32>
    tpu.vector_store %arg8[%swap3A_370, %swap3A_371], %swap3A_374 {strides = array<i32>} : memref<130x80xi32, #tpu.memory_space<vmem>>, vector<1x16xi32>,
    %broadcast_in_dim3A_375 = arith.constant 0 : i32
    %broadcast_in_dim3A_376 = vector.broadcast %broadcast_in_dim3A_375 : i32 to vector<16xi32>
    %swap3A_377 = arith.constant 129 : i32
    %swap3A_378 = arith.index_cast %swap3A_377 : i32 to index
    %swap3A_379 = arith.constant 48 : index
    %swap3A_380 = tpu.vector_load %arg9[%swap3A_378, %swap3A_379] {strides = array<i32>} : memref<130x80xi32, #tpu.memory_space<vmem>>, vector<1x16xi32>,
    %swap3A_381 = vector.shape_cast %swap3A_380 : vector<1x16xi32> to vector<16xi32>
    %swap3A_382 = vector.shape_cast %broadcast_in_dim3A_376 : vector<16xi32> to vector<1x16xi32>
    tpu.vector_store %arg9[%swap3A_378, %swap3A_379], %swap3A_382 {strides = array<i32>} : memref<130x80xi32, #tpu.memory_space<vmem>>, vector<1x16xi32>,
    %broadcast_in_dim3A_383 = arith.constant 0 : i32
    %broadcast_in_dim3A_384 = vector.broadcast %broadcast_in_dim3A_383 : i32 to vector<16xi32>
    %swap3A_385 = arith.constant 129 : i32
    %swap3A_386 = arith.index_cast %swap3A_385 : i32 to index
    %swap3A_387 = arith.constant 64 : index
    %swap3A_388 = tpu.vector_load %arg8[%swap3A_386, %swap3A_387] {strides = array<i32>} : memref<130x80xi32, #tpu.memory_space<vmem>>, vector<1x16xi32>,
    %swap3A_389 = vector.shape_cast %swap3A_388 : vector<1x16xi32> to vector<16xi32>
    %swap3A_390 = vector.shape_cast %broadcast_in_dim3A_384 : vector<16xi32> to vector<1x16xi32>
    tpu.vector_store %arg8[%swap3A_386, %swap3A_387], %swap3A_390 {strides = array<i32>} : memref<130x80xi32, #tpu.memory_space<vmem>>, vector<1x16xi32>,
    %broadcast_in_dim3A_391 = arith.constant 0 : i32
    %broadcast_in_dim3A_392 = vector.broadcast %broadcast_in_dim3A_391 : i32 to vector<16xi32>
    %swap3A_393 = arith.constant 129 : i32
    %swap3A_394 = arith.index_cast %swap3A_393 : i32 to index
    %swap3A_395 = arith.constant 64 : index
    %swap3A_396 = tpu.vector_load %arg9[%swap3A_394, %swap3A_395] {strides = array<i32>} : memref<130x80xi32, #tpu.memory_space<vmem>>, vector<1x16xi32>,
    %swap3A_397 = vector.shape_cast %swap3A_396 : vector<1x16xi32> to vector<16xi32>
    %swap3A_398 = vector.shape_cast %broadcast_in_dim3A_392 : vector<16xi32> to vector<1x16xi32>
    tpu.vector_store %arg9[%swap3A_394, %swap3A_395], %swap3A_398 {strides = array<i32>} : memref<130x80xi32, #tpu.memory_space<vmem>>, vector<1x16xi32>,
    %mul3A_399 = arith.constant 10000 : i32
    %mul3A_400 = arith.muli %add3A, %mul3A_399 : i32
    %mul3A_401 = arith.constant 640 : i32
    %mul3A_402 = arith.muli %arg1, %mul3A_401 : i32
    "tpu.region"() ({
      %run_scoped3A = tpu.sem_alloc : memref<!tpu.dma_semaphore, #tpu.memory_space<semaphore_mem>>
      %dma_start3A_652 = arith.constant 0 : i32
      %dma_start3A_653 = tpu.memref_slice %arg12[%mul3A_402, %dma_start3A_652] : memref<10240x16xf32, #tpu.memory_space<vmem_shared>> -> memref<640x16xf32, #tpu.memory_space<vmem_shared>>
      %dma_start3A_654 = arith.constant 0 : i32
      %dma_start3A_655 = tpu.memref_slice %arg2[%mul3A_402, %dma_start3A_654] : memref<10240x16xf32, #tpu.memory_space<hbm>> -> memref<640x16xf32, #tpu.memory_space<hbm>>
      tpu.enqueue_dma source(%dma_start3A_655 : memref<640x16xf32, #tpu.memory_space<hbm>>) target(%dma_start3A_653 : memref<640x16xf32, #tpu.memory_space<vmem_shared>>) target_semaphore(%run_scoped3A : memref<!tpu.dma_semaphore, #tpu.memory_space<semaphore_mem>>)
      %dma_wait3A_656 = arith.constant 0 : i32
      %dma_wait3A_657 = tpu.memref_slice %arg12[%mul3A_402, %dma_wait3A_656] : memref<10240x16xf32, #tpu.memory_space<vmem_shared>> -> memref<640x16xf32, #tpu.memory_space<vmem_shared>>
      %dma_wait3A_658 = arith.constant 0 : i32
      %dma_wait3A_659 = tpu.memref_slice %arg2[%mul3A_402, %dma_wait3A_658] : memref<10240x16xf32, #tpu.memory_space<hbm>> -> memref<640x16xf32, #tpu.memory_space<hbm>>
      tpu.wait_dma2 semaphore(%run_scoped3A : memref<!tpu.dma_semaphore, #tpu.memory_space<semaphore_mem>>) src(%dma_wait3A_659 : memref<640x16xf32, #tpu.memory_space<hbm>>) dst(%dma_wait3A_657 : memref<640x16xf32, #tpu.memory_space<vmem_shared>>)
      tpu.yield
    }) : () -> ()
    "tpu.region"() ({
      %run_scoped3A = tpu.sem_alloc : memref<!tpu.dma_semaphore, #tpu.memory_space<semaphore_mem>>
      %dma_start3A_652 = arith.constant 0 : i32
      %dma_start3A_653 = tpu.memref_slice %arg13[%mul3A_402, %dma_start3A_652] : memref<10240x16xf32, #tpu.memory_space<vmem_shared>> -> memref<640x16xf32, #tpu.memory_space<vmem_shared>>
      %dma_start3A_654 = arith.constant 0 : i32
      %dma_start3A_655 = tpu.memref_slice %arg3[%mul3A_402, %dma_start3A_654] : memref<10240x16xf32, #tpu.memory_space<hbm>> -> memref<640x16xf32, #tpu.memory_space<hbm>>
      tpu.enqueue_dma source(%dma_start3A_655 : memref<640x16xf32, #tpu.memory_space<hbm>>) target(%dma_start3A_653 : memref<640x16xf32, #tpu.memory_space<vmem_shared>>) target_semaphore(%run_scoped3A : memref<!tpu.dma_semaphore, #tpu.memory_space<semaphore_mem>>)
      %dma_wait3A_656 = arith.constant 0 : i32
      %dma_wait3A_657 = tpu.memref_slice %arg13[%mul3A_402, %dma_wait3A_656] : memref<10240x16xf32, #tpu.memory_space<vmem_shared>> -> memref<640x16xf32, #tpu.memory_space<vmem_shared>>
      %dma_wait3A_658 = arith.constant 0 : i32
      %dma_wait3A_659 = tpu.memref_slice %arg3[%mul3A_402, %dma_wait3A_658] : memref<10240x16xf32, #tpu.memory_space<hbm>> -> memref<640x16xf32, #tpu.memory_space<hbm>>
      tpu.wait_dma2 semaphore(%run_scoped3A : memref<!tpu.dma_semaphore, #tpu.memory_space<semaphore_mem>>) src(%dma_wait3A_659 : memref<640x16xf32, #tpu.memory_space<hbm>>) dst(%dma_wait3A_657 : memref<640x16xf32, #tpu.memory_space<vmem_shared>>)
      tpu.yield
    }) : () -> ()
    %barrier3A = arith.constant 0 : index
    tpu.barrier barrier_id(%barrier3A)
    %dma_start3A = arith.constant 0 : i32
    %dma_start3A_403 = arith.constant 0 : i32
    %dma_start3A_404 = arith.constant 0 : i32
    %dma_start3A_405 = arith.constant 0 : i32
    %dma_start3A_406 = tpu.memref_slice %arg10[%dma_start3A_403, %dma_start3A_404, %dma_start3A_405] : memref<5x80x16xf32, #tpu.memory_space<vmem>> -> memref<1x80x16xf32, #tpu.memory_space<vmem>>
    %dma_start3A_407 = tpu.memref_squeeze %dma_start3A_406 : memref<1x80x16xf32, #tpu.memory_space<vmem>> -> memref<80x16xf32, #tpu.memory_space<vmem>>
    %dma_start3A_408 = arith.constant 0 : i32
    %dma_start3A_409 = tpu.memref_slice %arg8[%dma_start3A, %dma_start3A_408] : memref<130x80xi32, #tpu.memory_space<vmem>> -> memref<1x80xi32, #tpu.memory_space<vmem>>
    %dma_start3A_410 = tpu.memref_squeeze %dma_start3A_409 : memref<1x80xi32, #tpu.memory_space<vmem>> -> memref<80xi32, #tpu.memory_space<vmem>>
    %dma_start3A_411 = arith.constant 0 : i32
    %dma_start3A_412 = arith.constant 0 : i32
    %dma_start3A_413 = tpu.memref_slice %arg12[%dma_start3A_411, %dma_start3A_412] : memref<10240x16xf32, #tpu.memory_space<vmem_shared>> -> memref<10240x16xf32, #tpu.memory_space<vmem_shared>>
    tpu.enqueue_indirect_dma source(%dma_start3A_413 : memref<10240x16xf32, #tpu.memory_space<vmem_shared>>) target(%dma_start3A_407 : memref<80x16xf32, #tpu.memory_space<vmem>>) offsets(%dma_start3A_410 : memref<80xi32, #tpu.memory_space<vmem>>) semaphore(%arg14 : memref<!tpu.dma_semaphore, #tpu.memory_space<semaphore_mem>>)
    %dma_start3A_414 = arith.constant 0 : i32
    %dma_start3A_415 = arith.constant 0 : i32
    %dma_start3A_416 = arith.constant 0 : i32
    %dma_start3A_417 = arith.constant 0 : i32
    %dma_start3A_418 = tpu.memref_slice %arg11[%dma_start3A_415, %dma_start3A_416, %dma_start3A_417] : memref<5x80x16xf32, #tpu.memory_space<vmem>> -> memref<1x80x16xf32, #tpu.memory_space<vmem>>
    %dma_start3A_419 = tpu.memref_squeeze %dma_start3A_418 : memref<1x80x16xf32, #tpu.memory_space<vmem>> -> memref<80x16xf32, #tpu.memory_space<vmem>>
    %dma_start3A_420 = arith.constant 0 : i32
    %dma_start3A_421 = tpu.memref_slice %arg9[%dma_start3A_414, %dma_start3A_420] : memref<130x80xi32, #tpu.memory_space<vmem>> -> memref<1x80xi32, #tpu.memory_space<vmem>>
    %dma_start3A_422 = tpu.memref_squeeze %dma_start3A_421 : memref<1x80xi32, #tpu.memory_space<vmem>> -> memref<80xi32, #tpu.memory_space<vmem>>
    %dma_start3A_423 = arith.constant 0 : i32
    %dma_start3A_424 = arith.constant 0 : i32
    %dma_start3A_425 = tpu.memref_slice %arg13[%dma_start3A_423, %dma_start3A_424] : memref<10240x16xf32, #tpu.memory_space<vmem_shared>> -> memref<10240x16xf32, #tpu.memory_space<vmem_shared>>
    tpu.enqueue_indirect_dma source(%dma_start3A_425 : memref<10240x16xf32, #tpu.memory_space<vmem_shared>>) target(%dma_start3A_419 : memref<80x16xf32, #tpu.memory_space<vmem>>) offsets(%dma_start3A_422 : memref<80xi32, #tpu.memory_space<vmem>>) semaphore(%arg15 : memref<!tpu.dma_semaphore, #tpu.memory_space<semaphore_mem>>)
    %dma_start3A_426 = arith.constant 1 : i32
    %dma_start3A_427 = arith.constant 1 : i32
    %dma_start3A_428 = arith.constant 0 : i32
    %dma_start3A_429 = arith.constant 0 : i32
    %dma_start3A_430 = tpu.memref_slice %arg10[%dma_start3A_427, %dma_start3A_428, %dma_start3A_429] : memref<5x80x16xf32, #tpu.memory_space<vmem>> -> memref<1x80x16xf32, #tpu.memory_space<vmem>>
    %dma_start3A_431 = tpu.memref_squeeze %dma_start3A_430 : memref<1x80x16xf32, #tpu.memory_space<vmem>> -> memref<80x16xf32, #tpu.memory_space<vmem>>
    %dma_start3A_432 = arith.constant 0 : i32
    %dma_start3A_433 = tpu.memref_slice %arg8[%dma_start3A_426, %dma_start3A_432] : memref<130x80xi32, #tpu.memory_space<vmem>> -> memref<1x80xi32, #tpu.memory_space<vmem>>
    %dma_start3A_434 = tpu.memref_squeeze %dma_start3A_433 : memref<1x80xi32, #tpu.memory_space<vmem>> -> memref<80xi32, #tpu.memory_space<vmem>>
    %dma_start3A_435 = arith.constant 0 : i32
    %dma_start3A_436 = arith.constant 0 : i32
    %dma_start3A_437 = tpu.memref_slice %arg12[%dma_start3A_435, %dma_start3A_436] : memref<10240x16xf32, #tpu.memory_space<vmem_shared>> -> memref<10240x16xf32, #tpu.memory_space<vmem_shared>>
    tpu.enqueue_indirect_dma source(%dma_start3A_437 : memref<10240x16xf32, #tpu.memory_space<vmem_shared>>) target(%dma_start3A_431 : memref<80x16xf32, #tpu.memory_space<vmem>>) offsets(%dma_start3A_434 : memref<80xi32, #tpu.memory_space<vmem>>) semaphore(%arg14 : memref<!tpu.dma_semaphore, #tpu.memory_space<semaphore_mem>>)
    %dma_start3A_438 = arith.constant 1 : i32
    %dma_start3A_439 = arith.constant 1 : i32
    %dma_start3A_440 = arith.constant 0 : i32
    %dma_start3A_441 = arith.constant 0 : i32
    %dma_start3A_442 = tpu.memref_slice %arg11[%dma_start3A_439, %dma_start3A_440, %dma_start3A_441] : memref<5x80x16xf32, #tpu.memory_space<vmem>> -> memref<1x80x16xf32, #tpu.memory_space<vmem>>
    %dma_start3A_443 = tpu.memref_squeeze %dma_start3A_442 : memref<1x80x16xf32, #tpu.memory_space<vmem>> -> memref<80x16xf32, #tpu.memory_space<vmem>>
    %dma_start3A_444 = arith.constant 0 : i32
    %dma_start3A_445 = tpu.memref_slice %arg9[%dma_start3A_438, %dma_start3A_444] : memref<130x80xi32, #tpu.memory_space<vmem>> -> memref<1x80xi32, #tpu.memory_space<vmem>>
    %dma_start3A_446 = tpu.memref_squeeze %dma_start3A_445 : memref<1x80xi32, #tpu.memory_space<vmem>> -> memref<80xi32, #tpu.memory_space<vmem>>
    %dma_start3A_447 = arith.constant 0 : i32
    %dma_start3A_448 = arith.constant 0 : i32
    %dma_start3A_449 = tpu.memref_slice %arg13[%dma_start3A_447, %dma_start3A_448] : memref<10240x16xf32, #tpu.memory_space<vmem_shared>> -> memref<10240x16xf32, #tpu.memory_space<vmem_shared>>
    tpu.enqueue_indirect_dma source(%dma_start3A_449 : memref<10240x16xf32, #tpu.memory_space<vmem_shared>>) target(%dma_start3A_443 : memref<80x16xf32, #tpu.memory_space<vmem>>) offsets(%dma_start3A_446 : memref<80xi32, #tpu.memory_space<vmem>>) semaphore(%arg15 : memref<!tpu.dma_semaphore, #tpu.memory_space<semaphore_mem>>)
    %dma_start3A_450 = arith.constant 2 : i32
    %dma_start3A_451 = arith.constant 2 : i32
    %dma_start3A_452 = arith.constant 0 : i32
    %dma_start3A_453 = arith.constant 0 : i32
    %dma_start3A_454 = tpu.memref_slice %arg10[%dma_start3A_451, %dma_start3A_452, %dma_start3A_453] : memref<5x80x16xf32, #tpu.memory_space<vmem>> -> memref<1x80x16xf32, #tpu.memory_space<vmem>>
    %dma_start3A_455 = tpu.memref_squeeze %dma_start3A_454 : memref<1x80x16xf32, #tpu.memory_space<vmem>> -> memref<80x16xf32, #tpu.memory_space<vmem>>
    %dma_start3A_456 = arith.constant 0 : i32
    %dma_start3A_457 = tpu.memref_slice %arg8[%dma_start3A_450, %dma_start3A_456] : memref<130x80xi32, #tpu.memory_space<vmem>> -> memref<1x80xi32, #tpu.memory_space<vmem>>
    %dma_start3A_458 = tpu.memref_squeeze %dma_start3A_457 : memref<1x80xi32, #tpu.memory_space<vmem>> -> memref<80xi32, #tpu.memory_space<vmem>>
    %dma_start3A_459 = arith.constant 0 : i32
    %dma_start3A_460 = arith.constant 0 : i32
    %dma_start3A_461 = tpu.memref_slice %arg12[%dma_start3A_459, %dma_start3A_460] : memref<10240x16xf32, #tpu.memory_space<vmem_shared>> -> memref<10240x16xf32, #tpu.memory_space<vmem_shared>>
    tpu.enqueue_indirect_dma source(%dma_start3A_461 : memref<10240x16xf32, #tpu.memory_space<vmem_shared>>) target(%dma_start3A_455 : memref<80x16xf32, #tpu.memory_space<vmem>>) offsets(%dma_start3A_458 : memref<80xi32, #tpu.memory_space<vmem>>) semaphore(%arg14 : memref<!tpu.dma_semaphore, #tpu.memory_space<semaphore_mem>>)
    %dma_start3A_462 = arith.constant 2 : i32
    %dma_start3A_463 = arith.constant 2 : i32
    %dma_start3A_464 = arith.constant 0 : i32
    %dma_start3A_465 = arith.constant 0 : i32
    %dma_start3A_466 = tpu.memref_slice %arg11[%dma_start3A_463, %dma_start3A_464, %dma_start3A_465] : memref<5x80x16xf32, #tpu.memory_space<vmem>> -> memref<1x80x16xf32, #tpu.memory_space<vmem>>
    %dma_start3A_467 = tpu.memref_squeeze %dma_start3A_466 : memref<1x80x16xf32, #tpu.memory_space<vmem>> -> memref<80x16xf32, #tpu.memory_space<vmem>>
    %dma_start3A_468 = arith.constant 0 : i32
    %dma_start3A_469 = tpu.memref_slice %arg9[%dma_start3A_462, %dma_start3A_468] : memref<130x80xi32, #tpu.memory_space<vmem>> -> memref<1x80xi32, #tpu.memory_space<vmem>>
    %dma_start3A_470 = tpu.memref_squeeze %dma_start3A_469 : memref<1x80xi32, #tpu.memory_space<vmem>> -> memref<80xi32, #tpu.memory_space<vmem>>
    %dma_start3A_471 = arith.constant 0 : i32
    %dma_start3A_472 = arith.constant 0 : i32
    %dma_start3A_473 = tpu.memref_slice %arg13[%dma_start3A_471, %dma_start3A_472] : memref<10240x16xf32, #tpu.memory_space<vmem_shared>> -> memref<10240x16xf32, #tpu.memory_space<vmem_shared>>
    tpu.enqueue_indirect_dma source(%dma_start3A_473 : memref<10240x16xf32, #tpu.memory_space<vmem_shared>>) target(%dma_start3A_467 : memref<80x16xf32, #tpu.memory_space<vmem>>) offsets(%dma_start3A_470 : memref<80xi32, #tpu.memory_space<vmem>>) semaphore(%arg15 : memref<!tpu.dma_semaphore, #tpu.memory_space<semaphore_mem>>)
    %dma_start3A_474 = arith.constant 3 : i32
    %dma_start3A_475 = arith.constant 3 : i32
    %dma_start3A_476 = arith.constant 0 : i32
    %dma_start3A_477 = arith.constant 0 : i32
    %dma_start3A_478 = tpu.memref_slice %arg10[%dma_start3A_475, %dma_start3A_476, %dma_start3A_477] : memref<5x80x16xf32, #tpu.memory_space<vmem>> -> memref<1x80x16xf32, #tpu.memory_space<vmem>>
    %dma_start3A_479 = tpu.memref_squeeze %dma_start3A_478 : memref<1x80x16xf32, #tpu.memory_space<vmem>> -> memref<80x16xf32, #tpu.memory_space<vmem>>
    %dma_start3A_480 = arith.constant 0 : i32
    %dma_start3A_481 = tpu.memref_slice %arg8[%dma_start3A_474, %dma_start3A_480] : memref<130x80xi32, #tpu.memory_space<vmem>> -> memref<1x80xi32, #tpu.memory_space<vmem>>
    %dma_start3A_482 = tpu.memref_squeeze %dma_start3A_481 : memref<1x80xi32, #tpu.memory_space<vmem>> -> memref<80xi32, #tpu.memory_space<vmem>>
    %dma_start3A_483 = arith.constant 0 : i32
    %dma_start3A_484 = arith.constant 0 : i32
    %dma_start3A_485 = tpu.memref_slice %arg12[%dma_start3A_483, %dma_start3A_484] : memref<10240x16xf32, #tpu.memory_space<vmem_shared>> -> memref<10240x16xf32, #tpu.memory_space<vmem_shared>>
    tpu.enqueue_indirect_dma source(%dma_start3A_485 : memref<10240x16xf32, #tpu.memory_space<vmem_shared>>) target(%dma_start3A_479 : memref<80x16xf32, #tpu.memory_space<vmem>>) offsets(%dma_start3A_482 : memref<80xi32, #tpu.memory_space<vmem>>) semaphore(%arg14 : memref<!tpu.dma_semaphore, #tpu.memory_space<semaphore_mem>>)
    %dma_start3A_486 = arith.constant 3 : i32
    %dma_start3A_487 = arith.constant 3 : i32
    %dma_start3A_488 = arith.constant 0 : i32
    %dma_start3A_489 = arith.constant 0 : i32
    %dma_start3A_490 = tpu.memref_slice %arg11[%dma_start3A_487, %dma_start3A_488, %dma_start3A_489] : memref<5x80x16xf32, #tpu.memory_space<vmem>> -> memref<1x80x16xf32, #tpu.memory_space<vmem>>
    %dma_start3A_491 = tpu.memref_squeeze %dma_start3A_490 : memref<1x80x16xf32, #tpu.memory_space<vmem>> -> memref<80x16xf32, #tpu.memory_space<vmem>>
    %dma_start3A_492 = arith.constant 0 : i32
    %dma_start3A_493 = tpu.memref_slice %arg9[%dma_start3A_486, %dma_start3A_492] : memref<130x80xi32, #tpu.memory_space<vmem>> -> memref<1x80xi32, #tpu.memory_space<vmem>>
    %dma_start3A_494 = tpu.memref_squeeze %dma_start3A_493 : memref<1x80xi32, #tpu.memory_space<vmem>> -> memref<80xi32, #tpu.memory_space<vmem>>
    %dma_start3A_495 = arith.constant 0 : i32
    %dma_start3A_496 = arith.constant 0 : i32
    %dma_start3A_497 = tpu.memref_slice %arg13[%dma_start3A_495, %dma_start3A_496] : memref<10240x16xf32, #tpu.memory_space<vmem_shared>> -> memref<10240x16xf32, #tpu.memory_space<vmem_shared>>
    tpu.enqueue_indirect_dma source(%dma_start3A_497 : memref<10240x16xf32, #tpu.memory_space<vmem_shared>>) target(%dma_start3A_491 : memref<80x16xf32, #tpu.memory_space<vmem>>) offsets(%dma_start3A_494 : memref<80xi32, #tpu.memory_space<vmem>>) semaphore(%arg15 : memref<!tpu.dma_semaphore, #tpu.memory_space<semaphore_mem>>)
    %scan3A = arith.constant 0 : i32
    %scan3A_498 = arith.constant 0 : i32
    %scan3A_499 = arith.constant 25 : i32
    %scan3A_500 = arith.addi %scan3A_498, %scan3A_499 : i32
    %scan3A_501 = arith.constant 1 : i32
    scf.for %scan3A_652 = %scan3A_498 to %scan3A_500 step %scan3A_501  : i32 {
      %mul3A_653 = arith.constant 5 : i32
      %mul3A_654 = arith.muli %scan3A_652, %mul3A_653 : i32
      %add3A_655 = arith.constant 0 : i32
      %add3A_656 = arith.addi %mul3A_654, %add3A_655 : i32
      %gt3A = arith.constant 0 : i32
      %gt3A_657 = arith.cmpi sgt, %scan3A_652, %gt3A : i32
      %convert_element_type3A = arith.extui %gt3A_657 : i1 to i32
      %cond3A = arith.constant 0 : i32
      %cond3A_658 = arith.cmpi ne, %convert_element_type3A, %cond3A : i32
      scf.if %cond3A_658 {
        %dma_wait3A_1231 = arith.constant 4 : i32
        %dma_wait3A_1232 = arith.constant 0 : i32
        %dma_wait3A_1233 = arith.constant 0 : i32
        %dma_wait3A_1234 = tpu.memref_slice %arg10[%dma_wait3A_1231, %dma_wait3A_1232, %dma_wait3A_1233] : memref<5x80x16xf32, #tpu.memory_space<vmem>> -> memref<1x80x16xf32, #tpu.memory_space<vmem>>
        %dma_wait3A_1235 = tpu.memref_squeeze %dma_wait3A_1234 : memref<1x80x16xf32, #tpu.memory_space<vmem>> -> memref<80x16xf32, #tpu.memory_space<vmem>>
        %dma_wait3A_1236 = arith.constant 0 : i32
        %dma_wait3A_1237 = arith.constant 0 : i32
        %dma_wait3A_1238 = tpu.memref_slice %arg2[%dma_wait3A_1236, %dma_wait3A_1237] : memref<10240x16xf32, #tpu.memory_space<hbm>> -> memref<80x16xf32, #tpu.memory_space<hbm>>
        %dma_wait3A_1239 = arith.constant 0 : i32
        %dma_wait3A_1240 = arith.constant 0 : i32
        %dma_wait3A_1241 = tpu.memref_slice %arg10[%dma_wait3A_1231, %dma_wait3A_1239, %dma_wait3A_1240] : memref<5x80x16xf32, #tpu.memory_space<vmem>> -> memref<1x80x16xf32, #tpu.memory_space<vmem>>
        %dma_wait3A_1242 = tpu.memref_squeeze %dma_wait3A_1241 : memref<1x80x16xf32, #tpu.memory_space<vmem>> -> memref<80x16xf32, #tpu.memory_space<vmem>>
        %dma_wait3A_1243 = arith.constant 0 : i32
        %dma_wait3A_1244 = arith.constant 0 : i32
        %dma_wait3A_1245 = tpu.memref_slice %arg2[%dma_wait3A_1243, %dma_wait3A_1244] : memref<10240x16xf32, #tpu.memory_space<hbm>> -> memref<80x16xf32, #tpu.memory_space<hbm>>
        tpu.wait_dma2 semaphore(%arg16 : memref<!tpu.dma_semaphore, #tpu.memory_space<semaphore_mem>>) src(%dma_wait3A_1245 : memref<80x16xf32, #tpu.memory_space<hbm>>) dst(%dma_wait3A_1242 : memref<80x16xf32, #tpu.memory_space<vmem>>)
        %dma_wait3A_1246 = arith.constant 4 : i32
        %dma_wait3A_1247 = arith.constant 0 : i32
        %dma_wait3A_1248 = arith.constant 0 : i32
        %dma_wait3A_1249 = tpu.memref_slice %arg11[%dma_wait3A_1246, %dma_wait3A_1247, %dma_wait3A_1248] : memref<5x80x16xf32, #tpu.memory_space<vmem>> -> memref<1x80x16xf32, #tpu.memory_space<vmem>>
        %dma_wait3A_1250 = tpu.memref_squeeze %dma_wait3A_1249 : memref<1x80x16xf32, #tpu.memory_space<vmem>> -> memref<80x16xf32, #tpu.memory_space<vmem>>
        %dma_wait3A_1251 = arith.constant 0 : i32
        %dma_wait3A_1252 = arith.constant 0 : i32
        %dma_wait3A_1253 = tpu.memref_slice %arg2[%dma_wait3A_1251, %dma_wait3A_1252] : memref<10240x16xf32, #tpu.memory_space<hbm>> -> memref<80x16xf32, #tpu.memory_space<hbm>>
        %dma_wait3A_1254 = arith.constant 0 : i32
        %dma_wait3A_1255 = arith.constant 0 : i32
        %dma_wait3A_1256 = tpu.memref_slice %arg11[%dma_wait3A_1246, %dma_wait3A_1254, %dma_wait3A_1255] : memref<5x80x16xf32, #tpu.memory_space<vmem>> -> memref<1x80x16xf32, #tpu.memory_space<vmem>>
        %dma_wait3A_1257 = tpu.memref_squeeze %dma_wait3A_1256 : memref<1x80x16xf32, #tpu.memory_space<vmem>> -> memref<80x16xf32, #tpu.memory_space<vmem>>
        %dma_wait3A_1258 = arith.constant 0 : i32
        %dma_wait3A_1259 = arith.constant 0 : i32
        %dma_wait3A_1260 = tpu.memref_slice %arg2[%dma_wait3A_1258, %dma_wait3A_1259] : memref<10240x16xf32, #tpu.memory_space<hbm>> -> memref<80x16xf32, #tpu.memory_space<hbm>>
        tpu.wait_dma2 semaphore(%arg16 : memref<!tpu.dma_semaphore, #tpu.memory_space<semaphore_mem>>) src(%dma_wait3A_1260 : memref<80x16xf32, #tpu.memory_space<hbm>>) dst(%dma_wait3A_1257 : memref<80x16xf32, #tpu.memory_space<vmem>>)
      } else {
      }
      %dma_wait3A_659 = arith.constant 0 : i32
      %dma_wait3A_660 = arith.constant 0 : i32
      %dma_wait3A_661 = arith.constant 0 : i32
      %dma_wait3A_662 = tpu.memref_slice %arg10[%dma_wait3A_659, %dma_wait3A_660, %dma_wait3A_661] : memref<5x80x16xf32, #tpu.memory_space<vmem>> -> memref<1x80x16xf32, #tpu.memory_space<vmem>>
      %dma_wait3A_663 = tpu.memref_squeeze %dma_wait3A_662 : memref<1x80x16xf32, #tpu.memory_space<vmem>> -> memref<80x16xf32, #tpu.memory_space<vmem>>
      %dma_wait3A_664 = arith.constant 0 : i32
      %dma_wait3A_665 = arith.constant 0 : i32
      %dma_wait3A_666 = tpu.memref_slice %arg2[%dma_wait3A_664, %dma_wait3A_665] : memref<10240x16xf32, #tpu.memory_space<hbm>> -> memref<80x16xf32, #tpu.memory_space<hbm>>
      %dma_wait3A_667 = arith.constant 0 : i32
      %dma_wait3A_668 = arith.constant 0 : i32
      %dma_wait3A_669 = tpu.memref_slice %arg10[%dma_wait3A_659, %dma_wait3A_667, %dma_wait3A_668] : memref<5x80x16xf32, #tpu.memory_space<vmem>> -> memref<1x80x16xf32, #tpu.memory_space<vmem>>
      %dma_wait3A_670 = tpu.memref_squeeze %dma_wait3A_669 : memref<1x80x16xf32, #tpu.memory_space<vmem>> -> memref<80x16xf32, #tpu.memory_space<vmem>>
      %dma_wait3A_671 = arith.constant 0 : i32
      %dma_wait3A_672 = arith.constant 0 : i32
      %dma_wait3A_673 = tpu.memref_slice %arg2[%dma_wait3A_671, %dma_wait3A_672] : memref<10240x16xf32, #tpu.memory_space<hbm>> -> memref<80x16xf32, #tpu.memory_space<hbm>>
      tpu.wait_dma2 semaphore(%arg14 : memref<!tpu.dma_semaphore, #tpu.memory_space<semaphore_mem>>) src(%dma_wait3A_673 : memref<80x16xf32, #tpu.memory_space<hbm>>) dst(%dma_wait3A_670 : memref<80x16xf32, #tpu.memory_space<vmem>>)
      %dma_wait3A_674 = arith.constant 0 : i32
      %dma_wait3A_675 = arith.constant 0 : i32
      %dma_wait3A_676 = arith.constant 0 : i32
      %dma_wait3A_677 = tpu.memref_slice %arg11[%dma_wait3A_674, %dma_wait3A_675, %dma_wait3A_676] : memref<5x80x16xf32, #tpu.memory_space<vmem>> -> memref<1x80x16xf32, #tpu.memory_space<vmem>>
      %dma_wait3A_678 = tpu.memref_squeeze %dma_wait3A_677 : memref<1x80x16xf32, #tpu.memory_space<vmem>> -> memref<80x16xf32, #tpu.memory_space<vmem>>
      %dma_wait3A_679 = arith.constant 0 : i32
      %dma_wait3A_680 = arith.constant 0 : i32
      %dma_wait3A_681 = tpu.memref_slice %arg2[%dma_wait3A_679, %dma_wait3A_680] : memref<10240x16xf32, #tpu.memory_space<hbm>> -> memref<80x16xf32, #tpu.memory_space<hbm>>
      %dma_wait3A_682 = arith.constant 0 : i32
      %dma_wait3A_683 = arith.constant 0 : i32
      %dma_wait3A_684 = tpu.memref_slice %arg11[%dma_wait3A_674, %dma_wait3A_682, %dma_wait3A_683] : memref<5x80x16xf32, #tpu.memory_space<vmem>> -> memref<1x80x16xf32, #tpu.memory_space<vmem>>
      %dma_wait3A_685 = tpu.memref_squeeze %dma_wait3A_684 : memref<1x80x16xf32, #tpu.memory_space<vmem>> -> memref<80x16xf32, #tpu.memory_space<vmem>>
      %dma_wait3A_686 = arith.constant 0 : i32
      %dma_wait3A_687 = arith.constant 0 : i32
      %dma_wait3A_688 = tpu.memref_slice %arg2[%dma_wait3A_686, %dma_wait3A_687] : memref<10240x16xf32, #tpu.memory_space<hbm>> -> memref<80x16xf32, #tpu.memory_space<hbm>>
      tpu.wait_dma2 semaphore(%arg15 : memref<!tpu.dma_semaphore, #tpu.memory_space<semaphore_mem>>) src(%dma_wait3A_688 : memref<80x16xf32, #tpu.memory_space<hbm>>) dst(%dma_wait3A_685 : memref<80x16xf32, #tpu.memory_space<vmem>>)
      %mul3A_689 = arith.constant 80 : i32
      %mul3A_690 = arith.muli %add3A_656, %mul3A_689 : i32
      %add3A_691 = arith.addi %mul3A_400, %mul3A_690 : i32
      %dma_start3A_692 = arith.constant 0 : i32
      %dma_start3A_693 = arith.constant 0 : i32
      %dma_start3A_694 = arith.constant 0 : i32
      %dma_start3A_695 = tpu.memref_slice %arg10[%dma_start3A_692, %dma_start3A_693, %dma_start3A_694] : memref<5x80x16xf32, #tpu.memory_space<vmem>> -> memref<1x80x16xf32, #tpu.memory_space<vmem>>
      %dma_start3A_696 = tpu.memref_squeeze %dma_start3A_695 : memref<1x80x16xf32, #tpu.memory_space<vmem>> -> memref<80x16xf32, #tpu.memory_space<vmem>>
      %dma_start3A_697 = arith.constant 0 : i32
      %dma_start3A_698 = tpu.memref_slice %arg6[%add3A_691, %dma_start3A_697] : memref<320000x16xf32, #tpu.memory_space<hbm>> -> memref<80x16xf32, #tpu.memory_space<hbm>>
      %dma_start3A_699 = arith.constant 0 : i32
      %dma_start3A_700 = tpu.memref_slice %arg6[%add3A_691, %dma_start3A_699] : memref<320000x16xf32, #tpu.memory_space<hbm>> -> memref<80x16xf32, #tpu.memory_space<hbm>>
      %dma_start3A_701 = arith.constant 0 : i32
      %dma_start3A_702 = arith.constant 0 : i32
      %dma_start3A_703 = tpu.memref_slice %arg10[%dma_start3A_692, %dma_start3A_701, %dma_start3A_702] : memref<5x80x16xf32, #tpu.memory_space<vmem>> -> memref<1x80x16xf32, #tpu.memory_space<vmem>>
      %dma_start3A_704 = tpu.memref_squeeze %dma_start3A_703 : memref<1x80x16xf32, #tpu.memory_space<vmem>> -> memref<80x16xf32, #tpu.memory_space<vmem>>
      tpu.enqueue_dma source(%dma_start3A_704 : memref<80x16xf32, #tpu.memory_space<vmem>>) target(%dma_start3A_700 : memref<80x16xf32, #tpu.memory_space<hbm>>) target_semaphore(%arg16 : memref<!tpu.dma_semaphore, #tpu.memory_space<semaphore_mem>>)
      %dma_start3A_705 = arith.constant 0 : i32
      %dma_start3A_706 = arith.constant 0 : i32
      %dma_start3A_707 = arith.constant 0 : i32
      %dma_start3A_708 = tpu.memref_slice %arg11[%dma_start3A_705, %dma_start3A_706, %dma_start3A_707] : memref<5x80x16xf32, #tpu.memory_space<vmem>> -> memref<1x80x16xf32, #tpu.memory_space<vmem>>
      %dma_start3A_709 = tpu.memref_squeeze %dma_start3A_708 : memref<1x80x16xf32, #tpu.memory_space<vmem>> -> memref<80x16xf32, #tpu.memory_space<vmem>>
      %dma_start3A_710 = arith.constant 0 : i32
      %dma_start3A_711 = tpu.memref_slice %arg7[%add3A_691, %dma_start3A_710] : memref<320000x16xf32, #tpu.memory_space<hbm>> -> memref<80x16xf32, #tpu.memory_space<hbm>>
      %dma_start3A_712 = arith.constant 0 : i32
      %dma_start3A_713 = tpu.memref_slice %arg7[%add3A_691, %dma_start3A_712] : memref<320000x16xf32, #tpu.memory_space<hbm>> -> memref<80x16xf32, #tpu.memory_space<hbm>>
      %dma_start3A_714 = arith.constant 0 : i32
      %dma_start3A_715 = arith.constant 0 : i32
      %dma_start3A_716 = tpu.memref_slice %arg11[%dma_start3A_705, %dma_start3A_714, %dma_start3A_715] : memref<5x80x16xf32, #tpu.memory_space<vmem>> -> memref<1x80x16xf32, #tpu.memory_space<vmem>>
      %dma_start3A_717 = tpu.memref_squeeze %dma_start3A_716 : memref<1x80x16xf32, #tpu.memory_space<vmem>> -> memref<80x16xf32, #tpu.memory_space<vmem>>
      tpu.enqueue_dma source(%dma_start3A_717 : memref<80x16xf32, #tpu.memory_space<vmem>>) target(%dma_start3A_713 : memref<80x16xf32, #tpu.memory_space<hbm>>) target_semaphore(%arg16 : memref<!tpu.dma_semaphore, #tpu.memory_space<semaphore_mem>>)
      %add3A_718 = arith.constant 5 : i32
      %add3A_719 = arith.addi %add3A_656, %add3A_718 : i32
      %sub3A = arith.constant 1 : i32
      %sub3A_720 = arith.subi %add3A_719, %sub3A : i32
      %dma_start3A_721 = arith.constant 4 : i32
      %dma_start3A_722 = arith.constant 0 : i32
      %dma_start3A_723 = arith.constant 0 : i32
      %dma_start3A_724 = tpu.memref_slice %arg10[%dma_start3A_721, %dma_start3A_722, %dma_start3A_723] : memref<5x80x16xf32, #tpu.memory_space<vmem>> -> memref<1x80x16xf32, #tpu.memory_space<vmem>>
      %dma_start3A_725 = tpu.memref_squeeze %dma_start3A_724 : memref<1x80x16xf32, #tpu.memory_space<vmem>> -> memref<80x16xf32, #tpu.memory_space<vmem>>
      %dma_start3A_726 = arith.constant 0 : i32
      %dma_start3A_727 = tpu.memref_slice %arg8[%sub3A_720, %dma_start3A_726] : memref<130x80xi32, #tpu.memory_space<vmem>> -> memref<1x80xi32, #tpu.memory_space<vmem>>
      %dma_start3A_728 = tpu.memref_squeeze %dma_start3A_727 : memref<1x80xi32, #tpu.memory_space<vmem>> -> memref<80xi32, #tpu.memory_space<vmem>>
      %dma_start3A_729 = arith.constant 0 : i32
      %dma_start3A_730 = arith.constant 0 : i32
      %dma_start3A_731 = tpu.memref_slice %arg12[%dma_start3A_729, %dma_start3A_730] : memref<10240x16xf32, #tpu.memory_space<vmem_shared>> -> memref<10240x16xf32, #tpu.memory_space<vmem_shared>>
      tpu.enqueue_indirect_dma source(%dma_start3A_731 : memref<10240x16xf32, #tpu.memory_space<vmem_shared>>) target(%dma_start3A_725 : memref<80x16xf32, #tpu.memory_space<vmem>>) offsets(%dma_start3A_728 : memref<80xi32, #tpu.memory_space<vmem>>) semaphore(%arg14 : memref<!tpu.dma_semaphore, #tpu.memory_space<semaphore_mem>>)
      %add3A_732 = arith.constant 5 : i32
      %add3A_733 = arith.addi %add3A_656, %add3A_732 : i32
      %sub3A_734 = arith.constant 1 : i32
      %sub3A_735 = arith.subi %add3A_733, %sub3A_734 : i32
      %dma_start3A_736 = arith.constant 4 : i32
      %dma_start3A_737 = arith.constant 0 : i32
      %dma_start3A_738 = arith.constant 0 : i32
      %dma_start3A_739 = tpu.memref_slice %arg11[%dma_start3A_736, %dma_start3A_737, %dma_start3A_738] : memref<5x80x16xf32, #tpu.memory_space<vmem>> -> memref<1x80x16xf32, #tpu.memory_space<vmem>>
      %dma_start3A_740 = tpu.memref_squeeze %dma_start3A_739 : memref<1x80x16xf32, #tpu.memory_space<vmem>> -> memref<80x16xf32, #tpu.memory_space<vmem>>
      %dma_start3A_741 = arith.constant 0 : i32
      %dma_start3A_742 = tpu.memref_slice %arg9[%sub3A_735, %dma_start3A_741] : memref<130x80xi32, #tpu.memory_space<vmem>> -> memref<1x80xi32, #tpu.memory_space<vmem>>
      %dma_start3A_743 = tpu.memref_squeeze %dma_start3A_742 : memref<1x80xi32, #tpu.memory_space<vmem>> -> memref<80xi32, #tpu.memory_space<vmem>>
      %dma_start3A_744 = arith.constant 0 : i32
      %dma_start3A_745 = arith.constant 0 : i32
      %dma_start3A_746 = tpu.memref_slice %arg13[%dma_start3A_744, %dma_start3A_745] : memref<10240x16xf32, #tpu.memory_space<vmem_shared>> -> memref<10240x16xf32, #tpu.memory_space<vmem_shared>>
      tpu.enqueue_indirect_dma source(%dma_start3A_746 : memref<10240x16xf32, #tpu.memory_space<vmem_shared>>) target(%dma_start3A_740 : memref<80x16xf32, #tpu.memory_space<vmem>>) offsets(%dma_start3A_743 : memref<80xi32, #tpu.memory_space<vmem>>) semaphore(%arg15 : memref<!tpu.dma_semaphore, #tpu.memory_space<semaphore_mem>>)
      %add3A_747 = arith.constant 1 : i32
      %add3A_748 = arith.addi %mul3A_654, %add3A_747 : i32
      %dma_wait3A_749 = arith.constant 0 : i32
      %dma_wait3A_750 = arith.constant 0 : i32
      %dma_wait3A_751 = arith.constant 0 : i32
      %dma_wait3A_752 = tpu.memref_slice %arg10[%dma_wait3A_749, %dma_wait3A_750, %dma_wait3A_751] : memref<5x80x16xf32, #tpu.memory_space<vmem>> -> memref<1x80x16xf32, #tpu.memory_space<vmem>>
      %dma_wait3A_753 = tpu.memref_squeeze %dma_wait3A_752 : memref<1x80x16xf32, #tpu.memory_space<vmem>> -> memref<80x16xf32, #tpu.memory_space<vmem>>
      %dma_wait3A_754 = arith.constant 0 : i32
      %dma_wait3A_755 = arith.constant 0 : i32
      %dma_wait3A_756 = tpu.memref_slice %arg2[%dma_wait3A_754, %dma_wait3A_755] : memref<10240x16xf32, #tpu.memory_space<hbm>> -> memref<80x16xf32, #tpu.memory_space<hbm>>
      %dma_wait3A_757 = arith.constant 0 : i32
      %dma_wait3A_758 = arith.constant 0 : i32
      %dma_wait3A_759 = tpu.memref_slice %arg10[%dma_wait3A_749, %dma_wait3A_757, %dma_wait3A_758] : memref<5x80x16xf32, #tpu.memory_space<vmem>> -> memref<1x80x16xf32, #tpu.memory_space<vmem>>
      %dma_wait3A_760 = tpu.memref_squeeze %dma_wait3A_759 : memref<1x80x16xf32, #tpu.memory_space<vmem>> -> memref<80x16xf32, #tpu.memory_space<vmem>>
      %dma_wait3A_761 = arith.constant 0 : i32
      %dma_wait3A_762 = arith.constant 0 : i32
      %dma_wait3A_763 = tpu.memref_slice %arg2[%dma_wait3A_761, %dma_wait3A_762] : memref<10240x16xf32, #tpu.memory_space<hbm>> -> memref<80x16xf32, #tpu.memory_space<hbm>>
      tpu.wait_dma2 semaphore(%arg16 : memref<!tpu.dma_semaphore, #tpu.memory_space<semaphore_mem>>) src(%dma_wait3A_763 : memref<80x16xf32, #tpu.memory_space<hbm>>) dst(%dma_wait3A_760 : memref<80x16xf32, #tpu.memory_space<vmem>>)
      %dma_wait3A_764 = arith.constant 0 : i32
      %dma_wait3A_765 = arith.constant 0 : i32
      %dma_wait3A_766 = arith.constant 0 : i32
      %dma_wait3A_767 = tpu.memref_slice %arg11[%dma_wait3A_764, %dma_wait3A_765, %dma_wait3A_766] : memref<5x80x16xf32, #tpu.memory_space<vmem>> -> memref<1x80x16xf32, #tpu.memory_space<vmem>>
      %dma_wait3A_768 = tpu.memref_squeeze %dma_wait3A_767 : memref<1x80x16xf32, #tpu.memory_space<vmem>> -> memref<80x16xf32, #tpu.memory_space<vmem>>
      %dma_wait3A_769 = arith.constant 0 : i32
      %dma_wait3A_770 = arith.constant 0 : i32
      %dma_wait3A_771 = tpu.memref_slice %arg2[%dma_wait3A_769, %dma_wait3A_770] : memref<10240x16xf32, #tpu.memory_space<hbm>> -> memref<80x16xf32, #tpu.memory_space<hbm>>
      %dma_wait3A_772 = arith.constant 0 : i32
      %dma_wait3A_773 = arith.constant 0 : i32
      %dma_wait3A_774 = tpu.memref_slice %arg11[%dma_wait3A_764, %dma_wait3A_772, %dma_wait3A_773] : memref<5x80x16xf32, #tpu.memory_space<vmem>> -> memref<1x80x16xf32, #tpu.memory_space<vmem>>
      %dma_wait3A_775 = tpu.memref_squeeze %dma_wait3A_774 : memref<1x80x16xf32, #tpu.memory_space<vmem>> -> memref<80x16xf32, #tpu.memory_space<vmem>>
      %dma_wait3A_776 = arith.constant 0 : i32
      %dma_wait3A_777 = arith.constant 0 : i32
      %dma_wait3A_778 = tpu.memref_slice %arg2[%dma_wait3A_776, %dma_wait3A_777] : memref<10240x16xf32, #tpu.memory_space<hbm>> -> memref<80x16xf32, #tpu.memory_space<hbm>>
      tpu.wait_dma2 semaphore(%arg16 : memref<!tpu.dma_semaphore, #tpu.memory_space<semaphore_mem>>) src(%dma_wait3A_778 : memref<80x16xf32, #tpu.memory_space<hbm>>) dst(%dma_wait3A_775 : memref<80x16xf32, #tpu.memory_space<vmem>>)
      %dma_wait3A_779 = arith.constant 1 : i32
      %dma_wait3A_780 = arith.constant 0 : i32
      %dma_wait3A_781 = arith.constant 0 : i32
      %dma_wait3A_782 = tpu.memref_slice %arg10[%dma_wait3A_779, %dma_wait3A_780, %dma_wait3A_781] : memref<5x80x16xf32, #tpu.memory_space<vmem>> -> memref<1x80x16xf32, #tpu.memory_space<vmem>>
      %dma_wait3A_783 = tpu.memref_squeeze %dma_wait3A_782 : memref<1x80x16xf32, #tpu.memory_space<vmem>> -> memref<80x16xf32, #tpu.memory_space<vmem>>
      %dma_wait3A_784 = arith.constant 0 : i32
      %dma_wait3A_785 = arith.constant 0 : i32
      %dma_wait3A_786 = tpu.memref_slice %arg2[%dma_wait3A_784, %dma_wait3A_785] : memref<10240x16xf32, #tpu.memory_space<hbm>> -> memref<80x16xf32, #tpu.memory_space<hbm>>
      %dma_wait3A_787 = arith.constant 0 : i32
      %dma_wait3A_788 = arith.constant 0 : i32
      %dma_wait3A_789 = tpu.memref_slice %arg10[%dma_wait3A_779, %dma_wait3A_787, %dma_wait3A_788] : memref<5x80x16xf32, #tpu.memory_space<vmem>> -> memref<1x80x16xf32, #tpu.memory_space<vmem>>
      %dma_wait3A_790 = tpu.memref_squeeze %dma_wait3A_789 : memref<1x80x16xf32, #tpu.memory_space<vmem>> -> memref<80x16xf32, #tpu.memory_space<vmem>>
      %dma_wait3A_791 = arith.constant 0 : i32
      %dma_wait3A_792 = arith.constant 0 : i32
      %dma_wait3A_793 = tpu.memref_slice %arg2[%dma_wait3A_791, %dma_wait3A_792] : memref<10240x16xf32, #tpu.memory_space<hbm>> -> memref<80x16xf32, #tpu.memory_space<hbm>>
      tpu.wait_dma2 semaphore(%arg14 : memref<!tpu.dma_semaphore, #tpu.memory_space<semaphore_mem>>) src(%dma_wait3A_793 : memref<80x16xf32, #tpu.memory_space<hbm>>) dst(%dma_wait3A_790 : memref<80x16xf32, #tpu.memory_space<vmem>>)
      %dma_wait3A_794 = arith.constant 1 : i32
      %dma_wait3A_795 = arith.constant 0 : i32
      %dma_wait3A_796 = arith.constant 0 : i32
      %dma_wait3A_797 = tpu.memref_slice %arg11[%dma_wait3A_794, %dma_wait3A_795, %dma_wait3A_796] : memref<5x80x16xf32, #tpu.memory_space<vmem>> -> memref<1x80x16xf32, #tpu.memory_space<vmem>>
      %dma_wait3A_798 = tpu.memref_squeeze %dma_wait3A_797 : memref<1x80x16xf32, #tpu.memory_space<vmem>> -> memref<80x16xf32, #tpu.memory_space<vmem>>
      %dma_wait3A_799 = arith.constant 0 : i32
      %dma_wait3A_800 = arith.constant 0 : i32
      %dma_wait3A_801 = tpu.memref_slice %arg2[%dma_wait3A_799, %dma_wait3A_800] : memref<10240x16xf32, #tpu.memory_space<hbm>> -> memref<80x16xf32, #tpu.memory_space<hbm>>
      %dma_wait3A_802 = arith.constant 0 : i32
      %dma_wait3A_803 = arith.constant 0 : i32
      %dma_wait3A_804 = tpu.memref_slice %arg11[%dma_wait3A_794, %dma_wait3A_802, %dma_wait3A_803] : memref<5x80x16xf32, #tpu.memory_space<vmem>> -> memref<1x80x16xf32, #tpu.memory_space<vmem>>
      %dma_wait3A_805 = tpu.memref_squeeze %dma_wait3A_804 : memref<1x80x16xf32, #tpu.memory_space<vmem>> -> memref<80x16xf32, #tpu.memory_space<vmem>>
      %dma_wait3A_806 = arith.constant 0 : i32
      %dma_wait3A_807 = arith.constant 0 : i32
      %dma_wait3A_808 = tpu.memref_slice %arg2[%dma_wait3A_806, %dma_wait3A_807] : memref<10240x16xf32, #tpu.memory_space<hbm>> -> memref<80x16xf32, #tpu.memory_space<hbm>>
      tpu.wait_dma2 semaphore(%arg15 : memref<!tpu.dma_semaphore, #tpu.memory_space<semaphore_mem>>) src(%dma_wait3A_808 : memref<80x16xf32, #tpu.memory_space<hbm>>) dst(%dma_wait3A_805 : memref<80x16xf32, #tpu.memory_space<vmem>>)
      %mul3A_809 = arith.constant 80 : i32
      %mul3A_810 = arith.muli %add3A_748, %mul3A_809 : i32
      %add3A_811 = arith.addi %mul3A_400, %mul3A_810 : i32
      %dma_start3A_812 = arith.constant 1 : i32
      %dma_start3A_813 = arith.constant 0 : i32
      %dma_start3A_814 = arith.constant 0 : i32
      %dma_start3A_815 = tpu.memref_slice %arg10[%dma_start3A_812, %dma_start3A_813, %dma_start3A_814] : memref<5x80x16xf32, #tpu.memory_space<vmem>> -> memref<1x80x16xf32, #tpu.memory_space<vmem>>
      %dma_start3A_816 = tpu.memref_squeeze %dma_start3A_815 : memref<1x80x16xf32, #tpu.memory_space<vmem>> -> memref<80x16xf32, #tpu.memory_space<vmem>>
      %dma_start3A_817 = arith.constant 0 : i32
      %dma_start3A_818 = tpu.memref_slice %arg6[%add3A_811, %dma_start3A_817] : memref<320000x16xf32, #tpu.memory_space<hbm>> -> memref<80x16xf32, #tpu.memory_space<hbm>>
      %dma_start3A_819 = arith.constant 0 : i32
      %dma_start3A_820 = tpu.memref_slice %arg6[%add3A_811, %dma_start3A_819] : memref<320000x16xf32, #tpu.memory_space<hbm>> -> memref<80x16xf32, #tpu.memory_space<hbm>>
      %dma_start3A_821 = arith.constant 0 : i32
      %dma_start3A_822 = arith.constant 0 : i32
      %dma_start3A_823 = tpu.memref_slice %arg10[%dma_start3A_812, %dma_start3A_821, %dma_start3A_822] : memref<5x80x16xf32, #tpu.memory_space<vmem>> -> memref<1x80x16xf32, #tpu.memory_space<vmem>>
      %dma_start3A_824 = tpu.memref_squeeze %dma_start3A_823 : memref<1x80x16xf32, #tpu.memory_space<vmem>> -> memref<80x16xf32, #tpu.memory_space<vmem>>
      tpu.enqueue_dma source(%dma_start3A_824 : memref<80x16xf32, #tpu.memory_space<vmem>>) target(%dma_start3A_820 : memref<80x16xf32, #tpu.memory_space<hbm>>) target_semaphore(%arg16 : memref<!tpu.dma_semaphore, #tpu.memory_space<semaphore_mem>>)
      %dma_start3A_825 = arith.constant 1 : i32
      %dma_start3A_826 = arith.constant 0 : i32
      %dma_start3A_827 = arith.constant 0 : i32
      %dma_start3A_828 = tpu.memref_slice %arg11[%dma_start3A_825, %dma_start3A_826, %dma_start3A_827] : memref<5x80x16xf32, #tpu.memory_space<vmem>> -> memref<1x80x16xf32, #tpu.memory_space<vmem>>
      %dma_start3A_829 = tpu.memref_squeeze %dma_start3A_828 : memref<1x80x16xf32, #tpu.memory_space<vmem>> -> memref<80x16xf32, #tpu.memory_space<vmem>>
      %dma_start3A_830 = arith.constant 0 : i32
      %dma_start3A_831 = tpu.memref_slice %arg7[%add3A_811, %dma_start3A_830] : memref<320000x16xf32, #tpu.memory_space<hbm>> -> memref<80x16xf32, #tpu.memory_space<hbm>>
      %dma_start3A_832 = arith.constant 0 : i32
      %dma_start3A_833 = tpu.memref_slice %arg7[%add3A_811, %dma_start3A_832] : memref<320000x16xf32, #tpu.memory_space<hbm>> -> memref<80x16xf32, #tpu.memory_space<hbm>>
      %dma_start3A_834 = arith.constant 0 : i32
      %dma_start3A_835 = arith.constant 0 : i32
      %dma_start3A_836 = tpu.memref_slice %arg11[%dma_start3A_825, %dma_start3A_834, %dma_start3A_835] : memref<5x80x16xf32, #tpu.memory_space<vmem>> -> memref<1x80x16xf32, #tpu.memory_space<vmem>>
      %dma_start3A_837 = tpu.memref_squeeze %dma_start3A_836 : memref<1x80x16xf32, #tpu.memory_space<vmem>> -> memref<80x16xf32, #tpu.memory_space<vmem>>
      tpu.enqueue_dma source(%dma_start3A_837 : memref<80x16xf32, #tpu.memory_space<vmem>>) target(%dma_start3A_833 : memref<80x16xf32, #tpu.memory_space<hbm>>) target_semaphore(%arg16 : memref<!tpu.dma_semaphore, #tpu.memory_space<semaphore_mem>>)
      %add3A_838 = arith.constant 5 : i32
      %add3A_839 = arith.addi %add3A_748, %add3A_838 : i32
      %sub3A_840 = arith.constant 1 : i32
      %sub3A_841 = arith.subi %add3A_839, %sub3A_840 : i32
      %dma_start3A_842 = arith.constant 0 : i32
      %dma_start3A_843 = arith.constant 0 : i32
      %dma_start3A_844 = arith.constant 0 : i32
      %dma_start3A_845 = tpu.memref_slice %arg10[%dma_start3A_842, %dma_start3A_843, %dma_start3A_844] : memref<5x80x16xf32, #tpu.memory_space<vmem>> -> memref<1x80x16xf32, #tpu.memory_space<vmem>>
      %dma_start3A_846 = tpu.memref_squeeze %dma_start3A_845 : memref<1x80x16xf32, #tpu.memory_space<vmem>> -> memref<80x16xf32, #tpu.memory_space<vmem>>
      %dma_start3A_847 = arith.constant 0 : i32
      %dma_start3A_848 = tpu.memref_slice %arg8[%sub3A_841, %dma_start3A_847] : memref<130x80xi32, #tpu.memory_space<vmem>> -> memref<1x80xi32, #tpu.memory_space<vmem>>
      %dma_start3A_849 = tpu.memref_squeeze %dma_start3A_848 : memref<1x80xi32, #tpu.memory_space<vmem>> -> memref<80xi32, #tpu.memory_space<vmem>>
      %dma_start3A_850 = arith.constant 0 : i32
      %dma_start3A_851 = arith.constant 0 : i32
      %dma_start3A_852 = tpu.memref_slice %arg12[%dma_start3A_850, %dma_start3A_851] : memref<10240x16xf32, #tpu.memory_space<vmem_shared>> -> memref<10240x16xf32, #tpu.memory_space<vmem_shared>>
      tpu.enqueue_indirect_dma source(%dma_start3A_852 : memref<10240x16xf32, #tpu.memory_space<vmem_shared>>) target(%dma_start3A_846 : memref<80x16xf32, #tpu.memory_space<vmem>>) offsets(%dma_start3A_849 : memref<80xi32, #tpu.memory_space<vmem>>) semaphore(%arg14 : memref<!tpu.dma_semaphore, #tpu.memory_space<semaphore_mem>>)
      %add3A_853 = arith.constant 5 : i32
      %add3A_854 = arith.addi %add3A_748, %add3A_853 : i32
      %sub3A_855 = arith.constant 1 : i32
      %sub3A_856 = arith.subi %add3A_854, %sub3A_855 : i32
      %dma_start3A_857 = arith.constant 0 : i32
      %dma_start3A_858 = arith.constant 0 : i32
      %dma_start3A_859 = arith.constant 0 : i32
      %dma_start3A_860 = tpu.memref_slice %arg11[%dma_start3A_857, %dma_start3A_858, %dma_start3A_859] : memref<5x80x16xf32, #tpu.memory_space<vmem>> -> memref<1x80x16xf32, #tpu.memory_space<vmem>>
      %dma_start3A_861 = tpu.memref_squeeze %dma_start3A_860 : memref<1x80x16xf32, #tpu.memory_space<vmem>> -> memref<80x16xf32, #tpu.memory_space<vmem>>
      %dma_start3A_862 = arith.constant 0 : i32
      %dma_start3A_863 = tpu.memref_slice %arg9[%sub3A_856, %dma_start3A_862] : memref<130x80xi32, #tpu.memory_space<vmem>> -> memref<1x80xi32, #tpu.memory_space<vmem>>
      %dma_start3A_864 = tpu.memref_squeeze %dma_start3A_863 : memref<1x80xi32, #tpu.memory_space<vmem>> -> memref<80xi32, #tpu.memory_space<vmem>>
      %dma_start3A_865 = arith.constant 0 : i32
      %dma_start3A_866 = arith.constant 0 : i32
      %dma_start3A_867 = tpu.memref_slice %arg13[%dma_start3A_865, %dma_start3A_866] : memref<10240x16xf32, #tpu.memory_space<vmem_shared>> -> memref<10240x16xf32, #tpu.memory_space<vmem_shared>>
      tpu.enqueue_indirect_dma source(%dma_start3A_867 : memref<10240x16xf32, #tpu.memory_space<vmem_shared>>) target(%dma_start3A_861 : memref<80x16xf32, #tpu.memory_space<vmem>>) offsets(%dma_start3A_864 : memref<80xi32, #tpu.memory_space<vmem>>) semaphore(%arg15 : memref<!tpu.dma_semaphore, #tpu.memory_space<semaphore_mem>>)
      %add3A_868 = arith.constant 2 : i32
      %add3A_869 = arith.addi %mul3A_654, %add3A_868 : i32
      %dma_wait3A_870 = arith.constant 1 : i32
      %dma_wait3A_871 = arith.constant 0 : i32
      %dma_wait3A_872 = arith.constant 0 : i32
      %dma_wait3A_873 = tpu.memref_slice %arg10[%dma_wait3A_870, %dma_wait3A_871, %dma_wait3A_872] : memref<5x80x16xf32, #tpu.memory_space<vmem>> -> memref<1x80x16xf32, #tpu.memory_space<vmem>>
      %dma_wait3A_874 = tpu.memref_squeeze %dma_wait3A_873 : memref<1x80x16xf32, #tpu.memory_space<vmem>> -> memref<80x16xf32, #tpu.memory_space<vmem>>
      %dma_wait3A_875 = arith.constant 0 : i32
      %dma_wait3A_876 = arith.constant 0 : i32
      %dma_wait3A_877 = tpu.memref_slice %arg2[%dma_wait3A_875, %dma_wait3A_876] : memref<10240x16xf32, #tpu.memory_space<hbm>> -> memref<80x16xf32, #tpu.memory_space<hbm>>
      %dma_wait3A_878 = arith.constant 0 : i32
      %dma_wait3A_879 = arith.constant 0 : i32
      %dma_wait3A_880 = tpu.memref_slice %arg10[%dma_wait3A_870, %dma_wait3A_878, %dma_wait3A_879] : memref<5x80x16xf32, #tpu.memory_space<vmem>> -> memref<1x80x16xf32, #tpu.memory_space<vmem>>
      %dma_wait3A_881 = tpu.memref_squeeze %dma_wait3A_880 : memref<1x80x16xf32, #tpu.memory_space<vmem>> -> memref<80x16xf32, #tpu.memory_space<vmem>>
      %dma_wait3A_882 = arith.constant 0 : i32
      %dma_wait3A_883 = arith.constant 0 : i32
      %dma_wait3A_884 = tpu.memref_slice %arg2[%dma_wait3A_882, %dma_wait3A_883] : memref<10240x16xf32, #tpu.memory_space<hbm>> -> memref<80x16xf32, #tpu.memory_space<hbm>>
      tpu.wait_dma2 semaphore(%arg16 : memref<!tpu.dma_semaphore, #tpu.memory_space<semaphore_mem>>) src(%dma_wait3A_884 : memref<80x16xf32, #tpu.memory_space<hbm>>) dst(%dma_wait3A_881 : memref<80x16xf32, #tpu.memory_space<vmem>>)
      %dma_wait3A_885 = arith.constant 1 : i32
      %dma_wait3A_886 = arith.constant 0 : i32
      %dma_wait3A_887 = arith.constant 0 : i32
      %dma_wait3A_888 = tpu.memref_slice %arg11[%dma_wait3A_885, %dma_wait3A_886, %dma_wait3A_887] : memref<5x80x16xf32, #tpu.memory_space<vmem>> -> memref<1x80x16xf32, #tpu.memory_space<vmem>>
      %dma_wait3A_889 = tpu.memref_squeeze %dma_wait3A_888 : memref<1x80x16xf32, #tpu.memory_space<vmem>> -> memref<80x16xf32, #tpu.memory_space<vmem>>
      %dma_wait3A_890 = arith.constant 0 : i32
      %dma_wait3A_891 = arith.constant 0 : i32
      %dma_wait3A_892 = tpu.memref_slice %arg2[%dma_wait3A_890, %dma_wait3A_891] : memref<10240x16xf32, #tpu.memory_space<hbm>> -> memref<80x16xf32, #tpu.memory_space<hbm>>
      %dma_wait3A_893 = arith.constant 0 : i32
      %dma_wait3A_894 = arith.constant 0 : i32
      %dma_wait3A_895 = tpu.memref_slice %arg11[%dma_wait3A_885, %dma_wait3A_893, %dma_wait3A_894] : memref<5x80x16xf32, #tpu.memory_space<vmem>> -> memref<1x80x16xf32, #tpu.memory_space<vmem>>
      %dma_wait3A_896 = tpu.memref_squeeze %dma_wait3A_895 : memref<1x80x16xf32, #tpu.memory_space<vmem>> -> memref<80x16xf32, #tpu.memory_space<vmem>>
      %dma_wait3A_897 = arith.constant 0 : i32
      %dma_wait3A_898 = arith.constant 0 : i32
      %dma_wait3A_899 = tpu.memref_slice %arg2[%dma_wait3A_897, %dma_wait3A_898] : memref<10240x16xf32, #tpu.memory_space<hbm>> -> memref<80x16xf32, #tpu.memory_space<hbm>>
      tpu.wait_dma2 semaphore(%arg16 : memref<!tpu.dma_semaphore, #tpu.memory_space<semaphore_mem>>) src(%dma_wait3A_899 : memref<80x16xf32, #tpu.memory_space<hbm>>) dst(%dma_wait3A_896 : memref<80x16xf32, #tpu.memory_space<vmem>>)
      %dma_wait3A_900 = arith.constant 2 : i32
      %dma_wait3A_901 = arith.constant 0 : i32
      %dma_wait3A_902 = arith.constant 0 : i32
      %dma_wait3A_903 = tpu.memref_slice %arg10[%dma_wait3A_900, %dma_wait3A_901, %dma_wait3A_902] : memref<5x80x16xf32, #tpu.memory_space<vmem>> -> memref<1x80x16xf32, #tpu.memory_space<vmem>>
      %dma_wait3A_904 = tpu.memref_squeeze %dma_wait3A_903 : memref<1x80x16xf32, #tpu.memory_space<vmem>> -> memref<80x16xf32, #tpu.memory_space<vmem>>
      %dma_wait3A_905 = arith.constant 0 : i32
      %dma_wait3A_906 = arith.constant 0 : i32
      %dma_wait3A_907 = tpu.memref_slice %arg2[%dma_wait3A_905, %dma_wait3A_906] : memref<10240x16xf32, #tpu.memory_space<hbm>> -> memref<80x16xf32, #tpu.memory_space<hbm>>
      %dma_wait3A_908 = arith.constant 0 : i32
      %dma_wait3A_909 = arith.constant 0 : i32
      %dma_wait3A_910 = tpu.memref_slice %arg10[%dma_wait3A_900, %dma_wait3A_908, %dma_wait3A_909] : memref<5x80x16xf32, #tpu.memory_space<vmem>> -> memref<1x80x16xf32, #tpu.memory_space<vmem>>
      %dma_wait3A_911 = tpu.memref_squeeze %dma_wait3A_910 : memref<1x80x16xf32, #tpu.memory_space<vmem>> -> memref<80x16xf32, #tpu.memory_space<vmem>>
      %dma_wait3A_912 = arith.constant 0 : i32
      %dma_wait3A_913 = arith.constant 0 : i32
      %dma_wait3A_914 = tpu.memref_slice %arg2[%dma_wait3A_912, %dma_wait3A_913] : memref<10240x16xf32, #tpu.memory_space<hbm>> -> memref<80x16xf32, #tpu.memory_space<hbm>>
      tpu.wait_dma2 semaphore(%arg14 : memref<!tpu.dma_semaphore, #tpu.memory_space<semaphore_mem>>) src(%dma_wait3A_914 : memref<80x16xf32, #tpu.memory_space<hbm>>) dst(%dma_wait3A_911 : memref<80x16xf32, #tpu.memory_space<vmem>>)
      %dma_wait3A_915 = arith.constant 2 : i32
      %dma_wait3A_916 = arith.constant 0 : i32
      %dma_wait3A_917 = arith.constant 0 : i32
      %dma_wait3A_918 = tpu.memref_slice %arg11[%dma_wait3A_915, %dma_wait3A_916, %dma_wait3A_917] : memref<5x80x16xf32, #tpu.memory_space<vmem>> -> memref<1x80x16xf32, #tpu.memory_space<vmem>>
      %dma_wait3A_919 = tpu.memref_squeeze %dma_wait3A_918 : memref<1x80x16xf32, #tpu.memory_space<vmem>> -> memref<80x16xf32, #tpu.memory_space<vmem>>
      %dma_wait3A_920 = arith.constant 0 : i32
      %dma_wait3A_921 = arith.constant 0 : i32
      %dma_wait3A_922 = tpu.memref_slice %arg2[%dma_wait3A_920, %dma_wait3A_921] : memref<10240x16xf32, #tpu.memory_space<hbm>> -> memref<80x16xf32, #tpu.memory_space<hbm>>
      %dma_wait3A_923 = arith.constant 0 : i32
      %dma_wait3A_924 = arith.constant 0 : i32
      %dma_wait3A_925 = tpu.memref_slice %arg11[%dma_wait3A_915, %dma_wait3A_923, %dma_wait3A_924] : memref<5x80x16xf32, #tpu.memory_space<vmem>> -> memref<1x80x16xf32, #tpu.memory_space<vmem>>
      %dma_wait3A_926 = tpu.memref_squeeze %dma_wait3A_925 : memref<1x80x16xf32, #tpu.memory_space<vmem>> -> memref<80x16xf32, #tpu.memory_space<vmem>>
      %dma_wait3A_927 = arith.constant 0 : i32
      %dma_wait3A_928 = arith.constant 0 : i32
      %dma_wait3A_929 = tpu.memref_slice %arg2[%dma_wait3A_927, %dma_wait3A_928] : memref<10240x16xf32, #tpu.memory_space<hbm>> -> memref<80x16xf32, #tpu.memory_space<hbm>>
      tpu.wait_dma2 semaphore(%arg15 : memref<!tpu.dma_semaphore, #tpu.memory_space<semaphore_mem>>) src(%dma_wait3A_929 : memref<80x16xf32, #tpu.memory_space<hbm>>) dst(%dma_wait3A_926 : memref<80x16xf32, #tpu.memory_space<vmem>>)
      %mul3A_930 = arith.constant 80 : i32
      %mul3A_931 = arith.muli %add3A_869, %mul3A_930 : i32
      %add3A_932 = arith.addi %mul3A_400, %mul3A_931 : i32
      %dma_start3A_933 = arith.constant 2 : i32
      %dma_start3A_934 = arith.constant 0 : i32
      %dma_start3A_935 = arith.constant 0 : i32
      %dma_start3A_936 = tpu.memref_slice %arg10[%dma_start3A_933, %dma_start3A_934, %dma_start3A_935] : memref<5x80x16xf32, #tpu.memory_space<vmem>> -> memref<1x80x16xf32, #tpu.memory_space<vmem>>
      %dma_start3A_937 = tpu.memref_squeeze %dma_start3A_936 : memref<1x80x16xf32, #tpu.memory_space<vmem>> -> memref<80x16xf32, #tpu.memory_space<vmem>>
      %dma_start3A_938 = arith.constant 0 : i32
      %dma_start3A_939 = tpu.memref_slice %arg6[%add3A_932, %dma_start3A_938] : memref<320000x16xf32, #tpu.memory_space<hbm>> -> memref<80x16xf32, #tpu.memory_space<hbm>>
      %dma_start3A_940 = arith.constant 0 : i32
      %dma_start3A_941 = tpu.memref_slice %arg6[%add3A_932, %dma_start3A_940] : memref<320000x16xf32, #tpu.memory_space<hbm>> -> memref<80x16xf32, #tpu.memory_space<hbm>>
      %dma_start3A_942 = arith.constant 0 : i32
      %dma_start3A_943 = arith.constant 0 : i32
      %dma_start3A_944 = tpu.memref_slice %arg10[%dma_start3A_933, %dma_start3A_942, %dma_start3A_943] : memref<5x80x16xf32, #tpu.memory_space<vmem>> -> memref<1x80x16xf32, #tpu.memory_space<vmem>>
      %dma_start3A_945 = tpu.memref_squeeze %dma_start3A_944 : memref<1x80x16xf32, #tpu.memory_space<vmem>> -> memref<80x16xf32, #tpu.memory_space<vmem>>
      tpu.enqueue_dma source(%dma_start3A_945 : memref<80x16xf32, #tpu.memory_space<vmem>>) target(%dma_start3A_941 : memref<80x16xf32, #tpu.memory_space<hbm>>) target_semaphore(%arg16 : memref<!tpu.dma_semaphore, #tpu.memory_space<semaphore_mem>>)
      %dma_start3A_946 = arith.constant 2 : i32
      %dma_start3A_947 = arith.constant 0 : i32
      %dma_start3A_948 = arith.constant 0 : i32
      %dma_start3A_949 = tpu.memref_slice %arg11[%dma_start3A_946, %dma_start3A_947, %dma_start3A_948] : memref<5x80x16xf32, #tpu.memory_space<vmem>> -> memref<1x80x16xf32, #tpu.memory_space<vmem>>
      %dma_start3A_950 = tpu.memref_squeeze %dma_start3A_949 : memref<1x80x16xf32, #tpu.memory_space<vmem>> -> memref<80x16xf32, #tpu.memory_space<vmem>>
      %dma_start3A_951 = arith.constant 0 : i32
      %dma_start3A_952 = tpu.memref_slice %arg7[%add3A_932, %dma_start3A_951] : memref<320000x16xf32, #tpu.memory_space<hbm>> -> memref<80x16xf32, #tpu.memory_space<hbm>>
      %dma_start3A_953 = arith.constant 0 : i32
      %dma_start3A_954 = tpu.memref_slice %arg7[%add3A_932, %dma_start3A_953] : memref<320000x16xf32, #tpu.memory_space<hbm>> -> memref<80x16xf32, #tpu.memory_space<hbm>>
      %dma_start3A_955 = arith.constant 0 : i32
      %dma_start3A_956 = arith.constant 0 : i32
      %dma_start3A_957 = tpu.memref_slice %arg11[%dma_start3A_946, %dma_start3A_955, %dma_start3A_956] : memref<5x80x16xf32, #tpu.memory_space<vmem>> -> memref<1x80x16xf32, #tpu.memory_space<vmem>>
      %dma_start3A_958 = tpu.memref_squeeze %dma_start3A_957 : memref<1x80x16xf32, #tpu.memory_space<vmem>> -> memref<80x16xf32, #tpu.memory_space<vmem>>
      tpu.enqueue_dma source(%dma_start3A_958 : memref<80x16xf32, #tpu.memory_space<vmem>>) target(%dma_start3A_954 : memref<80x16xf32, #tpu.memory_space<hbm>>) target_semaphore(%arg16 : memref<!tpu.dma_semaphore, #tpu.memory_space<semaphore_mem>>)
      %add3A_959 = arith.constant 5 : i32
      %add3A_960 = arith.addi %add3A_869, %add3A_959 : i32
      %sub3A_961 = arith.constant 1 : i32
      %sub3A_962 = arith.subi %add3A_960, %sub3A_961 : i32
      %dma_start3A_963 = arith.constant 1 : i32
      %dma_start3A_964 = arith.constant 0 : i32
      %dma_start3A_965 = arith.constant 0 : i32
      %dma_start3A_966 = tpu.memref_slice %arg10[%dma_start3A_963, %dma_start3A_964, %dma_start3A_965] : memref<5x80x16xf32, #tpu.memory_space<vmem>> -> memref<1x80x16xf32, #tpu.memory_space<vmem>>
      %dma_start3A_967 = tpu.memref_squeeze %dma_start3A_966 : memref<1x80x16xf32, #tpu.memory_space<vmem>> -> memref<80x16xf32, #tpu.memory_space<vmem>>
      %dma_start3A_968 = arith.constant 0 : i32
      %dma_start3A_969 = tpu.memref_slice %arg8[%sub3A_962, %dma_start3A_968] : memref<130x80xi32, #tpu.memory_space<vmem>> -> memref<1x80xi32, #tpu.memory_space<vmem>>
      %dma_start3A_970 = tpu.memref_squeeze %dma_start3A_969 : memref<1x80xi32, #tpu.memory_space<vmem>> -> memref<80xi32, #tpu.memory_space<vmem>>
      %dma_start3A_971 = arith.constant 0 : i32
      %dma_start3A_972 = arith.constant 0 : i32
      %dma_start3A_973 = tpu.memref_slice %arg12[%dma_start3A_971, %dma_start3A_972] : memref<10240x16xf32, #tpu.memory_space<vmem_shared>> -> memref<10240x16xf32, #tpu.memory_space<vmem_shared>>
      tpu.enqueue_indirect_dma source(%dma_start3A_973 : memref<10240x16xf32, #tpu.memory_space<vmem_shared>>) target(%dma_start3A_967 : memref<80x16xf32, #tpu.memory_space<vmem>>) offsets(%dma_start3A_970 : memref<80xi32, #tpu.memory_space<vmem>>) semaphore(%arg14 : memref<!tpu.dma_semaphore, #tpu.memory_space<semaphore_mem>>)
      %add3A_974 = arith.constant 5 : i32
      %add3A_975 = arith.addi %add3A_869, %add3A_974 : i32
      %sub3A_976 = arith.constant 1 : i32
      %sub3A_977 = arith.subi %add3A_975, %sub3A_976 : i32
      %dma_start3A_978 = arith.constant 1 : i32
      %dma_start3A_979 = arith.constant 0 : i32
      %dma_start3A_980 = arith.constant 0 : i32
      %dma_start3A_981 = tpu.memref_slice %arg11[%dma_start3A_978, %dma_start3A_979, %dma_start3A_980] : memref<5x80x16xf32, #tpu.memory_space<vmem>> -> memref<1x80x16xf32, #tpu.memory_space<vmem>>
      %dma_start3A_982 = tpu.memref_squeeze %dma_start3A_981 : memref<1x80x16xf32, #tpu.memory_space<vmem>> -> memref<80x16xf32, #tpu.memory_space<vmem>>
      %dma_start3A_983 = arith.constant 0 : i32
      %dma_start3A_984 = tpu.memref_slice %arg9[%sub3A_977, %dma_start3A_983] : memref<130x80xi32, #tpu.memory_space<vmem>> -> memref<1x80xi32, #tpu.memory_space<vmem>>
      %dma_start3A_985 = tpu.memref_squeeze %dma_start3A_984 : memref<1x80xi32, #tpu.memory_space<vmem>> -> memref<80xi32, #tpu.memory_space<vmem>>
      %dma_start3A_986 = arith.constant 0 : i32
      %dma_start3A_987 = arith.constant 0 : i32
      %dma_start3A_988 = tpu.memref_slice %arg13[%dma_start3A_986, %dma_start3A_987] : memref<10240x16xf32, #tpu.memory_space<vmem_shared>> -> memref<10240x16xf32, #tpu.memory_space<vmem_shared>>
      tpu.enqueue_indirect_dma source(%dma_start3A_988 : memref<10240x16xf32, #tpu.memory_space<vmem_shared>>) target(%dma_start3A_982 : memref<80x16xf32, #tpu.memory_space<vmem>>) offsets(%dma_start3A_985 : memref<80xi32, #tpu.memory_space<vmem>>) semaphore(%arg15 : memref<!tpu.dma_semaphore, #tpu.memory_space<semaphore_mem>>)
      %add3A_989 = arith.constant 3 : i32
      %add3A_990 = arith.addi %mul3A_654, %add3A_989 : i32
      %dma_wait3A_991 = arith.constant 2 : i32
      %dma_wait3A_992 = arith.constant 0 : i32
      %dma_wait3A_993 = arith.constant 0 : i32
      %dma_wait3A_994 = tpu.memref_slice %arg10[%dma_wait3A_991, %dma_wait3A_992, %dma_wait3A_993] : memref<5x80x16xf32, #tpu.memory_space<vmem>> -> memref<1x80x16xf32, #tpu.memory_space<vmem>>
      %dma_wait3A_995 = tpu.memref_squeeze %dma_wait3A_994 : memref<1x80x16xf32, #tpu.memory_space<vmem>> -> memref<80x16xf32, #tpu.memory_space<vmem>>
      %dma_wait3A_996 = arith.constant 0 : i32
      %dma_wait3A_997 = arith.constant 0 : i32
      %dma_wait3A_998 = tpu.memref_slice %arg2[%dma_wait3A_996, %dma_wait3A_997] : memref<10240x16xf32, #tpu.memory_space<hbm>> -> memref<80x16xf32, #tpu.memory_space<hbm>>
      %dma_wait3A_999 = arith.constant 0 : i32
      %dma_wait3A_1000 = arith.constant 0 : i32
      %dma_wait3A_1001 = tpu.memref_slice %arg10[%dma_wait3A_991, %dma_wait3A_999, %dma_wait3A_1000] : memref<5x80x16xf32, #tpu.memory_space<vmem>> -> memref<1x80x16xf32, #tpu.memory_space<vmem>>
      %dma_wait3A_1002 = tpu.memref_squeeze %dma_wait3A_1001 : memref<1x80x16xf32, #tpu.memory_space<vmem>> -> memref<80x16xf32, #tpu.memory_space<vmem>>
      %dma_wait3A_1003 = arith.constant 0 : i32
      %dma_wait3A_1004 = arith.constant 0 : i32
      %dma_wait3A_1005 = tpu.memref_slice %arg2[%dma_wait3A_1003, %dma_wait3A_1004] : memref<10240x16xf32, #tpu.memory_space<hbm>> -> memref<80x16xf32, #tpu.memory_space<hbm>>
      tpu.wait_dma2 semaphore(%arg16 : memref<!tpu.dma_semaphore, #tpu.memory_space<semaphore_mem>>) src(%dma_wait3A_1005 : memref<80x16xf32, #tpu.memory_space<hbm>>) dst(%dma_wait3A_1002 : memref<80x16xf32, #tpu.memory_space<vmem>>)
      %dma_wait3A_1006 = arith.constant 2 : i32
      %dma_wait3A_1007 = arith.constant 0 : i32
      %dma_wait3A_1008 = arith.constant 0 : i32
      %dma_wait3A_1009 = tpu.memref_slice %arg11[%dma_wait3A_1006, %dma_wait3A_1007, %dma_wait3A_1008] : memref<5x80x16xf32, #tpu.memory_space<vmem>> -> memref<1x80x16xf32, #tpu.memory_space<vmem>>
      %dma_wait3A_1010 = tpu.memref_squeeze %dma_wait3A_1009 : memref<1x80x16xf32, #tpu.memory_space<vmem>> -> memref<80x16xf32, #tpu.memory_space<vmem>>
      %dma_wait3A_1011 = arith.constant 0 : i32
      %dma_wait3A_1012 = arith.constant 0 : i32
      %dma_wait3A_1013 = tpu.memref_slice %arg2[%dma_wait3A_1011, %dma_wait3A_1012] : memref<10240x16xf32, #tpu.memory_space<hbm>> -> memref<80x16xf32, #tpu.memory_space<hbm>>
      %dma_wait3A_1014 = arith.constant 0 : i32
      %dma_wait3A_1015 = arith.constant 0 : i32
      %dma_wait3A_1016 = tpu.memref_slice %arg11[%dma_wait3A_1006, %dma_wait3A_1014, %dma_wait3A_1015] : memref<5x80x16xf32, #tpu.memory_space<vmem>> -> memref<1x80x16xf32, #tpu.memory_space<vmem>>
      %dma_wait3A_1017 = tpu.memref_squeeze %dma_wait3A_1016 : memref<1x80x16xf32, #tpu.memory_space<vmem>> -> memref<80x16xf32, #tpu.memory_space<vmem>>
      %dma_wait3A_1018 = arith.constant 0 : i32
      %dma_wait3A_1019 = arith.constant 0 : i32
      %dma_wait3A_1020 = tpu.memref_slice %arg2[%dma_wait3A_1018, %dma_wait3A_1019] : memref<10240x16xf32, #tpu.memory_space<hbm>> -> memref<80x16xf32, #tpu.memory_space<hbm>>
      tpu.wait_dma2 semaphore(%arg16 : memref<!tpu.dma_semaphore, #tpu.memory_space<semaphore_mem>>) src(%dma_wait3A_1020 : memref<80x16xf32, #tpu.memory_space<hbm>>) dst(%dma_wait3A_1017 : memref<80x16xf32, #tpu.memory_space<vmem>>)
      %dma_wait3A_1021 = arith.constant 3 : i32
      %dma_wait3A_1022 = arith.constant 0 : i32
      %dma_wait3A_1023 = arith.constant 0 : i32
      %dma_wait3A_1024 = tpu.memref_slice %arg10[%dma_wait3A_1021, %dma_wait3A_1022, %dma_wait3A_1023] : memref<5x80x16xf32, #tpu.memory_space<vmem>> -> memref<1x80x16xf32, #tpu.memory_space<vmem>>
      %dma_wait3A_1025 = tpu.memref_squeeze %dma_wait3A_1024 : memref<1x80x16xf32, #tpu.memory_space<vmem>> -> memref<80x16xf32, #tpu.memory_space<vmem>>
      %dma_wait3A_1026 = arith.constant 0 : i32
      %dma_wait3A_1027 = arith.constant 0 : i32
      %dma_wait3A_1028 = tpu.memref_slice %arg2[%dma_wait3A_1026, %dma_wait3A_1027] : memref<10240x16xf32, #tpu.memory_space<hbm>> -> memref<80x16xf32, #tpu.memory_space<hbm>>
      %dma_wait3A_1029 = arith.constant 0 : i32
      %dma_wait3A_1030 = arith.constant 0 : i32
      %dma_wait3A_1031 = tpu.memref_slice %arg10[%dma_wait3A_1021, %dma_wait3A_1029, %dma_wait3A_1030] : memref<5x80x16xf32, #tpu.memory_space<vmem>> -> memref<1x80x16xf32, #tpu.memory_space<vmem>>
      %dma_wait3A_1032 = tpu.memref_squeeze %dma_wait3A_1031 : memref<1x80x16xf32, #tpu.memory_space<vmem>> -> memref<80x16xf32, #tpu.memory_space<vmem>>
      %dma_wait3A_1033 = arith.constant 0 : i32
      %dma_wait3A_1034 = arith.constant 0 : i32
      %dma_wait3A_1035 = tpu.memref_slice %arg2[%dma_wait3A_1033, %dma_wait3A_1034] : memref<10240x16xf32, #tpu.memory_space<hbm>> -> memref<80x16xf32, #tpu.memory_space<hbm>>
      tpu.wait_dma2 semaphore(%arg14 : memref<!tpu.dma_semaphore, #tpu.memory_space<semaphore_mem>>) src(%dma_wait3A_1035 : memref<80x16xf32, #tpu.memory_space<hbm>>) dst(%dma_wait3A_1032 : memref<80x16xf32, #tpu.memory_space<vmem>>)
      %dma_wait3A_1036 = arith.constant 3 : i32
      %dma_wait3A_1037 = arith.constant 0 : i32
      %dma_wait3A_1038 = arith.constant 0 : i32
      %dma_wait3A_1039 = tpu.memref_slice %arg11[%dma_wait3A_1036, %dma_wait3A_1037, %dma_wait3A_1038] : memref<5x80x16xf32, #tpu.memory_space<vmem>> -> memref<1x80x16xf32, #tpu.memory_space<vmem>>
      %dma_wait3A_1040 = tpu.memref_squeeze %dma_wait3A_1039 : memref<1x80x16xf32, #tpu.memory_space<vmem>> -> memref<80x16xf32, #tpu.memory_space<vmem>>
      %dma_wait3A_1041 = arith.constant 0 : i32
      %dma_wait3A_1042 = arith.constant 0 : i32
      %dma_wait3A_1043 = tpu.memref_slice %arg2[%dma_wait3A_1041, %dma_wait3A_1042] : memref<10240x16xf32, #tpu.memory_space<hbm>> -> memref<80x16xf32, #tpu.memory_space<hbm>>
      %dma_wait3A_1044 = arith.constant 0 : i32
      %dma_wait3A_1045 = arith.constant 0 : i32
      %dma_wait3A_1046 = tpu.memref_slice %arg11[%dma_wait3A_1036, %dma_wait3A_1044, %dma_wait3A_1045] : memref<5x80x16xf32, #tpu.memory_space<vmem>> -> memref<1x80x16xf32, #tpu.memory_space<vmem>>
      %dma_wait3A_1047 = tpu.memref_squeeze %dma_wait3A_1046 : memref<1x80x16xf32, #tpu.memory_space<vmem>> -> memref<80x16xf32, #tpu.memory_space<vmem>>
      %dma_wait3A_1048 = arith.constant 0 : i32
      %dma_wait3A_1049 = arith.constant 0 : i32
      %dma_wait3A_1050 = tpu.memref_slice %arg2[%dma_wait3A_1048, %dma_wait3A_1049] : memref<10240x16xf32, #tpu.memory_space<hbm>> -> memref<80x16xf32, #tpu.memory_space<hbm>>
      tpu.wait_dma2 semaphore(%arg15 : memref<!tpu.dma_semaphore, #tpu.memory_space<semaphore_mem>>) src(%dma_wait3A_1050 : memref<80x16xf32, #tpu.memory_space<hbm>>) dst(%dma_wait3A_1047 : memref<80x16xf32, #tpu.memory_space<vmem>>)
      %mul3A_1051 = arith.constant 80 : i32
      %mul3A_1052 = arith.muli %add3A_990, %mul3A_1051 : i32
      %add3A_1053 = arith.addi %mul3A_400, %mul3A_1052 : i32
      %dma_start3A_1054 = arith.constant 3 : i32
      %dma_start3A_1055 = arith.constant 0 : i32
      %dma_start3A_1056 = arith.constant 0 : i32
      %dma_start3A_1057 = tpu.memref_slice %arg10[%dma_start3A_1054, %dma_start3A_1055, %dma_start3A_1056] : memref<5x80x16xf32, #tpu.memory_space<vmem>> -> memref<1x80x16xf32, #tpu.memory_space<vmem>>
      %dma_start3A_1058 = tpu.memref_squeeze %dma_start3A_1057 : memref<1x80x16xf32, #tpu.memory_space<vmem>> -> memref<80x16xf32, #tpu.memory_space<vmem>>
      %dma_start3A_1059 = arith.constant 0 : i32
      %dma_start3A_1060 = tpu.memref_slice %arg6[%add3A_1053, %dma_start3A_1059] : memref<320000x16xf32, #tpu.memory_space<hbm>> -> memref<80x16xf32, #tpu.memory_space<hbm>>
      %dma_start3A_1061 = arith.constant 0 : i32
      %dma_start3A_1062 = tpu.memref_slice %arg6[%add3A_1053, %dma_start3A_1061] : memref<320000x16xf32, #tpu.memory_space<hbm>> -> memref<80x16xf32, #tpu.memory_space<hbm>>
      %dma_start3A_1063 = arith.constant 0 : i32
      %dma_start3A_1064 = arith.constant 0 : i32
      %dma_start3A_1065 = tpu.memref_slice %arg10[%dma_start3A_1054, %dma_start3A_1063, %dma_start3A_1064] : memref<5x80x16xf32, #tpu.memory_space<vmem>> -> memref<1x80x16xf32, #tpu.memory_space<vmem>>
      %dma_start3A_1066 = tpu.memref_squeeze %dma_start3A_1065 : memref<1x80x16xf32, #tpu.memory_space<vmem>> -> memref<80x16xf32, #tpu.memory_space<vmem>>
      tpu.enqueue_dma source(%dma_start3A_1066 : memref<80x16xf32, #tpu.memory_space<vmem>>) target(%dma_start3A_1062 : memref<80x16xf32, #tpu.memory_space<hbm>>) target_semaphore(%arg16 : memref<!tpu.dma_semaphore, #tpu.memory_space<semaphore_mem>>)
      %dma_start3A_1067 = arith.constant 3 : i32
      %dma_start3A_1068 = arith.constant 0 : i32
      %dma_start3A_1069 = arith.constant 0 : i32
      %dma_start3A_1070 = tpu.memref_slice %arg11[%dma_start3A_1067, %dma_start3A_1068, %dma_start3A_1069] : memref<5x80x16xf32, #tpu.memory_space<vmem>> -> memref<1x80x16xf32, #tpu.memory_space<vmem>>
      %dma_start3A_1071 = tpu.memref_squeeze %dma_start3A_1070 : memref<1x80x16xf32, #tpu.memory_space<vmem>> -> memref<80x16xf32, #tpu.memory_space<vmem>>
      %dma_start3A_1072 = arith.constant 0 : i32
      %dma_start3A_1073 = tpu.memref_slice %arg7[%add3A_1053, %dma_start3A_1072] : memref<320000x16xf32, #tpu.memory_space<hbm>> -> memref<80x16xf32, #tpu.memory_space<hbm>>
      %dma_start3A_1074 = arith.constant 0 : i32
      %dma_start3A_1075 = tpu.memref_slice %arg7[%add3A_1053, %dma_start3A_1074] : memref<320000x16xf32, #tpu.memory_space<hbm>> -> memref<80x16xf32, #tpu.memory_space<hbm>>
      %dma_start3A_1076 = arith.constant 0 : i32
      %dma_start3A_1077 = arith.constant 0 : i32
      %dma_start3A_1078 = tpu.memref_slice %arg11[%dma_start3A_1067, %dma_start3A_1076, %dma_start3A_1077] : memref<5x80x16xf32, #tpu.memory_space<vmem>> -> memref<1x80x16xf32, #tpu.memory_space<vmem>>
      %dma_start3A_1079 = tpu.memref_squeeze %dma_start3A_1078 : memref<1x80x16xf32, #tpu.memory_space<vmem>> -> memref<80x16xf32, #tpu.memory_space<vmem>>
      tpu.enqueue_dma source(%dma_start3A_1079 : memref<80x16xf32, #tpu.memory_space<vmem>>) target(%dma_start3A_1075 : memref<80x16xf32, #tpu.memory_space<hbm>>) target_semaphore(%arg16 : memref<!tpu.dma_semaphore, #tpu.memory_space<semaphore_mem>>)
      %add3A_1080 = arith.constant 5 : i32
      %add3A_1081 = arith.addi %add3A_990, %add3A_1080 : i32
      %sub3A_1082 = arith.constant 1 : i32
      %sub3A_1083 = arith.subi %add3A_1081, %sub3A_1082 : i32
      %dma_start3A_1084 = arith.constant 2 : i32
      %dma_start3A_1085 = arith.constant 0 : i32
      %dma_start3A_1086 = arith.constant 0 : i32
      %dma_start3A_1087 = tpu.memref_slice %arg10[%dma_start3A_1084, %dma_start3A_1085, %dma_start3A_1086] : memref<5x80x16xf32, #tpu.memory_space<vmem>> -> memref<1x80x16xf32, #tpu.memory_space<vmem>>
      %dma_start3A_1088 = tpu.memref_squeeze %dma_start3A_1087 : memref<1x80x16xf32, #tpu.memory_space<vmem>> -> memref<80x16xf32, #tpu.memory_space<vmem>>
      %dma_start3A_1089 = arith.constant 0 : i32
      %dma_start3A_1090 = tpu.memref_slice %arg8[%sub3A_1083, %dma_start3A_1089] : memref<130x80xi32, #tpu.memory_space<vmem>> -> memref<1x80xi32, #tpu.memory_space<vmem>>
      %dma_start3A_1091 = tpu.memref_squeeze %dma_start3A_1090 : memref<1x80xi32, #tpu.memory_space<vmem>> -> memref<80xi32, #tpu.memory_space<vmem>>
      %dma_start3A_1092 = arith.constant 0 : i32
      %dma_start3A_1093 = arith.constant 0 : i32
      %dma_start3A_1094 = tpu.memref_slice %arg12[%dma_start3A_1092, %dma_start3A_1093] : memref<10240x16xf32, #tpu.memory_space<vmem_shared>> -> memref<10240x16xf32, #tpu.memory_space<vmem_shared>>
      tpu.enqueue_indirect_dma source(%dma_start3A_1094 : memref<10240x16xf32, #tpu.memory_space<vmem_shared>>) target(%dma_start3A_1088 : memref<80x16xf32, #tpu.memory_space<vmem>>) offsets(%dma_start3A_1091 : memref<80xi32, #tpu.memory_space<vmem>>) semaphore(%arg14 : memref<!tpu.dma_semaphore, #tpu.memory_space<semaphore_mem>>)
      %add3A_1095 = arith.constant 5 : i32
      %add3A_1096 = arith.addi %add3A_990, %add3A_1095 : i32
      %sub3A_1097 = arith.constant 1 : i32
      %sub3A_1098 = arith.subi %add3A_1096, %sub3A_1097 : i32
      %dma_start3A_1099 = arith.constant 2 : i32
      %dma_start3A_1100 = arith.constant 0 : i32
      %dma_start3A_1101 = arith.constant 0 : i32
      %dma_start3A_1102 = tpu.memref_slice %arg11[%dma_start3A_1099, %dma_start3A_1100, %dma_start3A_1101] : memref<5x80x16xf32, #tpu.memory_space<vmem>> -> memref<1x80x16xf32, #tpu.memory_space<vmem>>
      %dma_start3A_1103 = tpu.memref_squeeze %dma_start3A_1102 : memref<1x80x16xf32, #tpu.memory_space<vmem>> -> memref<80x16xf32, #tpu.memory_space<vmem>>
      %dma_start3A_1104 = arith.constant 0 : i32
      %dma_start3A_1105 = tpu.memref_slice %arg9[%sub3A_1098, %dma_start3A_1104] : memref<130x80xi32, #tpu.memory_space<vmem>> -> memref<1x80xi32, #tpu.memory_space<vmem>>
      %dma_start3A_1106 = tpu.memref_squeeze %dma_start3A_1105 : memref<1x80xi32, #tpu.memory_space<vmem>> -> memref<80xi32, #tpu.memory_space<vmem>>
      %dma_start3A_1107 = arith.constant 0 : i32
      %dma_start3A_1108 = arith.constant 0 : i32
      %dma_start3A_1109 = tpu.memref_slice %arg13[%dma_start3A_1107, %dma_start3A_1108] : memref<10240x16xf32, #tpu.memory_space<vmem_shared>> -> memref<10240x16xf32, #tpu.memory_space<vmem_shared>>
      tpu.enqueue_indirect_dma source(%dma_start3A_1109 : memref<10240x16xf32, #tpu.memory_space<vmem_shared>>) target(%dma_start3A_1103 : memref<80x16xf32, #tpu.memory_space<vmem>>) offsets(%dma_start3A_1106 : memref<80xi32, #tpu.memory_space<vmem>>) semaphore(%arg15 : memref<!tpu.dma_semaphore, #tpu.memory_space<semaphore_mem>>)
      %add3A_1110 = arith.constant 4 : i32
      %add3A_1111 = arith.addi %mul3A_654, %add3A_1110 : i32
      %dma_wait3A_1112 = arith.constant 3 : i32
      %dma_wait3A_1113 = arith.constant 0 : i32
      %dma_wait3A_1114 = arith.constant 0 : i32
      %dma_wait3A_1115 = tpu.memref_slice %arg10[%dma_wait3A_1112, %dma_wait3A_1113, %dma_wait3A_1114] : memref<5x80x16xf32, #tpu.memory_space<vmem>> -> memref<1x80x16xf32, #tpu.memory_space<vmem>>
      %dma_wait3A_1116 = tpu.memref_squeeze %dma_wait3A_1115 : memref<1x80x16xf32, #tpu.memory_space<vmem>> -> memref<80x16xf32, #tpu.memory_space<vmem>>
      %dma_wait3A_1117 = arith.constant 0 : i32
      %dma_wait3A_1118 = arith.constant 0 : i32
      %dma_wait3A_1119 = tpu.memref_slice %arg2[%dma_wait3A_1117, %dma_wait3A_1118] : memref<10240x16xf32, #tpu.memory_space<hbm>> -> memref<80x16xf32, #tpu.memory_space<hbm>>
      %dma_wait3A_1120 = arith.constant 0 : i32
      %dma_wait3A_1121 = arith.constant 0 : i32
      %dma_wait3A_1122 = tpu.memref_slice %arg10[%dma_wait3A_1112, %dma_wait3A_1120, %dma_wait3A_1121] : memref<5x80x16xf32, #tpu.memory_space<vmem>> -> memref<1x80x16xf32, #tpu.memory_space<vmem>>
      %dma_wait3A_1123 = tpu.memref_squeeze %dma_wait3A_1122 : memref<1x80x16xf32, #tpu.memory_space<vmem>> -> memref<80x16xf32, #tpu.memory_space<vmem>>
      %dma_wait3A_1124 = arith.constant 0 : i32
      %dma_wait3A_1125 = arith.constant 0 : i32
      %dma_wait3A_1126 = tpu.memref_slice %arg2[%dma_wait3A_1124, %dma_wait3A_1125] : memref<10240x16xf32, #tpu.memory_space<hbm>> -> memref<80x16xf32, #tpu.memory_space<hbm>>
      tpu.wait_dma2 semaphore(%arg16 : memref<!tpu.dma_semaphore, #tpu.memory_space<semaphore_mem>>) src(%dma_wait3A_1126 : memref<80x16xf32, #tpu.memory_space<hbm>>) dst(%dma_wait3A_1123 : memref<80x16xf32, #tpu.memory_space<vmem>>)
      %dma_wait3A_1127 = arith.constant 3 : i32
      %dma_wait3A_1128 = arith.constant 0 : i32
      %dma_wait3A_1129 = arith.constant 0 : i32
      %dma_wait3A_1130 = tpu.memref_slice %arg11[%dma_wait3A_1127, %dma_wait3A_1128, %dma_wait3A_1129] : memref<5x80x16xf32, #tpu.memory_space<vmem>> -> memref<1x80x16xf32, #tpu.memory_space<vmem>>
      %dma_wait3A_1131 = tpu.memref_squeeze %dma_wait3A_1130 : memref<1x80x16xf32, #tpu.memory_space<vmem>> -> memref<80x16xf32, #tpu.memory_space<vmem>>
      %dma_wait3A_1132 = arith.constant 0 : i32
      %dma_wait3A_1133 = arith.constant 0 : i32
      %dma_wait3A_1134 = tpu.memref_slice %arg2[%dma_wait3A_1132, %dma_wait3A_1133] : memref<10240x16xf32, #tpu.memory_space<hbm>> -> memref<80x16xf32, #tpu.memory_space<hbm>>
      %dma_wait3A_1135 = arith.constant 0 : i32
      %dma_wait3A_1136 = arith.constant 0 : i32
      %dma_wait3A_1137 = tpu.memref_slice %arg11[%dma_wait3A_1127, %dma_wait3A_1135, %dma_wait3A_1136] : memref<5x80x16xf32, #tpu.memory_space<vmem>> -> memref<1x80x16xf32, #tpu.memory_space<vmem>>
      %dma_wait3A_1138 = tpu.memref_squeeze %dma_wait3A_1137 : memref<1x80x16xf32, #tpu.memory_space<vmem>> -> memref<80x16xf32, #tpu.memory_space<vmem>>
      %dma_wait3A_1139 = arith.constant 0 : i32
      %dma_wait3A_1140 = arith.constant 0 : i32
      %dma_wait3A_1141 = tpu.memref_slice %arg2[%dma_wait3A_1139, %dma_wait3A_1140] : memref<10240x16xf32, #tpu.memory_space<hbm>> -> memref<80x16xf32, #tpu.memory_space<hbm>>
      tpu.wait_dma2 semaphore(%arg16 : memref<!tpu.dma_semaphore, #tpu.memory_space<semaphore_mem>>) src(%dma_wait3A_1141 : memref<80x16xf32, #tpu.memory_space<hbm>>) dst(%dma_wait3A_1138 : memref<80x16xf32, #tpu.memory_space<vmem>>)
      %dma_wait3A_1142 = arith.constant 4 : i32
      %dma_wait3A_1143 = arith.constant 0 : i32
      %dma_wait3A_1144 = arith.constant 0 : i32
      %dma_wait3A_1145 = tpu.memref_slice %arg10[%dma_wait3A_1142, %dma_wait3A_1143, %dma_wait3A_1144] : memref<5x80x16xf32, #tpu.memory_space<vmem>> -> memref<1x80x16xf32, #tpu.memory_space<vmem>>
      %dma_wait3A_1146 = tpu.memref_squeeze %dma_wait3A_1145 : memref<1x80x16xf32, #tpu.memory_space<vmem>> -> memref<80x16xf32, #tpu.memory_space<vmem>>
      %dma_wait3A_1147 = arith.constant 0 : i32
      %dma_wait3A_1148 = arith.constant 0 : i32
      %dma_wait3A_1149 = tpu.memref_slice %arg2[%dma_wait3A_1147, %dma_wait3A_1148] : memref<10240x16xf32, #tpu.memory_space<hbm>> -> memref<80x16xf32, #tpu.memory_space<hbm>>
      %dma_wait3A_1150 = arith.constant 0 : i32
      %dma_wait3A_1151 = arith.constant 0 : i32
      %dma_wait3A_1152 = tpu.memref_slice %arg10[%dma_wait3A_1142, %dma_wait3A_1150, %dma_wait3A_1151] : memref<5x80x16xf32, #tpu.memory_space<vmem>> -> memref<1x80x16xf32, #tpu.memory_space<vmem>>
      %dma_wait3A_1153 = tpu.memref_squeeze %dma_wait3A_1152 : memref<1x80x16xf32, #tpu.memory_space<vmem>> -> memref<80x16xf32, #tpu.memory_space<vmem>>
      %dma_wait3A_1154 = arith.constant 0 : i32
      %dma_wait3A_1155 = arith.constant 0 : i32
      %dma_wait3A_1156 = tpu.memref_slice %arg2[%dma_wait3A_1154, %dma_wait3A_1155] : memref<10240x16xf32, #tpu.memory_space<hbm>> -> memref<80x16xf32, #tpu.memory_space<hbm>>
      tpu.wait_dma2 semaphore(%arg14 : memref<!tpu.dma_semaphore, #tpu.memory_space<semaphore_mem>>) src(%dma_wait3A_1156 : memref<80x16xf32, #tpu.memory_space<hbm>>) dst(%dma_wait3A_1153 : memref<80x16xf32, #tpu.memory_space<vmem>>)
      %dma_wait3A_1157 = arith.constant 4 : i32
      %dma_wait3A_1158 = arith.constant 0 : i32
      %dma_wait3A_1159 = arith.constant 0 : i32
      %dma_wait3A_1160 = tpu.memref_slice %arg11[%dma_wait3A_1157, %dma_wait3A_1158, %dma_wait3A_1159] : memref<5x80x16xf32, #tpu.memory_space<vmem>> -> memref<1x80x16xf32, #tpu.memory_space<vmem>>
      %dma_wait3A_1161 = tpu.memref_squeeze %dma_wait3A_1160 : memref<1x80x16xf32, #tpu.memory_space<vmem>> -> memref<80x16xf32, #tpu.memory_space<vmem>>
      %dma_wait3A_1162 = arith.constant 0 : i32
      %dma_wait3A_1163 = arith.constant 0 : i32
      %dma_wait3A_1164 = tpu.memref_slice %arg2[%dma_wait3A_1162, %dma_wait3A_1163] : memref<10240x16xf32, #tpu.memory_space<hbm>> -> memref<80x16xf32, #tpu.memory_space<hbm>>
      %dma_wait3A_1165 = arith.constant 0 : i32
      %dma_wait3A_1166 = arith.constant 0 : i32
      %dma_wait3A_1167 = tpu.memref_slice %arg11[%dma_wait3A_1157, %dma_wait3A_1165, %dma_wait3A_1166] : memref<5x80x16xf32, #tpu.memory_space<vmem>> -> memref<1x80x16xf32, #tpu.memory_space<vmem>>
      %dma_wait3A_1168 = tpu.memref_squeeze %dma_wait3A_1167 : memref<1x80x16xf32, #tpu.memory_space<vmem>> -> memref<80x16xf32, #tpu.memory_space<vmem>>
      %dma_wait3A_1169 = arith.constant 0 : i32
      %dma_wait3A_1170 = arith.constant 0 : i32
      %dma_wait3A_1171 = tpu.memref_slice %arg2[%dma_wait3A_1169, %dma_wait3A_1170] : memref<10240x16xf32, #tpu.memory_space<hbm>> -> memref<80x16xf32, #tpu.memory_space<hbm>>
      tpu.wait_dma2 semaphore(%arg15 : memref<!tpu.dma_semaphore, #tpu.memory_space<semaphore_mem>>) src(%dma_wait3A_1171 : memref<80x16xf32, #tpu.memory_space<hbm>>) dst(%dma_wait3A_1168 : memref<80x16xf32, #tpu.memory_space<vmem>>)
      %mul3A_1172 = arith.constant 80 : i32
      %mul3A_1173 = arith.muli %add3A_1111, %mul3A_1172 : i32
      %add3A_1174 = arith.addi %mul3A_400, %mul3A_1173 : i32
      %dma_start3A_1175 = arith.constant 4 : i32
      %dma_start3A_1176 = arith.constant 0 : i32
      %dma_start3A_1177 = arith.constant 0 : i32
      %dma_start3A_1178 = tpu.memref_slice %arg10[%dma_start3A_1175, %dma_start3A_1176, %dma_start3A_1177] : memref<5x80x16xf32, #tpu.memory_space<vmem>> -> memref<1x80x16xf32, #tpu.memory_space<vmem>>
      %dma_start3A_1179 = tpu.memref_squeeze %dma_start3A_1178 : memref<1x80x16xf32, #tpu.memory_space<vmem>> -> memref<80x16xf32, #tpu.memory_space<vmem>>
      %dma_start3A_1180 = arith.constant 0 : i32
      %dma_start3A_1181 = tpu.memref_slice %arg6[%add3A_1174, %dma_start3A_1180] : memref<320000x16xf32, #tpu.memory_space<hbm>> -> memref<80x16xf32, #tpu.memory_space<hbm>>
      %dma_start3A_1182 = arith.constant 0 : i32
      %dma_start3A_1183 = tpu.memref_slice %arg6[%add3A_1174, %dma_start3A_1182] : memref<320000x16xf32, #tpu.memory_space<hbm>> -> memref<80x16xf32, #tpu.memory_space<hbm>>
      %dma_start3A_1184 = arith.constant 0 : i32
      %dma_start3A_1185 = arith.constant 0 : i32
      %dma_start3A_1186 = tpu.memref_slice %arg10[%dma_start3A_1175, %dma_start3A_1184, %dma_start3A_1185] : memref<5x80x16xf32, #tpu.memory_space<vmem>> -> memref<1x80x16xf32, #tpu.memory_space<vmem>>
      %dma_start3A_1187 = tpu.memref_squeeze %dma_start3A_1186 : memref<1x80x16xf32, #tpu.memory_space<vmem>> -> memref<80x16xf32, #tpu.memory_space<vmem>>
      tpu.enqueue_dma source(%dma_start3A_1187 : memref<80x16xf32, #tpu.memory_space<vmem>>) target(%dma_start3A_1183 : memref<80x16xf32, #tpu.memory_space<hbm>>) target_semaphore(%arg16 : memref<!tpu.dma_semaphore, #tpu.memory_space<semaphore_mem>>)
      %dma_start3A_1188 = arith.constant 4 : i32
      %dma_start3A_1189 = arith.constant 0 : i32
      %dma_start3A_1190 = arith.constant 0 : i32
      %dma_start3A_1191 = tpu.memref_slice %arg11[%dma_start3A_1188, %dma_start3A_1189, %dma_start3A_1190] : memref<5x80x16xf32, #tpu.memory_space<vmem>> -> memref<1x80x16xf32, #tpu.memory_space<vmem>>
      %dma_start3A_1192 = tpu.memref_squeeze %dma_start3A_1191 : memref<1x80x16xf32, #tpu.memory_space<vmem>> -> memref<80x16xf32, #tpu.memory_space<vmem>>
      %dma_start3A_1193 = arith.constant 0 : i32
      %dma_start3A_1194 = tpu.memref_slice %arg7[%add3A_1174, %dma_start3A_1193] : memref<320000x16xf32, #tpu.memory_space<hbm>> -> memref<80x16xf32, #tpu.memory_space<hbm>>
      %dma_start3A_1195 = arith.constant 0 : i32
      %dma_start3A_1196 = tpu.memref_slice %arg7[%add3A_1174, %dma_start3A_1195] : memref<320000x16xf32, #tpu.memory_space<hbm>> -> memref<80x16xf32, #tpu.memory_space<hbm>>
      %dma_start3A_1197 = arith.constant 0 : i32
      %dma_start3A_1198 = arith.constant 0 : i32
      %dma_start3A_1199 = tpu.memref_slice %arg11[%dma_start3A_1188, %dma_start3A_1197, %dma_start3A_1198] : memref<5x80x16xf32, #tpu.memory_space<vmem>> -> memref<1x80x16xf32, #tpu.memory_space<vmem>>
      %dma_start3A_1200 = tpu.memref_squeeze %dma_start3A_1199 : memref<1x80x16xf32, #tpu.memory_space<vmem>> -> memref<80x16xf32, #tpu.memory_space<vmem>>
      tpu.enqueue_dma source(%dma_start3A_1200 : memref<80x16xf32, #tpu.memory_space<vmem>>) target(%dma_start3A_1196 : memref<80x16xf32, #tpu.memory_space<hbm>>) target_semaphore(%arg16 : memref<!tpu.dma_semaphore, #tpu.memory_space<semaphore_mem>>)
      %add3A_1201 = arith.constant 5 : i32
      %add3A_1202 = arith.addi %add3A_1111, %add3A_1201 : i32
      %sub3A_1203 = arith.constant 1 : i32
      %sub3A_1204 = arith.subi %add3A_1202, %sub3A_1203 : i32
      %dma_start3A_1205 = arith.constant 3 : i32
      %dma_start3A_1206 = arith.constant 0 : i32
      %dma_start3A_1207 = arith.constant 0 : i32
      %dma_start3A_1208 = tpu.memref_slice %arg10[%dma_start3A_1205, %dma_start3A_1206, %dma_start3A_1207] : memref<5x80x16xf32, #tpu.memory_space<vmem>> -> memref<1x80x16xf32, #tpu.memory_space<vmem>>
      %dma_start3A_1209 = tpu.memref_squeeze %dma_start3A_1208 : memref<1x80x16xf32, #tpu.memory_space<vmem>> -> memref<80x16xf32, #tpu.memory_space<vmem>>
      %dma_start3A_1210 = arith.constant 0 : i32
      %dma_start3A_1211 = tpu.memref_slice %arg8[%sub3A_1204, %dma_start3A_1210] : memref<130x80xi32, #tpu.memory_space<vmem>> -> memref<1x80xi32, #tpu.memory_space<vmem>>
      %dma_start3A_1212 = tpu.memref_squeeze %dma_start3A_1211 : memref<1x80xi32, #tpu.memory_space<vmem>> -> memref<80xi32, #tpu.memory_space<vmem>>
      %dma_start3A_1213 = arith.constant 0 : i32
      %dma_start3A_1214 = arith.constant 0 : i32
      %dma_start3A_1215 = tpu.memref_slice %arg12[%dma_start3A_1213, %dma_start3A_1214] : memref<10240x16xf32, #tpu.memory_space<vmem_shared>> -> memref<10240x16xf32, #tpu.memory_space<vmem_shared>>
      tpu.enqueue_indirect_dma source(%dma_start3A_1215 : memref<10240x16xf32, #tpu.memory_space<vmem_shared>>) target(%dma_start3A_1209 : memref<80x16xf32, #tpu.memory_space<vmem>>) offsets(%dma_start3A_1212 : memref<80xi32, #tpu.memory_space<vmem>>) semaphore(%arg14 : memref<!tpu.dma_semaphore, #tpu.memory_space<semaphore_mem>>)
      %add3A_1216 = arith.constant 5 : i32
      %add3A_1217 = arith.addi %add3A_1111, %add3A_1216 : i32
      %sub3A_1218 = arith.constant 1 : i32
      %sub3A_1219 = arith.subi %add3A_1217, %sub3A_1218 : i32
      %dma_start3A_1220 = arith.constant 3 : i32
      %dma_start3A_1221 = arith.constant 0 : i32
      %dma_start3A_1222 = arith.constant 0 : i32
      %dma_start3A_1223 = tpu.memref_slice %arg11[%dma_start3A_1220, %dma_start3A_1221, %dma_start3A_1222] : memref<5x80x16xf32, #tpu.memory_space<vmem>> -> memref<1x80x16xf32, #tpu.memory_space<vmem>>
      %dma_start3A_1224 = tpu.memref_squeeze %dma_start3A_1223 : memref<1x80x16xf32, #tpu.memory_space<vmem>> -> memref<80x16xf32, #tpu.memory_space<vmem>>
      %dma_start3A_1225 = arith.constant 0 : i32
      %dma_start3A_1226 = tpu.memref_slice %arg9[%sub3A_1219, %dma_start3A_1225] : memref<130x80xi32, #tpu.memory_space<vmem>> -> memref<1x80xi32, #tpu.memory_space<vmem>>
      %dma_start3A_1227 = tpu.memref_squeeze %dma_start3A_1226 : memref<1x80xi32, #tpu.memory_space<vmem>> -> memref<80xi32, #tpu.memory_space<vmem>>
      %dma_start3A_1228 = arith.constant 0 : i32
      %dma_start3A_1229 = arith.constant 0 : i32
      %dma_start3A_1230 = tpu.memref_slice %arg13[%dma_start3A_1228, %dma_start3A_1229] : memref<10240x16xf32, #tpu.memory_space<vmem_shared>> -> memref<10240x16xf32, #tpu.memory_space<vmem_shared>>
      tpu.enqueue_indirect_dma source(%dma_start3A_1230 : memref<10240x16xf32, #tpu.memory_space<vmem_shared>>) target(%dma_start3A_1224 : memref<80x16xf32, #tpu.memory_space<vmem>>) offsets(%dma_start3A_1227 : memref<80xi32, #tpu.memory_space<vmem>>) semaphore(%arg15 : memref<!tpu.dma_semaphore, #tpu.memory_space<semaphore_mem>>)
    }
    %scan3A_502 = arith.constant 25 : i32
    %dma_wait3A = arith.constant 0 : i32
    %dma_wait3A_503 = arith.constant 0 : i32
    %dma_wait3A_504 = arith.constant 0 : i32
    %dma_wait3A_505 = tpu.memref_slice %arg10[%dma_wait3A, %dma_wait3A_503, %dma_wait3A_504] : memref<5x80x16xf32, #tpu.memory_space<vmem>> -> memref<1x80x16xf32, #tpu.memory_space<vmem>>
    %dma_wait3A_506 = tpu.memref_squeeze %dma_wait3A_505 : memref<1x80x16xf32, #tpu.memory_space<vmem>> -> memref<80x16xf32, #tpu.memory_space<vmem>>
    %dma_wait3A_507 = arith.constant 0 : i32
    %dma_wait3A_508 = arith.constant 0 : i32
    %dma_wait3A_509 = tpu.memref_slice %arg2[%dma_wait3A_507, %dma_wait3A_508] : memref<10240x16xf32, #tpu.memory_space<hbm>> -> memref<80x16xf32, #tpu.memory_space<hbm>>
    %dma_wait3A_510 = arith.constant 0 : i32
    %dma_wait3A_511 = arith.constant 0 : i32
    %dma_wait3A_512 = tpu.memref_slice %arg10[%dma_wait3A, %dma_wait3A_510, %dma_wait3A_511] : memref<5x80x16xf32, #tpu.memory_space<vmem>> -> memref<1x80x16xf32, #tpu.memory_space<vmem>>
    %dma_wait3A_513 = tpu.memref_squeeze %dma_wait3A_512 : memref<1x80x16xf32, #tpu.memory_space<vmem>> -> memref<80x16xf32, #tpu.memory_space<vmem>>
    %dma_wait3A_514 = arith.constant 0 : i32
    %dma_wait3A_515 = arith.constant 0 : i32
    %dma_wait3A_516 = tpu.memref_slice %arg2[%dma_wait3A_514, %dma_wait3A_515] : memref<10240x16xf32, #tpu.memory_space<hbm>> -> memref<80x16xf32, #tpu.memory_space<hbm>>
    tpu.wait_dma2 semaphore(%arg16 : memref<!tpu.dma_semaphore, #tpu.memory_space<semaphore_mem>>) src(%dma_wait3A_516 : memref<80x16xf32, #tpu.memory_space<hbm>>) dst(%dma_wait3A_513 : memref<80x16xf32, #tpu.memory_space<vmem>>)
    %dma_wait3A_517 = arith.constant 0 : i32
    %dma_wait3A_518 = arith.constant 0 : i32
    %dma_wait3A_519 = arith.constant 0 : i32
    %dma_wait3A_520 = tpu.memref_slice %arg11[%dma_wait3A_517, %dma_wait3A_518, %dma_wait3A_519] : memref<5x80x16xf32, #tpu.memory_space<vmem>> -> memref<1x80x16xf32, #tpu.memory_space<vmem>>
    %dma_wait3A_521 = tpu.memref_squeeze %dma_wait3A_520 : memref<1x80x16xf32, #tpu.memory_space<vmem>> -> memref<80x16xf32, #tpu.memory_space<vmem>>
    %dma_wait3A_522 = arith.constant 0 : i32
    %dma_wait3A_523 = arith.constant 0 : i32
    %dma_wait3A_524 = tpu.memref_slice %arg2[%dma_wait3A_522, %dma_wait3A_523] : memref<10240x16xf32, #tpu.memory_space<hbm>> -> memref<80x16xf32, #tpu.memory_space<hbm>>
    %dma_wait3A_525 = arith.constant 0 : i32
    %dma_wait3A_526 = arith.constant 0 : i32
    %dma_wait3A_527 = tpu.memref_slice %arg11[%dma_wait3A_517, %dma_wait3A_525, %dma_wait3A_526] : memref<5x80x16xf32, #tpu.memory_space<vmem>> -> memref<1x80x16xf32, #tpu.memory_space<vmem>>
    %dma_wait3A_528 = tpu.memref_squeeze %dma_wait3A_527 : memref<1x80x16xf32, #tpu.memory_space<vmem>> -> memref<80x16xf32, #tpu.memory_space<vmem>>
    %dma_wait3A_529 = arith.constant 0 : i32
    %dma_wait3A_530 = arith.constant 0 : i32
    %dma_wait3A_531 = tpu.memref_slice %arg2[%dma_wait3A_529, %dma_wait3A_530] : memref<10240x16xf32, #tpu.memory_space<hbm>> -> memref<80x16xf32, #tpu.memory_space<hbm>>
    tpu.wait_dma2 semaphore(%arg16 : memref<!tpu.dma_semaphore, #tpu.memory_space<semaphore_mem>>) src(%dma_wait3A_531 : memref<80x16xf32, #tpu.memory_space<hbm>>) dst(%dma_wait3A_528 : memref<80x16xf32, #tpu.memory_space<vmem>>)
    %dma_wait3A_532 = arith.constant 0 : i32
    %dma_wait3A_533 = arith.constant 0 : i32
    %dma_wait3A_534 = arith.constant 0 : i32
    %dma_wait3A_535 = tpu.memref_slice %arg10[%dma_wait3A_532, %dma_wait3A_533, %dma_wait3A_534] : memref<5x80x16xf32, #tpu.memory_space<vmem>> -> memref<1x80x16xf32, #tpu.memory_space<vmem>>
    %dma_wait3A_536 = tpu.memref_squeeze %dma_wait3A_535 : memref<1x80x16xf32, #tpu.memory_space<vmem>> -> memref<80x16xf32, #tpu.memory_space<vmem>>
    %dma_wait3A_537 = arith.constant 0 : i32
    %dma_wait3A_538 = arith.constant 0 : i32
    %dma_wait3A_539 = tpu.memref_slice %arg2[%dma_wait3A_537, %dma_wait3A_538] : memref<10240x16xf32, #tpu.memory_space<hbm>> -> memref<80x16xf32, #tpu.memory_space<hbm>>
    %dma_wait3A_540 = arith.constant 0 : i32
    %dma_wait3A_541 = arith.constant 0 : i32
    %dma_wait3A_542 = tpu.memref_slice %arg10[%dma_wait3A_532, %dma_wait3A_540, %dma_wait3A_541] : memref<5x80x16xf32, #tpu.memory_space<vmem>> -> memref<1x80x16xf32, #tpu.memory_space<vmem>>
    %dma_wait3A_543 = tpu.memref_squeeze %dma_wait3A_542 : memref<1x80x16xf32, #tpu.memory_space<vmem>> -> memref<80x16xf32, #tpu.memory_space<vmem>>
    %dma_wait3A_544 = arith.constant 0 : i32
    %dma_wait3A_545 = arith.constant 0 : i32
    %dma_wait3A_546 = tpu.memref_slice %arg2[%dma_wait3A_544, %dma_wait3A_545] : memref<10240x16xf32, #tpu.memory_space<hbm>> -> memref<80x16xf32, #tpu.memory_space<hbm>>
    tpu.wait_dma2 semaphore(%arg14 : memref<!tpu.dma_semaphore, #tpu.memory_space<semaphore_mem>>) src(%dma_wait3A_546 : memref<80x16xf32, #tpu.memory_space<hbm>>) dst(%dma_wait3A_543 : memref<80x16xf32, #tpu.memory_space<vmem>>)
    %dma_wait3A_547 = arith.constant 0 : i32
    %dma_wait3A_548 = arith.constant 0 : i32
    %dma_wait3A_549 = arith.constant 0 : i32
    %dma_wait3A_550 = tpu.memref_slice %arg11[%dma_wait3A_547, %dma_wait3A_548, %dma_wait3A_549] : memref<5x80x16xf32, #tpu.memory_space<vmem>> -> memref<1x80x16xf32, #tpu.memory_space<vmem>>
    %dma_wait3A_551 = tpu.memref_squeeze %dma_wait3A_550 : memref<1x80x16xf32, #tpu.memory_space<vmem>> -> memref<80x16xf32, #tpu.memory_space<vmem>>
    %dma_wait3A_552 = arith.constant 0 : i32
    %dma_wait3A_553 = arith.constant 0 : i32
    %dma_wait3A_554 = tpu.memref_slice %arg2[%dma_wait3A_552, %dma_wait3A_553] : memref<10240x16xf32, #tpu.memory_space<hbm>> -> memref<80x16xf32, #tpu.memory_space<hbm>>
    %dma_wait3A_555 = arith.constant 0 : i32
    %dma_wait3A_556 = arith.constant 0 : i32
    %dma_wait3A_557 = tpu.memref_slice %arg11[%dma_wait3A_547, %dma_wait3A_555, %dma_wait3A_556] : memref<5x80x16xf32, #tpu.memory_space<vmem>> -> memref<1x80x16xf32, #tpu.memory_space<vmem>>
    %dma_wait3A_558 = tpu.memref_squeeze %dma_wait3A_557 : memref<1x80x16xf32, #tpu.memory_space<vmem>> -> memref<80x16xf32, #tpu.memory_space<vmem>>
    %dma_wait3A_559 = arith.constant 0 : i32
    %dma_wait3A_560 = arith.constant 0 : i32
    %dma_wait3A_561 = tpu.memref_slice %arg2[%dma_wait3A_559, %dma_wait3A_560] : memref<10240x16xf32, #tpu.memory_space<hbm>> -> memref<80x16xf32, #tpu.memory_space<hbm>>
    tpu.wait_dma2 semaphore(%arg15 : memref<!tpu.dma_semaphore, #tpu.memory_space<semaphore_mem>>) src(%dma_wait3A_561 : memref<80x16xf32, #tpu.memory_space<hbm>>) dst(%dma_wait3A_558 : memref<80x16xf32, #tpu.memory_space<vmem>>)
    %dma_wait3A_562 = arith.constant 1 : i32
    %dma_wait3A_563 = arith.constant 0 : i32
    %dma_wait3A_564 = arith.constant 0 : i32
    %dma_wait3A_565 = tpu.memref_slice %arg10[%dma_wait3A_562, %dma_wait3A_563, %dma_wait3A_564] : memref<5x80x16xf32, #tpu.memory_space<vmem>> -> memref<1x80x16xf32, #tpu.memory_space<vmem>>
    %dma_wait3A_566 = tpu.memref_squeeze %dma_wait3A_565 : memref<1x80x16xf32, #tpu.memory_space<vmem>> -> memref<80x16xf32, #tpu.memory_space<vmem>>
    %dma_wait3A_567 = arith.constant 0 : i32
    %dma_wait3A_568 = arith.constant 0 : i32
    %dma_wait3A_569 = tpu.memref_slice %arg2[%dma_wait3A_567, %dma_wait3A_568] : memref<10240x16xf32, #tpu.memory_space<hbm>> -> memref<80x16xf32, #tpu.memory_space<hbm>>
    %dma_wait3A_570 = arith.constant 0 : i32
    %dma_wait3A_571 = arith.constant 0 : i32
    %dma_wait3A_572 = tpu.memref_slice %arg10[%dma_wait3A_562, %dma_wait3A_570, %dma_wait3A_571] : memref<5x80x16xf32, #tpu.memory_space<vmem>> -> memref<1x80x16xf32, #tpu.memory_space<vmem>>
    %dma_wait3A_573 = tpu.memref_squeeze %dma_wait3A_572 : memref<1x80x16xf32, #tpu.memory_space<vmem>> -> memref<80x16xf32, #tpu.memory_space<vmem>>
    %dma_wait3A_574 = arith.constant 0 : i32
    %dma_wait3A_575 = arith.constant 0 : i32
    %dma_wait3A_576 = tpu.memref_slice %arg2[%dma_wait3A_574, %dma_wait3A_575] : memref<10240x16xf32, #tpu.memory_space<hbm>> -> memref<80x16xf32, #tpu.memory_space<hbm>>
    tpu.wait_dma2 semaphore(%arg14 : memref<!tpu.dma_semaphore, #tpu.memory_space<semaphore_mem>>) src(%dma_wait3A_576 : memref<80x16xf32, #tpu.memory_space<hbm>>) dst(%dma_wait3A_573 : memref<80x16xf32, #tpu.memory_space<vmem>>)
    %dma_wait3A_577 = arith.constant 1 : i32
    %dma_wait3A_578 = arith.constant 0 : i32
    %dma_wait3A_579 = arith.constant 0 : i32
    %dma_wait3A_580 = tpu.memref_slice %arg11[%dma_wait3A_577, %dma_wait3A_578, %dma_wait3A_579] : memref<5x80x16xf32, #tpu.memory_space<vmem>> -> memref<1x80x16xf32, #tpu.memory_space<vmem>>
    %dma_wait3A_581 = tpu.memref_squeeze %dma_wait3A_580 : memref<1x80x16xf32, #tpu.memory_space<vmem>> -> memref<80x16xf32, #tpu.memory_space<vmem>>
    %dma_wait3A_582 = arith.constant 0 : i32
    %dma_wait3A_583 = arith.constant 0 : i32
    %dma_wait3A_584 = tpu.memref_slice %arg2[%dma_wait3A_582, %dma_wait3A_583] : memref<10240x16xf32, #tpu.memory_space<hbm>> -> memref<80x16xf32, #tpu.memory_space<hbm>>
    %dma_wait3A_585 = arith.constant 0 : i32
    %dma_wait3A_586 = arith.constant 0 : i32
    %dma_wait3A_587 = tpu.memref_slice %arg11[%dma_wait3A_577, %dma_wait3A_585, %dma_wait3A_586] : memref<5x80x16xf32, #tpu.memory_space<vmem>> -> memref<1x80x16xf32, #tpu.memory_space<vmem>>
    %dma_wait3A_588 = tpu.memref_squeeze %dma_wait3A_587 : memref<1x80x16xf32, #tpu.memory_space<vmem>> -> memref<80x16xf32, #tpu.memory_space<vmem>>
    %dma_wait3A_589 = arith.constant 0 : i32
    %dma_wait3A_590 = arith.constant 0 : i32
    %dma_wait3A_591 = tpu.memref_slice %arg2[%dma_wait3A_589, %dma_wait3A_590] : memref<10240x16xf32, #tpu.memory_space<hbm>> -> memref<80x16xf32, #tpu.memory_space<hbm>>
    tpu.wait_dma2 semaphore(%arg15 : memref<!tpu.dma_semaphore, #tpu.memory_space<semaphore_mem>>) src(%dma_wait3A_591 : memref<80x16xf32, #tpu.memory_space<hbm>>) dst(%dma_wait3A_588 : memref<80x16xf32, #tpu.memory_space<vmem>>)
    %dma_wait3A_592 = arith.constant 2 : i32
    %dma_wait3A_593 = arith.constant 0 : i32
    %dma_wait3A_594 = arith.constant 0 : i32
    %dma_wait3A_595 = tpu.memref_slice %arg10[%dma_wait3A_592, %dma_wait3A_593, %dma_wait3A_594] : memref<5x80x16xf32, #tpu.memory_space<vmem>> -> memref<1x80x16xf32, #tpu.memory_space<vmem>>
    %dma_wait3A_596 = tpu.memref_squeeze %dma_wait3A_595 : memref<1x80x16xf32, #tpu.memory_space<vmem>> -> memref<80x16xf32, #tpu.memory_space<vmem>>
    %dma_wait3A_597 = arith.constant 0 : i32
    %dma_wait3A_598 = arith.constant 0 : i32
    %dma_wait3A_599 = tpu.memref_slice %arg2[%dma_wait3A_597, %dma_wait3A_598] : memref<10240x16xf32, #tpu.memory_space<hbm>> -> memref<80x16xf32, #tpu.memory_space<hbm>>
    %dma_wait3A_600 = arith.constant 0 : i32
    %dma_wait3A_601 = arith.constant 0 : i32
    %dma_wait3A_602 = tpu.memref_slice %arg10[%dma_wait3A_592, %dma_wait3A_600, %dma_wait3A_601] : memref<5x80x16xf32, #tpu.memory_space<vmem>> -> memref<1x80x16xf32, #tpu.memory_space<vmem>>
    %dma_wait3A_603 = tpu.memref_squeeze %dma_wait3A_602 : memref<1x80x16xf32, #tpu.memory_space<vmem>> -> memref<80x16xf32, #tpu.memory_space<vmem>>
    %dma_wait3A_604 = arith.constant 0 : i32
    %dma_wait3A_605 = arith.constant 0 : i32
    %dma_wait3A_606 = tpu.memref_slice %arg2[%dma_wait3A_604, %dma_wait3A_605] : memref<10240x16xf32, #tpu.memory_space<hbm>> -> memref<80x16xf32, #tpu.memory_space<hbm>>
    tpu.wait_dma2 semaphore(%arg14 : memref<!tpu.dma_semaphore, #tpu.memory_space<semaphore_mem>>) src(%dma_wait3A_606 : memref<80x16xf32, #tpu.memory_space<hbm>>) dst(%dma_wait3A_603 : memref<80x16xf32, #tpu.memory_space<vmem>>)
    %dma_wait3A_607 = arith.constant 2 : i32
    %dma_wait3A_608 = arith.constant 0 : i32
    %dma_wait3A_609 = arith.constant 0 : i32
    %dma_wait3A_610 = tpu.memref_slice %arg11[%dma_wait3A_607, %dma_wait3A_608, %dma_wait3A_609] : memref<5x80x16xf32, #tpu.memory_space<vmem>> -> memref<1x80x16xf32, #tpu.memory_space<vmem>>
    %dma_wait3A_611 = tpu.memref_squeeze %dma_wait3A_610 : memref<1x80x16xf32, #tpu.memory_space<vmem>> -> memref<80x16xf32, #tpu.memory_space<vmem>>
    %dma_wait3A_612 = arith.constant 0 : i32
    %dma_wait3A_613 = arith.constant 0 : i32
    %dma_wait3A_614 = tpu.memref_slice %arg2[%dma_wait3A_612, %dma_wait3A_613] : memref<10240x16xf32, #tpu.memory_space<hbm>> -> memref<80x16xf32, #tpu.memory_space<hbm>>
    %dma_wait3A_615 = arith.constant 0 : i32
    %dma_wait3A_616 = arith.constant 0 : i32
    %dma_wait3A_617 = tpu.memref_slice %arg11[%dma_wait3A_607, %dma_wait3A_615, %dma_wait3A_616] : memref<5x80x16xf32, #tpu.memory_space<vmem>> -> memref<1x80x16xf32, #tpu.memory_space<vmem>>
    %dma_wait3A_618 = tpu.memref_squeeze %dma_wait3A_617 : memref<1x80x16xf32, #tpu.memory_space<vmem>> -> memref<80x16xf32, #tpu.memory_space<vmem>>
    %dma_wait3A_619 = arith.constant 0 : i32
    %dma_wait3A_620 = arith.constant 0 : i32
    %dma_wait3A_621 = tpu.memref_slice %arg2[%dma_wait3A_619, %dma_wait3A_620] : memref<10240x16xf32, #tpu.memory_space<hbm>> -> memref<80x16xf32, #tpu.memory_space<hbm>>
    tpu.wait_dma2 semaphore(%arg15 : memref<!tpu.dma_semaphore, #tpu.memory_space<semaphore_mem>>) src(%dma_wait3A_621 : memref<80x16xf32, #tpu.memory_space<hbm>>) dst(%dma_wait3A_618 : memref<80x16xf32, #tpu.memory_space<vmem>>)
    %dma_wait3A_622 = arith.constant 3 : i32
    %dma_wait3A_623 = arith.constant 0 : i32
    %dma_wait3A_624 = arith.constant 0 : i32
    %dma_wait3A_625 = tpu.memref_slice %arg10[%dma_wait3A_622, %dma_wait3A_623, %dma_wait3A_624] : memref<5x80x16xf32, #tpu.memory_space<vmem>> -> memref<1x80x16xf32, #tpu.memory_space<vmem>>
    %dma_wait3A_626 = tpu.memref_squeeze %dma_wait3A_625 : memref<1x80x16xf32, #tpu.memory_space<vmem>> -> memref<80x16xf32, #tpu.memory_space<vmem>>
    %dma_wait3A_627 = arith.constant 0 : i32
    %dma_wait3A_628 = arith.constant 0 : i32
    %dma_wait3A_629 = tpu.memref_slice %arg2[%dma_wait3A_627, %dma_wait3A_628] : memref<10240x16xf32, #tpu.memory_space<hbm>> -> memref<80x16xf32, #tpu.memory_space<hbm>>
    %dma_wait3A_630 = arith.constant 0 : i32
    %dma_wait3A_631 = arith.constant 0 : i32
    %dma_wait3A_632 = tpu.memref_slice %arg10[%dma_wait3A_622, %dma_wait3A_630, %dma_wait3A_631] : memref<5x80x16xf32, #tpu.memory_space<vmem>> -> memref<1x80x16xf32, #tpu.memory_space<vmem>>
    %dma_wait3A_633 = tpu.memref_squeeze %dma_wait3A_632 : memref<1x80x16xf32, #tpu.memory_space<vmem>> -> memref<80x16xf32, #tpu.memory_space<vmem>>
    %dma_wait3A_634 = arith.constant 0 : i32
    %dma_wait3A_635 = arith.constant 0 : i32
    %dma_wait3A_636 = tpu.memref_slice %arg2[%dma_wait3A_634, %dma_wait3A_635] : memref<10240x16xf32, #tpu.memory_space<hbm>> -> memref<80x16xf32, #tpu.memory_space<hbm>>
    tpu.wait_dma2 semaphore(%arg14 : memref<!tpu.dma_semaphore, #tpu.memory_space<semaphore_mem>>) src(%dma_wait3A_636 : memref<80x16xf32, #tpu.memory_space<hbm>>) dst(%dma_wait3A_633 : memref<80x16xf32, #tpu.memory_space<vmem>>)
    %dma_wait3A_637 = arith.constant 3 : i32
    %dma_wait3A_638 = arith.constant 0 : i32
    %dma_wait3A_639 = arith.constant 0 : i32
    %dma_wait3A_640 = tpu.memref_slice %arg11[%dma_wait3A_637, %dma_wait3A_638, %dma_wait3A_639] : memref<5x80x16xf32, #tpu.memory_space<vmem>> -> memref<1x80x16xf32, #tpu.memory_space<vmem>>
    %dma_wait3A_641 = tpu.memref_squeeze %dma_wait3A_640 : memref<1x80x16xf32, #tpu.memory_space<vmem>> -> memref<80x16xf32, #tpu.memory_space<vmem>>
    %dma_wait3A_642 = arith.constant 0 : i32
    %dma_wait3A_643 = arith.constant 0 : i32
    %dma_wait3A_644 = tpu.memref_slice %arg2[%dma_wait3A_642, %dma_wait3A_643] : memref<10240x16xf32, #tpu.memory_space<hbm>> -> memref<80x16xf32, #tpu.memory_space<hbm>>
    %dma_wait3A_645 = arith.constant 0 : i32
    %dma_wait3A_646 = arith.constant 0 : i32
    %dma_wait3A_647 = tpu.memref_slice %arg11[%dma_wait3A_637, %dma_wait3A_645, %dma_wait3A_646] : memref<5x80x16xf32, #tpu.memory_space<vmem>> -> memref<1x80x16xf32, #tpu.memory_space<vmem>>
    %dma_wait3A_648 = tpu.memref_squeeze %dma_wait3A_647 : memref<1x80x16xf32, #tpu.memory_space<vmem>> -> memref<80x16xf32, #tpu.memory_space<vmem>>
    %dma_wait3A_649 = arith.constant 0 : i32
    %dma_wait3A_650 = arith.constant 0 : i32
    %dma_wait3A_651 = tpu.memref_slice %arg2[%dma_wait3A_649, %dma_wait3A_650] : memref<10240x16xf32, #tpu.memory_space<hbm>> -> memref<80x16xf32, #tpu.memory_space<hbm>>
    tpu.wait_dma2 semaphore(%arg15 : memref<!tpu.dma_semaphore, #tpu.memory_space<semaphore_mem>>) src(%dma_wait3A_651 : memref<80x16xf32, #tpu.memory_space<hbm>>) dst(%dma_wait3A_648 : memref<80x16xf32, #tpu.memory_space<vmem>>)
    return
  }
}

#map = affine_map<(d0, d1) -> (0, 0)>
#map1 = affine_map<(d0, d1) -> (0, 0, 0)>
module attributes {stable_mosaic.version = 14 : i64} {
  func.func @body(%arg0: i32, %arg1: i32, %arg2: memref<10240x16xf32, #tpu.memory_space<hbm>>, %arg3: memref<32x125x80xi32, #tpu.memory_space<hbm>>, %arg4: memref<32x125x80xi32, #tpu.memory_space<hbm>>, %arg5: memref<80x16xf32, #tpu.memory_space<hbm>>, %arg6: memref<2x10240x16xf32, #tpu.memory_space<hbm>>, %arg7: memref<2x10240x16xf32, #tpu.memory_space<hbm>>, %arg8: memref<130x80xi32, #tpu.memory_space<vmem>>, %arg9: memref<125x80xi32, #tpu.memory_space<vmem>>, %arg10: memref<5x80x16xf32, #tpu.memory_space<vmem>>, %arg11: memref<80x16xf32, #tpu.memory_space<vmem>>, %arg12: memref<640x16xf32, #tpu.memory_space<vmem>>, %arg13: memref<10240x16xf32, #tpu.memory_space<vmem_shared>>, %arg14: memref<10240x16xf32, #tpu.memory_space<vmem_shared>>, %arg15: memref<10240x16xf32, #tpu.memory_space<vmem_shared>>, %arg16: memref<!tpu.dma_semaphore, #tpu.memory_space<semaphore_mem>>, %arg17: memref<!tpu.dma_semaphore, #tpu.memory_space<semaphore_mem>>, %arg18: memref<!tpu.dma_semaphore, #tpu.memory_space<semaphore_mem>>) attributes {dimension_semantics = [#tpu.dimension_semantics<core_parallel>, #tpu.dimension_semantics<subcore_parallel>], iteration_bounds = array<i64: 2, 16>, scalar_prefetch = 0 : i64, scratch_operands = 11 : i64, tpu.core_type = #tpu.core_type<sc_vector_subcore>, window_params = [{transform_indices = #map}, {transform_indices = #map1}, {transform_indices = #map1}, {transform_indices = #map}, {transform_indices = #map1}, {transform_indices = #map1}]} {
    %mul3A = arith.constant 2 : i32
    %mul3A_0 = arith.muli %arg1, %mul3A : i32
    %add3A = arith.addi %mul3A_0, %arg0 : i32
    "tpu.region"() ({
      %run_scoped3A = tpu.sem_alloc : memref<!tpu.dma_semaphore, #tpu.memory_space<semaphore_mem>>
      %dma_start3A_304 = arith.constant 0 : i32
      %dma_start3A_305 = arith.constant 0 : i32
      %dma_start3A_306 = tpu.memref_slice %arg8[%dma_start3A_304, %dma_start3A_305] : memref<130x80xi32, #tpu.memory_space<vmem>> -> memref<125x80xi32, #tpu.memory_space<vmem>>
      %dma_start3A_307 = arith.constant 0 : i32
      %dma_start3A_308 = arith.constant 0 : i32
      %dma_start3A_309 = tpu.memref_slice %arg3[%add3A, %dma_start3A_307, %dma_start3A_308] : memref<32x125x80xi32, #tpu.memory_space<hbm>> -> memref<1x125x80xi32, #tpu.memory_space<hbm>>
      %dma_start3A_310 = tpu.memref_squeeze %dma_start3A_309 : memref<1x125x80xi32, #tpu.memory_space<hbm>> -> memref<125x80xi32, #tpu.memory_space<hbm>>
      %dma_start3A_311 = arith.constant 0 : i32
      %dma_start3A_312 = arith.constant 0 : i32
      %dma_start3A_313 = tpu.memref_slice %arg8[%dma_start3A_311, %dma_start3A_312] : memref<130x80xi32, #tpu.memory_space<vmem>> -> memref<125x80xi32, #tpu.memory_space<vmem>>
      %dma_start3A_314 = arith.constant 0 : i32
      %dma_start3A_315 = arith.constant 0 : i32
      %dma_start3A_316 = tpu.memref_slice %arg3[%add3A, %dma_start3A_314, %dma_start3A_315] : memref<32x125x80xi32, #tpu.memory_space<hbm>> -> memref<1x125x80xi32, #tpu.memory_space<hbm>>
      %dma_start3A_317 = tpu.memref_squeeze %dma_start3A_316 : memref<1x125x80xi32, #tpu.memory_space<hbm>> -> memref<125x80xi32, #tpu.memory_space<hbm>>
      tpu.enqueue_dma source(%dma_start3A_317 : memref<125x80xi32, #tpu.memory_space<hbm>>) target(%dma_start3A_313 : memref<125x80xi32, #tpu.memory_space<vmem>>) target_semaphore(%run_scoped3A : memref<!tpu.dma_semaphore, #tpu.memory_space<semaphore_mem>>)
      %dma_wait3A_318 = arith.constant 0 : i32
      %dma_wait3A_319 = arith.constant 0 : i32
      %dma_wait3A_320 = tpu.memref_slice %arg8[%dma_wait3A_318, %dma_wait3A_319] : memref<130x80xi32, #tpu.memory_space<vmem>> -> memref<125x80xi32, #tpu.memory_space<vmem>>
      %dma_wait3A_321 = arith.constant 0 : i32
      %dma_wait3A_322 = arith.constant 0 : i32
      %dma_wait3A_323 = tpu.memref_slice %arg3[%add3A, %dma_wait3A_321, %dma_wait3A_322] : memref<32x125x80xi32, #tpu.memory_space<hbm>> -> memref<1x125x80xi32, #tpu.memory_space<hbm>>
      %dma_wait3A_324 = tpu.memref_squeeze %dma_wait3A_323 : memref<1x125x80xi32, #tpu.memory_space<hbm>> -> memref<125x80xi32, #tpu.memory_space<hbm>>
      %dma_wait3A_325 = arith.constant 0 : i32
      %dma_wait3A_326 = arith.constant 0 : i32
      %dma_wait3A_327 = tpu.memref_slice %arg8[%dma_wait3A_325, %dma_wait3A_326] : memref<130x80xi32, #tpu.memory_space<vmem>> -> memref<125x80xi32, #tpu.memory_space<vmem>>
      %dma_wait3A_328 = arith.constant 0 : i32
      %dma_wait3A_329 = arith.constant 0 : i32
      %dma_wait3A_330 = tpu.memref_slice %arg3[%add3A, %dma_wait3A_328, %dma_wait3A_329] : memref<32x125x80xi32, #tpu.memory_space<hbm>> -> memref<1x125x80xi32, #tpu.memory_space<hbm>>
      %dma_wait3A_331 = tpu.memref_squeeze %dma_wait3A_330 : memref<1x125x80xi32, #tpu.memory_space<hbm>> -> memref<125x80xi32, #tpu.memory_space<hbm>>
      tpu.wait_dma2 semaphore(%run_scoped3A : memref<!tpu.dma_semaphore, #tpu.memory_space<semaphore_mem>>) src(%dma_wait3A_331 : memref<125x80xi32, #tpu.memory_space<hbm>>) dst(%dma_wait3A_327 : memref<125x80xi32, #tpu.memory_space<vmem>>)
      tpu.yield
    }) : () -> ()
    "tpu.region"() ({
      %run_scoped3A = tpu.sem_alloc : memref<!tpu.dma_semaphore, #tpu.memory_space<semaphore_mem>>
      %dma_start3A_304 = arith.constant 0 : i32
      %dma_start3A_305 = arith.constant 0 : i32
      %dma_start3A_306 = tpu.memref_slice %arg4[%add3A, %dma_start3A_304, %dma_start3A_305] : memref<32x125x80xi32, #tpu.memory_space<hbm>> -> memref<1x125x80xi32, #tpu.memory_space<hbm>>
      %dma_start3A_307 = tpu.memref_squeeze %dma_start3A_306 : memref<1x125x80xi32, #tpu.memory_space<hbm>> -> memref<125x80xi32, #tpu.memory_space<hbm>>
      %dma_start3A_308 = arith.constant 0 : i32
      %dma_start3A_309 = arith.constant 0 : i32
      %dma_start3A_310 = tpu.memref_slice %arg4[%add3A, %dma_start3A_308, %dma_start3A_309] : memref<32x125x80xi32, #tpu.memory_space<hbm>> -> memref<1x125x80xi32, #tpu.memory_space<hbm>>
      %dma_start3A_311 = tpu.memref_squeeze %dma_start3A_310 : memref<1x125x80xi32, #tpu.memory_space<hbm>> -> memref<125x80xi32, #tpu.memory_space<hbm>>
      tpu.enqueue_dma source(%dma_start3A_311 : memref<125x80xi32, #tpu.memory_space<hbm>>) target(%arg9 : memref<125x80xi32, #tpu.memory_space<vmem>>) target_semaphore(%run_scoped3A : memref<!tpu.dma_semaphore, #tpu.memory_space<semaphore_mem>>)
      %dma_wait3A_312 = arith.constant 0 : i32
      %dma_wait3A_313 = arith.constant 0 : i32
      %dma_wait3A_314 = tpu.memref_slice %arg4[%add3A, %dma_wait3A_312, %dma_wait3A_313] : memref<32x125x80xi32, #tpu.memory_space<hbm>> -> memref<1x125x80xi32, #tpu.memory_space<hbm>>
      %dma_wait3A_315 = tpu.memref_squeeze %dma_wait3A_314 : memref<1x125x80xi32, #tpu.memory_space<hbm>> -> memref<125x80xi32, #tpu.memory_space<hbm>>
      %dma_wait3A_316 = arith.constant 0 : i32
      %dma_wait3A_317 = arith.constant 0 : i32
      %dma_wait3A_318 = tpu.memref_slice %arg4[%add3A, %dma_wait3A_316, %dma_wait3A_317] : memref<32x125x80xi32, #tpu.memory_space<hbm>> -> memref<1x125x80xi32, #tpu.memory_space<hbm>>
      %dma_wait3A_319 = tpu.memref_squeeze %dma_wait3A_318 : memref<1x125x80xi32, #tpu.memory_space<hbm>> -> memref<125x80xi32, #tpu.memory_space<hbm>>
      tpu.wait_dma2 semaphore(%run_scoped3A : memref<!tpu.dma_semaphore, #tpu.memory_space<semaphore_mem>>) src(%dma_wait3A_319 : memref<125x80xi32, #tpu.memory_space<hbm>>) dst(%arg9 : memref<125x80xi32, #tpu.memory_space<vmem>>)
      tpu.yield
    }) : () -> ()
    "tpu.region"() ({
      %run_scoped3A = tpu.sem_alloc : memref<!tpu.dma_semaphore, #tpu.memory_space<semaphore_mem>>
      tpu.enqueue_dma source(%arg5 : memref<80x16xf32, #tpu.memory_space<hbm>>) target(%arg11 : memref<80x16xf32, #tpu.memory_space<vmem>>) target_semaphore(%run_scoped3A : memref<!tpu.dma_semaphore, #tpu.memory_space<semaphore_mem>>)
      tpu.wait_dma2 semaphore(%run_scoped3A : memref<!tpu.dma_semaphore, #tpu.memory_space<semaphore_mem>>) src(%arg5 : memref<80x16xf32, #tpu.memory_space<hbm>>) dst(%arg11 : memref<80x16xf32, #tpu.memory_space<vmem>>)
      tpu.yield
    }) : () -> ()
    %broadcast_in_dim3A = arith.constant 0 : i32
    %broadcast_in_dim3A_1 = vector.broadcast %broadcast_in_dim3A : i32 to vector<16xi32>
    %swap3A = arith.constant 125 : i32
    %swap3A_2 = arith.index_cast %swap3A : i32 to index
    %swap3A_3 = arith.constant 0 : index
    %swap3A_4 = tpu.vector_load %arg8[%swap3A_2, %swap3A_3] {strides = array<i32>} : memref<130x80xi32, #tpu.memory_space<vmem>>, vector<1x16xi32>,
    %swap3A_5 = vector.shape_cast %swap3A_4 : vector<1x16xi32> to vector<16xi32>
    %swap3A_6 = vector.shape_cast %broadcast_in_dim3A_1 : vector<16xi32> to vector<1x16xi32>
    tpu.vector_store %arg8[%swap3A_2, %swap3A_3], %swap3A_6 {strides = array<i32>} : memref<130x80xi32, #tpu.memory_space<vmem>>, vector<1x16xi32>,
    %broadcast_in_dim3A_7 = arith.constant 0 : i32
    %broadcast_in_dim3A_8 = vector.broadcast %broadcast_in_dim3A_7 : i32 to vector<16xi32>
    %swap3A_9 = arith.constant 125 : i32
    %swap3A_10 = arith.index_cast %swap3A_9 : i32 to index
    %swap3A_11 = arith.constant 16 : index
    %swap3A_12 = tpu.vector_load %arg8[%swap3A_10, %swap3A_11] {strides = array<i32>} : memref<130x80xi32, #tpu.memory_space<vmem>>, vector<1x16xi32>,
    %swap3A_13 = vector.shape_cast %swap3A_12 : vector<1x16xi32> to vector<16xi32>
    %swap3A_14 = vector.shape_cast %broadcast_in_dim3A_8 : vector<16xi32> to vector<1x16xi32>
    tpu.vector_store %arg8[%swap3A_10, %swap3A_11], %swap3A_14 {strides = array<i32>} : memref<130x80xi32, #tpu.memory_space<vmem>>, vector<1x16xi32>,
    %broadcast_in_dim3A_15 = arith.constant 0 : i32
    %broadcast_in_dim3A_16 = vector.broadcast %broadcast_in_dim3A_15 : i32 to vector<16xi32>
    %swap3A_17 = arith.constant 125 : i32
    %swap3A_18 = arith.index_cast %swap3A_17 : i32 to index
    %swap3A_19 = arith.constant 32 : index
    %swap3A_20 = tpu.vector_load %arg8[%swap3A_18, %swap3A_19] {strides = array<i32>} : memref<130x80xi32, #tpu.memory_space<vmem>>, vector<1x16xi32>,
    %swap3A_21 = vector.shape_cast %swap3A_20 : vector<1x16xi32> to vector<16xi32>
    %swap3A_22 = vector.shape_cast %broadcast_in_dim3A_16 : vector<16xi32> to vector<1x16xi32>
    tpu.vector_store %arg8[%swap3A_18, %swap3A_19], %swap3A_22 {strides = array<i32>} : memref<130x80xi32, #tpu.memory_space<vmem>>, vector<1x16xi32>,
    %broadcast_in_dim3A_23 = arith.constant 0 : i32
    %broadcast_in_dim3A_24 = vector.broadcast %broadcast_in_dim3A_23 : i32 to vector<16xi32>
    %swap3A_25 = arith.constant 125 : i32
    %swap3A_26 = arith.index_cast %swap3A_25 : i32 to index
    %swap3A_27 = arith.constant 48 : index
    %swap3A_28 = tpu.vector_load %arg8[%swap3A_26, %swap3A_27] {strides = array<i32>} : memref<130x80xi32, #tpu.memory_space<vmem>>, vector<1x16xi32>,
    %swap3A_29 = vector.shape_cast %swap3A_28 : vector<1x16xi32> to vector<16xi32>
    %swap3A_30 = vector.shape_cast %broadcast_in_dim3A_24 : vector<16xi32> to vector<1x16xi32>
    tpu.vector_store %arg8[%swap3A_26, %swap3A_27], %swap3A_30 {strides = array<i32>} : memref<130x80xi32, #tpu.memory_space<vmem>>, vector<1x16xi32>,
    %broadcast_in_dim3A_31 = arith.constant 0 : i32
    %broadcast_in_dim3A_32 = vector.broadcast %broadcast_in_dim3A_31 : i32 to vector<16xi32>
    %swap3A_33 = arith.constant 125 : i32
    %swap3A_34 = arith.index_cast %swap3A_33 : i32 to index
    %swap3A_35 = arith.constant 64 : index
    %swap3A_36 = tpu.vector_load %arg8[%swap3A_34, %swap3A_35] {strides = array<i32>} : memref<130x80xi32, #tpu.memory_space<vmem>>, vector<1x16xi32>,
    %swap3A_37 = vector.shape_cast %swap3A_36 : vector<1x16xi32> to vector<16xi32>
    %swap3A_38 = vector.shape_cast %broadcast_in_dim3A_32 : vector<16xi32> to vector<1x16xi32>
    tpu.vector_store %arg8[%swap3A_34, %swap3A_35], %swap3A_38 {strides = array<i32>} : memref<130x80xi32, #tpu.memory_space<vmem>>, vector<1x16xi32>,
    %broadcast_in_dim3A_39 = arith.constant 0 : i32
    %broadcast_in_dim3A_40 = vector.broadcast %broadcast_in_dim3A_39 : i32 to vector<16xi32>
    %swap3A_41 = arith.constant 126 : i32
    %swap3A_42 = arith.index_cast %swap3A_41 : i32 to index
    %swap3A_43 = arith.constant 0 : index
    %swap3A_44 = tpu.vector_load %arg8[%swap3A_42, %swap3A_43] {strides = array<i32>} : memref<130x80xi32, #tpu.memory_space<vmem>>, vector<1x16xi32>,
    %swap3A_45 = vector.shape_cast %swap3A_44 : vector<1x16xi32> to vector<16xi32>
    %swap3A_46 = vector.shape_cast %broadcast_in_dim3A_40 : vector<16xi32> to vector<1x16xi32>
    tpu.vector_store %arg8[%swap3A_42, %swap3A_43], %swap3A_46 {strides = array<i32>} : memref<130x80xi32, #tpu.memory_space<vmem>>, vector<1x16xi32>,
    %broadcast_in_dim3A_47 = arith.constant 0 : i32
    %broadcast_in_dim3A_48 = vector.broadcast %broadcast_in_dim3A_47 : i32 to vector<16xi32>
    %swap3A_49 = arith.constant 126 : i32
    %swap3A_50 = arith.index_cast %swap3A_49 : i32 to index
    %swap3A_51 = arith.constant 16 : index
    %swap3A_52 = tpu.vector_load %arg8[%swap3A_50, %swap3A_51] {strides = array<i32>} : memref<130x80xi32, #tpu.memory_space<vmem>>, vector<1x16xi32>,
    %swap3A_53 = vector.shape_cast %swap3A_52 : vector<1x16xi32> to vector<16xi32>
    %swap3A_54 = vector.shape_cast %broadcast_in_dim3A_48 : vector<16xi32> to vector<1x16xi32>
    tpu.vector_store %arg8[%swap3A_50, %swap3A_51], %swap3A_54 {strides = array<i32>} : memref<130x80xi32, #tpu.memory_space<vmem>>, vector<1x16xi32>,
    %broadcast_in_dim3A_55 = arith.constant 0 : i32
    %broadcast_in_dim3A_56 = vector.broadcast %broadcast_in_dim3A_55 : i32 to vector<16xi32>
    %swap3A_57 = arith.constant 126 : i32
    %swap3A_58 = arith.index_cast %swap3A_57 : i32 to index
    %swap3A_59 = arith.constant 32 : index
    %swap3A_60 = tpu.vector_load %arg8[%swap3A_58, %swap3A_59] {strides = array<i32>} : memref<130x80xi32, #tpu.memory_space<vmem>>, vector<1x16xi32>,
    %swap3A_61 = vector.shape_cast %swap3A_60 : vector<1x16xi32> to vector<16xi32>
    %swap3A_62 = vector.shape_cast %broadcast_in_dim3A_56 : vector<16xi32> to vector<1x16xi32>
    tpu.vector_store %arg8[%swap3A_58, %swap3A_59], %swap3A_62 {strides = array<i32>} : memref<130x80xi32, #tpu.memory_space<vmem>>, vector<1x16xi32>,
    %broadcast_in_dim3A_63 = arith.constant 0 : i32
    %broadcast_in_dim3A_64 = vector.broadcast %broadcast_in_dim3A_63 : i32 to vector<16xi32>
    %swap3A_65 = arith.constant 126 : i32
    %swap3A_66 = arith.index_cast %swap3A_65 : i32 to index
    %swap3A_67 = arith.constant 48 : index
    %swap3A_68 = tpu.vector_load %arg8[%swap3A_66, %swap3A_67] {strides = array<i32>} : memref<130x80xi32, #tpu.memory_space<vmem>>, vector<1x16xi32>,
    %swap3A_69 = vector.shape_cast %swap3A_68 : vector<1x16xi32> to vector<16xi32>
    %swap3A_70 = vector.shape_cast %broadcast_in_dim3A_64 : vector<16xi32> to vector<1x16xi32>
    tpu.vector_store %arg8[%swap3A_66, %swap3A_67], %swap3A_70 {strides = array<i32>} : memref<130x80xi32, #tpu.memory_space<vmem>>, vector<1x16xi32>,
    %broadcast_in_dim3A_71 = arith.constant 0 : i32
    %broadcast_in_dim3A_72 = vector.broadcast %broadcast_in_dim3A_71 : i32 to vector<16xi32>
    %swap3A_73 = arith.constant 126 : i32
    %swap3A_74 = arith.index_cast %swap3A_73 : i32 to index
    %swap3A_75 = arith.constant 64 : index
    %swap3A_76 = tpu.vector_load %arg8[%swap3A_74, %swap3A_75] {strides = array<i32>} : memref<130x80xi32, #tpu.memory_space<vmem>>, vector<1x16xi32>,
    %swap3A_77 = vector.shape_cast %swap3A_76 : vector<1x16xi32> to vector<16xi32>
    %swap3A_78 = vector.shape_cast %broadcast_in_dim3A_72 : vector<16xi32> to vector<1x16xi32>
    tpu.vector_store %arg8[%swap3A_74, %swap3A_75], %swap3A_78 {strides = array<i32>} : memref<130x80xi32, #tpu.memory_space<vmem>>, vector<1x16xi32>,
    %broadcast_in_dim3A_79 = arith.constant 0 : i32
    %broadcast_in_dim3A_80 = vector.broadcast %broadcast_in_dim3A_79 : i32 to vector<16xi32>
    %swap3A_81 = arith.constant 127 : i32
    %swap3A_82 = arith.index_cast %swap3A_81 : i32 to index
    %swap3A_83 = arith.constant 0 : index
    %swap3A_84 = tpu.vector_load %arg8[%swap3A_82, %swap3A_83] {strides = array<i32>} : memref<130x80xi32, #tpu.memory_space<vmem>>, vector<1x16xi32>,
    %swap3A_85 = vector.shape_cast %swap3A_84 : vector<1x16xi32> to vector<16xi32>
    %swap3A_86 = vector.shape_cast %broadcast_in_dim3A_80 : vector<16xi32> to vector<1x16xi32>
    tpu.vector_store %arg8[%swap3A_82, %swap3A_83], %swap3A_86 {strides = array<i32>} : memref<130x80xi32, #tpu.memory_space<vmem>>, vector<1x16xi32>,
    %broadcast_in_dim3A_87 = arith.constant 0 : i32
    %broadcast_in_dim3A_88 = vector.broadcast %broadcast_in_dim3A_87 : i32 to vector<16xi32>
    %swap3A_89 = arith.constant 127 : i32
    %swap3A_90 = arith.index_cast %swap3A_89 : i32 to index
    %swap3A_91 = arith.constant 16 : index
    %swap3A_92 = tpu.vector_load %arg8[%swap3A_90, %swap3A_91] {strides = array<i32>} : memref<130x80xi32, #tpu.memory_space<vmem>>, vector<1x16xi32>,
    %swap3A_93 = vector.shape_cast %swap3A_92 : vector<1x16xi32> to vector<16xi32>
    %swap3A_94 = vector.shape_cast %broadcast_in_dim3A_88 : vector<16xi32> to vector<1x16xi32>
    tpu.vector_store %arg8[%swap3A_90, %swap3A_91], %swap3A_94 {strides = array<i32>} : memref<130x80xi32, #tpu.memory_space<vmem>>, vector<1x16xi32>,
    %broadcast_in_dim3A_95 = arith.constant 0 : i32
    %broadcast_in_dim3A_96 = vector.broadcast %broadcast_in_dim3A_95 : i32 to vector<16xi32>
    %swap3A_97 = arith.constant 127 : i32
    %swap3A_98 = arith.index_cast %swap3A_97 : i32 to index
    %swap3A_99 = arith.constant 32 : index
    %swap3A_100 = tpu.vector_load %arg8[%swap3A_98, %swap3A_99] {strides = array<i32>} : memref<130x80xi32, #tpu.memory_space<vmem>>, vector<1x16xi32>,
    %swap3A_101 = vector.shape_cast %swap3A_100 : vector<1x16xi32> to vector<16xi32>
    %swap3A_102 = vector.shape_cast %broadcast_in_dim3A_96 : vector<16xi32> to vector<1x16xi32>
    tpu.vector_store %arg8[%swap3A_98, %swap3A_99], %swap3A_102 {strides = array<i32>} : memref<130x80xi32, #tpu.memory_space<vmem>>, vector<1x16xi32>,
    %broadcast_in_dim3A_103 = arith.constant 0 : i32
    %broadcast_in_dim3A_104 = vector.broadcast %broadcast_in_dim3A_103 : i32 to vector<16xi32>
    %swap3A_105 = arith.constant 127 : i32
    %swap3A_106 = arith.index_cast %swap3A_105 : i32 to index
    %swap3A_107 = arith.constant 48 : index
    %swap3A_108 = tpu.vector_load %arg8[%swap3A_106, %swap3A_107] {strides = array<i32>} : memref<130x80xi32, #tpu.memory_space<vmem>>, vector<1x16xi32>,
    %swap3A_109 = vector.shape_cast %swap3A_108 : vector<1x16xi32> to vector<16xi32>
    %swap3A_110 = vector.shape_cast %broadcast_in_dim3A_104 : vector<16xi32> to vector<1x16xi32>
    tpu.vector_store %arg8[%swap3A_106, %swap3A_107], %swap3A_110 {strides = array<i32>} : memref<130x80xi32, #tpu.memory_space<vmem>>, vector<1x16xi32>,
    %broadcast_in_dim3A_111 = arith.constant 0 : i32
    %broadcast_in_dim3A_112 = vector.broadcast %broadcast_in_dim3A_111 : i32 to vector<16xi32>
    %swap3A_113 = arith.constant 127 : i32
    %swap3A_114 = arith.index_cast %swap3A_113 : i32 to index
    %swap3A_115 = arith.constant 64 : index
    %swap3A_116 = tpu.vector_load %arg8[%swap3A_114, %swap3A_115] {strides = array<i32>} : memref<130x80xi32, #tpu.memory_space<vmem>>, vector<1x16xi32>,
    %swap3A_117 = vector.shape_cast %swap3A_116 : vector<1x16xi32> to vector<16xi32>
    %swap3A_118 = vector.shape_cast %broadcast_in_dim3A_112 : vector<16xi32> to vector<1x16xi32>
    tpu.vector_store %arg8[%swap3A_114, %swap3A_115], %swap3A_118 {strides = array<i32>} : memref<130x80xi32, #tpu.memory_space<vmem>>, vector<1x16xi32>,
    %broadcast_in_dim3A_119 = arith.constant 0 : i32
    %broadcast_in_dim3A_120 = vector.broadcast %broadcast_in_dim3A_119 : i32 to vector<16xi32>
    %swap3A_121 = arith.constant 128 : i32
    %swap3A_122 = arith.index_cast %swap3A_121 : i32 to index
    %swap3A_123 = arith.constant 0 : index
    %swap3A_124 = tpu.vector_load %arg8[%swap3A_122, %swap3A_123] {strides = array<i32>} : memref<130x80xi32, #tpu.memory_space<vmem>>, vector<1x16xi32>,
    %swap3A_125 = vector.shape_cast %swap3A_124 : vector<1x16xi32> to vector<16xi32>
    %swap3A_126 = vector.shape_cast %broadcast_in_dim3A_120 : vector<16xi32> to vector<1x16xi32>
    tpu.vector_store %arg8[%swap3A_122, %swap3A_123], %swap3A_126 {strides = array<i32>} : memref<130x80xi32, #tpu.memory_space<vmem>>, vector<1x16xi32>,
    %broadcast_in_dim3A_127 = arith.constant 0 : i32
    %broadcast_in_dim3A_128 = vector.broadcast %broadcast_in_dim3A_127 : i32 to vector<16xi32>
    %swap3A_129 = arith.constant 128 : i32
    %swap3A_130 = arith.index_cast %swap3A_129 : i32 to index
    %swap3A_131 = arith.constant 16 : index
    %swap3A_132 = tpu.vector_load %arg8[%swap3A_130, %swap3A_131] {strides = array<i32>} : memref<130x80xi32, #tpu.memory_space<vmem>>, vector<1x16xi32>,
    %swap3A_133 = vector.shape_cast %swap3A_132 : vector<1x16xi32> to vector<16xi32>
    %swap3A_134 = vector.shape_cast %broadcast_in_dim3A_128 : vector<16xi32> to vector<1x16xi32>
    tpu.vector_store %arg8[%swap3A_130, %swap3A_131], %swap3A_134 {strides = array<i32>} : memref<130x80xi32, #tpu.memory_space<vmem>>, vector<1x16xi32>,
    %broadcast_in_dim3A_135 = arith.constant 0 : i32
    %broadcast_in_dim3A_136 = vector.broadcast %broadcast_in_dim3A_135 : i32 to vector<16xi32>
    %swap3A_137 = arith.constant 128 : i32
    %swap3A_138 = arith.index_cast %swap3A_137 : i32 to index
    %swap3A_139 = arith.constant 32 : index
    %swap3A_140 = tpu.vector_load %arg8[%swap3A_138, %swap3A_139] {strides = array<i32>} : memref<130x80xi32, #tpu.memory_space<vmem>>, vector<1x16xi32>,
    %swap3A_141 = vector.shape_cast %swap3A_140 : vector<1x16xi32> to vector<16xi32>
    %swap3A_142 = vector.shape_cast %broadcast_in_dim3A_136 : vector<16xi32> to vector<1x16xi32>
    tpu.vector_store %arg8[%swap3A_138, %swap3A_139], %swap3A_142 {strides = array<i32>} : memref<130x80xi32, #tpu.memory_space<vmem>>, vector<1x16xi32>,
    %broadcast_in_dim3A_143 = arith.constant 0 : i32
    %broadcast_in_dim3A_144 = vector.broadcast %broadcast_in_dim3A_143 : i32 to vector<16xi32>
    %swap3A_145 = arith.constant 128 : i32
    %swap3A_146 = arith.index_cast %swap3A_145 : i32 to index
    %swap3A_147 = arith.constant 48 : index
    %swap3A_148 = tpu.vector_load %arg8[%swap3A_146, %swap3A_147] {strides = array<i32>} : memref<130x80xi32, #tpu.memory_space<vmem>>, vector<1x16xi32>,
    %swap3A_149 = vector.shape_cast %swap3A_148 : vector<1x16xi32> to vector<16xi32>
    %swap3A_150 = vector.shape_cast %broadcast_in_dim3A_144 : vector<16xi32> to vector<1x16xi32>
    tpu.vector_store %arg8[%swap3A_146, %swap3A_147], %swap3A_150 {strides = array<i32>} : memref<130x80xi32, #tpu.memory_space<vmem>>, vector<1x16xi32>,
    %broadcast_in_dim3A_151 = arith.constant 0 : i32
    %broadcast_in_dim3A_152 = vector.broadcast %broadcast_in_dim3A_151 : i32 to vector<16xi32>
    %swap3A_153 = arith.constant 128 : i32
    %swap3A_154 = arith.index_cast %swap3A_153 : i32 to index
    %swap3A_155 = arith.constant 64 : index
    %swap3A_156 = tpu.vector_load %arg8[%swap3A_154, %swap3A_155] {strides = array<i32>} : memref<130x80xi32, #tpu.memory_space<vmem>>, vector<1x16xi32>,
    %swap3A_157 = vector.shape_cast %swap3A_156 : vector<1x16xi32> to vector<16xi32>
    %swap3A_158 = vector.shape_cast %broadcast_in_dim3A_152 : vector<16xi32> to vector<1x16xi32>
    tpu.vector_store %arg8[%swap3A_154, %swap3A_155], %swap3A_158 {strides = array<i32>} : memref<130x80xi32, #tpu.memory_space<vmem>>, vector<1x16xi32>,
    %broadcast_in_dim3A_159 = arith.constant 0 : i32
    %broadcast_in_dim3A_160 = vector.broadcast %broadcast_in_dim3A_159 : i32 to vector<16xi32>
    %swap3A_161 = arith.constant 129 : i32
    %swap3A_162 = arith.index_cast %swap3A_161 : i32 to index
    %swap3A_163 = arith.constant 0 : index
    %swap3A_164 = tpu.vector_load %arg8[%swap3A_162, %swap3A_163] {strides = array<i32>} : memref<130x80xi32, #tpu.memory_space<vmem>>, vector<1x16xi32>,
    %swap3A_165 = vector.shape_cast %swap3A_164 : vector<1x16xi32> to vector<16xi32>
    %swap3A_166 = vector.shape_cast %broadcast_in_dim3A_160 : vector<16xi32> to vector<1x16xi32>
    tpu.vector_store %arg8[%swap3A_162, %swap3A_163], %swap3A_166 {strides = array<i32>} : memref<130x80xi32, #tpu.memory_space<vmem>>, vector<1x16xi32>,
    %broadcast_in_dim3A_167 = arith.constant 0 : i32
    %broadcast_in_dim3A_168 = vector.broadcast %broadcast_in_dim3A_167 : i32 to vector<16xi32>
    %swap3A_169 = arith.constant 129 : i32
    %swap3A_170 = arith.index_cast %swap3A_169 : i32 to index
    %swap3A_171 = arith.constant 16 : index
    %swap3A_172 = tpu.vector_load %arg8[%swap3A_170, %swap3A_171] {strides = array<i32>} : memref<130x80xi32, #tpu.memory_space<vmem>>, vector<1x16xi32>,
    %swap3A_173 = vector.shape_cast %swap3A_172 : vector<1x16xi32> to vector<16xi32>
    %swap3A_174 = vector.shape_cast %broadcast_in_dim3A_168 : vector<16xi32> to vector<1x16xi32>
    tpu.vector_store %arg8[%swap3A_170, %swap3A_171], %swap3A_174 {strides = array<i32>} : memref<130x80xi32, #tpu.memory_space<vmem>>, vector<1x16xi32>,
    %broadcast_in_dim3A_175 = arith.constant 0 : i32
    %broadcast_in_dim3A_176 = vector.broadcast %broadcast_in_dim3A_175 : i32 to vector<16xi32>
    %swap3A_177 = arith.constant 129 : i32
    %swap3A_178 = arith.index_cast %swap3A_177 : i32 to index
    %swap3A_179 = arith.constant 32 : index
    %swap3A_180 = tpu.vector_load %arg8[%swap3A_178, %swap3A_179] {strides = array<i32>} : memref<130x80xi32, #tpu.memory_space<vmem>>, vector<1x16xi32>,
    %swap3A_181 = vector.shape_cast %swap3A_180 : vector<1x16xi32> to vector<16xi32>
    %swap3A_182 = vector.shape_cast %broadcast_in_dim3A_176 : vector<16xi32> to vector<1x16xi32>
    tpu.vector_store %arg8[%swap3A_178, %swap3A_179], %swap3A_182 {strides = array<i32>} : memref<130x80xi32, #tpu.memory_space<vmem>>, vector<1x16xi32>,
    %broadcast_in_dim3A_183 = arith.constant 0 : i32
    %broadcast_in_dim3A_184 = vector.broadcast %broadcast_in_dim3A_183 : i32 to vector<16xi32>
    %swap3A_185 = arith.constant 129 : i32
    %swap3A_186 = arith.index_cast %swap3A_185 : i32 to index
    %swap3A_187 = arith.constant 48 : index
    %swap3A_188 = tpu.vector_load %arg8[%swap3A_186, %swap3A_187] {strides = array<i32>} : memref<130x80xi32, #tpu.memory_space<vmem>>, vector<1x16xi32>,
    %swap3A_189 = vector.shape_cast %swap3A_188 : vector<1x16xi32> to vector<16xi32>
    %swap3A_190 = vector.shape_cast %broadcast_in_dim3A_184 : vector<16xi32> to vector<1x16xi32>
    tpu.vector_store %arg8[%swap3A_186, %swap3A_187], %swap3A_190 {strides = array<i32>} : memref<130x80xi32, #tpu.memory_space<vmem>>, vector<1x16xi32>,
    %broadcast_in_dim3A_191 = arith.constant 0 : i32
    %broadcast_in_dim3A_192 = vector.broadcast %broadcast_in_dim3A_191 : i32 to vector<16xi32>
    %swap3A_193 = arith.constant 129 : i32
    %swap3A_194 = arith.index_cast %swap3A_193 : i32 to index
    %swap3A_195 = arith.constant 64 : index
    %swap3A_196 = tpu.vector_load %arg8[%swap3A_194, %swap3A_195] {strides = array<i32>} : memref<130x80xi32, #tpu.memory_space<vmem>>, vector<1x16xi32>,
    %swap3A_197 = vector.shape_cast %swap3A_196 : vector<1x16xi32> to vector<16xi32>
    %swap3A_198 = vector.shape_cast %broadcast_in_dim3A_192 : vector<16xi32> to vector<1x16xi32>
    tpu.vector_store %arg8[%swap3A_194, %swap3A_195], %swap3A_198 {strides = array<i32>} : memref<130x80xi32, #tpu.memory_space<vmem>>, vector<1x16xi32>,
    %scan3A = arith.constant 0 : i32
    %scan3A_199 = arith.constant 0 : i32
    %scan3A_200 = arith.constant 640 : i32
    %scan3A_201 = arith.addi %scan3A_199, %scan3A_200 : i32
    %scan3A_202 = arith.constant 1 : i32
    scf.for %scan3A_304 = %scan3A_199 to %scan3A_201 step %scan3A_202  : i32 {
      %broadcast_in_dim3A_305 = arith.constant 0.000000e+00 : f32
      %broadcast_in_dim3A_306 = vector.broadcast %broadcast_in_dim3A_305 : f32 to vector<16xf32>
      %swap3A_307 = arith.index_cast %scan3A_304 : i32 to index
      %swap3A_308 = arith.constant 0 : index
      %swap3A_309 = tpu.vector_load %arg12[%swap3A_307, %swap3A_308] {strides = array<i32>} : memref<640x16xf32, #tpu.memory_space<vmem>>, vector<1x16xf32>,
      %swap3A_310 = vector.shape_cast %swap3A_309 : vector<1x16xf32> to vector<16xf32>
      %swap3A_311 = vector.shape_cast %broadcast_in_dim3A_306 : vector<16xf32> to vector<1x16xf32>
      tpu.vector_store %arg12[%swap3A_307, %swap3A_308], %swap3A_311 {strides = array<i32>} : memref<640x16xf32, #tpu.memory_space<vmem>>, vector<1x16xf32>,
    }
    %scan3A_203 = arith.constant 640 : i32
    %mul3A_204 = arith.constant 640 : i32
    %mul3A_205 = arith.muli %arg1, %mul3A_204 : i32
    "tpu.region"() ({
      %run_scoped3A = tpu.sem_alloc : memref<!tpu.dma_semaphore, #tpu.memory_space<semaphore_mem>>
      %dma_start3A_304 = arith.constant 0 : i32
      %dma_start3A_305 = tpu.memref_slice %arg14[%mul3A_205, %dma_start3A_304] : memref<10240x16xf32, #tpu.memory_space<vmem_shared>> -> memref<640x16xf32, #tpu.memory_space<vmem_shared>>
      %dma_start3A_306 = arith.constant 0 : i32
      %dma_start3A_307 = tpu.memref_slice %arg14[%mul3A_205, %dma_start3A_306] : memref<10240x16xf32, #tpu.memory_space<vmem_shared>> -> memref<640x16xf32, #tpu.memory_space<vmem_shared>>
      tpu.enqueue_dma source(%arg12 : memref<640x16xf32, #tpu.memory_space<vmem>>) target(%dma_start3A_307 : memref<640x16xf32, #tpu.memory_space<vmem_shared>>) target_semaphore(%run_scoped3A : memref<!tpu.dma_semaphore, #tpu.memory_space<semaphore_mem>>)
      %dma_wait3A_308 = arith.constant 0 : i32
      %dma_wait3A_309 = tpu.memref_slice %arg14[%mul3A_205, %dma_wait3A_308] : memref<10240x16xf32, #tpu.memory_space<vmem_shared>> -> memref<640x16xf32, #tpu.memory_space<vmem_shared>>
      %dma_wait3A_310 = arith.constant 0 : i32
      %dma_wait3A_311 = tpu.memref_slice %arg14[%mul3A_205, %dma_wait3A_310] : memref<10240x16xf32, #tpu.memory_space<vmem_shared>> -> memref<640x16xf32, #tpu.memory_space<vmem_shared>>
      tpu.wait_dma2 semaphore(%run_scoped3A : memref<!tpu.dma_semaphore, #tpu.memory_space<semaphore_mem>>) src(%arg12 : memref<640x16xf32, #tpu.memory_space<vmem>>) dst(%dma_wait3A_311 : memref<640x16xf32, #tpu.memory_space<vmem_shared>>)
      tpu.yield
    }) : () -> ()
    "tpu.region"() ({
      %run_scoped3A = tpu.sem_alloc : memref<!tpu.dma_semaphore, #tpu.memory_space<semaphore_mem>>
      %dma_start3A_304 = arith.constant 0 : i32
      %dma_start3A_305 = tpu.memref_slice %arg15[%mul3A_205, %dma_start3A_304] : memref<10240x16xf32, #tpu.memory_space<vmem_shared>> -> memref<640x16xf32, #tpu.memory_space<vmem_shared>>
      %dma_start3A_306 = arith.constant 0 : i32
      %dma_start3A_307 = tpu.memref_slice %arg15[%mul3A_205, %dma_start3A_306] : memref<10240x16xf32, #tpu.memory_space<vmem_shared>> -> memref<640x16xf32, #tpu.memory_space<vmem_shared>>
      tpu.enqueue_dma source(%arg12 : memref<640x16xf32, #tpu.memory_space<vmem>>) target(%dma_start3A_307 : memref<640x16xf32, #tpu.memory_space<vmem_shared>>) target_semaphore(%run_scoped3A : memref<!tpu.dma_semaphore, #tpu.memory_space<semaphore_mem>>)
      %dma_wait3A_308 = arith.constant 0 : i32
      %dma_wait3A_309 = tpu.memref_slice %arg15[%mul3A_205, %dma_wait3A_308] : memref<10240x16xf32, #tpu.memory_space<vmem_shared>> -> memref<640x16xf32, #tpu.memory_space<vmem_shared>>
      %dma_wait3A_310 = arith.constant 0 : i32
      %dma_wait3A_311 = tpu.memref_slice %arg15[%mul3A_205, %dma_wait3A_310] : memref<10240x16xf32, #tpu.memory_space<vmem_shared>> -> memref<640x16xf32, #tpu.memory_space<vmem_shared>>
      tpu.wait_dma2 semaphore(%run_scoped3A : memref<!tpu.dma_semaphore, #tpu.memory_space<semaphore_mem>>) src(%arg12 : memref<640x16xf32, #tpu.memory_space<vmem>>) dst(%dma_wait3A_311 : memref<640x16xf32, #tpu.memory_space<vmem_shared>>)
      tpu.yield
    }) : () -> ()
    "tpu.region"() ({
      %run_scoped3A = tpu.sem_alloc : memref<!tpu.dma_semaphore, #tpu.memory_space<semaphore_mem>>
      %dma_start3A_304 = arith.constant 0 : i32
      %dma_start3A_305 = tpu.memref_slice %arg13[%mul3A_205, %dma_start3A_304] : memref<10240x16xf32, #tpu.memory_space<vmem_shared>> -> memref<640x16xf32, #tpu.memory_space<vmem_shared>>
      %dma_start3A_306 = arith.constant 0 : i32
      %dma_start3A_307 = tpu.memref_slice %arg2[%mul3A_205, %dma_start3A_306] : memref<10240x16xf32, #tpu.memory_space<hbm>> -> memref<640x16xf32, #tpu.memory_space<hbm>>
      tpu.enqueue_dma source(%dma_start3A_307 : memref<640x16xf32, #tpu.memory_space<hbm>>) target(%dma_start3A_305 : memref<640x16xf32, #tpu.memory_space<vmem_shared>>) target_semaphore(%run_scoped3A : memref<!tpu.dma_semaphore, #tpu.memory_space<semaphore_mem>>)
      %dma_wait3A_308 = arith.constant 0 : i32
      %dma_wait3A_309 = tpu.memref_slice %arg13[%mul3A_205, %dma_wait3A_308] : memref<10240x16xf32, #tpu.memory_space<vmem_shared>> -> memref<640x16xf32, #tpu.memory_space<vmem_shared>>
      %dma_wait3A_310 = arith.constant 0 : i32
      %dma_wait3A_311 = tpu.memref_slice %arg2[%mul3A_205, %dma_wait3A_310] : memref<10240x16xf32, #tpu.memory_space<hbm>> -> memref<640x16xf32, #tpu.memory_space<hbm>>
      tpu.wait_dma2 semaphore(%run_scoped3A : memref<!tpu.dma_semaphore, #tpu.memory_space<semaphore_mem>>) src(%dma_wait3A_311 : memref<640x16xf32, #tpu.memory_space<hbm>>) dst(%dma_wait3A_309 : memref<640x16xf32, #tpu.memory_space<vmem_shared>>)
      tpu.yield
    }) : () -> ()
    %barrier3A = arith.constant 0 : index
    tpu.barrier barrier_id(%barrier3A)
    %dma_start3A = arith.constant 0 : i32
    %dma_start3A_206 = arith.constant 0 : i32
    %dma_start3A_207 = arith.constant 0 : i32
    %dma_start3A_208 = arith.constant 0 : i32
    %dma_start3A_209 = tpu.memref_slice %arg10[%dma_start3A_206, %dma_start3A_207, %dma_start3A_208] : memref<5x80x16xf32, #tpu.memory_space<vmem>> -> memref<1x80x16xf32, #tpu.memory_space<vmem>>
    %dma_start3A_210 = tpu.memref_squeeze %dma_start3A_209 : memref<1x80x16xf32, #tpu.memory_space<vmem>> -> memref<80x16xf32, #tpu.memory_space<vmem>>
    %dma_start3A_211 = arith.constant 0 : i32
    %dma_start3A_212 = tpu.memref_slice %arg8[%dma_start3A, %dma_start3A_211] : memref<130x80xi32, #tpu.memory_space<vmem>> -> memref<1x80xi32, #tpu.memory_space<vmem>>
    %dma_start3A_213 = tpu.memref_squeeze %dma_start3A_212 : memref<1x80xi32, #tpu.memory_space<vmem>> -> memref<80xi32, #tpu.memory_space<vmem>>
    %dma_start3A_214 = arith.constant 0 : i32
    %dma_start3A_215 = arith.constant 0 : i32
    %dma_start3A_216 = tpu.memref_slice %arg13[%dma_start3A_214, %dma_start3A_215] : memref<10240x16xf32, #tpu.memory_space<vmem_shared>> -> memref<10240x16xf32, #tpu.memory_space<vmem_shared>>
    tpu.enqueue_indirect_dma source(%dma_start3A_216 : memref<10240x16xf32, #tpu.memory_space<vmem_shared>>) target(%dma_start3A_210 : memref<80x16xf32, #tpu.memory_space<vmem>>) offsets(%dma_start3A_213 : memref<80xi32, #tpu.memory_space<vmem>>) semaphore(%arg16 : memref<!tpu.dma_semaphore, #tpu.memory_space<semaphore_mem>>)
    %dma_start3A_217 = arith.constant 1 : i32
    %dma_start3A_218 = arith.constant 1 : i32
    %dma_start3A_219 = arith.constant 0 : i32
    %dma_start3A_220 = arith.constant 0 : i32
    %dma_start3A_221 = tpu.memref_slice %arg10[%dma_start3A_218, %dma_start3A_219, %dma_start3A_220] : memref<5x80x16xf32, #tpu.memory_space<vmem>> -> memref<1x80x16xf32, #tpu.memory_space<vmem>>
    %dma_start3A_222 = tpu.memref_squeeze %dma_start3A_221 : memref<1x80x16xf32, #tpu.memory_space<vmem>> -> memref<80x16xf32, #tpu.memory_space<vmem>>
    %dma_start3A_223 = arith.constant 0 : i32
    %dma_start3A_224 = tpu.memref_slice %arg8[%dma_start3A_217, %dma_start3A_223] : memref<130x80xi32, #tpu.memory_space<vmem>> -> memref<1x80xi32, #tpu.memory_space<vmem>>
    %dma_start3A_225 = tpu.memref_squeeze %dma_start3A_224 : memref<1x80xi32, #tpu.memory_space<vmem>> -> memref<80xi32, #tpu.memory_space<vmem>>
    %dma_start3A_226 = arith.constant 0 : i32
    %dma_start3A_227 = arith.constant 0 : i32
    %dma_start3A_228 = tpu.memref_slice %arg13[%dma_start3A_226, %dma_start3A_227] : memref<10240x16xf32, #tpu.memory_space<vmem_shared>> -> memref<10240x16xf32, #tpu.memory_space<vmem_shared>>
    tpu.enqueue_indirect_dma source(%dma_start3A_228 : memref<10240x16xf32, #tpu.memory_space<vmem_shared>>) target(%dma_start3A_222 : memref<80x16xf32, #tpu.memory_space<vmem>>) offsets(%dma_start3A_225 : memref<80xi32, #tpu.memory_space<vmem>>) semaphore(%arg16 : memref<!tpu.dma_semaphore, #tpu.memory_space<semaphore_mem>>)
    %dma_start3A_229 = arith.constant 2 : i32
    %dma_start3A_230 = arith.constant 2 : i32
    %dma_start3A_231 = arith.constant 0 : i32
    %dma_start3A_232 = arith.constant 0 : i32
    %dma_start3A_233 = tpu.memref_slice %arg10[%dma_start3A_230, %dma_start3A_231, %dma_start3A_232] : memref<5x80x16xf32, #tpu.memory_space<vmem>> -> memref<1x80x16xf32, #tpu.memory_space<vmem>>
    %dma_start3A_234 = tpu.memref_squeeze %dma_start3A_233 : memref<1x80x16xf32, #tpu.memory_space<vmem>> -> memref<80x16xf32, #tpu.memory_space<vmem>>
    %dma_start3A_235 = arith.constant 0 : i32
    %dma_start3A_236 = tpu.memref_slice %arg8[%dma_start3A_229, %dma_start3A_235] : memref<130x80xi32, #tpu.memory_space<vmem>> -> memref<1x80xi32, #tpu.memory_space<vmem>>
    %dma_start3A_237 = tpu.memref_squeeze %dma_start3A_236 : memref<1x80xi32, #tpu.memory_space<vmem>> -> memref<80xi32, #tpu.memory_space<vmem>>
    %dma_start3A_238 = arith.constant 0 : i32
    %dma_start3A_239 = arith.constant 0 : i32
    %dma_start3A_240 = tpu.memref_slice %arg13[%dma_start3A_238, %dma_start3A_239] : memref<10240x16xf32, #tpu.memory_space<vmem_shared>> -> memref<10240x16xf32, #tpu.memory_space<vmem_shared>>
    tpu.enqueue_indirect_dma source(%dma_start3A_240 : memref<10240x16xf32, #tpu.memory_space<vmem_shared>>) target(%dma_start3A_234 : memref<80x16xf32, #tpu.memory_space<vmem>>) offsets(%dma_start3A_237 : memref<80xi32, #tpu.memory_space<vmem>>) semaphore(%arg16 : memref<!tpu.dma_semaphore, #tpu.memory_space<semaphore_mem>>)
    %dma_start3A_241 = arith.constant 3 : i32
    %dma_start3A_242 = arith.constant 3 : i32
    %dma_start3A_243 = arith.constant 0 : i32
    %dma_start3A_244 = arith.constant 0 : i32
    %dma_start3A_245 = tpu.memref_slice %arg10[%dma_start3A_242, %dma_start3A_243, %dma_start3A_244] : memref<5x80x16xf32, #tpu.memory_space<vmem>> -> memref<1x80x16xf32, #tpu.memory_space<vmem>>
    %dma_start3A_246 = tpu.memref_squeeze %dma_start3A_245 : memref<1x80x16xf32, #tpu.memory_space<vmem>> -> memref<80x16xf32, #tpu.memory_space<vmem>>
    %dma_start3A_247 = arith.constant 0 : i32
    %dma_start3A_248 = tpu.memref_slice %arg8[%dma_start3A_241, %dma_start3A_247] : memref<130x80xi32, #tpu.memory_space<vmem>> -> memref<1x80xi32, #tpu.memory_space<vmem>>
    %dma_start3A_249 = tpu.memref_squeeze %dma_start3A_248 : memref<1x80xi32, #tpu.memory_space<vmem>> -> memref<80xi32, #tpu.memory_space<vmem>>
    %dma_start3A_250 = arith.constant 0 : i32
    %dma_start3A_251 = arith.constant 0 : i32
    %dma_start3A_252 = tpu.memref_slice %arg13[%dma_start3A_250, %dma_start3A_251] : memref<10240x16xf32, #tpu.memory_space<vmem_shared>> -> memref<10240x16xf32, #tpu.memory_space<vmem_shared>>
    tpu.enqueue_indirect_dma source(%dma_start3A_252 : memref<10240x16xf32, #tpu.memory_space<vmem_shared>>) target(%dma_start3A_246 : memref<80x16xf32, #tpu.memory_space<vmem>>) offsets(%dma_start3A_249 : memref<80xi32, #tpu.memory_space<vmem>>) semaphore(%arg16 : memref<!tpu.dma_semaphore, #tpu.memory_space<semaphore_mem>>)
    %scan3A_253 = arith.constant 0 : i32
    %scan3A_254 = arith.constant 0 : i32
    %scan3A_255 = arith.constant 25 : i32
    %scan3A_256 = arith.addi %scan3A_254, %scan3A_255 : i32
    %scan3A_257 = arith.constant 1 : i32
    scf.for %scan3A_304 = %scan3A_254 to %scan3A_256 step %scan3A_257  : i32 {
      %mul3A_305 = arith.constant 5 : i32
      %mul3A_306 = arith.muli %scan3A_304, %mul3A_305 : i32
      %add3A_307 = arith.constant 0 : i32
      %add3A_308 = arith.addi %mul3A_306, %add3A_307 : i32
      %gt3A = arith.constant 0 : i32
      %gt3A_309 = arith.cmpi sgt, %scan3A_304, %gt3A : i32
      %convert_element_type3A = arith.extui %gt3A_309 : i1 to i32
      %cond3A = arith.constant 0 : i32
      %cond3A_310 = arith.cmpi ne, %convert_element_type3A, %cond3A : i32
      scf.if %cond3A_310 {
        %dma_wait3A_559 = arith.constant 4 : i32
        %dma_wait3A_560 = arith.constant 0 : i32
        %dma_wait3A_561 = arith.constant 0 : i32
        %dma_wait3A_562 = tpu.memref_slice %arg10[%dma_wait3A_559, %dma_wait3A_560, %dma_wait3A_561] : memref<5x80x16xf32, #tpu.memory_space<vmem>> -> memref<1x80x16xf32, #tpu.memory_space<vmem>>
        %dma_wait3A_563 = tpu.memref_squeeze %dma_wait3A_562 : memref<1x80x16xf32, #tpu.memory_space<vmem>> -> memref<80x16xf32, #tpu.memory_space<vmem>>
        %dma_wait3A_564 = arith.constant 0 : i32
        %dma_wait3A_565 = arith.constant 0 : i32
        %dma_wait3A_566 = tpu.memref_slice %arg10[%dma_wait3A_559, %dma_wait3A_564, %dma_wait3A_565] : memref<5x80x16xf32, #tpu.memory_space<vmem>> -> memref<1x80x16xf32, #tpu.memory_space<vmem>>
        %dma_wait3A_567 = tpu.memref_squeeze %dma_wait3A_566 : memref<1x80x16xf32, #tpu.memory_space<vmem>> -> memref<80x16xf32, #tpu.memory_space<vmem>>
        tpu.wait_dma2 semaphore(%arg17 : memref<!tpu.dma_semaphore, #tpu.memory_space<semaphore_mem>>) src(%arg5 : memref<80x16xf32, #tpu.memory_space<hbm>>) dst(%dma_wait3A_567 : memref<80x16xf32, #tpu.memory_space<vmem>>)
        tpu.wait_dma2 semaphore(%arg18 : memref<!tpu.dma_semaphore, #tpu.memory_space<semaphore_mem>>) src(%arg5 : memref<80x16xf32, #tpu.memory_space<hbm>>) dst(%arg11 : memref<80x16xf32, #tpu.memory_space<vmem>>)
      } else {
      }
      %dma_wait3A_311 = arith.constant 0 : i32
      %dma_wait3A_312 = arith.constant 0 : i32
      %dma_wait3A_313 = arith.constant 0 : i32
      %dma_wait3A_314 = tpu.memref_slice %arg10[%dma_wait3A_311, %dma_wait3A_312, %dma_wait3A_313] : memref<5x80x16xf32, #tpu.memory_space<vmem>> -> memref<1x80x16xf32, #tpu.memory_space<vmem>>
      %dma_wait3A_315 = tpu.memref_squeeze %dma_wait3A_314 : memref<1x80x16xf32, #tpu.memory_space<vmem>> -> memref<80x16xf32, #tpu.memory_space<vmem>>
      %dma_wait3A_316 = arith.constant 0 : i32
      %dma_wait3A_317 = arith.constant 0 : i32
      %dma_wait3A_318 = tpu.memref_slice %arg10[%dma_wait3A_311, %dma_wait3A_316, %dma_wait3A_317] : memref<5x80x16xf32, #tpu.memory_space<vmem>> -> memref<1x80x16xf32, #tpu.memory_space<vmem>>
      %dma_wait3A_319 = tpu.memref_squeeze %dma_wait3A_318 : memref<1x80x16xf32, #tpu.memory_space<vmem>> -> memref<80x16xf32, #tpu.memory_space<vmem>>
      tpu.wait_dma2 semaphore(%arg16 : memref<!tpu.dma_semaphore, #tpu.memory_space<semaphore_mem>>) src(%arg5 : memref<80x16xf32, #tpu.memory_space<hbm>>) dst(%dma_wait3A_319 : memref<80x16xf32, #tpu.memory_space<vmem>>)
      %dma_start3A_320 = arith.constant 0 : i32
      %dma_start3A_321 = arith.constant 0 : i32
      %dma_start3A_322 = arith.constant 0 : i32
      %dma_start3A_323 = tpu.memref_slice %arg10[%dma_start3A_320, %dma_start3A_321, %dma_start3A_322] : memref<5x80x16xf32, #tpu.memory_space<vmem>> -> memref<1x80x16xf32, #tpu.memory_space<vmem>>
      %dma_start3A_324 = tpu.memref_squeeze %dma_start3A_323 : memref<1x80x16xf32, #tpu.memory_space<vmem>> -> memref<80x16xf32, #tpu.memory_space<vmem>>
      %dma_start3A_325 = arith.constant 0 : i32
      %dma_start3A_326 = tpu.memref_slice %arg9[%add3A_308, %dma_start3A_325] : memref<125x80xi32, #tpu.memory_space<vmem>> -> memref<1x80xi32, #tpu.memory_space<vmem>>
      %dma_start3A_327 = tpu.memref_squeeze %dma_start3A_326 : memref<1x80xi32, #tpu.memory_space<vmem>> -> memref<80xi32, #tpu.memory_space<vmem>>
      %dma_start3A_328 = arith.constant 0 : i32
      %dma_start3A_329 = arith.constant 0 : i32
      %dma_start3A_330 = tpu.memref_slice %arg14[%dma_start3A_328, %dma_start3A_329] : memref<10240x16xf32, #tpu.memory_space<vmem_shared>> -> memref<10240x16xf32, #tpu.memory_space<vmem_shared>>
      tpu.enqueue_indirect_dma source(%dma_start3A_324 : memref<80x16xf32, #tpu.memory_space<vmem>>) target(%dma_start3A_330 : memref<10240x16xf32, #tpu.memory_space<vmem_shared>>) offsets(%dma_start3A_327 : memref<80xi32, #tpu.memory_space<vmem>>) semaphore(%arg17 : memref<!tpu.dma_semaphore, #tpu.memory_space<semaphore_mem>>) {add = true}
      %dma_start3A_331 = arith.constant 0 : i32
      %dma_start3A_332 = tpu.memref_slice %arg9[%add3A_308, %dma_start3A_331] : memref<125x80xi32, #tpu.memory_space<vmem>> -> memref<1x80xi32, #tpu.memory_space<vmem>>
      %dma_start3A_333 = tpu.memref_squeeze %dma_start3A_332 : memref<1x80xi32, #tpu.memory_space<vmem>> -> memref<80xi32, #tpu.memory_space<vmem>>
      %dma_start3A_334 = arith.constant 0 : i32
      %dma_start3A_335 = arith.constant 0 : i32
      %dma_start3A_336 = tpu.memref_slice %arg15[%dma_start3A_334, %dma_start3A_335] : memref<10240x16xf32, #tpu.memory_space<vmem_shared>> -> memref<10240x16xf32, #tpu.memory_space<vmem_shared>>
      tpu.enqueue_indirect_dma source(%arg11 : memref<80x16xf32, #tpu.memory_space<vmem>>) target(%dma_start3A_336 : memref<10240x16xf32, #tpu.memory_space<vmem_shared>>) offsets(%dma_start3A_333 : memref<80xi32, #tpu.memory_space<vmem>>) semaphore(%arg18 : memref<!tpu.dma_semaphore, #tpu.memory_space<semaphore_mem>>) {add = true}
      %add3A_337 = arith.constant 5 : i32
      %add3A_338 = arith.addi %add3A_308, %add3A_337 : i32
      %sub3A = arith.constant 1 : i32
      %sub3A_339 = arith.subi %add3A_338, %sub3A : i32
      %dma_start3A_340 = arith.constant 4 : i32
      %dma_start3A_341 = arith.constant 0 : i32
      %dma_start3A_342 = arith.constant 0 : i32
      %dma_start3A_343 = tpu.memref_slice %arg10[%dma_start3A_340, %dma_start3A_341, %dma_start3A_342] : memref<5x80x16xf32, #tpu.memory_space<vmem>> -> memref<1x80x16xf32, #tpu.memory_space<vmem>>
      %dma_start3A_344 = tpu.memref_squeeze %dma_start3A_343 : memref<1x80x16xf32, #tpu.memory_space<vmem>> -> memref<80x16xf32, #tpu.memory_space<vmem>>
      %dma_start3A_345 = arith.constant 0 : i32
      %dma_start3A_346 = tpu.memref_slice %arg8[%sub3A_339, %dma_start3A_345] : memref<130x80xi32, #tpu.memory_space<vmem>> -> memref<1x80xi32, #tpu.memory_space<vmem>>
      %dma_start3A_347 = tpu.memref_squeeze %dma_start3A_346 : memref<1x80xi32, #tpu.memory_space<vmem>> -> memref<80xi32, #tpu.memory_space<vmem>>
      %dma_start3A_348 = arith.constant 0 : i32
      %dma_start3A_349 = arith.constant 0 : i32
      %dma_start3A_350 = tpu.memref_slice %arg13[%dma_start3A_348, %dma_start3A_349] : memref<10240x16xf32, #tpu.memory_space<vmem_shared>> -> memref<10240x16xf32, #tpu.memory_space<vmem_shared>>
      tpu.enqueue_indirect_dma source(%dma_start3A_350 : memref<10240x16xf32, #tpu.memory_space<vmem_shared>>) target(%dma_start3A_344 : memref<80x16xf32, #tpu.memory_space<vmem>>) offsets(%dma_start3A_347 : memref<80xi32, #tpu.memory_space<vmem>>) semaphore(%arg16 : memref<!tpu.dma_semaphore, #tpu.memory_space<semaphore_mem>>)
      %add3A_351 = arith.constant 1 : i32
      %add3A_352 = arith.addi %mul3A_306, %add3A_351 : i32
      %dma_wait3A_353 = arith.constant 0 : i32
      %dma_wait3A_354 = arith.constant 0 : i32
      %dma_wait3A_355 = arith.constant 0 : i32
      %dma_wait3A_356 = tpu.memref_slice %arg10[%dma_wait3A_353, %dma_wait3A_354, %dma_wait3A_355] : memref<5x80x16xf32, #tpu.memory_space<vmem>> -> memref<1x80x16xf32, #tpu.memory_space<vmem>>
      %dma_wait3A_357 = tpu.memref_squeeze %dma_wait3A_356 : memref<1x80x16xf32, #tpu.memory_space<vmem>> -> memref<80x16xf32, #tpu.memory_space<vmem>>
      %dma_wait3A_358 = arith.constant 0 : i32
      %dma_wait3A_359 = arith.constant 0 : i32
      %dma_wait3A_360 = tpu.memref_slice %arg10[%dma_wait3A_353, %dma_wait3A_358, %dma_wait3A_359] : memref<5x80x16xf32, #tpu.memory_space<vmem>> -> memref<1x80x16xf32, #tpu.memory_space<vmem>>
      %dma_wait3A_361 = tpu.memref_squeeze %dma_wait3A_360 : memref<1x80x16xf32, #tpu.memory_space<vmem>> -> memref<80x16xf32, #tpu.memory_space<vmem>>
      tpu.wait_dma2 semaphore(%arg17 : memref<!tpu.dma_semaphore, #tpu.memory_space<semaphore_mem>>) src(%arg5 : memref<80x16xf32, #tpu.memory_space<hbm>>) dst(%dma_wait3A_361 : memref<80x16xf32, #tpu.memory_space<vmem>>)
      tpu.wait_dma2 semaphore(%arg18 : memref<!tpu.dma_semaphore, #tpu.memory_space<semaphore_mem>>) src(%arg5 : memref<80x16xf32, #tpu.memory_space<hbm>>) dst(%arg11 : memref<80x16xf32, #tpu.memory_space<vmem>>)
      %dma_wait3A_362 = arith.constant 1 : i32
      %dma_wait3A_363 = arith.constant 0 : i32
      %dma_wait3A_364 = arith.constant 0 : i32
      %dma_wait3A_365 = tpu.memref_slice %arg10[%dma_wait3A_362, %dma_wait3A_363, %dma_wait3A_364] : memref<5x80x16xf32, #tpu.memory_space<vmem>> -> memref<1x80x16xf32, #tpu.memory_space<vmem>>
      %dma_wait3A_366 = tpu.memref_squeeze %dma_wait3A_365 : memref<1x80x16xf32, #tpu.memory_space<vmem>> -> memref<80x16xf32, #tpu.memory_space<vmem>>
      %dma_wait3A_367 = arith.constant 0 : i32
      %dma_wait3A_368 = arith.constant 0 : i32
      %dma_wait3A_369 = tpu.memref_slice %arg10[%dma_wait3A_362, %dma_wait3A_367, %dma_wait3A_368] : memref<5x80x16xf32, #tpu.memory_space<vmem>> -> memref<1x80x16xf32, #tpu.memory_space<vmem>>
      %dma_wait3A_370 = tpu.memref_squeeze %dma_wait3A_369 : memref<1x80x16xf32, #tpu.memory_space<vmem>> -> memref<80x16xf32, #tpu.memory_space<vmem>>
      tpu.wait_dma2 semaphore(%arg16 : memref<!tpu.dma_semaphore, #tpu.memory_space<semaphore_mem>>) src(%arg5 : memref<80x16xf32, #tpu.memory_space<hbm>>) dst(%dma_wait3A_370 : memref<80x16xf32, #tpu.memory_space<vmem>>)
      %dma_start3A_371 = arith.constant 1 : i32
      %dma_start3A_372 = arith.constant 0 : i32
      %dma_start3A_373 = arith.constant 0 : i32
      %dma_start3A_374 = tpu.memref_slice %arg10[%dma_start3A_371, %dma_start3A_372, %dma_start3A_373] : memref<5x80x16xf32, #tpu.memory_space<vmem>> -> memref<1x80x16xf32, #tpu.memory_space<vmem>>
      %dma_start3A_375 = tpu.memref_squeeze %dma_start3A_374 : memref<1x80x16xf32, #tpu.memory_space<vmem>> -> memref<80x16xf32, #tpu.memory_space<vmem>>
      %dma_start3A_376 = arith.constant 0 : i32
      %dma_start3A_377 = tpu.memref_slice %arg9[%add3A_352, %dma_start3A_376] : memref<125x80xi32, #tpu.memory_space<vmem>> -> memref<1x80xi32, #tpu.memory_space<vmem>>
      %dma_start3A_378 = tpu.memref_squeeze %dma_start3A_377 : memref<1x80xi32, #tpu.memory_space<vmem>> -> memref<80xi32, #tpu.memory_space<vmem>>
      %dma_start3A_379 = arith.constant 0 : i32
      %dma_start3A_380 = arith.constant 0 : i32
      %dma_start3A_381 = tpu.memref_slice %arg14[%dma_start3A_379, %dma_start3A_380] : memref<10240x16xf32, #tpu.memory_space<vmem_shared>> -> memref<10240x16xf32, #tpu.memory_space<vmem_shared>>
      tpu.enqueue_indirect_dma source(%dma_start3A_375 : memref<80x16xf32, #tpu.memory_space<vmem>>) target(%dma_start3A_381 : memref<10240x16xf32, #tpu.memory_space<vmem_shared>>) offsets(%dma_start3A_378 : memref<80xi32, #tpu.memory_space<vmem>>) semaphore(%arg17 : memref<!tpu.dma_semaphore, #tpu.memory_space<semaphore_mem>>) {add = true}
      %dma_start3A_382 = arith.constant 0 : i32
      %dma_start3A_383 = tpu.memref_slice %arg9[%add3A_352, %dma_start3A_382] : memref<125x80xi32, #tpu.memory_space<vmem>> -> memref<1x80xi32, #tpu.memory_space<vmem>>
      %dma_start3A_384 = tpu.memref_squeeze %dma_start3A_383 : memref<1x80xi32, #tpu.memory_space<vmem>> -> memref<80xi32, #tpu.memory_space<vmem>>
      %dma_start3A_385 = arith.constant 0 : i32
      %dma_start3A_386 = arith.constant 0 : i32
      %dma_start3A_387 = tpu.memref_slice %arg15[%dma_start3A_385, %dma_start3A_386] : memref<10240x16xf32, #tpu.memory_space<vmem_shared>> -> memref<10240x16xf32, #tpu.memory_space<vmem_shared>>
      tpu.enqueue_indirect_dma source(%arg11 : memref<80x16xf32, #tpu.memory_space<vmem>>) target(%dma_start3A_387 : memref<10240x16xf32, #tpu.memory_space<vmem_shared>>) offsets(%dma_start3A_384 : memref<80xi32, #tpu.memory_space<vmem>>) semaphore(%arg18 : memref<!tpu.dma_semaphore, #tpu.memory_space<semaphore_mem>>) {add = true}
      %add3A_388 = arith.constant 5 : i32
      %add3A_389 = arith.addi %add3A_352, %add3A_388 : i32
      %sub3A_390 = arith.constant 1 : i32
      %sub3A_391 = arith.subi %add3A_389, %sub3A_390 : i32
      %dma_start3A_392 = arith.constant 0 : i32
      %dma_start3A_393 = arith.constant 0 : i32
      %dma_start3A_394 = arith.constant 0 : i32
      %dma_start3A_395 = tpu.memref_slice %arg10[%dma_start3A_392, %dma_start3A_393, %dma_start3A_394] : memref<5x80x16xf32, #tpu.memory_space<vmem>> -> memref<1x80x16xf32, #tpu.memory_space<vmem>>
      %dma_start3A_396 = tpu.memref_squeeze %dma_start3A_395 : memref<1x80x16xf32, #tpu.memory_space<vmem>> -> memref<80x16xf32, #tpu.memory_space<vmem>>
      %dma_start3A_397 = arith.constant 0 : i32
      %dma_start3A_398 = tpu.memref_slice %arg8[%sub3A_391, %dma_start3A_397] : memref<130x80xi32, #tpu.memory_space<vmem>> -> memref<1x80xi32, #tpu.memory_space<vmem>>
      %dma_start3A_399 = tpu.memref_squeeze %dma_start3A_398 : memref<1x80xi32, #tpu.memory_space<vmem>> -> memref<80xi32, #tpu.memory_space<vmem>>
      %dma_start3A_400 = arith.constant 0 : i32
      %dma_start3A_401 = arith.constant 0 : i32
      %dma_start3A_402 = tpu.memref_slice %arg13[%dma_start3A_400, %dma_start3A_401] : memref<10240x16xf32, #tpu.memory_space<vmem_shared>> -> memref<10240x16xf32, #tpu.memory_space<vmem_shared>>
      tpu.enqueue_indirect_dma source(%dma_start3A_402 : memref<10240x16xf32, #tpu.memory_space<vmem_shared>>) target(%dma_start3A_396 : memref<80x16xf32, #tpu.memory_space<vmem>>) offsets(%dma_start3A_399 : memref<80xi32, #tpu.memory_space<vmem>>) semaphore(%arg16 : memref<!tpu.dma_semaphore, #tpu.memory_space<semaphore_mem>>)
      %add3A_403 = arith.constant 2 : i32
      %add3A_404 = arith.addi %mul3A_306, %add3A_403 : i32
      %dma_wait3A_405 = arith.constant 1 : i32
      %dma_wait3A_406 = arith.constant 0 : i32
      %dma_wait3A_407 = arith.constant 0 : i32
      %dma_wait3A_408 = tpu.memref_slice %arg10[%dma_wait3A_405, %dma_wait3A_406, %dma_wait3A_407] : memref<5x80x16xf32, #tpu.memory_space<vmem>> -> memref<1x80x16xf32, #tpu.memory_space<vmem>>
      %dma_wait3A_409 = tpu.memref_squeeze %dma_wait3A_408 : memref<1x80x16xf32, #tpu.memory_space<vmem>> -> memref<80x16xf32, #tpu.memory_space<vmem>>
      %dma_wait3A_410 = arith.constant 0 : i32
      %dma_wait3A_411 = arith.constant 0 : i32
      %dma_wait3A_412 = tpu.memref_slice %arg10[%dma_wait3A_405, %dma_wait3A_410, %dma_wait3A_411] : memref<5x80x16xf32, #tpu.memory_space<vmem>> -> memref<1x80x16xf32, #tpu.memory_space<vmem>>
      %dma_wait3A_413 = tpu.memref_squeeze %dma_wait3A_412 : memref<1x80x16xf32, #tpu.memory_space<vmem>> -> memref<80x16xf32, #tpu.memory_space<vmem>>
      tpu.wait_dma2 semaphore(%arg17 : memref<!tpu.dma_semaphore, #tpu.memory_space<semaphore_mem>>) src(%arg5 : memref<80x16xf32, #tpu.memory_space<hbm>>) dst(%dma_wait3A_413 : memref<80x16xf32, #tpu.memory_space<vmem>>)
      tpu.wait_dma2 semaphore(%arg18 : memref<!tpu.dma_semaphore, #tpu.memory_space<semaphore_mem>>) src(%arg5 : memref<80x16xf32, #tpu.memory_space<hbm>>) dst(%arg11 : memref<80x16xf32, #tpu.memory_space<vmem>>)
      %dma_wait3A_414 = arith.constant 2 : i32
      %dma_wait3A_415 = arith.constant 0 : i32
      %dma_wait3A_416 = arith.constant 0 : i32
      %dma_wait3A_417 = tpu.memref_slice %arg10[%dma_wait3A_414, %dma_wait3A_415, %dma_wait3A_416] : memref<5x80x16xf32, #tpu.memory_space<vmem>> -> memref<1x80x16xf32, #tpu.memory_space<vmem>>
      %dma_wait3A_418 = tpu.memref_squeeze %dma_wait3A_417 : memref<1x80x16xf32, #tpu.memory_space<vmem>> -> memref<80x16xf32, #tpu.memory_space<vmem>>
      %dma_wait3A_419 = arith.constant 0 : i32
      %dma_wait3A_420 = arith.constant 0 : i32
      %dma_wait3A_421 = tpu.memref_slice %arg10[%dma_wait3A_414, %dma_wait3A_419, %dma_wait3A_420] : memref<5x80x16xf32, #tpu.memory_space<vmem>> -> memref<1x80x16xf32, #tpu.memory_space<vmem>>
      %dma_wait3A_422 = tpu.memref_squeeze %dma_wait3A_421 : memref<1x80x16xf32, #tpu.memory_space<vmem>> -> memref<80x16xf32, #tpu.memory_space<vmem>>
      tpu.wait_dma2 semaphore(%arg16 : memref<!tpu.dma_semaphore, #tpu.memory_space<semaphore_mem>>) src(%arg5 : memref<80x16xf32, #tpu.memory_space<hbm>>) dst(%dma_wait3A_422 : memref<80x16xf32, #tpu.memory_space<vmem>>)
      %dma_start3A_423 = arith.constant 2 : i32
      %dma_start3A_424 = arith.constant 0 : i32
      %dma_start3A_425 = arith.constant 0 : i32
      %dma_start3A_426 = tpu.memref_slice %arg10[%dma_start3A_423, %dma_start3A_424, %dma_start3A_425] : memref<5x80x16xf32, #tpu.memory_space<vmem>> -> memref<1x80x16xf32, #tpu.memory_space<vmem>>
      %dma_start3A_427 = tpu.memref_squeeze %dma_start3A_426 : memref<1x80x16xf32, #tpu.memory_space<vmem>> -> memref<80x16xf32, #tpu.memory_space<vmem>>
      %dma_start3A_428 = arith.constant 0 : i32
      %dma_start3A_429 = tpu.memref_slice %arg9[%add3A_404, %dma_start3A_428] : memref<125x80xi32, #tpu.memory_space<vmem>> -> memref<1x80xi32, #tpu.memory_space<vmem>>
      %dma_start3A_430 = tpu.memref_squeeze %dma_start3A_429 : memref<1x80xi32, #tpu.memory_space<vmem>> -> memref<80xi32, #tpu.memory_space<vmem>>
      %dma_start3A_431 = arith.constant 0 : i32
      %dma_start3A_432 = arith.constant 0 : i32
      %dma_start3A_433 = tpu.memref_slice %arg14[%dma_start3A_431, %dma_start3A_432] : memref<10240x16xf32, #tpu.memory_space<vmem_shared>> -> memref<10240x16xf32, #tpu.memory_space<vmem_shared>>
      tpu.enqueue_indirect_dma source(%dma_start3A_427 : memref<80x16xf32, #tpu.memory_space<vmem>>) target(%dma_start3A_433 : memref<10240x16xf32, #tpu.memory_space<vmem_shared>>) offsets(%dma_start3A_430 : memref<80xi32, #tpu.memory_space<vmem>>) semaphore(%arg17 : memref<!tpu.dma_semaphore, #tpu.memory_space<semaphore_mem>>) {add = true}
      %dma_start3A_434 = arith.constant 0 : i32
      %dma_start3A_435 = tpu.memref_slice %arg9[%add3A_404, %dma_start3A_434] : memref<125x80xi32, #tpu.memory_space<vmem>> -> memref<1x80xi32, #tpu.memory_space<vmem>>
      %dma_start3A_436 = tpu.memref_squeeze %dma_start3A_435 : memref<1x80xi32, #tpu.memory_space<vmem>> -> memref<80xi32, #tpu.memory_space<vmem>>
      %dma_start3A_437 = arith.constant 0 : i32
      %dma_start3A_438 = arith.constant 0 : i32
      %dma_start3A_439 = tpu.memref_slice %arg15[%dma_start3A_437, %dma_start3A_438] : memref<10240x16xf32, #tpu.memory_space<vmem_shared>> -> memref<10240x16xf32, #tpu.memory_space<vmem_shared>>
      tpu.enqueue_indirect_dma source(%arg11 : memref<80x16xf32, #tpu.memory_space<vmem>>) target(%dma_start3A_439 : memref<10240x16xf32, #tpu.memory_space<vmem_shared>>) offsets(%dma_start3A_436 : memref<80xi32, #tpu.memory_space<vmem>>) semaphore(%arg18 : memref<!tpu.dma_semaphore, #tpu.memory_space<semaphore_mem>>) {add = true}
      %add3A_440 = arith.constant 5 : i32
      %add3A_441 = arith.addi %add3A_404, %add3A_440 : i32
      %sub3A_442 = arith.constant 1 : i32
      %sub3A_443 = arith.subi %add3A_441, %sub3A_442 : i32
      %dma_start3A_444 = arith.constant 1 : i32
      %dma_start3A_445 = arith.constant 0 : i32
      %dma_start3A_446 = arith.constant 0 : i32
      %dma_start3A_447 = tpu.memref_slice %arg10[%dma_start3A_444, %dma_start3A_445, %dma_start3A_446] : memref<5x80x16xf32, #tpu.memory_space<vmem>> -> memref<1x80x16xf32, #tpu.memory_space<vmem>>
      %dma_start3A_448 = tpu.memref_squeeze %dma_start3A_447 : memref<1x80x16xf32, #tpu.memory_space<vmem>> -> memref<80x16xf32, #tpu.memory_space<vmem>>
      %dma_start3A_449 = arith.constant 0 : i32
      %dma_start3A_450 = tpu.memref_slice %arg8[%sub3A_443, %dma_start3A_449] : memref<130x80xi32, #tpu.memory_space<vmem>> -> memref<1x80xi32, #tpu.memory_space<vmem>>
      %dma_start3A_451 = tpu.memref_squeeze %dma_start3A_450 : memref<1x80xi32, #tpu.memory_space<vmem>> -> memref<80xi32, #tpu.memory_space<vmem>>
      %dma_start3A_452 = arith.constant 0 : i32
      %dma_start3A_453 = arith.constant 0 : i32
      %dma_start3A_454 = tpu.memref_slice %arg13[%dma_start3A_452, %dma_start3A_453] : memref<10240x16xf32, #tpu.memory_space<vmem_shared>> -> memref<10240x16xf32, #tpu.memory_space<vmem_shared>>
      tpu.enqueue_indirect_dma source(%dma_start3A_454 : memref<10240x16xf32, #tpu.memory_space<vmem_shared>>) target(%dma_start3A_448 : memref<80x16xf32, #tpu.memory_space<vmem>>) offsets(%dma_start3A_451 : memref<80xi32, #tpu.memory_space<vmem>>) semaphore(%arg16 : memref<!tpu.dma_semaphore, #tpu.memory_space<semaphore_mem>>)
      %add3A_455 = arith.constant 3 : i32
      %add3A_456 = arith.addi %mul3A_306, %add3A_455 : i32
      %dma_wait3A_457 = arith.constant 2 : i32
      %dma_wait3A_458 = arith.constant 0 : i32
      %dma_wait3A_459 = arith.constant 0 : i32
      %dma_wait3A_460 = tpu.memref_slice %arg10[%dma_wait3A_457, %dma_wait3A_458, %dma_wait3A_459] : memref<5x80x16xf32, #tpu.memory_space<vmem>> -> memref<1x80x16xf32, #tpu.memory_space<vmem>>
      %dma_wait3A_461 = tpu.memref_squeeze %dma_wait3A_460 : memref<1x80x16xf32, #tpu.memory_space<vmem>> -> memref<80x16xf32, #tpu.memory_space<vmem>>
      %dma_wait3A_462 = arith.constant 0 : i32
      %dma_wait3A_463 = arith.constant 0 : i32
      %dma_wait3A_464 = tpu.memref_slice %arg10[%dma_wait3A_457, %dma_wait3A_462, %dma_wait3A_463] : memref<5x80x16xf32, #tpu.memory_space<vmem>> -> memref<1x80x16xf32, #tpu.memory_space<vmem>>
      %dma_wait3A_465 = tpu.memref_squeeze %dma_wait3A_464 : memref<1x80x16xf32, #tpu.memory_space<vmem>> -> memref<80x16xf32, #tpu.memory_space<vmem>>
      tpu.wait_dma2 semaphore(%arg17 : memref<!tpu.dma_semaphore, #tpu.memory_space<semaphore_mem>>) src(%arg5 : memref<80x16xf32, #tpu.memory_space<hbm>>) dst(%dma_wait3A_465 : memref<80x16xf32, #tpu.memory_space<vmem>>)
      tpu.wait_dma2 semaphore(%arg18 : memref<!tpu.dma_semaphore, #tpu.memory_space<semaphore_mem>>) src(%arg5 : memref<80x16xf32, #tpu.memory_space<hbm>>) dst(%arg11 : memref<80x16xf32, #tpu.memory_space<vmem>>)
      %dma_wait3A_466 = arith.constant 3 : i32
      %dma_wait3A_467 = arith.constant 0 : i32
      %dma_wait3A_468 = arith.constant 0 : i32
      %dma_wait3A_469 = tpu.memref_slice %arg10[%dma_wait3A_466, %dma_wait3A_467, %dma_wait3A_468] : memref<5x80x16xf32, #tpu.memory_space<vmem>> -> memref<1x80x16xf32, #tpu.memory_space<vmem>>
      %dma_wait3A_470 = tpu.memref_squeeze %dma_wait3A_469 : memref<1x80x16xf32, #tpu.memory_space<vmem>> -> memref<80x16xf32, #tpu.memory_space<vmem>>
      %dma_wait3A_471 = arith.constant 0 : i32
      %dma_wait3A_472 = arith.constant 0 : i32
      %dma_wait3A_473 = tpu.memref_slice %arg10[%dma_wait3A_466, %dma_wait3A_471, %dma_wait3A_472] : memref<5x80x16xf32, #tpu.memory_space<vmem>> -> memref<1x80x16xf32, #tpu.memory_space<vmem>>
      %dma_wait3A_474 = tpu.memref_squeeze %dma_wait3A_473 : memref<1x80x16xf32, #tpu.memory_space<vmem>> -> memref<80x16xf32, #tpu.memory_space<vmem>>
      tpu.wait_dma2 semaphore(%arg16 : memref<!tpu.dma_semaphore, #tpu.memory_space<semaphore_mem>>) src(%arg5 : memref<80x16xf32, #tpu.memory_space<hbm>>) dst(%dma_wait3A_474 : memref<80x16xf32, #tpu.memory_space<vmem>>)
      %dma_start3A_475 = arith.constant 3 : i32
      %dma_start3A_476 = arith.constant 0 : i32
      %dma_start3A_477 = arith.constant 0 : i32
      %dma_start3A_478 = tpu.memref_slice %arg10[%dma_start3A_475, %dma_start3A_476, %dma_start3A_477] : memref<5x80x16xf32, #tpu.memory_space<vmem>> -> memref<1x80x16xf32, #tpu.memory_space<vmem>>
      %dma_start3A_479 = tpu.memref_squeeze %dma_start3A_478 : memref<1x80x16xf32, #tpu.memory_space<vmem>> -> memref<80x16xf32, #tpu.memory_space<vmem>>
      %dma_start3A_480 = arith.constant 0 : i32
      %dma_start3A_481 = tpu.memref_slice %arg9[%add3A_456, %dma_start3A_480] : memref<125x80xi32, #tpu.memory_space<vmem>> -> memref<1x80xi32, #tpu.memory_space<vmem>>
      %dma_start3A_482 = tpu.memref_squeeze %dma_start3A_481 : memref<1x80xi32, #tpu.memory_space<vmem>> -> memref<80xi32, #tpu.memory_space<vmem>>
      %dma_start3A_483 = arith.constant 0 : i32
      %dma_start3A_484 = arith.constant 0 : i32
      %dma_start3A_485 = tpu.memref_slice %arg14[%dma_start3A_483, %dma_start3A_484] : memref<10240x16xf32, #tpu.memory_space<vmem_shared>> -> memref<10240x16xf32, #tpu.memory_space<vmem_shared>>
      tpu.enqueue_indirect_dma source(%dma_start3A_479 : memref<80x16xf32, #tpu.memory_space<vmem>>) target(%dma_start3A_485 : memref<10240x16xf32, #tpu.memory_space<vmem_shared>>) offsets(%dma_start3A_482 : memref<80xi32, #tpu.memory_space<vmem>>) semaphore(%arg17 : memref<!tpu.dma_semaphore, #tpu.memory_space<semaphore_mem>>) {add = true}
      %dma_start3A_486 = arith.constant 0 : i32
      %dma_start3A_487 = tpu.memref_slice %arg9[%add3A_456, %dma_start3A_486] : memref<125x80xi32, #tpu.memory_space<vmem>> -> memref<1x80xi32, #tpu.memory_space<vmem>>
      %dma_start3A_488 = tpu.memref_squeeze %dma_start3A_487 : memref<1x80xi32, #tpu.memory_space<vmem>> -> memref<80xi32, #tpu.memory_space<vmem>>
      %dma_start3A_489 = arith.constant 0 : i32
      %dma_start3A_490 = arith.constant 0 : i32
      %dma_start3A_491 = tpu.memref_slice %arg15[%dma_start3A_489, %dma_start3A_490] : memref<10240x16xf32, #tpu.memory_space<vmem_shared>> -> memref<10240x16xf32, #tpu.memory_space<vmem_shared>>
      tpu.enqueue_indirect_dma source(%arg11 : memref<80x16xf32, #tpu.memory_space<vmem>>) target(%dma_start3A_491 : memref<10240x16xf32, #tpu.memory_space<vmem_shared>>) offsets(%dma_start3A_488 : memref<80xi32, #tpu.memory_space<vmem>>) semaphore(%arg18 : memref<!tpu.dma_semaphore, #tpu.memory_space<semaphore_mem>>) {add = true}
      %add3A_492 = arith.constant 5 : i32
      %add3A_493 = arith.addi %add3A_456, %add3A_492 : i32
      %sub3A_494 = arith.constant 1 : i32
      %sub3A_495 = arith.subi %add3A_493, %sub3A_494 : i32
      %dma_start3A_496 = arith.constant 2 : i32
      %dma_start3A_497 = arith.constant 0 : i32
      %dma_start3A_498 = arith.constant 0 : i32
      %dma_start3A_499 = tpu.memref_slice %arg10[%dma_start3A_496, %dma_start3A_497, %dma_start3A_498] : memref<5x80x16xf32, #tpu.memory_space<vmem>> -> memref<1x80x16xf32, #tpu.memory_space<vmem>>
      %dma_start3A_500 = tpu.memref_squeeze %dma_start3A_499 : memref<1x80x16xf32, #tpu.memory_space<vmem>> -> memref<80x16xf32, #tpu.memory_space<vmem>>
      %dma_start3A_501 = arith.constant 0 : i32
      %dma_start3A_502 = tpu.memref_slice %arg8[%sub3A_495, %dma_start3A_501] : memref<130x80xi32, #tpu.memory_space<vmem>> -> memref<1x80xi32, #tpu.memory_space<vmem>>
      %dma_start3A_503 = tpu.memref_squeeze %dma_start3A_502 : memref<1x80xi32, #tpu.memory_space<vmem>> -> memref<80xi32, #tpu.memory_space<vmem>>
      %dma_start3A_504 = arith.constant 0 : i32
      %dma_start3A_505 = arith.constant 0 : i32
      %dma_start3A_506 = tpu.memref_slice %arg13[%dma_start3A_504, %dma_start3A_505] : memref<10240x16xf32, #tpu.memory_space<vmem_shared>> -> memref<10240x16xf32, #tpu.memory_space<vmem_shared>>
      tpu.enqueue_indirect_dma source(%dma_start3A_506 : memref<10240x16xf32, #tpu.memory_space<vmem_shared>>) target(%dma_start3A_500 : memref<80x16xf32, #tpu.memory_space<vmem>>) offsets(%dma_start3A_503 : memref<80xi32, #tpu.memory_space<vmem>>) semaphore(%arg16 : memref<!tpu.dma_semaphore, #tpu.memory_space<semaphore_mem>>)
      %add3A_507 = arith.constant 4 : i32
      %add3A_508 = arith.addi %mul3A_306, %add3A_507 : i32
      %dma_wait3A_509 = arith.constant 3 : i32
      %dma_wait3A_510 = arith.constant 0 : i32
      %dma_wait3A_511 = arith.constant 0 : i32
      %dma_wait3A_512 = tpu.memref_slice %arg10[%dma_wait3A_509, %dma_wait3A_510, %dma_wait3A_511] : memref<5x80x16xf32, #tpu.memory_space<vmem>> -> memref<1x80x16xf32, #tpu.memory_space<vmem>>
      %dma_wait3A_513 = tpu.memref_squeeze %dma_wait3A_512 : memref<1x80x16xf32, #tpu.memory_space<vmem>> -> memref<80x16xf32, #tpu.memory_space<vmem>>
      %dma_wait3A_514 = arith.constant 0 : i32
      %dma_wait3A_515 = arith.constant 0 : i32
      %dma_wait3A_516 = tpu.memref_slice %arg10[%dma_wait3A_509, %dma_wait3A_514, %dma_wait3A_515] : memref<5x80x16xf32, #tpu.memory_space<vmem>> -> memref<1x80x16xf32, #tpu.memory_space<vmem>>
      %dma_wait3A_517 = tpu.memref_squeeze %dma_wait3A_516 : memref<1x80x16xf32, #tpu.memory_space<vmem>> -> memref<80x16xf32, #tpu.memory_space<vmem>>
      tpu.wait_dma2 semaphore(%arg17 : memref<!tpu.dma_semaphore, #tpu.memory_space<semaphore_mem>>) src(%arg5 : memref<80x16xf32, #tpu.memory_space<hbm>>) dst(%dma_wait3A_517 : memref<80x16xf32, #tpu.memory_space<vmem>>)
      tpu.wait_dma2 semaphore(%arg18 : memref<!tpu.dma_semaphore, #tpu.memory_space<semaphore_mem>>) src(%arg5 : memref<80x16xf32, #tpu.memory_space<hbm>>) dst(%arg11 : memref<80x16xf32, #tpu.memory_space<vmem>>)
      %dma_wait3A_518 = arith.constant 4 : i32
      %dma_wait3A_519 = arith.constant 0 : i32
      %dma_wait3A_520 = arith.constant 0 : i32
      %dma_wait3A_521 = tpu.memref_slice %arg10[%dma_wait3A_518, %dma_wait3A_519, %dma_wait3A_520] : memref<5x80x16xf32, #tpu.memory_space<vmem>> -> memref<1x80x16xf32, #tpu.memory_space<vmem>>
      %dma_wait3A_522 = tpu.memref_squeeze %dma_wait3A_521 : memref<1x80x16xf32, #tpu.memory_space<vmem>> -> memref<80x16xf32, #tpu.memory_space<vmem>>
      %dma_wait3A_523 = arith.constant 0 : i32
      %dma_wait3A_524 = arith.constant 0 : i32
      %dma_wait3A_525 = tpu.memref_slice %arg10[%dma_wait3A_518, %dma_wait3A_523, %dma_wait3A_524] : memref<5x80x16xf32, #tpu.memory_space<vmem>> -> memref<1x80x16xf32, #tpu.memory_space<vmem>>
      %dma_wait3A_526 = tpu.memref_squeeze %dma_wait3A_525 : memref<1x80x16xf32, #tpu.memory_space<vmem>> -> memref<80x16xf32, #tpu.memory_space<vmem>>
      tpu.wait_dma2 semaphore(%arg16 : memref<!tpu.dma_semaphore, #tpu.memory_space<semaphore_mem>>) src(%arg5 : memref<80x16xf32, #tpu.memory_space<hbm>>) dst(%dma_wait3A_526 : memref<80x16xf32, #tpu.memory_space<vmem>>)
      %dma_start3A_527 = arith.constant 4 : i32
      %dma_start3A_528 = arith.constant 0 : i32
      %dma_start3A_529 = arith.constant 0 : i32
      %dma_start3A_530 = tpu.memref_slice %arg10[%dma_start3A_527, %dma_start3A_528, %dma_start3A_529] : memref<5x80x16xf32, #tpu.memory_space<vmem>> -> memref<1x80x16xf32, #tpu.memory_space<vmem>>
      %dma_start3A_531 = tpu.memref_squeeze %dma_start3A_530 : memref<1x80x16xf32, #tpu.memory_space<vmem>> -> memref<80x16xf32, #tpu.memory_space<vmem>>
      %dma_start3A_532 = arith.constant 0 : i32
      %dma_start3A_533 = tpu.memref_slice %arg9[%add3A_508, %dma_start3A_532] : memref<125x80xi32, #tpu.memory_space<vmem>> -> memref<1x80xi32, #tpu.memory_space<vmem>>
      %dma_start3A_534 = tpu.memref_squeeze %dma_start3A_533 : memref<1x80xi32, #tpu.memory_space<vmem>> -> memref<80xi32, #tpu.memory_space<vmem>>
      %dma_start3A_535 = arith.constant 0 : i32
      %dma_start3A_536 = arith.constant 0 : i32
      %dma_start3A_537 = tpu.memref_slice %arg14[%dma_start3A_535, %dma_start3A_536] : memref<10240x16xf32, #tpu.memory_space<vmem_shared>> -> memref<10240x16xf32, #tpu.memory_space<vmem_shared>>
      tpu.enqueue_indirect_dma source(%dma_start3A_531 : memref<80x16xf32, #tpu.memory_space<vmem>>) target(%dma_start3A_537 : memref<10240x16xf32, #tpu.memory_space<vmem_shared>>) offsets(%dma_start3A_534 : memref<80xi32, #tpu.memory_space<vmem>>) semaphore(%arg17 : memref<!tpu.dma_semaphore, #tpu.memory_space<semaphore_mem>>) {add = true}
      %dma_start3A_538 = arith.constant 0 : i32
      %dma_start3A_539 = tpu.memref_slice %arg9[%add3A_508, %dma_start3A_538] : memref<125x80xi32, #tpu.memory_space<vmem>> -> memref<1x80xi32, #tpu.memory_space<vmem>>
      %dma_start3A_540 = tpu.memref_squeeze %dma_start3A_539 : memref<1x80xi32, #tpu.memory_space<vmem>> -> memref<80xi32, #tpu.memory_space<vmem>>
      %dma_start3A_541 = arith.constant 0 : i32
      %dma_start3A_542 = arith.constant 0 : i32
      %dma_start3A_543 = tpu.memref_slice %arg15[%dma_start3A_541, %dma_start3A_542] : memref<10240x16xf32, #tpu.memory_space<vmem_shared>> -> memref<10240x16xf32, #tpu.memory_space<vmem_shared>>
      tpu.enqueue_indirect_dma source(%arg11 : memref<80x16xf32, #tpu.memory_space<vmem>>) target(%dma_start3A_543 : memref<10240x16xf32, #tpu.memory_space<vmem_shared>>) offsets(%dma_start3A_540 : memref<80xi32, #tpu.memory_space<vmem>>) semaphore(%arg18 : memref<!tpu.dma_semaphore, #tpu.memory_space<semaphore_mem>>) {add = true}
      %add3A_544 = arith.constant 5 : i32
      %add3A_545 = arith.addi %add3A_508, %add3A_544 : i32
      %sub3A_546 = arith.constant 1 : i32
      %sub3A_547 = arith.subi %add3A_545, %sub3A_546 : i32
      %dma_start3A_548 = arith.constant 3 : i32
      %dma_start3A_549 = arith.constant 0 : i32
      %dma_start3A_550 = arith.constant 0 : i32
      %dma_start3A_551 = tpu.memref_slice %arg10[%dma_start3A_548, %dma_start3A_549, %dma_start3A_550] : memref<5x80x16xf32, #tpu.memory_space<vmem>> -> memref<1x80x16xf32, #tpu.memory_space<vmem>>
      %dma_start3A_552 = tpu.memref_squeeze %dma_start3A_551 : memref<1x80x16xf32, #tpu.memory_space<vmem>> -> memref<80x16xf32, #tpu.memory_space<vmem>>
      %dma_start3A_553 = arith.constant 0 : i32
      %dma_start3A_554 = tpu.memref_slice %arg8[%sub3A_547, %dma_start3A_553] : memref<130x80xi32, #tpu.memory_space<vmem>> -> memref<1x80xi32, #tpu.memory_space<vmem>>
      %dma_start3A_555 = tpu.memref_squeeze %dma_start3A_554 : memref<1x80xi32, #tpu.memory_space<vmem>> -> memref<80xi32, #tpu.memory_space<vmem>>
      %dma_start3A_556 = arith.constant 0 : i32
      %dma_start3A_557 = arith.constant 0 : i32
      %dma_start3A_558 = tpu.memref_slice %arg13[%dma_start3A_556, %dma_start3A_557] : memref<10240x16xf32, #tpu.memory_space<vmem_shared>> -> memref<10240x16xf32, #tpu.memory_space<vmem_shared>>
      tpu.enqueue_indirect_dma source(%dma_start3A_558 : memref<10240x16xf32, #tpu.memory_space<vmem_shared>>) target(%dma_start3A_552 : memref<80x16xf32, #tpu.memory_space<vmem>>) offsets(%dma_start3A_555 : memref<80xi32, #tpu.memory_space<vmem>>) semaphore(%arg16 : memref<!tpu.dma_semaphore, #tpu.memory_space<semaphore_mem>>)
    }
    %scan3A_258 = arith.constant 25 : i32
    %dma_wait3A = arith.constant 0 : i32
    %dma_wait3A_259 = arith.constant 0 : i32
    %dma_wait3A_260 = arith.constant 0 : i32
    %dma_wait3A_261 = tpu.memref_slice %arg10[%dma_wait3A, %dma_wait3A_259, %dma_wait3A_260] : memref<5x80x16xf32, #tpu.memory_space<vmem>> -> memref<1x80x16xf32, #tpu.memory_space<vmem>>
    %dma_wait3A_262 = tpu.memref_squeeze %dma_wait3A_261 : memref<1x80x16xf32, #tpu.memory_space<vmem>> -> memref<80x16xf32, #tpu.memory_space<vmem>>
    %dma_wait3A_263 = arith.constant 0 : i32
    %dma_wait3A_264 = arith.constant 0 : i32
    %dma_wait3A_265 = tpu.memref_slice %arg10[%dma_wait3A, %dma_wait3A_263, %dma_wait3A_264] : memref<5x80x16xf32, #tpu.memory_space<vmem>> -> memref<1x80x16xf32, #tpu.memory_space<vmem>>
    %dma_wait3A_266 = tpu.memref_squeeze %dma_wait3A_265 : memref<1x80x16xf32, #tpu.memory_space<vmem>> -> memref<80x16xf32, #tpu.memory_space<vmem>>
    tpu.wait_dma2 semaphore(%arg17 : memref<!tpu.dma_semaphore, #tpu.memory_space<semaphore_mem>>) src(%arg5 : memref<80x16xf32, #tpu.memory_space<hbm>>) dst(%dma_wait3A_266 : memref<80x16xf32, #tpu.memory_space<vmem>>)
    tpu.wait_dma2 semaphore(%arg18 : memref<!tpu.dma_semaphore, #tpu.memory_space<semaphore_mem>>) src(%arg5 : memref<80x16xf32, #tpu.memory_space<hbm>>) dst(%arg11 : memref<80x16xf32, #tpu.memory_space<vmem>>)
    %dma_wait3A_267 = arith.constant 0 : i32
    %dma_wait3A_268 = arith.constant 0 : i32
    %dma_wait3A_269 = arith.constant 0 : i32
    %dma_wait3A_270 = tpu.memref_slice %arg10[%dma_wait3A_267, %dma_wait3A_268, %dma_wait3A_269] : memref<5x80x16xf32, #tpu.memory_space<vmem>> -> memref<1x80x16xf32, #tpu.memory_space<vmem>>
    %dma_wait3A_271 = tpu.memref_squeeze %dma_wait3A_270 : memref<1x80x16xf32, #tpu.memory_space<vmem>> -> memref<80x16xf32, #tpu.memory_space<vmem>>
    %dma_wait3A_272 = arith.constant 0 : i32
    %dma_wait3A_273 = arith.constant 0 : i32
    %dma_wait3A_274 = tpu.memref_slice %arg10[%dma_wait3A_267, %dma_wait3A_272, %dma_wait3A_273] : memref<5x80x16xf32, #tpu.memory_space<vmem>> -> memref<1x80x16xf32, #tpu.memory_space<vmem>>
    %dma_wait3A_275 = tpu.memref_squeeze %dma_wait3A_274 : memref<1x80x16xf32, #tpu.memory_space<vmem>> -> memref<80x16xf32, #tpu.memory_space<vmem>>
    tpu.wait_dma2 semaphore(%arg16 : memref<!tpu.dma_semaphore, #tpu.memory_space<semaphore_mem>>) src(%arg5 : memref<80x16xf32, #tpu.memory_space<hbm>>) dst(%dma_wait3A_275 : memref<80x16xf32, #tpu.memory_space<vmem>>)
    %dma_wait3A_276 = arith.constant 1 : i32
    %dma_wait3A_277 = arith.constant 0 : i32
    %dma_wait3A_278 = arith.constant 0 : i32
    %dma_wait3A_279 = tpu.memref_slice %arg10[%dma_wait3A_276, %dma_wait3A_277, %dma_wait3A_278] : memref<5x80x16xf32, #tpu.memory_space<vmem>> -> memref<1x80x16xf32, #tpu.memory_space<vmem>>
    %dma_wait3A_280 = tpu.memref_squeeze %dma_wait3A_279 : memref<1x80x16xf32, #tpu.memory_space<vmem>> -> memref<80x16xf32, #tpu.memory_space<vmem>>
    %dma_wait3A_281 = arith.constant 0 : i32
    %dma_wait3A_282 = arith.constant 0 : i32
    %dma_wait3A_283 = tpu.memref_slice %arg10[%dma_wait3A_276, %dma_wait3A_281, %dma_wait3A_282] : memref<5x80x16xf32, #tpu.memory_space<vmem>> -> memref<1x80x16xf32, #tpu.memory_space<vmem>>
    %dma_wait3A_284 = tpu.memref_squeeze %dma_wait3A_283 : memref<1x80x16xf32, #tpu.memory_space<vmem>> -> memref<80x16xf32, #tpu.memory_space<vmem>>
    tpu.wait_dma2 semaphore(%arg16 : memref<!tpu.dma_semaphore, #tpu.memory_space<semaphore_mem>>) src(%arg5 : memref<80x16xf32, #tpu.memory_space<hbm>>) dst(%dma_wait3A_284 : memref<80x16xf32, #tpu.memory_space<vmem>>)
    %dma_wait3A_285 = arith.constant 2 : i32
    %dma_wait3A_286 = arith.constant 0 : i32
    %dma_wait3A_287 = arith.constant 0 : i32
    %dma_wait3A_288 = tpu.memref_slice %arg10[%dma_wait3A_285, %dma_wait3A_286, %dma_wait3A_287] : memref<5x80x16xf32, #tpu.memory_space<vmem>> -> memref<1x80x16xf32, #tpu.memory_space<vmem>>
    %dma_wait3A_289 = tpu.memref_squeeze %dma_wait3A_288 : memref<1x80x16xf32, #tpu.memory_space<vmem>> -> memref<80x16xf32, #tpu.memory_space<vmem>>
    %dma_wait3A_290 = arith.constant 0 : i32
    %dma_wait3A_291 = arith.constant 0 : i32
    %dma_wait3A_292 = tpu.memref_slice %arg10[%dma_wait3A_285, %dma_wait3A_290, %dma_wait3A_291] : memref<5x80x16xf32, #tpu.memory_space<vmem>> -> memref<1x80x16xf32, #tpu.memory_space<vmem>>
    %dma_wait3A_293 = tpu.memref_squeeze %dma_wait3A_292 : memref<1x80x16xf32, #tpu.memory_space<vmem>> -> memref<80x16xf32, #tpu.memory_space<vmem>>
    tpu.wait_dma2 semaphore(%arg16 : memref<!tpu.dma_semaphore, #tpu.memory_space<semaphore_mem>>) src(%arg5 : memref<80x16xf32, #tpu.memory_space<hbm>>) dst(%dma_wait3A_293 : memref<80x16xf32, #tpu.memory_space<vmem>>)
    %dma_wait3A_294 = arith.constant 3 : i32
    %dma_wait3A_295 = arith.constant 0 : i32
    %dma_wait3A_296 = arith.constant 0 : i32
    %dma_wait3A_297 = tpu.memref_slice %arg10[%dma_wait3A_294, %dma_wait3A_295, %dma_wait3A_296] : memref<5x80x16xf32, #tpu.memory_space<vmem>> -> memref<1x80x16xf32, #tpu.memory_space<vmem>>
    %dma_wait3A_298 = tpu.memref_squeeze %dma_wait3A_297 : memref<1x80x16xf32, #tpu.memory_space<vmem>> -> memref<80x16xf32, #tpu.memory_space<vmem>>
    %dma_wait3A_299 = arith.constant 0 : i32
    %dma_wait3A_300 = arith.constant 0 : i32
    %dma_wait3A_301 = tpu.memref_slice %arg10[%dma_wait3A_294, %dma_wait3A_299, %dma_wait3A_300] : memref<5x80x16xf32, #tpu.memory_space<vmem>> -> memref<1x80x16xf32, #tpu.memory_space<vmem>>
    %dma_wait3A_302 = tpu.memref_squeeze %dma_wait3A_301 : memref<1x80x16xf32, #tpu.memory_space<vmem>> -> memref<80x16xf32, #tpu.memory_space<vmem>>
    tpu.wait_dma2 semaphore(%arg16 : memref<!tpu.dma_semaphore, #tpu.memory_space<semaphore_mem>>) src(%arg5 : memref<80x16xf32, #tpu.memory_space<hbm>>) dst(%dma_wait3A_302 : memref<80x16xf32, #tpu.memory_space<vmem>>)
    %barrier3A_303 = arith.constant 0 : index
    tpu.barrier barrier_id(%barrier3A_303)
    "tpu.region"() ({
      %run_scoped3A = tpu.sem_alloc : memref<!tpu.dma_semaphore, #tpu.memory_space<semaphore_mem>>
      %dma_start3A_304 = arith.constant 0 : i32
      %dma_start3A_305 = tpu.memref_slice %arg6[%arg0, %mul3A_205, %dma_start3A_304] : memref<2x10240x16xf32, #tpu.memory_space<hbm>> -> memref<1x640x16xf32, #tpu.memory_space<hbm>>
      %dma_start3A_306 = tpu.memref_squeeze %dma_start3A_305 : memref<1x640x16xf32, #tpu.memory_space<hbm>> -> memref<640x16xf32, #tpu.memory_space<hbm>>
      %dma_start3A_307 = arith.constant 0 : i32
      %dma_start3A_308 = tpu.memref_slice %arg14[%mul3A_205, %dma_start3A_307] : memref<10240x16xf32, #tpu.memory_space<vmem_shared>> -> memref<640x16xf32, #tpu.memory_space<vmem_shared>>
      tpu.enqueue_dma source(%dma_start3A_308 : memref<640x16xf32, #tpu.memory_space<vmem_shared>>) target(%dma_start3A_306 : memref<640x16xf32, #tpu.memory_space<hbm>>) target_semaphore(%run_scoped3A : memref<!tpu.dma_semaphore, #tpu.memory_space<semaphore_mem>>)
      %dma_wait3A_309 = arith.constant 0 : i32
      %dma_wait3A_310 = tpu.memref_slice %arg6[%arg0, %mul3A_205, %dma_wait3A_309] : memref<2x10240x16xf32, #tpu.memory_space<hbm>> -> memref<1x640x16xf32, #tpu.memory_space<hbm>>
      %dma_wait3A_311 = tpu.memref_squeeze %dma_wait3A_310 : memref<1x640x16xf32, #tpu.memory_space<hbm>> -> memref<640x16xf32, #tpu.memory_space<hbm>>
      %dma_wait3A_312 = arith.constant 0 : i32
      %dma_wait3A_313 = tpu.memref_slice %arg14[%mul3A_205, %dma_wait3A_312] : memref<10240x16xf32, #tpu.memory_space<vmem_shared>> -> memref<640x16xf32, #tpu.memory_space<vmem_shared>>
      tpu.wait_dma2 semaphore(%run_scoped3A : memref<!tpu.dma_semaphore, #tpu.memory_space<semaphore_mem>>) src(%dma_wait3A_313 : memref<640x16xf32, #tpu.memory_space<vmem_shared>>) dst(%dma_wait3A_311 : memref<640x16xf32, #tpu.memory_space<hbm>>)
      tpu.yield
    }) : () -> ()
    "tpu.region"() ({
      %run_scoped3A = tpu.sem_alloc : memref<!tpu.dma_semaphore, #tpu.memory_space<semaphore_mem>>
      %dma_start3A_304 = arith.constant 0 : i32
      %dma_start3A_305 = tpu.memref_slice %arg7[%arg0, %mul3A_205, %dma_start3A_304] : memref<2x10240x16xf32, #tpu.memory_space<hbm>> -> memref<1x640x16xf32, #tpu.memory_space<hbm>>
      %dma_start3A_306 = tpu.memref_squeeze %dma_start3A_305 : memref<1x640x16xf32, #tpu.memory_space<hbm>> -> memref<640x16xf32, #tpu.memory_space<hbm>>
      %dma_start3A_307 = arith.constant 0 : i32
      %dma_start3A_308 = tpu.memref_slice %arg15[%mul3A_205, %dma_start3A_307] : memref<10240x16xf32, #tpu.memory_space<vmem_shared>> -> memref<640x16xf32, #tpu.memory_space<vmem_shared>>
      tpu.enqueue_dma source(%dma_start3A_308 : memref<640x16xf32, #tpu.memory_space<vmem_shared>>) target(%dma_start3A_306 : memref<640x16xf32, #tpu.memory_space<hbm>>) target_semaphore(%run_scoped3A : memref<!tpu.dma_semaphore, #tpu.memory_space<semaphore_mem>>)
      %dma_wait3A_309 = arith.constant 0 : i32
      %dma_wait3A_310 = tpu.memref_slice %arg7[%arg0, %mul3A_205, %dma_wait3A_309] : memref<2x10240x16xf32, #tpu.memory_space<hbm>> -> memref<1x640x16xf32, #tpu.memory_space<hbm>>
      %dma_wait3A_311 = tpu.memref_squeeze %dma_wait3A_310 : memref<1x640x16xf32, #tpu.memory_space<hbm>> -> memref<640x16xf32, #tpu.memory_space<hbm>>
      %dma_wait3A_312 = arith.constant 0 : i32
      %dma_wait3A_313 = tpu.memref_slice %arg15[%mul3A_205, %dma_wait3A_312] : memref<10240x16xf32, #tpu.memory_space<vmem_shared>> -> memref<640x16xf32, #tpu.memory_space<vmem_shared>>
      tpu.wait_dma2 semaphore(%run_scoped3A : memref<!tpu.dma_semaphore, #tpu.memory_space<semaphore_mem>>) src(%dma_wait3A_313 : memref<640x16xf32, #tpu.memory_space<vmem_shared>>) dst(%dma_wait3A_311 : memref<640x16xf32, #tpu.memory_space<hbm>>)
      tpu.yield
    }) : () -> ()
    return
  }
}

module attributes {stable_mosaic.version = 14 : i64} {
  func.func @body(%arg0: memref<1280x1024xf32, #tpu.memory_space<vmem>>, %arg1: memref<1024x128xf32, #tpu.memory_space<vmem>>, %arg2: memref<1024x128xf32, #tpu.memory_space<vmem>>, %arg3: memref<1x128xf32, #tpu.memory_space<vmem>>, %arg4: memref<1280x128xf32, #tpu.memory_space<vmem>>, %arg5: memref<1280x128xf32, #tpu.memory_space<vmem>>) attributes {dimension_semantics = [], scalar_prefetch = 0 : i64, scratch_operands = 0 : i64, tpu.core_type = #tpu.core_type<tc>} {
    %get3A = arith.constant 0 : index
    %get3A_0 = arith.constant 0 : index
    %get3A_1 = vector.load %arg0[%get3A, %get3A_0] : memref<1280x1024xf32, #tpu.memory_space<vmem>>, vector<1280x1024xf32>
    %get3A_2 = arith.constant 0 : index
    %get3A_3 = arith.constant 0 : index
    %get3A_4 = vector.load %arg1[%get3A_2, %get3A_3] : memref<1024x128xf32, #tpu.memory_space<vmem>>, vector<1024x128xf32>
    %dot_general3A = arith.constant dense<0.000000e+00> : vector<1280x128xf32>
    %dot_general3A_5 = tpu.matmul %get3A_1, %get3A_4, %dot_general3A {dimension_numbers = #tpu.dot_dimension_numbers<[1], [0], [0], [1], [0, 0, 1, 1], [], []>, transpose_lhs_hint = false} : vector<1280x1024xf32>, vector<1024x128xf32>, vector<1280x128xf32> -> vector<1280x128xf32>
    %swap3A = arith.constant 0 : index
    %swap3A_6 = arith.constant 0 : index
    %swap3A_7 = vector.load %arg4[%swap3A, %swap3A_6] : memref<1280x128xf32, #tpu.memory_space<vmem>>, vector<1280x128xf32>
    tpu.vector_store %arg4[%swap3A, %swap3A_6], %dot_general3A_5 {strides = array<i32>} : memref<1280x128xf32, #tpu.memory_space<vmem>>, vector<1280x128xf32>,
    %get3A_8 = arith.constant 0 : index
    %get3A_9 = arith.constant 0 : index
    %get3A_10 = vector.load %arg2[%get3A_8, %get3A_9] : memref<1024x128xf32, #tpu.memory_space<vmem>>, vector<1024x128xf32>
    %dot_general3A_11 = arith.constant dense<0.000000e+00> : vector<1280x128xf32>
    %dot_general3A_12 = tpu.matmul %get3A_1, %get3A_10, %dot_general3A_11 {dimension_numbers = #tpu.dot_dimension_numbers<[1], [0], [0], [1], [0, 0, 1, 1], [], []>, transpose_lhs_hint = false} : vector<1280x1024xf32>, vector<1024x128xf32>, vector<1280x128xf32> -> vector<1280x128xf32>
    %get3A_13 = arith.constant 0 : index
    %get3A_14 = arith.constant 0 : index
    %get3A_15 = vector.load %arg3[%get3A_13, %get3A_14] : memref<1x128xf32, #tpu.memory_space<vmem>>, vector<1x128xf32>
    %add3A = vector.broadcast %get3A_15 : vector<1x128xf32> to vector<1280x128xf32>
    %add3A_16 = arith.addf %dot_general3A_12, %add3A : vector<1280x128xf32>
    %swap3A_17 = arith.constant 0 : index
    %swap3A_18 = arith.constant 0 : index
    %swap3A_19 = vector.load %arg5[%swap3A_17, %swap3A_18] : memref<1280x128xf32, #tpu.memory_space<vmem>>, vector<1280x128xf32>
    tpu.vector_store %arg5[%swap3A_17, %swap3A_18], %add3A_16 {strides = array<i32>} : memref<1280x128xf32, #tpu.memory_space<vmem>>, vector<1280x128xf32>,
    return
  }
}

module attributes {stable_mosaic.version = 14 : i64} {
  func.func @body(%arg0: memref<2x1280x128xf32, #tpu.memory_space<vmem>>, %arg1: memref<2x1280x128xf32, #tpu.memory_space<vmem>>, %arg2: memref<1280x128xf32, #tpu.memory_space<vmem>>, %arg3: memref<128x128xf32, #tpu.memory_space<vmem>>, %arg4: memref<128x128xf32, #tpu.memory_space<vmem>>, %arg5: memref<1x128xf32, #tpu.memory_space<vmem>>, %arg6: memref<1280x128xf32, #tpu.memory_space<vmem>>, %arg7: memref<1280x128xf32, #tpu.memory_space<vmem>>, %arg8: memref<1280x128xf32, #tpu.memory_space<vmem>>) attributes {dimension_semantics = [], scalar_prefetch = 0 : i64, scratch_operands = 0 : i64, tpu.core_type = #tpu.core_type<tc>} {
    %get3A = arith.constant 0 : index
    %get3A_0 = arith.constant 0 : index
    %get3A_1 = arith.constant 0 : index
    %get3A_2 = vector.load %arg0[%get3A, %get3A_0, %get3A_1] : memref<2x1280x128xf32, #tpu.memory_space<vmem>>, vector<1x1280x128xf32>
    %get3A_3 = vector.shape_cast %get3A_2 : vector<1x1280x128xf32> to vector<1280x128xf32>
    %get3A_4 = arith.constant 1 : index
    %get3A_5 = arith.constant 0 : index
    %get3A_6 = arith.constant 0 : index
    %get3A_7 = vector.load %arg0[%get3A_4, %get3A_5, %get3A_6] : memref<2x1280x128xf32, #tpu.memory_space<vmem>>, vector<1x1280x128xf32>
    %get3A_8 = vector.shape_cast %get3A_7 : vector<1x1280x128xf32> to vector<1280x128xf32>
    %add3A = arith.addf %get3A_3, %get3A_8 : vector<1280x128xf32>
    %get3A_9 = arith.constant 0 : index
    %get3A_10 = arith.constant 0 : index
    %get3A_11 = arith.constant 0 : index
    %get3A_12 = vector.load %arg1[%get3A_9, %get3A_10, %get3A_11] : memref<2x1280x128xf32, #tpu.memory_space<vmem>>, vector<1x1280x128xf32>
    %get3A_13 = vector.shape_cast %get3A_12 : vector<1x1280x128xf32> to vector<1280x128xf32>
    %get3A_14 = arith.constant 1 : index
    %get3A_15 = arith.constant 0 : index
    %get3A_16 = arith.constant 0 : index
    %get3A_17 = vector.load %arg1[%get3A_14, %get3A_15, %get3A_16] : memref<2x1280x128xf32, #tpu.memory_space<vmem>>, vector<1x1280x128xf32>
    %get3A_18 = vector.shape_cast %get3A_17 : vector<1x1280x128xf32> to vector<1280x128xf32>
    %add3A_19 = arith.addf %get3A_13, %get3A_18 : vector<1280x128xf32>
    %max3A = arith.constant 1.000000e+00 : f32
    %max3A_20 = vector.broadcast %max3A : f32 to vector<1280x128xf32>
    %max3A_21 = arith.maximumf %add3A_19, %max3A_20 : vector<1280x128xf32>
    %div3A = arith.constant 1.000000e+00 : f32
    %div3A_22 = vector.broadcast %div3A : f32 to vector<1280x128xf32>
    %div3A_23 = arith.divf %div3A_22, %max3A_21 : vector<1280x128xf32>
    %mul3A = arith.mulf %add3A, %div3A_23 : vector<1280x128xf32>
    %get3A_24 = arith.constant 0 : index
    %get3A_25 = arith.constant 0 : index
    %get3A_26 = vector.load %arg2[%get3A_24, %get3A_25] : memref<1280x128xf32, #tpu.memory_space<vmem>>, vector<1280x128xf32>
    %add3A_27 = arith.addf %mul3A, %get3A_26 : vector<1280x128xf32>
    %max3A_28 = arith.constant 0.000000e+00 : f32
    %max3A_29 = vector.broadcast %max3A_28 : f32 to vector<1280x128xf32>
    %max3A_30 = arith.maximumf %add3A_27, %max3A_29 : vector<1280x128xf32>
    %get3A_31 = arith.constant 0 : index
    %get3A_32 = arith.constant 0 : index
    %get3A_33 = vector.load %arg3[%get3A_31, %get3A_32] : memref<128x128xf32, #tpu.memory_space<vmem>>, vector<128x128xf32>
    %dot_general3A = arith.constant dense<0.000000e+00> : vector<1280x128xf32>
    %dot_general3A_34 = tpu.matmul %max3A_30, %get3A_33, %dot_general3A {dimension_numbers = #tpu.dot_dimension_numbers<[1], [0], [0], [1], [0, 0, 1, 1], [], []>, transpose_lhs_hint = false} : vector<1280x128xf32>, vector<128x128xf32>, vector<1280x128xf32> -> vector<1280x128xf32>
    %swap3A = arith.constant 0 : index
    %swap3A_35 = arith.constant 0 : index
    %swap3A_36 = vector.load %arg6[%swap3A, %swap3A_35] : memref<1280x128xf32, #tpu.memory_space<vmem>>, vector<1280x128xf32>
    tpu.vector_store %arg6[%swap3A, %swap3A_35], %dot_general3A_34 {strides = array<i32>} : memref<1280x128xf32, #tpu.memory_space<vmem>>, vector<1280x128xf32>,
    %get3A_37 = arith.constant 0 : index
    %get3A_38 = arith.constant 0 : index
    %get3A_39 = vector.load %arg4[%get3A_37, %get3A_38] : memref<128x128xf32, #tpu.memory_space<vmem>>, vector<128x128xf32>
    %dot_general3A_40 = arith.constant dense<0.000000e+00> : vector<1280x128xf32>
    %dot_general3A_41 = tpu.matmul %max3A_30, %get3A_39, %dot_general3A_40 {dimension_numbers = #tpu.dot_dimension_numbers<[1], [0], [0], [1], [0, 0, 1, 1], [], []>, transpose_lhs_hint = false} : vector<1280x128xf32>, vector<128x128xf32>, vector<1280x128xf32> -> vector<1280x128xf32>
    %get3A_42 = arith.constant 0 : index
    %get3A_43 = arith.constant 0 : index
    %get3A_44 = vector.load %arg5[%get3A_42, %get3A_43] : memref<1x128xf32, #tpu.memory_space<vmem>>, vector<1x128xf32>
    %add3A_45 = vector.broadcast %get3A_44 : vector<1x128xf32> to vector<1280x128xf32>
    %add3A_46 = arith.addf %dot_general3A_41, %add3A_45 : vector<1280x128xf32>
    %swap3A_47 = arith.constant 0 : index
    %swap3A_48 = arith.constant 0 : index
    %swap3A_49 = vector.load %arg7[%swap3A_47, %swap3A_48] : memref<1280x128xf32, #tpu.memory_space<vmem>>, vector<1280x128xf32>
    tpu.vector_store %arg7[%swap3A_47, %swap3A_48], %add3A_46 {strides = array<i32>} : memref<1280x128xf32, #tpu.memory_space<vmem>>, vector<1280x128xf32>,
    %swap3A_50 = arith.constant 0 : index
    %swap3A_51 = arith.constant 0 : index
    %swap3A_52 = vector.load %arg8[%swap3A_50, %swap3A_51] : memref<1280x128xf32, #tpu.memory_space<vmem>>, vector<1280x128xf32>
    tpu.vector_store %arg8[%swap3A_50, %swap3A_51], %div3A_23 {strides = array<i32>} : memref<1280x128xf32, #tpu.memory_space<vmem>>, vector<1280x128xf32>,
    return
  }
}

module attributes {stable_mosaic.version = 14 : i64} {
  func.func @body(%arg0: memref<2x1280x128xf32, #tpu.memory_space<vmem>>, %arg1: memref<1280x128xf32, #tpu.memory_space<vmem>>, %arg2: memref<1280x128xf32, #tpu.memory_space<vmem>>, %arg3: memref<128x128xf32, #tpu.memory_space<vmem>>, %arg4: memref<128x128xf32, #tpu.memory_space<vmem>>, %arg5: memref<1x128xf32, #tpu.memory_space<vmem>>, %arg6: memref<1280x128xf32, #tpu.memory_space<vmem>>, %arg7: memref<1280x128xf32, #tpu.memory_space<vmem>>) attributes {dimension_semantics = [], scalar_prefetch = 0 : i64, scratch_operands = 0 : i64, tpu.core_type = #tpu.core_type<tc>} {
    %get3A = arith.constant 0 : index
    %get3A_0 = arith.constant 0 : index
    %get3A_1 = arith.constant 0 : index
    %get3A_2 = vector.load %arg0[%get3A, %get3A_0, %get3A_1] : memref<2x1280x128xf32, #tpu.memory_space<vmem>>, vector<1x1280x128xf32>
    %get3A_3 = vector.shape_cast %get3A_2 : vector<1x1280x128xf32> to vector<1280x128xf32>
    %get3A_4 = arith.constant 1 : index
    %get3A_5 = arith.constant 0 : index
    %get3A_6 = arith.constant 0 : index
    %get3A_7 = vector.load %arg0[%get3A_4, %get3A_5, %get3A_6] : memref<2x1280x128xf32, #tpu.memory_space<vmem>>, vector<1x1280x128xf32>
    %get3A_8 = vector.shape_cast %get3A_7 : vector<1x1280x128xf32> to vector<1280x128xf32>
    %add3A = arith.addf %get3A_3, %get3A_8 : vector<1280x128xf32>
    %get3A_9 = arith.constant 0 : index
    %get3A_10 = arith.constant 0 : index
    %get3A_11 = vector.load %arg1[%get3A_9, %get3A_10] : memref<1280x128xf32, #tpu.memory_space<vmem>>, vector<1280x128xf32>
    %mul3A = arith.mulf %add3A, %get3A_11 : vector<1280x128xf32>
    %get3A_12 = arith.constant 0 : index
    %get3A_13 = arith.constant 0 : index
    %get3A_14 = vector.load %arg2[%get3A_12, %get3A_13] : memref<1280x128xf32, #tpu.memory_space<vmem>>, vector<1280x128xf32>
    %add3A_15 = arith.addf %mul3A, %get3A_14 : vector<1280x128xf32>
    %max3A = arith.constant 0.000000e+00 : f32
    %max3A_16 = vector.broadcast %max3A : f32 to vector<1280x128xf32>
    %max3A_17 = arith.maximumf %add3A_15, %max3A_16 : vector<1280x128xf32>
    %get3A_18 = arith.constant 0 : index
    %get3A_19 = arith.constant 0 : index
    %get3A_20 = vector.load %arg3[%get3A_18, %get3A_19] : memref<128x128xf32, #tpu.memory_space<vmem>>, vector<128x128xf32>
    %dot_general3A = arith.constant dense<0.000000e+00> : vector<1280x128xf32>
    %dot_general3A_21 = tpu.matmul %max3A_17, %get3A_20, %dot_general3A {dimension_numbers = #tpu.dot_dimension_numbers<[1], [0], [0], [1], [0, 0, 1, 1], [], []>, transpose_lhs_hint = false} : vector<1280x128xf32>, vector<128x128xf32>, vector<1280x128xf32> -> vector<1280x128xf32>
    %get3A_22 = arith.constant 0 : index
    %get3A_23 = arith.constant 0 : index
    %get3A_24 = vector.load %arg5[%get3A_22, %get3A_23] : memref<1x128xf32, #tpu.memory_space<vmem>>, vector<1x128xf32>
    %add3A_25 = vector.broadcast %get3A_24 : vector<1x128xf32> to vector<1280x128xf32>
    %add3A_26 = arith.addf %dot_general3A_21, %add3A_25 : vector<1280x128xf32>
    %swap3A = arith.constant 0 : index
    %swap3A_27 = arith.constant 0 : index
    %swap3A_28 = vector.load %arg6[%swap3A, %swap3A_27] : memref<1280x128xf32, #tpu.memory_space<vmem>>, vector<1280x128xf32>
    tpu.vector_store %arg6[%swap3A, %swap3A_27], %add3A_26 {strides = array<i32>} : memref<1280x128xf32, #tpu.memory_space<vmem>>, vector<1280x128xf32>,
    %get3A_29 = arith.constant 0 : index
    %get3A_30 = arith.constant 0 : index
    %get3A_31 = vector.load %arg4[%get3A_29, %get3A_30] : memref<128x128xf32, #tpu.memory_space<vmem>>, vector<128x128xf32>
    %dot_general3A_32 = arith.constant dense<0.000000e+00> : vector<1280x128xf32>
    %dot_general3A_33 = tpu.matmul %max3A_17, %get3A_31, %dot_general3A_32 {dimension_numbers = #tpu.dot_dimension_numbers<[1], [0], [0], [1], [0, 0, 1, 1], [], []>, transpose_lhs_hint = false} : vector<1280x128xf32>, vector<128x128xf32>, vector<1280x128xf32> -> vector<1280x128xf32>
    %swap3A_34 = arith.constant 0 : index
    %swap3A_35 = arith.constant 0 : index
    %swap3A_36 = vector.load %arg7[%swap3A_34, %swap3A_35] : memref<1280x128xf32, #tpu.memory_space<vmem>>, vector<1280x128xf32>
    tpu.vector_store %arg7[%swap3A_34, %swap3A_35], %dot_general3A_33 {strides = array<i32>} : memref<1280x128xf32, #tpu.memory_space<vmem>>, vector<1280x128xf32>,
    return
  }
}

module attributes {stable_mosaic.version = 14 : i64} {
  func.func @body(%arg0: i32, %arg1: memref<2000x128xf32, #tpu.memory_space<vmem>>, %arg2: memref<2000x128xf32, #tpu.memory_space<vmem>>, %arg3: memref<128x128xf32, #tpu.memory_space<vmem>>, %arg4: memref<128x128xf32, #tpu.memory_space<vmem>>, %arg5: memref<1x128xf32, #tpu.memory_space<vmem>>, %arg6: memref<16x16000xf32, #tpu.memory_space<vmem>>) attributes {dimension_semantics = [#tpu.dimension_semantics<arbitrary>], iteration_bounds = array<i64: 20>, scalar_prefetch = 0 : i64, scratch_operands = 0 : i64, tpu.core_type = #tpu.core_type<tc>, window_params = [{transform_indices = @transform_0, window_bounds = array<i64: 2000, 128>}, {transform_indices = @transform_1, window_bounds = array<i64: 2000, 128>}, {pipeline_mode = #tpu.pipeline_mode<synchronous>, transform_indices = @transform_2, window_bounds = array<i64: 128, 128>}, {pipeline_mode = #tpu.pipeline_mode<synchronous>, transform_indices = @transform_3, window_bounds = array<i64: 128, 128>}, {pipeline_mode = #tpu.pipeline_mode<synchronous>, transform_indices = @transform_4, window_bounds = array<i64: 1, 128>}, {transform_indices = @transform_5, window_bounds = array<i64: 16, 16000>}]} {
    %get3A = arith.constant 0 : index
    %get3A_0 = arith.constant 0 : index
    %get3A_1 = vector.load %arg1[%get3A, %get3A_0] : memref<2000x128xf32, #tpu.memory_space<vmem>>, vector<2000x128xf32>
    %get3A_2 = arith.constant 0 : index
    %get3A_3 = arith.constant 0 : index
    %get3A_4 = vector.load %arg2[%get3A_2, %get3A_3] : memref<2000x128xf32, #tpu.memory_space<vmem>>, vector<2000x128xf32>
    %add3A = arith.addf %get3A_1, %get3A_4 : vector<2000x128xf32>
    %max3A = arith.constant 0.000000e+00 : f32
    %max3A_5 = vector.broadcast %max3A : f32 to vector<2000x128xf32>
    %max3A_6 = arith.maximumf %add3A, %max3A_5 : vector<2000x128xf32>
    %get3A_7 = arith.constant 0 : index
    %get3A_8 = arith.constant 0 : index
    %get3A_9 = vector.load %arg3[%get3A_7, %get3A_8] : memref<128x128xf32, #tpu.memory_space<vmem>>, vector<128x128xf32>
    %dot_general3A = arith.constant dense<0.000000e+00> : vector<2000x128xf32>
    %dot_general3A_10 = tpu.matmul %max3A_6, %get3A_9, %dot_general3A {dimension_numbers = #tpu.dot_dimension_numbers<[1], [0], [0], [1], [0, 0, 1, 1], [], []>, transpose_lhs_hint = false} : vector<2000x128xf32>, vector<128x128xf32>, vector<2000x128xf32> -> vector<2000x128xf32>
    %get3A_11 = arith.constant 0 : index
    %get3A_12 = arith.constant 0 : index
    %get3A_13 = vector.load %arg5[%get3A_11, %get3A_12] : memref<1x128xf32, #tpu.memory_space<vmem>>, vector<1x128xf32>
    %add3A_14 = vector.broadcast %get3A_13 : vector<1x128xf32> to vector<2000x128xf32>
    %add3A_15 = arith.addf %dot_general3A_10, %add3A_14 : vector<2000x128xf32>
    %reduce_max3A = arith.constant dense<0xFF800000> : vector<2000xf32>
    %reduce_max3A_16 = vector.multi_reduction <maximumf>, %add3A_15, %reduce_max3A [1] : vector<2000x128xf32> to vector<2000xf32>
    %broadcast_in_dim3A = vector.shape_cast %reduce_max3A_16 : vector<2000xf32> to vector<2000x1xf32>
    %sub3A = vector.broadcast %broadcast_in_dim3A : vector<2000x1xf32> to vector<2000x128xf32>
    %sub3A_17 = arith.subf %add3A_15, %sub3A : vector<2000x128xf32>
    %exp3A = math.exp %sub3A_17 : vector<2000x128xf32>
    %get3A_18 = arith.constant 0 : index
    %get3A_19 = arith.constant 0 : index
    %get3A_20 = vector.load %arg4[%get3A_18, %get3A_19] : memref<128x128xf32, #tpu.memory_space<vmem>>, vector<128x128xf32>
    %dot_general3A_21 = arith.constant dense<0.000000e+00> : vector<2000x128xf32>
    %dot_general3A_22 = tpu.matmul %exp3A, %get3A_20, %dot_general3A_21 {dimension_numbers = #tpu.dot_dimension_numbers<[1], [0], [0], [1], [0, 0, 1, 1], [], []>, transpose_lhs_hint = false} : vector<2000x128xf32>, vector<128x128xf32>, vector<2000x128xf32> -> vector<2000x128xf32>
    %log3A = math.log %dot_general3A_22 : vector<2000x128xf32>
    %sub3A_23 = arith.subf %sub3A_17, %log3A : vector<2000x128xf32>
    %transpose3A = tpu.transpose %sub3A_23, [1, 0] : vector<2000x128xf32> -> vector<128x2000xf32>
    %slice3A = vector.extract_strided_slice %transpose3A {offsets = [0, 0], sizes = [16, 2000], strides = [1, 1]} : vector<128x2000xf32> to vector<16x2000xf32>
    %swap3A = arith.constant 0 : index
    %swap3A_24 = arith.constant 0 : index
    %swap3A_25 = vector.load %arg6[%swap3A, %swap3A_24] : memref<16x16000xf32, #tpu.memory_space<vmem>>, vector<16x2000xf32>
    tpu.vector_store %arg6[%swap3A, %swap3A_24], %slice3A {strides = array<i32>} : memref<16x16000xf32, #tpu.memory_space<vmem>>, vector<16x2000xf32>,
    %slice3A_26 = vector.extract_strided_slice %transpose3A {offsets = [16, 0], sizes = [16, 2000], strides = [1, 1]} : vector<128x2000xf32> to vector<16x2000xf32>
    %swap3A_27 = arith.constant 0 : index
    %swap3A_28 = arith.constant 2000 : index
    %swap3A_29 = vector.load %arg6[%swap3A_27, %swap3A_28] : memref<16x16000xf32, #tpu.memory_space<vmem>>, vector<16x2000xf32>
    tpu.vector_store %arg6[%swap3A_27, %swap3A_28], %slice3A_26 {strides = array<i32>} : memref<16x16000xf32, #tpu.memory_space<vmem>>, vector<16x2000xf32>,
    %slice3A_30 = vector.extract_strided_slice %transpose3A {offsets = [32, 0], sizes = [16, 2000], strides = [1, 1]} : vector<128x2000xf32> to vector<16x2000xf32>
    %swap3A_31 = arith.constant 0 : index
    %swap3A_32 = arith.constant 4000 : index
    %swap3A_33 = vector.load %arg6[%swap3A_31, %swap3A_32] : memref<16x16000xf32, #tpu.memory_space<vmem>>, vector<16x2000xf32>
    tpu.vector_store %arg6[%swap3A_31, %swap3A_32], %slice3A_30 {strides = array<i32>} : memref<16x16000xf32, #tpu.memory_space<vmem>>, vector<16x2000xf32>,
    %slice3A_34 = vector.extract_strided_slice %transpose3A {offsets = [48, 0], sizes = [16, 2000], strides = [1, 1]} : vector<128x2000xf32> to vector<16x2000xf32>
    %swap3A_35 = arith.constant 0 : index
    %swap3A_36 = arith.constant 6000 : index
    %swap3A_37 = vector.load %arg6[%swap3A_35, %swap3A_36] : memref<16x16000xf32, #tpu.memory_space<vmem>>, vector<16x2000xf32>
    tpu.vector_store %arg6[%swap3A_35, %swap3A_36], %slice3A_34 {strides = array<i32>} : memref<16x16000xf32, #tpu.memory_space<vmem>>, vector<16x2000xf32>,
    %slice3A_38 = vector.extract_strided_slice %transpose3A {offsets = [64, 0], sizes = [16, 2000], strides = [1, 1]} : vector<128x2000xf32> to vector<16x2000xf32>
    %swap3A_39 = arith.constant 0 : index
    %swap3A_40 = arith.constant 8000 : index
    %swap3A_41 = vector.load %arg6[%swap3A_39, %swap3A_40] : memref<16x16000xf32, #tpu.memory_space<vmem>>, vector<16x2000xf32>
    tpu.vector_store %arg6[%swap3A_39, %swap3A_40], %slice3A_38 {strides = array<i32>} : memref<16x16000xf32, #tpu.memory_space<vmem>>, vector<16x2000xf32>,
    %slice3A_42 = vector.extract_strided_slice %transpose3A {offsets = [80, 0], sizes = [16, 2000], strides = [1, 1]} : vector<128x2000xf32> to vector<16x2000xf32>
    %swap3A_43 = arith.constant 0 : index
    %swap3A_44 = arith.constant 10000 : index
    %swap3A_45 = vector.load %arg6[%swap3A_43, %swap3A_44] : memref<16x16000xf32, #tpu.memory_space<vmem>>, vector<16x2000xf32>
    tpu.vector_store %arg6[%swap3A_43, %swap3A_44], %slice3A_42 {strides = array<i32>} : memref<16x16000xf32, #tpu.memory_space<vmem>>, vector<16x2000xf32>,
    %slice3A_46 = vector.extract_strided_slice %transpose3A {offsets = [96, 0], sizes = [16, 2000], strides = [1, 1]} : vector<128x2000xf32> to vector<16x2000xf32>
    %swap3A_47 = arith.constant 0 : index
    %swap3A_48 = arith.constant 12000 : index
    %swap3A_49 = vector.load %arg6[%swap3A_47, %swap3A_48] : memref<16x16000xf32, #tpu.memory_space<vmem>>, vector<16x2000xf32>
    tpu.vector_store %arg6[%swap3A_47, %swap3A_48], %slice3A_46 {strides = array<i32>} : memref<16x16000xf32, #tpu.memory_space<vmem>>, vector<16x2000xf32>,
    %slice3A_50 = vector.extract_strided_slice %transpose3A {offsets = [112, 0], sizes = [16, 2000], strides = [1, 1]} : vector<128x2000xf32> to vector<16x2000xf32>
    %swap3A_51 = arith.constant 0 : index
    %swap3A_52 = arith.constant 14000 : index
    %swap3A_53 = vector.load %arg6[%swap3A_51, %swap3A_52] : memref<16x16000xf32, #tpu.memory_space<vmem>>, vector<16x2000xf32>
    tpu.vector_store %arg6[%swap3A_51, %swap3A_52], %slice3A_50 {strides = array<i32>} : memref<16x16000xf32, #tpu.memory_space<vmem>>, vector<16x2000xf32>,
    return
  }
  func.func @transform_0(%arg0: i32) -> (i32, i32) {
    %c0_i32 = arith.constant 0 : i32
    %c0_i32_0 = arith.constant 0 : i32
    return %arg0, %c0_i32 : i32, i32
  }
  func.func @transform_1(%arg0: i32) -> (i32, i32) {
    %c0_i32 = arith.constant 0 : i32
    %c0_i32_0 = arith.constant 0 : i32
    return %arg0, %c0_i32 : i32, i32
  }
  func.func @transform_2(%arg0: i32) -> (i32, i32) {
    %c0_i32 = arith.constant 0 : i32
    %c0_i32_0 = arith.constant 0 : i32
    %c0_i32_1 = arith.constant 0 : i32
    return %c0_i32, %c0_i32_0 : i32, i32
  }
  func.func @transform_3(%arg0: i32) -> (i32, i32) {
    %c0_i32 = arith.constant 0 : i32
    %c0_i32_0 = arith.constant 0 : i32
    %c0_i32_1 = arith.constant 0 : i32
    return %c0_i32, %c0_i32_0 : i32, i32
  }
  func.func @transform_4(%arg0: i32) -> (i32, i32) {
    %c0_i32 = arith.constant 0 : i32
    %c0_i32_0 = arith.constant 0 : i32
    %c0_i32_1 = arith.constant 0 : i32
    return %c0_i32, %c0_i32_0 : i32, i32
  }
  func.func @transform_5(%arg0: i32) -> (i32, i32) {
    %c0_i32 = arith.constant 0 : i32
    %c0_i32_0 = arith.constant 0 : i32
    return %c0_i32, %arg0 : i32, i32
  }
}

</mosaic_0001>

<sc_bundles>
// kernel: kernel.12.cloned.1.call-start
scs
__scs_entry_jumppad:
0x0: {  	(pc) =	sbr.rel $0x88, $3  }
0x1: {  	(tag) =	ssettag $0x0;
	lr =	simm.s32 $0x1  }
0x2: {  	[smem:$0x3F95] =	sst lr;
	_ =	strace $0xD0000000  }
0x3: {  	_ = 	snop  }
0x4: {  	_ = 	snop  }
0x5: {  	_ = 	snop  }
0x6: {  	_ = 	snop  }
0x7: {  	_ = 	snop  }
__scs_overlays_trampoline_lowered:
0x8: {  	[smem:$0x3FA4] =	sst s0  }
0x9: {  	[smem:$0x3FA5] =	sst s1  }
0xa: {  	[smem:$0x3FA6] =	sst s2  }
0xb: {  	[smem:$0x3FA7] =	sst s3  }
0xc: {  	[smem:$0x3FA8] =	sst s4  }
0xd: {  	[smem:$0x3FA9] =	sst s5  }
0xe: {  	[smem:$0x3FAA] =	sst s6  }
0xf: {  	[smem:$0x3FAB] =	sst s7  }
0x10: {  	[smem:$0x3FAC] =	sst s8  }
0x11: {  	[smem:$0x3FAD] =	sst s9;
	s0 =	simm.s32 @!p0 $0x0  }
0x12: {  	s1 =	sld [smem:$0x3F93];
	s0 =	simm.s32 @p0 $0x1  }
0x13: {  	[smem:$0x3FAE] =	sst s0;
	s0 =	simm.s32 @!p1 $0x0  }
0x14: {  	s2 =	sld [smem:$0x3F92];
	s0 =	simm.s32 @p1 $0x1  }
0x15: {  	[smem:$0x3FAF] =	sst s0;
	s0 =	simm.s32 @!p2 $0x0  }
0x16: {  	s3 =	sld [smem:$0x3FDB];
	s0 =	simm.s32 @p2 $0x1  }
0x17: {  	s4 =	simm.s32 $0x1BF5;
	[smem:$0x3FB1] =	sst s0  }
0x18: {  	s0 =	sld [smem:$0x3F94];
	_ =	swait.ge [sflag:s4], $0x0  }
0x19: {  	s7 =	sld [smem:$0x3F95]  }
0x1a: {  	s8 =	sadd.s32 $0xFFFFE003, lr  }
0x1b: {  	s9 =	sadd.s32 $0xFFFFFEF7, lr;
	s5 =	simm.s32 $0xFFFFFFFF;
	p2 =	slt.u32 s8, $0xFFFFF086  }
0x1c: {  	p1 =	slt.u32 s9, $0xF7A;
	s5 =	simm.s32 @!p2 $0x0  }
0x1d: {  	s5 =	simm.s32 @p1 $0x1;
	p0 =	seq.s32 s7, s2  }
0x1e: {  	s7 =	smul.u32 @!p0 $0xF7A, s2;
	p2 =	seq.s32 @!p0 s5, $0x0  }
0x1f: {  	s9 =	smul.u32 $0xF7A, s1;
	s8 =	simm.s32 @!p0 $0x1BF5;
	p2 =	por !p2, p0  }
0x20: {  	[sflag:s8] =	ssyncset.s32 @!p0 $0xFFFFF086;
	s6 =	sadd.s32 @!p0 s3, s7;
	s7 =	simm.s32 @!p0 $0x108  }
0x21: {  	s3 =	sadd.s32 s3, s9;
	s6 =	sadd.s32 @!p0 $0x88, s6;
	s7 =	simm.s32 @p2 $0x1082  }
0x22: {  	[simem:s7], [sflag:s8] =	dma.local @!p0 [hbm:s6], $0xF7A  }
0x23: {  	s9 =	sor.u32 $0xD0000000, s2;
	s6 =	simm.s32 $0x108;
	_ =	swait.ge @!p0 [sflag:s8], $0x0  }
0x24: {  	s3 =	sadd.s32 $0x88, s3;
	s6 =	simm.s32 @!p1 $0x1082;
	[sflag:s4] =	ssyncset.s32 $0xFFFFF086  }
0x25: {  	[simem:s6], [sflag:s4] =	dma.local [hbm:s3], $0xF7A  }
0x26: {  	[smem:$0x3F95] =	sst s1;
	(tag) =	ssettag s2;
	_ =	strace s9  }
0x27: {  	s1 =	sld [smem:$0x3FA5]  }
0x28: {  	s2 =	sld [smem:$0x3FA6]  }
0x29: {  	s4 =	sld [smem:$0x3FA8]  }
0x2a: {  	p0 =	seq.s32 s5, $0x0;
	s5 =	sld [smem:$0x3FA9]  }
0x2b: {  	s6 =	sld [smem:$0x3FAA]  }
0x2c: {  	s7 =	sld [smem:$0x3FAB]  }
0x2d: {  	s3 =	simm.s32 $0x108;
	s8 =	sld [smem:$0x3FAC]  }
0x2e: {  	s3 =	simm.s32 @!p0 $0x1082;
	s9 =	sld [smem:$0x3FAD]  }
0x2f: {  	lr =	sadd.s32 s0, s3;
	s0 =	sld [smem:$0x3FA4]  }
0x30: {  	s3 =	sld [smem:$0x3FA7]  }
0x31: {  	[smem:$0x3FB0] =	sst s10  }
0x32: {  	s10 =	sld [smem:$0x3FAE];
	_ =	sdelay $0x3  }
0x33: {  	p0 =	seq.s32 s10, $0x1;
	s10 =	sld [smem:$0x3FB0];
	_ =	sdelay $0x3  }
0x34: {  	[smem:$0x3FB0] =	sst s10  }
0x35: {  	s10 =	sld [smem:$0x3FAF];
	_ =	sdelay $0x3  }
0x36: {  	p1 =	seq.s32 s10, $0x1;
	s10 =	sld [smem:$0x3FB0];
	_ =	sdelay $0x3  }
0x37: {  	[smem:$0x3FB0] =	sst s10  }
0x38: {  	s10 =	sld [smem:$0x3FB1]  }
0x39: {  	_ = 	snop;
	(pc) =	sbr.ind lr, $3  }
0x3a: {  	_ = 	snop  }
0x3b: {  	_ = 	snop  }
0x3c: {  	p2 =	seq.s32 s10, $0x1;
	s10 =	sld [smem:$0x3FB0]  }
0x3d: {  	_ =	shalt  }
0x3e: {  	_ =	shalt  }
0x3f: {  	_ =	shalt  }
0x40: {  	_ =	shalt  }
0x41: {  	_ =	shalt  }
0x42: {  	_ =	shalt  }
0x43: {  	_ =	shalt  }
0x44: {  	_ =	shalt  }
0x45: {  	_ =	shalt  }
0x46: {  	_ =	shalt  }
0x47: {  	_ =	shalt  }
0x48: {  	_ =	shalt  }
0x49: {  	_ =	shalt  }
0x4a: {  	_ =	shalt  }
0x4b: {  	_ =	shalt  }
0x4c: {  	_ =	shalt  }
0x4d: {  	_ =	shalt  }
0x4e: {  	_ =	shalt  }
0x4f: {  	_ =	shalt  }
0x50: {  	_ =	shalt  }
0x51: {  	_ =	shalt  }
0x52: {  	_ =	shalt  }
0x53: {  	_ =	shalt  }
0x54: {  	_ =	shalt  }
0x55: {  	_ =	shalt  }
0x56: {  	_ =	shalt  }
0x57: {  	_ =	shalt  }
0x58: {  	_ =	shalt  }
0x59: {  	_ =	shalt  }
0x5a: {  	_ =	shalt  }
0x5b: {  	_ =	shalt  }
0x5c: {  	_ =	shalt  }
0x5d: {  	_ =	shalt  }
0x5e: {  	_ =	shalt  }
0x5f: {  	_ =	shalt  }
0x60: {  	_ =	shalt  }
0x61: {  	_ =	shalt  }
0x62: {  	_ =	shalt  }
0x63: {  	_ =	shalt  }
0x64: {  	_ =	shalt  }
0x65: {  	_ =	shalt  }
0x66: {  	_ =	shalt  }
0x67: {  	_ =	shalt  }
0x68: {  	_ =	shalt  }
0x69: {  	_ =	shalt  }
0x6a: {  	_ =	shalt  }
0x6b: {  	_ =	shalt  }
0x6c: {  	_ =	shalt  }
0x6d: {  	_ =	shalt  }
0x6e: {  	_ =	shalt  }
0x6f: {  	_ =	shalt  }
0x70: {  	_ =	shalt  }
0x71: {  	_ =	shalt  }
0x72: {  	_ =	shalt  }
0x73: {  	_ =	shalt  }
0x74: {  	_ =	shalt  }
0x75: {  	_ =	shalt  }
0x76: {  	_ =	shalt  }
0x77: {  	_ =	shalt  }
0x78: {  	_ =	shalt  }
0x79: {  	_ =	shalt  }
0x7a: {  	_ =	shalt  }
0x7b: {  	_ =	shalt  }
0x7c: {  	_ =	shalt  }
0x7d: {  	_ =	shalt  }
0x7e: {  	_ =	shalt  }
0x7f: {  	_ =	shalt  }
0x80: {  	_ =	shalt  }
0x81: {  	_ =	shalt  }
0x82: {  	_ =	shalt  }
0x83: {  	_ =	shalt  }
0x84: {  	_ =	shalt  }
0x85: {  	_ =	shalt  }
0x86: {  	_ =	shalt  }
0x87: {  	_ =	shalt  }
.Lfunc_end0:
.L_simem_size_0:
called_computation.1_lowered:
.L_overlay_start_0:
0x88: {  	s2 =	sld [smem:$0x3FD9]  }
0x89: {  	s3 =	sld [smem:$0x3FFE];
	_ =	sdelay $0x1  }
0x8a: {  	s1 =	srdreg.scid  }
0x8b: {  	s0 =	sand.u32 $0x1, s1  }
0x8c: {  	s17 =	sshll.u32 s0, $0xA;
	s2 =	sadd.s32 s3, s2  }
0x8d: {  	s2 =	sadd.s32 s2, s17  }
0x8e: {  	[smem:$0x3FBC] =	sst s2  }
0x8f: {  	_ = 	snop  }
0x90: {  	s2 =	sld [smem:$0x3FD0];
	(tm) =	ssettm $0x1  }
0x91: {  	s18 =	sld [smem:$0x3FFB];
	_ =	sdelay $0x3  }
0x92: {  	_ =	strace s18  }
0x93: {  	s3 =	sld [smem:$0x3FFC];
	_ =	sdelay $0x3  }
0x94: {  	_ =	strace s3  }
0x95: {  	s3 =	sld [smem:$0x3FFD];
	_ =	sdelay $0x3  }
0x96: {  	_ =	strace s3  }
0x97: {  	_ =	strace $0x8FFFFFFF  }
0x98: {  	s19 =	sld [smem:$0x3FDB];
	_ =	sdelay $0x1  }
0x99: {  	s4 =	simm.s32 $_scs_section_size  }
0x9a: {  	s5 =	simm.s32 $_size__tile_overlayer_lowered;
	s6 =	simm.s32 $_tile_overlayer_lowered  }
0x9b: {  	s22 =	simm.s32 $0x1BFF;
	s21 =	sshll.u32 s6, $0x1;
	s3 =	sadd.s32 s4, s19  }
0x9c: {  	s7 =	simm.s32 $0x0;
	s20 =	sshll.u32 s5, $0x1;
	s5 =	sadd.s32 s21, s3  }
0x9d: {  	[timem:s7], [sflag:s22] =	dma.local [hbm:s5], s20  }
0x9e: {  	_ =	swait.ge [sflag:s22], s20  }
0x9f: {  	s4 =	ssub.s32 $0x0, s20;
	[sflag:s22] =	ssyncset.done $0x0  }
0xa0: {  	[sflag:s22] =	ssyncadd.s32 s4;
	_ =	sdelay $0x1  }
0xa1: {  	s23 =	simm.s32 $0x1B8B  }
0xa2: {  	_ =	swait.ge [sflag:s23], $0x1  }
0xa3: {  	[sflag:s23] =	ssyncset.done $0x0  }
0xa4: {  	s25 =	simm.s32 $0x1B8E;
	s24 =	sld [smem:$0x3FFE];
	[sflag:s23] =	ssyncadd.s32 $0xFFFFFFFF  }
0xa5: {  	s26 =	simm.s32 $execute0_lowered;
	[smem:$0x3FD2] =	sst s25  }
0xa6: {  	s5 =	sshll.u32 s26, $0x1;
	_ =	strace $0x80000049;
	[dreg:$0x1] =	wrdreg $0xFFFFFFFF  }
0xa7: {  	s28 =	simm.s32 $_size_execute0_lowered;
	s3 =	sadd.s32 s3, s5;
	[dreg:$0x0] =	wrdreg $0x0  }
0xa8: {  	s5 =	sshll.u32 s28, $0x1;
	[dreg:$0x2] =	wrdreg s3  }
0xa9: {  	[dreg:$0x3] =	wrdreg s5  }
0xaa: {  	[dreg:$0x4] =	wrdreg $0xC0  }
0xab: {  	_ =	task [dreg:s7], $0x5FFFF  }
0xac: {  	[dreg:$0x1] =	wrdreg $0xFFFFFFFF  }
0xad: {  	[dreg:$0x0] =	wrdreg $0x60  }
0xae: {  	[dreg:$0x2] =	wrdreg s24  }
0xaf: {  	[dreg:$0x3] =	wrdreg s2  }
0xb0: {  	[dreg:$0x4] =	wrdreg $0xBDB00  }
0xb1: {  	[dreg:$0x5] =	wrdreg $0x95B00  }
0xb2: {  	[dreg:$0x6] =	wrdreg $0x9  }
0xb3: {  	_ =	task.clear_ibuf [dreg:s7], $0x7FFFF;
	_ =	strace $0x90000049  }
0xb4: {  	s29 =	simm.s32 $0x9;
	_ =	strace $0x8000004B  }
0xb5: {  	_ =	swait.ge [sflag:s29], $0x1  }
0xb6: {  	[sflag:s29] =	ssyncadd.s32 $0xFFFFFFFF  }
0xb7: {  	_ =	strace $0x9000004B  }
0xb8: {  	_ =	sfence  }
0xb9: {  	s30 =	sld [smem:$0x0];
	_ =	sdelay $0x2  }
0xba: {  	s31 =	sshll.u32 s1, $0xD;
	s1 =	sshrl.u32 s1, $0x2  }
0xbb: {  	s3 =	sand.u32 $0x4000, s31;
	s1 =	sadd.s32 s1, s30  }
0xbc: {  	s0 =	sor.u32 s3, s0;
	s1 =	sshll.u32 s1, $0x11  }
0xbd: {  	s0 =	sor.u32 s1, s0  }
0xbe: {  	s0 =	sadd.s32 $0x8F2B, s0  }
0xbf: {  	[sflag:s0] =	ssyncadd.remote.s32 $0x1  }
0xc0: {  	_ =	sfence.sel $0xFFFF  }
0xc1: {  	[dreg:$0x0] =	wrdreg $0xFFFFFFFF;
	(pc) =	sbr.abs _section_cstart, $3  }
0xc2: {  	[dreg:$0x1] =	wrdreg $0xFFFFFFFF  }
0xc3: {  	_ =	task.clear_ibuf [dreg:s7], $0x2FFFF;
	_ =	strace $0x9FFFFFFF  }
0xc4: {  	(tm) =	ssettm $0x7FFFFFFF  }
0xc5: {  	_ =	shalt  }
tec
execute0_lowered:
.L_overlay_start_1:
0x0: {  	(tag) =	ssettag $0x1  }
0x1: {  	s0 =	rddreg [dreg:$0x0]  }
0x2: {  	s2 =	rddreg [dreg:$0x1]  }
0x3: {  	s1 =	rddreg [dreg:$0x2]  }
0x4: {  	s3 =	rddreg [dreg:$0x3];
	s4 =	simm.s32 $0x0  }
0x5: {  	s15 =	stileid.u32;
	s5 =	srdreg.scid;
	s13 =	simm.s32 $0x28A0  }
0x6: {  	s18 =	simm.s32 $0x50;
	s19 =	simm.s32 $0x4FB0;
	s20 =	simm.s32 $0x54B0  }
0x7: {  	s22 =	simm.s32 $0x59B0;
	s24 =	simm.s32 $0x5EB0;
	s25 =	simm.s32 $0x1  }
0x8: {  	s28 =	simm.s32 $0x63B0;
	s29 =	simm.s32 $0x2;
	s21 =	simm.s32 $0x29E0  }
0x9: {  	s23 =	simm.s32 $0x280;
	[smem:$0x7FF] =	sst s4;
	s9 =	smul.u32 $0x2800, s15  }
0xa: {  	s5 =	sand.u32 $0x1, s5;
	s6 =	sshll.u32 s15, $0x1;
	s31 =	sshll.u32 s15, $0x6  }
0xb: {  	s15 =	simm.s32 $0x230;
	_ =	strace $0x8000004A;
	s6 =	sor.u32 s5, s6  }
0xc: {  	s8 =	ssub.s32 $0x2, s5;
	s11 =	smul.u32 $0x28000, s5;
	s5 =	sadd.s32 $0x1CC00, s0  }
0xd: {  	s16 =	sor.u32 $0x1C03, s31;
	s7 =	sshrl.u32 s9, $0x3;
	s6 =	smul.u32 $0x4E2, s6  }
0xe: {  	s26 =	sshrl.u32 s8, $0x1;
	s14 =	sadd.s32 s9, s3;
	s10 =	sadd.s32 s7, s0  }
0xf: {  	s30 =	ssub.s32 s8, s26;
	s11 =	sadd.s32 s9, s11;
	s8 =	sadd.s32 s9, s1  }
0x10: {  	s17 =	sshrl.u32 s14, $0x3;
	s14 =	simm.s32 $0x2990;
	s26 =	simm.s32 $0x0  }
0x11: {  	s12 =	sadd.s32 s6, s0;
	s11 =	sshrl.u32 s11, $0x3;
	s9 =	sadd.s32 $0x17C00, s10  }
0x12: {  	s6 =	sadd.s32 $0x4000, s12;
	s7 =	sadd.s32 $0xDE00, s12;
	s10 =	sadd.s32 s2, s11  }
0x13: {  	v0 =	vimm.s32 $0x0;
	v1 =	vimm.f32 $0.0e+00;
	s11 =	smax.u32 s30, $0x1;
	s12 =	simm.s32 $0x3;
	s2 =	simm.s32 $0x1E0  }
.LBB2_1:
0x14: {  	[tilespmem:s4], [sflag:$0x3] =	stream.linear.gather [hbm4b:s6+s4], $0x2710, $0x38;
	[tilespmem:$0xE5B0] =	vst v63  }
0x15: {  	_ =	swait.ge [sflag:s12], $0x2710  }
0x16: {  	[sflag:s12] =	ssyncset.done $0x0  }
0x17: {  	[sflag:s12] =	ssyncadd.s32 $0xFFFFD8F0  }
0x18: {  	[tilespmem:s13], [sflag:$0x3] =	stream.linear.gather [hbm4b:s7+s4], $0x2710, $0x38;
	[tilespmem:$0xE5B0] =	vst v63  }
0x19: {  	_ =	swait.ge [sflag:s12], $0x2710  }
0x1a: {  	[sflag:s12] =	ssyncset.done $0x0  }
0x1b: {  	s0 =	simm.s32 $0x68B0;
	[sflag:s12] =	ssyncadd.s32 $0xFFFFD8F0  }
0x1c: {  	[tilespmem:s0], [sflag:$0x3] =	stream.linear.gather [hbm4b:s5+s4], $0x500, $0x38;
	[tilespmem:$0xE5B0] =	vst v63  }
0x1d: {  	_ =	swait.ge [sflag:s12], $0x500  }
0x1e: {  	[sflag:s12] =	ssyncset.done $0x0  }
0x1f: {  	[sflag:s12] =	ssyncadd.s32 $0xFFFFFB00  }
0x20: {  	[tilespmem:$0x2710] =	vst v0  }
0x21: {  	[tilespmem:$0x2720] =	vst v0  }
0x22: {  	[tilespmem:$0x2730] =	vst v0  }
0x23: {  	[tilespmem:$0x2740] =	vst v0  }
0x24: {  	[tilespmem:$0x2750] =	vst v0  }
0x25: {  	[tilespmem:$0x2760] =	vst v0  }
0x26: {  	[tilespmem:$0x2770] =	vst v0  }
0x27: {  	[tilespmem:$0x2780] =	vst v0  }
0x28: {  	[tilespmem:$0x2790] =	vst v0  }
0x29: {  	[tilespmem:$0x27A0] =	vst v0  }
0x2a: {  	[tilespmem:$0x27B0] =	vst v0  }
0x2b: {  	[tilespmem:$0x27C0] =	vst v0  }
0x2c: {  	[tilespmem:$0x27D0] =	vst v0  }
0x2d: {  	[tilespmem:$0x27E0] =	vst v0  }
0x2e: {  	[tilespmem:$0x27F0] =	vst v0  }
0x2f: {  	[tilespmem:$0x2800] =	vst v0  }
0x30: {  	[tilespmem:$0x2810] =	vst v0  }
0x31: {  	[tilespmem:$0x2820] =	vst v0  }
0x32: {  	[tilespmem:$0x2830] =	vst v0  }
0x33: {  	[tilespmem:$0x2840] =	vst v0  }
0x34: {  	[tilespmem:$0x2850] =	vst v0  }
0x35: {  	[tilespmem:$0x2860] =	vst v0  }
0x36: {  	[tilespmem:$0x2870] =	vst v0  }
0x37: {  	[tilespmem:$0x2880] =	vst v0  }
0x38: {  	s30 =	simm.s32 $0x40;
	s31 =	simm.s32 $0x0;
	[tilespmem:$0x2890] =	vst v0  }
.LBB2_2:
0x39: {  	p0 =	sne.s32 s30, $0x9FC0;
	[tilespmem:s31+$0x6DB0] =	vst v1;
	s31 =	smov.u32 s30;
	s30 =	sadd.s32 $0x40, s30  }
.Ltmp0:
0x3a: {  	(pc) =	sbr.rel @p0 .LBB2_2-.Ltmp0, $2  }
0x3b: {  	_ =	sdelay $0x2  }
0x3c: {  	s31 =	sshra.s32 s31, $0x2  }
0x3d: {  	[tilespmem:s31+$0x6DB0] =	vst v1;
	s0 =	simm.s32 $0x6DB0  }
0x3e: {  	[spmem:s8] =	stream.linear.scatter [tilespmem:s0], [sflag:$0x3], $0x2800, $0x38;
	[tilespmem:$0xE5B0] =	vst v63  }
0x3f: {  	_ =	swait.ge [sflag:s12], $0x2800  }
0x40: {  	[sflag:s12] =	ssyncset.done $0x0  }
0x41: {  	[sflag:s12] =	ssyncadd.s32 $0xFFFFD800  }
0x42: {  	[spmem:s17], [sflag:s16] =	dma.local [hbm:s9], $0x500  }
0x43: {  	_ =	swait.ge [sflag:s12], $0x500  }
0x44: {  	[sflag:s12] =	ssyncset.done $0x0  }
0x45: {  	[sflag:s12] =	ssyncadd.s32 $0xFFFFFB00  }
0x46: {  	s30 =	simm.s32 $0x0;
	[bflag:$0x0] =	sbarrier.arrive $0xFFFF  }
0x47: {  	[tilespmem:s19], [sflag:$0x1] =	stream.indirect.gather [spmem:s3], $0x10, s30, s18, $0xb8;
	[tilespmem:$0xE5B0] =	vst v63  }
0x48: {  	_ = 	snop  }
0x49: {  	[tilespmem:s20], [sflag:$0x1] =	stream.indirect.gather [spmem:s3], $0x10, s18, s18, $0xb8;
	[tilespmem:$0xE5B0] =	vst v63  }
0x4a: {  	s0 =	simm.s32 $0xA0  }
0x4b: {  	[tilespmem:s22], [sflag:$0x1] =	stream.indirect.gather [spmem:s3], $0x10, s0, s18, $0xb8;
	[tilespmem:$0xE5B0] =	vst v63  }
0x4c: {  	s0 =	simm.s32 $0xF0  }
0x4d: {  	[tilespmem:s24], [sflag:$0x1] =	stream.indirect.gather [spmem:s3], $0x10, s0, s18, $0xb8;
	[tilespmem:$0xE5B0] =	vst v63  }
0x4e: {  	_ =	swait.ge [sflag:s25], $0x500  }
0x4f: {  	[sflag:s25] =	ssyncset.done $0x0  }
0x50: {  	[sflag:s25] =	ssyncadd.s32 $0xFFFFFB00  }
0x51: {  	[spmem:s1] =	stream.indirect.scatter.add.f32 [tilespmem:s19], [sflag:$0x2], $0x10, s13, s18, $0xb8;
	[tilespmem:$0xE5B0] =	vst v63  }
0x52: {  	s0 =	simm.s32 $0x140  }
0x53: {  	[tilespmem:s28], [sflag:$0x1] =	stream.indirect.gather [spmem:s3], $0x10, s0, s18, $0xb8;
	[tilespmem:$0xE5B0] =	vst v63  }
0x54: {  	_ =	swait.ge [sflag:s29], $0x500  }
0x55: {  	[sflag:s29] =	ssyncset.done $0x0  }
0x56: {  	[sflag:s29] =	ssyncadd.s32 $0xFFFFFB00  }
0x57: {  	_ =	swait.ge [sflag:s25], $0x500  }
0x58: {  	[sflag:s25] =	ssyncset.done $0x0  }
0x59: {  	s0 =	simm.s32 $0x28F0;
	[sflag:s25] =	ssyncadd.s32 $0xFFFFFB00  }
0x5a: {  	[spmem:s1] =	stream.indirect.scatter.add.f32 [tilespmem:s20], [sflag:$0x2], $0x10, s0, s18, $0xb8;
	[tilespmem:$0xE5B0] =	vst v63  }
0x5b: {  	s0 =	simm.s32 $0x190  }
0x5c: {  	[tilespmem:s19], [sflag:$0x1] =	stream.indirect.gather [spmem:s3], $0x10, s0, s18, $0xb8;
	[tilespmem:$0xE5B0] =	vst v63  }
0x5d: {  	_ =	swait.ge [sflag:s29], $0x500  }
0x5e: {  	[sflag:s29] =	ssyncset.done $0x0  }
0x5f: {  	[sflag:s29] =	ssyncadd.s32 $0xFFFFFB00  }
0x60: {  	_ =	swait.ge [sflag:s25], $0x500  }
0x61: {  	[sflag:s25] =	ssyncset.done $0x0  }
0x62: {  	s0 =	simm.s32 $0x2940;
	[sflag:s25] =	ssyncadd.s32 $0xFFFFFB00  }
0x63: {  	[spmem:s1] =	stream.indirect.scatter.add.f32 [tilespmem:s22], [sflag:$0x2], $0x10, s0, s18, $0xb8;
	[tilespmem:$0xE5B0] =	vst v63  }
0x64: {  	_ = 	snop  }
0x65: {  	[tilespmem:s20], [sflag:$0x1] =	stream.indirect.gather [spmem:s3], $0x10, s2, s18, $0xb8;
	[tilespmem:$0xE5B0] =	vst v63  }
0x66: {  	_ =	swait.ge [sflag:s29], $0x500  }
0x67: {  	[sflag:s29] =	ssyncset.done $0x0  }
0x68: {  	[sflag:s29] =	ssyncadd.s32 $0xFFFFFB00  }
0x69: {  	_ =	swait.ge [sflag:s25], $0x500  }
0x6a: {  	[sflag:s25] =	ssyncset.done $0x0  }
0x6b: {  	[sflag:s25] =	ssyncadd.s32 $0xFFFFFB00  }
0x6c: {  	[spmem:s1] =	stream.indirect.scatter.add.f32 [tilespmem:s24], [sflag:$0x2], $0x10, s14, s18, $0xb8;
	[tilespmem:$0xE5B0] =	vst v63  }
0x6d: {  	_ = 	snop  }
0x6e: {  	[tilespmem:s22], [sflag:$0x1] =	stream.indirect.gather [spmem:s3], $0x10, s15, s18, $0xb8;
	[tilespmem:$0xE5B0] =	vst v63  }
0x6f: {  	_ =	swait.ge [sflag:s29], $0x500  }
0x70: {  	[sflag:s29] =	ssyncset.done $0x0  }
0x71: {  	[sflag:s29] =	ssyncadd.s32 $0xFFFFFB00  }
0x72: {  	_ =	swait.ge [sflag:s25], $0x500  }
0x73: {  	[sflag:s25] =	ssyncset.done $0x0  }
0x74: {  	[sflag:s25] =	ssyncadd.s32 $0xFFFFFB00  }
0x75: {  	[spmem:s1] =	stream.indirect.scatter.add.f32 [tilespmem:s28], [sflag:$0x2], $0x10, s21, s18, $0xb8;
	[tilespmem:$0xE5B0] =	vst v63  }
0x76: {  	_ = 	snop  }
0x77: {  	[tilespmem:s24], [sflag:$0x1] =	stream.indirect.gather [spmem:s3], $0x10, s23, s18, $0xb8;
	[tilespmem:$0xE5B0] =	vst v63  }
0x78: {  	_ =	swait.ge [sflag:s29], $0x500  }
0x79: {  	[sflag:s29] =	ssyncset.done $0x0  }
0x7a: {  	[sflag:s29] =	ssyncadd.s32 $0xFFFFFB00  }
0x7b: {  	_ =	swait.ge [sflag:s25], $0x500  }
0x7c: {  	[sflag:s25] =	ssyncset.done $0x0  }
0x7d: {  	s30 =	simm.s32 $0x2A30;
	[sflag:s25] =	ssyncadd.s32 $0xFFFFFB00  }
0x7e: {  	[spmem:s1] =	stream.indirect.scatter.add.f32 [tilespmem:s19], [sflag:$0x2], $0x10, s30, s18, $0xb8;
	[tilespmem:$0xE5B0] =	vst v63  }
0x7f: {  	s30 =	simm.s32 $0x2D0  }
0x80: {  	[tilespmem:s28], [sflag:$0x1] =	stream.indirect.gather [spmem:s3], $0x10, s30, s18, $0xb8;
	[tilespmem:$0xE5B0] =	vst v63  }
0x81: {  	_ =	swait.ge [sflag:s29], $0x500  }
0x82: {  	[sflag:s29] =	ssyncset.done $0x0  }
0x83: {  	[sflag:s29] =	ssyncadd.s32 $0xFFFFFB00  }
0x84: {  	_ =	swait.ge [sflag:s25], $0x500  }
0x85: {  	[sflag:s25] =	ssyncset.done $0x0  }
0x86: {  	s30 =	simm.s32 $0x2A80;
	[sflag:s25] =	ssyncadd.s32 $0xFFFFFB00  }
0x87: {  	[spmem:s1] =	stream.indirect.scatter.add.f32 [tilespmem:s20], [sflag:$0x2], $0x10, s30, s18, $0xb8;
	[tilespmem:$0xE5B0] =	vst v63  }
0x88: {  	s30 =	simm.s32 $0x320  }
0x89: {  	[tilespmem:s19], [sflag:$0x1] =	stream.indirect.gather [spmem:s3], $0x10, s30, s18, $0xb8;
	[tilespmem:$0xE5B0] =	vst v63  }
0x8a: {  	_ =	swait.ge [sflag:s29], $0x500  }
0x8b: {  	[sflag:s29] =	ssyncset.done $0x0  }
0x8c: {  	[sflag:s29] =	ssyncadd.s32 $0xFFFFFB00  }
0x8d: {  	_ =	swait.ge [sflag:s25], $0x500  }
0x8e: {  	[sflag:s25] =	ssyncset.done $0x0  }
0x8f: {  	s30 =	simm.s32 $0x2AD0;
	[sflag:s25] =	ssyncadd.s32 $0xFFFFFB00  }
0x90: {  	[spmem:s1] =	stream.indirect.scatter.add.f32 [tilespmem:s22], [sflag:$0x2], $0x10, s30, s18, $0xb8;
	[tilespmem:$0xE5B0] =	vst v63  }
0x91: {  	s30 =	simm.s32 $0x370  }
0x92: {  	[tilespmem:s20], [sflag:$0x1] =	stream.indirect.gather [spmem:s3], $0x10, s30, s18, $0xb8;
	[tilespmem:$0xE5B0] =	vst v63  }
0x93: {  	_ =	swait.ge [sflag:s29], $0x500  }
0x94: {  	[sflag:s29] =	ssyncset.done $0x0  }
0x95: {  	[sflag:s29] =	ssyncadd.s32 $0xFFFFFB00  }
0x96: {  	_ =	swait.ge [sflag:s25], $0x500  }
0x97: {  	[sflag:s25] =	ssyncset.done $0x0  }
0x98: {  	s30 =	simm.s32 $0x2B20;
	[sflag:s25] =	ssyncadd.s32 $0xFFFFFB00  }
0x99: {  	[spmem:s1] =	stream.indirect.scatter.add.f32 [tilespmem:s24], [sflag:$0x2], $0x10, s30, s18, $0xb8;
	[tilespmem:$0xE5B0] =	vst v63  }
0x9a: {  	s30 =	simm.s32 $0x3C0  }
0x9b: {  	[tilespmem:s22], [sflag:$0x1] =	stream.indirect.gather [spmem:s3], $0x10, s30, s18, $0xb8;
	[tilespmem:$0xE5B0] =	vst v63  }
0x9c: {  	_ =	swait.ge [sflag:s29], $0x500  }
0x9d: {  	[sflag:s29] =	ssyncset.done $0x0  }
0x9e: {  	[sflag:s29] =	ssyncadd.s32 $0xFFFFFB00  }
0x9f: {  	_ =	swait.ge [sflag:s25], $0x500  }
0xa0: {  	[sflag:s25] =	ssyncset.done $0x0  }
0xa1: {  	s30 =	simm.s32 $0x2B70;
	[sflag:s25] =	ssyncadd.s32 $0xFFFFFB00  }
0xa2: {  	[spmem:s1] =	stream.indirect.scatter.add.f32 [tilespmem:s28], [sflag:$0x2], $0x10, s30, s18, $0xb8;
	[tilespmem:$0xE5B0] =	vst v63  }
0xa3: {  	s31 =	simm.s32 $0x410;
	s30 =	simm.s32 $0x640  }
.LBB2_4:
0xa4: {  	[tilespmem:s24], [sflag:$0x1] =	stream.indirect.gather [spmem:s3], $0x10, s31, s18, $0xb8;
	[tilespmem:$0xE5B0] =	vst v63  }
0xa5: {  	s31 =	smov.u32 s30  }
0xa6: {  	p0 =	sne.s32 s30, $0x8FC0;
	s30 =	sadd.s32 $0x640, s30;
	_ =	swait.ge [sflag:s29], $0x500  }
0xa7: {  	[sflag:s29] =	ssyncset.done $0x0  }
0xa8: {  	[sflag:s29] =	ssyncadd.s32 $0xFFFFFB00  }
0xa9: {  	_ =	swait.ge [sflag:s25], $0x500  }
0xaa: {  	s31 =	sshra.s32 s31, $0x2;
	[sflag:s25] =	ssyncset.done $0x0  }
0xab: {  	s0 =	sadd.s32 $0x2A30, s31;
	[sflag:s25] =	ssyncadd.s32 $0xFFFFFB00  }
0xac: {  	[spmem:s1] =	stream.indirect.scatter.add.f32 [tilespmem:s19], [sflag:$0x2], $0x10, s0, s18, $0xb8;
	[tilespmem:$0xE5B0] =	vst v63  }
0xad: {  	s0 =	sadd.s32 $0x2D0, s31  }
0xae: {  	[tilespmem:s28], [sflag:$0x1] =	stream.indirect.gather [spmem:s3], $0x10, s0, s18, $0xb8;
	[tilespmem:$0xE5B0] =	vst v63  }
0xaf: {  	_ =	swait.ge [sflag:s29], $0x500  }
0xb0: {  	[sflag:s29] =	ssyncset.done $0x0  }
0xb1: {  	[sflag:s29] =	ssyncadd.s32 $0xFFFFFB00  }
0xb2: {  	_ =	swait.ge [sflag:s25], $0x500  }
0xb3: {  	[sflag:s25] =	ssyncset.done $0x0  }
0xb4: {  	s0 =	sadd.s32 $0x2A80, s31;
	[sflag:s25] =	ssyncadd.s32 $0xFFFFFB00  }
0xb5: {  	[spmem:s1] =	stream.indirect.scatter.add.f32 [tilespmem:s20], [sflag:$0x2], $0x10, s0, s18, $0xb8;
	[tilespmem:$0xE5B0] =	vst v63  }
0xb6: {  	s0 =	sadd.s32 $0x320, s31  }
0xb7: {  	[tilespmem:s19], [sflag:$0x1] =	stream.indirect.gather [spmem:s3], $0x10, s0, s18, $0xb8;
	[tilespmem:$0xE5B0] =	vst v63  }
0xb8: {  	_ =	swait.ge [sflag:s29], $0x500  }
0xb9: {  	[sflag:s29] =	ssyncset.done $0x0  }
0xba: {  	[sflag:s29] =	ssyncadd.s32 $0xFFFFFB00  }
0xbb: {  	_ =	swait.ge [sflag:s25], $0x500  }
0xbc: {  	[sflag:s25] =	ssyncset.done $0x0  }
0xbd: {  	s0 =	sadd.s32 $0x2AD0, s31;
	[sflag:s25] =	ssyncadd.s32 $0xFFFFFB00  }
0xbe: {  	[spmem:s1] =	stream.indirect.scatter.add.f32 [tilespmem:s22], [sflag:$0x2], $0x10, s0, s18, $0xb8;
	[tilespmem:$0xE5B0] =	vst v63  }
0xbf: {  	s0 =	sadd.s32 $0x370, s31  }
0xc0: {  	[tilespmem:s20], [sflag:$0x1] =	stream.indirect.gather [spmem:s3], $0x10, s0, s18, $0xb8;
	[tilespmem:$0xE5B0] =	vst v63  }
0xc1: {  	_ =	swait.ge [sflag:s29], $0x500  }
0xc2: {  	[sflag:s29] =	ssyncset.done $0x0  }
0xc3: {  	[sflag:s29] =	ssyncadd.s32 $0xFFFFFB00  }
0xc4: {  	_ =	swait.ge [sflag:s25], $0x500  }
0xc5: {  	[sflag:s25] =	ssyncset.done $0x0  }
0xc6: {  	s0 =	sadd.s32 $0x2B20, s31;
	[sflag:s25] =	ssyncadd.s32 $0xFFFFFB00  }
0xc7: {  	[spmem:s1] =	stream.indirect.scatter.add.f32 [tilespmem:s24], [sflag:$0x2], $0x10, s0, s18, $0xb8;
	[tilespmem:$0xE5B0] =	vst v63  }
0xc8: {  	s0 =	sadd.s32 $0x3C0, s31  }
0xc9: {  	[tilespmem:s22], [sflag:$0x1] =	stream.indirect.gather [spmem:s3], $0x10, s0, s18, $0xb8;
	[tilespmem:$0xE5B0] =	vst v63  }
0xca: {  	_ =	swait.ge [sflag:s29], $0x500  }
0xcb: {  	[sflag:s29] =	ssyncset.done $0x0  }
0xcc: {  	[sflag:s29] =	ssyncadd.s32 $0xFFFFFB00  }
.Ltmp1:
0xcd: {  	_ =	swait.ge [sflag:s25], $0x500;
	(pc) =	sbr.rel @p0 .LBB2_4-.Ltmp1, $4  }
0xce: {  	[sflag:s25] =	ssyncset.done $0x0  }
0xcf: {  	s0 =	sadd.s32 $0x2B70, s31;
	[sflag:s25] =	ssyncadd.s32 $0xFFFFFB00  }
0xd0: {  	[spmem:s1] =	stream.indirect.scatter.add.f32 [tilespmem:s28], [sflag:$0x2], $0x10, s0, s18, $0xb8;
	[tilespmem:$0xE5B0] =	vst v63  }
0xd1: {  	s31 =	sadd.s32 $0x410, s31  }
0xd2: {  	[tilespmem:s24], [sflag:$0x1] =	stream.indirect.gather [spmem:s3], $0x10, s31, s18, $0xb8;
	[tilespmem:$0xE5B0] =	vst v63  }
0xd3: {  	_ =	swait.ge [sflag:s29], $0x500  }
0xd4: {  	[sflag:s29] =	ssyncset.done $0x0  }
0xd5: {  	[sflag:s29] =	ssyncadd.s32 $0xFFFFFB00  }
0xd6: {  	_ =	swait.ge [sflag:s25], $0x500  }
0xd7: {  	[sflag:s25] =	ssyncset.done $0x0  }
0xd8: {  	[sflag:s25] =	ssyncadd.s32 $0xFFFFFB00  }
0xd9: {  	_ =	swait.ge [sflag:s25], $0x500  }
0xda: {  	[sflag:s25] =	ssyncset.done $0x0  }
0xdb: {  	[sflag:s25] =	ssyncadd.s32 $0xFFFFFB00  }
0xdc: {  	_ =	swait.ge [sflag:s25], $0x500  }
0xdd: {  	[sflag:s25] =	ssyncset.done $0x0  }
0xde: {  	[sflag:s25] =	ssyncadd.s32 $0xFFFFFB00  }
0xdf: {  	_ =	swait.ge [sflag:s25], $0x500  }
0xe0: {  	s26 =	sadd.s32 $0x1, s26;
	[sflag:s25] =	ssyncset.done $0x0  }
0xe1: {  	p0 =	sne.s32 s26, s11;
	[sflag:s25] =	ssyncadd.s32 $0xFFFFFB00  }
.Ltmp2:
0xe2: {  	s0 =	sshrl.u32 s8, $0x3;
	[bflag:$0x0] =	sbarrier.arrive $0xFFFF;
	(pc) =	sbr.rel @p0 .LBB2_1-.Ltmp2, $4  }
0xe3: {  	[hbm:s10], [sflag:s16] =	dma.local [spmem:s0], $0x500  }
0xe4: {  	_ =	swait.ge [sflag:s12], $0x500  }
0xe5: {  	[sflag:s12] =	ssyncset.done $0x0  }
0xe6: {  	[sflag:s12] =	ssyncadd.s32 $0xFFFFFB00  }
0xe7: {  	_ =	sfence.sel $0x180000  }
0xe8: {  	[bflag:$0x0] =	sbarrier.arrive $0xFFFF  }
0xe9: {  	_ =	strace $0x9000004A  }
0xea: {  	s0 =	stileid.u32;
	[bflag:$0x2] =	sbarrier.arrive $0xFFFF  }
0xeb: {  	p0 =	sne.s32 s0, $0x0;
	s0 =	rddreg [dreg:$0x4]  }
0xec: {  	s0 =	sadd.s32 @!p0 $0x100000, s0  }
0xed: {  	[sflag:s0] =	ssyncadd.tile.s32 @!p0 $0x1;
	_ =	shalt  }
.Lfunc_end2:
_tile_overlayer_lowered:
.L_overlay_start_2:
0xee: {  	(tag) =	ssettag $0x2  }
0xef: {  	s0 =	rddreg [dreg:$0x0];
	s2 =	stileid.u32  }
0xf0: {  	s1 =	rddreg [dreg:$0x1];
	p0 =	sne.s32 s2, $0x0  }
0xf1: {  	s3 =	rddreg [dreg:$0x2];
	[bflag:$0x3] =	sbarrier.arrive $0xFFFF;
	s2 =	simm.s32 @!p0 $0x1C03  }
0xf2: {  	[timem:s3], [sflag:s2] =	dma.local @!p0 [hbm:s0], s1  }
0xf3: {  	s0 =	simm.s32 @!p0 $0x3  }
0xf4: {  	_ =	swait.ge @!p0 [sflag:s0], s1  }
0xf5: {  	s1 =	ssub.s32 @!p0 $0x0, s1;
	[sflag:s0] =	ssyncset.done @!p0 $0x0  }
0xf6: {  	[sflag:s0] =	ssyncadd.s32 @!p0 s1  }
0xf7: {  	[bflag:$0x3] =	sbarrier.arrive $0xFFFF  }
0xf8: {  	_ =	shalt  }

// kernel: kernel.15.cloned.1.call-start
scs
__scs_entry_jumppad:
0x0: {  	(pc) =	sbr.rel $0x88, $3  }
0x1: {  	(tag) =	ssettag $0x0;
	lr =	simm.s32 $0x1  }
0x2: {  	[smem:$0x3F95] =	sst lr;
	_ =	strace $0xD0000000  }
0x3: {  	_ = 	snop  }
0x4: {  	_ = 	snop  }
0x5: {  	_ = 	snop  }
0x6: {  	_ = 	snop  }
0x7: {  	_ = 	snop  }
__scs_overlays_trampoline_lowered:
0x8: {  	[smem:$0x3FA4] =	sst s0  }
0x9: {  	[smem:$0x3FA5] =	sst s1  }
0xa: {  	[smem:$0x3FA6] =	sst s2  }
0xb: {  	[smem:$0x3FA7] =	sst s3  }
0xc: {  	[smem:$0x3FA8] =	sst s4  }
0xd: {  	[smem:$0x3FA9] =	sst s5  }
0xe: {  	[smem:$0x3FAA] =	sst s6  }
0xf: {  	[smem:$0x3FAB] =	sst s7  }
0x10: {  	[smem:$0x3FAC] =	sst s8  }
0x11: {  	[smem:$0x3FAD] =	sst s9;
	s0 =	simm.s32 @!p0 $0x0  }
0x12: {  	s1 =	sld [smem:$0x3F93];
	s0 =	simm.s32 @p0 $0x1  }
0x13: {  	[smem:$0x3FAE] =	sst s0;
	s0 =	simm.s32 @!p1 $0x0  }
0x14: {  	s2 =	sld [smem:$0x3F92];
	s0 =	simm.s32 @p1 $0x1  }
0x15: {  	[smem:$0x3FAF] =	sst s0;
	s0 =	simm.s32 @!p2 $0x0  }
0x16: {  	s3 =	sld [smem:$0x3FDB];
	s0 =	simm.s32 @p2 $0x1  }
0x17: {  	s4 =	simm.s32 $0x1BF5;
	[smem:$0x3FB1] =	sst s0  }
0x18: {  	s0 =	sld [smem:$0x3F94];
	_ =	swait.ge [sflag:s4], $0x0  }
0x19: {  	s7 =	sld [smem:$0x3F95]  }
0x1a: {  	s8 =	sadd.s32 $0xFFFFE003, lr  }
0x1b: {  	s9 =	sadd.s32 $0xFFFFFEF7, lr;
	s5 =	simm.s32 $0xFFFFFFFF;
	p2 =	slt.u32 s8, $0xFFFFF086  }
0x1c: {  	p1 =	slt.u32 s9, $0xF7A;
	s5 =	simm.s32 @!p2 $0x0  }
0x1d: {  	s5 =	simm.s32 @p1 $0x1;
	p0 =	seq.s32 s7, s2  }
0x1e: {  	s7 =	smul.u32 @!p0 $0xF7A, s2;
	p2 =	seq.s32 @!p0 s5, $0x0  }
0x1f: {  	s9 =	smul.u32 $0xF7A, s1;
	s8 =	simm.s32 @!p0 $0x1BF5;
	p2 =	por !p2, p0  }
0x20: {  	[sflag:s8] =	ssyncset.s32 @!p0 $0xFFFFF086;
	s6 =	sadd.s32 @!p0 s3, s7;
	s7 =	simm.s32 @!p0 $0x108  }
0x21: {  	s3 =	sadd.s32 s3, s9;
	s6 =	sadd.s32 @!p0 $0x88, s6;
	s7 =	simm.s32 @p2 $0x1082  }
0x22: {  	[simem:s7], [sflag:s8] =	dma.local @!p0 [hbm:s6], $0xF7A  }
0x23: {  	s9 =	sor.u32 $0xD0000000, s2;
	s6 =	simm.s32 $0x108;
	_ =	swait.ge @!p0 [sflag:s8], $0x0  }
0x24: {  	s3 =	sadd.s32 $0x88, s3;
	s6 =	simm.s32 @!p1 $0x1082;
	[sflag:s4] =	ssyncset.s32 $0xFFFFF086  }
0x25: {  	[simem:s6], [sflag:s4] =	dma.local [hbm:s3], $0xF7A  }
0x26: {  	[smem:$0x3F95] =	sst s1;
	(tag) =	ssettag s2;
	_ =	strace s9  }
0x27: {  	s1 =	sld [smem:$0x3FA5]  }
0x28: {  	s2 =	sld [smem:$0x3FA6]  }
0x29: {  	s4 =	sld [smem:$0x3FA8]  }
0x2a: {  	p0 =	seq.s32 s5, $0x0;
	s5 =	sld [smem:$0x3FA9]  }
0x2b: {  	s6 =	sld [smem:$0x3FAA]  }
0x2c: {  	s7 =	sld [smem:$0x3FAB]  }
0x2d: {  	s3 =	simm.s32 $0x108;
	s8 =	sld [smem:$0x3FAC]  }
0x2e: {  	s3 =	simm.s32 @!p0 $0x1082;
	s9 =	sld [smem:$0x3FAD]  }
0x2f: {  	lr =	sadd.s32 s0, s3;
	s0 =	sld [smem:$0x3FA4]  }
0x30: {  	s3 =	sld [smem:$0x3FA7]  }
0x31: {  	[smem:$0x3FB0] =	sst s10  }
0x32: {  	s10 =	sld [smem:$0x3FAE];
	_ =	sdelay $0x3  }
0x33: {  	p0 =	seq.s32 s10, $0x1;
	s10 =	sld [smem:$0x3FB0];
	_ =	sdelay $0x3  }
0x34: {  	[smem:$0x3FB0] =	sst s10  }
0x35: {  	s10 =	sld [smem:$0x3FAF];
	_ =	sdelay $0x3  }
0x36: {  	p1 =	seq.s32 s10, $0x1;
	s10 =	sld [smem:$0x3FB0];
	_ =	sdelay $0x3  }
0x37: {  	[smem:$0x3FB0] =	sst s10  }
0x38: {  	s10 =	sld [smem:$0x3FB1]  }
0x39: {  	_ = 	snop;
	(pc) =	sbr.ind lr, $3  }
0x3a: {  	_ = 	snop  }
0x3b: {  	_ = 	snop  }
0x3c: {  	p2 =	seq.s32 s10, $0x1;
	s10 =	sld [smem:$0x3FB0]  }
0x3d: {  	_ =	shalt  }
0x3e: {  	_ =	shalt  }
0x3f: {  	_ =	shalt  }
0x40: {  	_ =	shalt  }
0x41: {  	_ =	shalt  }
0x42: {  	_ =	shalt  }
0x43: {  	_ =	shalt  }
0x44: {  	_ =	shalt  }
0x45: {  	_ =	shalt  }
0x46: {  	_ =	shalt  }
0x47: {  	_ =	shalt  }
0x48: {  	_ =	shalt  }
0x49: {  	_ =	shalt  }
0x4a: {  	_ =	shalt  }
0x4b: {  	_ =	shalt  }
0x4c: {  	_ =	shalt  }
0x4d: {  	_ =	shalt  }
0x4e: {  	_ =	shalt  }
0x4f: {  	_ =	shalt  }
0x50: {  	_ =	shalt  }
0x51: {  	_ =	shalt  }
0x52: {  	_ =	shalt  }
0x53: {  	_ =	shalt  }
0x54: {  	_ =	shalt  }
0x55: {  	_ =	shalt  }
0x56: {  	_ =	shalt  }
0x57: {  	_ =	shalt  }
0x58: {  	_ =	shalt  }
0x59: {  	_ =	shalt  }
0x5a: {  	_ =	shalt  }
0x5b: {  	_ =	shalt  }
0x5c: {  	_ =	shalt  }
0x5d: {  	_ =	shalt  }
0x5e: {  	_ =	shalt  }
0x5f: {  	_ =	shalt  }
0x60: {  	_ =	shalt  }
0x61: {  	_ =	shalt  }
0x62: {  	_ =	shalt  }
0x63: {  	_ =	shalt  }
0x64: {  	_ =	shalt  }
0x65: {  	_ =	shalt  }
0x66: {  	_ =	shalt  }
0x67: {  	_ =	shalt  }
0x68: {  	_ =	shalt  }
0x69: {  	_ =	shalt  }
0x6a: {  	_ =	shalt  }
0x6b: {  	_ =	shalt  }
0x6c: {  	_ =	shalt  }
0x6d: {  	_ =	shalt  }
0x6e: {  	_ =	shalt  }
0x6f: {  	_ =	shalt  }
0x70: {  	_ =	shalt  }
0x71: {  	_ =	shalt  }
0x72: {  	_ =	shalt  }
0x73: {  	_ =	shalt  }
0x74: {  	_ =	shalt  }
0x75: {  	_ =	shalt  }
0x76: {  	_ =	shalt  }
0x77: {  	_ =	shalt  }
0x78: {  	_ =	shalt  }
0x79: {  	_ =	shalt  }
0x7a: {  	_ =	shalt  }
0x7b: {  	_ =	shalt  }
0x7c: {  	_ =	shalt  }
0x7d: {  	_ =	shalt  }
0x7e: {  	_ =	shalt  }
0x7f: {  	_ =	shalt  }
0x80: {  	_ =	shalt  }
0x81: {  	_ =	shalt  }
0x82: {  	_ =	shalt  }
0x83: {  	_ =	shalt  }
0x84: {  	_ =	shalt  }
0x85: {  	_ =	shalt  }
0x86: {  	_ =	shalt  }
0x87: {  	_ =	shalt  }
.Lfunc_end0:
.L_simem_size_0:
called_computation.2_lowered:
.L_overlay_start_0:
0x88: {  	s2 =	sld [smem:$0x3FD9]  }
0x89: {  	s3 =	sld [smem:$0x3FFE];
	_ =	sdelay $0x1  }
0x8a: {  	s1 =	srdreg.scid  }
0x8b: {  	s0 =	sand.u32 $0x1, s1  }
0x8c: {  	s17 =	sshll.u32 s0, $0xA;
	s2 =	sadd.s32 s3, s2  }
0x8d: {  	s2 =	sadd.s32 s2, s17  }
0x8e: {  	[smem:$0x3FBC] =	sst s2  }
0x8f: {  	_ = 	snop  }
0x90: {  	s2 =	sld [smem:$0x3FD0];
	(tm) =	ssettm $0x1  }
0x91: {  	s18 =	sld [smem:$0x3FFB];
	_ =	sdelay $0x3  }
0x92: {  	_ =	strace s18  }
0x93: {  	s3 =	sld [smem:$0x3FFC];
	_ =	sdelay $0x3  }
0x94: {  	_ =	strace s3  }
0x95: {  	s3 =	sld [smem:$0x3FFD];
	_ =	sdelay $0x3  }
0x96: {  	_ =	strace s3  }
0x97: {  	_ =	strace $0x8FFFFFFF  }
0x98: {  	s19 =	sld [smem:$0x3FDB];
	_ =	sdelay $0x1  }
0x99: {  	s4 =	simm.s32 $_scs_section_size  }
0x9a: {  	s5 =	simm.s32 $_size__tile_overlayer_lowered;
	s6 =	simm.s32 $_tile_overlayer_lowered  }
0x9b: {  	s22 =	simm.s32 $0x1BFF;
	s21 =	sshll.u32 s6, $0x1;
	s3 =	sadd.s32 s4, s19  }
0x9c: {  	s7 =	simm.s32 $0x0;
	s20 =	sshll.u32 s5, $0x1;
	s5 =	sadd.s32 s21, s3  }
0x9d: {  	[timem:s7], [sflag:s22] =	dma.local [hbm:s5], s20  }
0x9e: {  	_ =	swait.ge [sflag:s22], s20  }
0x9f: {  	s4 =	ssub.s32 $0x0, s20;
	[sflag:s22] =	ssyncset.done $0x0  }
0xa0: {  	[sflag:s22] =	ssyncadd.s32 s4;
	_ =	sdelay $0x1  }
0xa1: {  	s23 =	simm.s32 $0x1B8B  }
0xa2: {  	_ =	swait.ge [sflag:s23], $0x1  }
0xa3: {  	[sflag:s23] =	ssyncset.done $0x0  }
0xa4: {  	s25 =	simm.s32 $0x1B8E;
	s24 =	sld [smem:$0x3FFE];
	[sflag:s23] =	ssyncadd.s32 $0xFFFFFFFF  }
0xa5: {  	s26 =	simm.s32 $execute0_lowered;
	[smem:$0x3FD2] =	sst s25  }
0xa6: {  	s5 =	sshll.u32 s26, $0x1;
	_ =	strace $0x8000004C;
	[dreg:$0x1] =	wrdreg $0xFFFFFFFF  }
0xa7: {  	s28 =	simm.s32 $_size_execute0_lowered;
	s3 =	sadd.s32 s3, s5;
	[dreg:$0x0] =	wrdreg $0x0  }
0xa8: {  	s5 =	sshll.u32 s28, $0x1;
	[dreg:$0x2] =	wrdreg s3  }
0xa9: {  	[dreg:$0x3] =	wrdreg s5  }
0xaa: {  	[dreg:$0x4] =	wrdreg $0xC0  }
0xab: {  	_ =	task [dreg:s7], $0x5FFFF  }
0xac: {  	[dreg:$0x1] =	wrdreg $0xFFFFFFFF  }
0xad: {  	[dreg:$0x0] =	wrdreg $0x60  }
0xae: {  	[dreg:$0x2] =	wrdreg s24  }
0xaf: {  	[dreg:$0x3] =	wrdreg s2  }
0xb0: {  	[dreg:$0x4] =	wrdreg $0x83400  }
0xb1: {  	[dreg:$0x5] =	wrdreg $0xAB400  }
0xb2: {  	[dreg:$0x6] =	wrdreg $0x9  }
0xb3: {  	_ =	task.clear_ibuf [dreg:s7], $0x7FFFF;
	_ =	strace $0x9000004C  }
0xb4: {  	s29 =	simm.s32 $0x9;
	_ =	strace $0x8000004E  }
0xb5: {  	_ =	swait.ge [sflag:s29], $0x1  }
0xb6: {  	[sflag:s29] =	ssyncadd.s32 $0xFFFFFFFF  }
0xb7: {  	_ =	strace $0x9000004E  }
0xb8: {  	_ =	sfence  }
0xb9: {  	s30 =	sld [smem:$0x0];
	_ =	sdelay $0x2  }
0xba: {  	s31 =	sshll.u32 s1, $0xD;
	s1 =	sshrl.u32 s1, $0x2  }
0xbb: {  	s3 =	sand.u32 $0x4000, s31;
	s1 =	sadd.s32 s1, s30  }
0xbc: {  	s0 =	sor.u32 s3, s0;
	s1 =	sshll.u32 s1, $0x11  }
0xbd: {  	s0 =	sor.u32 s1, s0  }
0xbe: {  	s0 =	sadd.s32 $0x8F2B, s0  }
0xbf: {  	[sflag:s0] =	ssyncadd.remote.s32 $0x1  }
0xc0: {  	_ =	sfence.sel $0xFFFF  }
0xc1: {  	[dreg:$0x0] =	wrdreg $0xFFFFFFFF;
	(pc) =	sbr.abs _section_cstart, $3  }
0xc2: {  	[dreg:$0x1] =	wrdreg $0xFFFFFFFF  }
0xc3: {  	_ =	task.clear_ibuf [dreg:s7], $0x2FFFF;
	_ =	strace $0x9FFFFFFF  }
0xc4: {  	(tm) =	ssettm $0x7FFFFFFF  }
0xc5: {  	_ =	shalt  }
tec
execute0_lowered:
.L_overlay_start_1:
0x0: {  	(tag) =	ssettag $0x1  }
0x1: {  	s0 =	rddreg [dreg:$0x0]  }
0x2: {  	s1 =	rddreg [dreg:$0x1]  }
0x3: {  	s2 =	rddreg [dreg:$0x2]  }
0x4: {  	s3 =	rddreg [dreg:$0x3];
	s15 =	stileid.u32  }
0x5: {  	s4 =	srdreg.scid;
	s28 =	simm.s32 $0x7940;
	s29 =	simm.s32 $0x1  }
0x6: {  	s30 =	simm.s32 $0x2;
	s31 =	simm.s32 $0x6540;
	s5 =	smul.u32 $0x2800, s15  }
0x7: {  	s8 =	sand.u32 $0x1, s4;
	s6 =	sshll.u32 s15, $0x1;
	s7 =	smul.u32 $0x4E20, s15  }
0x8: {  	s4 =	simm.s32 $0x0;
	s24 =	smul.u32 $0x9C40, s15;
	s15 =	simm.s32 $0x5140  }
0x9: {  	s6 =	sor.u32 s8, s6;
	s9 =	smul.u32 $0x2710, s8;
	[smem:$0x7FF] =	sst s4  }
0xa: {  	s13 =	ssub.s32 $0x2, s8;
	s8 =	smul.u32 $0x4E20, s8;
	s10 =	sshrl.u32 s5, $0x3  }
0xb: {  	s6 =	smul.u32 $0x2710, s6;
	_ =	strace $0x8000004D;
	s14 =	sshrl.u32 s13, $0x1  }
0xc: {  	s10 =	sadd.s32 s10, s0;
	s7 =	sadd.s32 s9, s7;
	s9 =	ssub.s32 s13, s14  }
0xd: {  	s14 =	sadd.s32 s5, s2;
	s5 =	sadd.s32 s5, s3;
	s11 =	sshll.u32 s7, $0x1  }
0xe: {  	s6 =	sshrl.u32 s6, $0x3;
	s23 =	sadd.s32 $0x17C00, s10;
	s12 =	sadd.s32 $0x1E0, s11  }
0xf: {  	s6 =	sadd.s32 s6, s0;
	[dreg:$0x11] =	wrdreg s23;
	s16 =	sadd.s32 s12, s1  }
0x10: {  	s0 =	sadd.s32 $0x21C00, s0;
	s13 =	sadd.s32 $0x4000, s6;
	[dreg:$0x5] =	wrdreg s16  }
0x11: {  	s18 =	sadd.s32 $0x140, s11;
	s17 =	sadd.s32 s12, s0;
	[dreg:$0xf] =	wrdreg s13  }
0x12: {  	s9 =	smax.u32 s9, $0x1;
	s19 =	sadd.s32 s18, s1;
	[dreg:$0x6] =	wrdreg s17  }
0x13: {  	s21 =	sadd.s32 $0xA0, s11;
	s6 =	sadd.s32 $0xDE00, s6;
	[dreg:$0x7] =	wrdreg s19  }
0x14: {  	s11 =	sadd.s32 $0x280, s11;
	s20 =	sadd.s32 s18, s0;
	[dreg:$0x10] =	wrdreg s6  }
0x15: {  	s23 =	simm.s32 $0x7440;
	s22 =	sadd.s32 s21, s1;
	[dreg:$0x8] =	wrdreg s20  }
0x16: {  	s12 =	sadd.s32 s21, s0;
	s25 =	sadd.s32 s11, s1;
	[dreg:$0x9] =	wrdreg s22  }
0x17: {  	s11 =	sadd.s32 s11, s0;
	s0 =	sadd.s32 s24, s0;
	[dreg:$0xa] =	wrdreg s12  }
0x18: {  	s1 =	sadd.s32 s24, s1;
	s21 =	simm.s32 $0x5B40;
	[dreg:$0xb] =	wrdreg s25  }
0x19: {  	s18 =	simm.s32 $0x3;
	[dreg:$0xc] =	wrdreg s11;
	s0 =	sadd.s32 s8, s0  }
0x1a: {  	s26 =	sadd.s32 s8, s1;
	s8 =	sadd.s32 $0x1CC00, s10;
	s10 =	simm.s32 $0x4  }
0x1b: {  	s11 =	simm.s32 $0x28A0;
	s12 =	sshrl.u32 s14, $0x3;
	s13 =	sshrl.u32 s5, $0x3  }
0x1c: {  	s14 =	simm.s32 $0x50;
	s16 =	simm.s32 $0x6A40;
	s17 =	simm.s32 $0x5640  }
0x1d: {  	s19 =	simm.s32 $0x6F40;
	s25 =	simm.s32 $0x6040;
	[dreg:$0xd] =	wrdreg s0  }
0x1e: {  	v0 =	vimm.s32 $0x0;
	s20 =	simm.s32 $0x0;
	[dreg:$0xe] =	wrdreg s26;
	s0 =	simm.s32 $0x7E40  }
.LBB2_1:
0x1f: {  	s1 =	rddreg [dreg:$0xf]  }
0x20: {  	[tilespmem:s4], [sflag:$0x4] =	stream.linear.gather [hbm4b:s1+s4], $0x2710, $0x38;
	[tilespmem:$0xD340] =	vst v63  }
0x21: {  	_ =	swait.ge [sflag:s10], $0x2710  }
0x22: {  	[sflag:s10] =	ssyncset.done $0x0  }
0x23: {  	s22 =	rddreg [dreg:$0x10];
	[sflag:s10] =	ssyncadd.s32 $0xFFFFD8F0  }
0x24: {  	[tilespmem:s11], [sflag:$0x4] =	stream.linear.gather [hbm4b:s22+s4], $0x2710, $0x38;
	[tilespmem:$0xD340] =	vst v63  }
0x25: {  	_ =	swait.ge [sflag:s10], $0x2710  }
0x26: {  	[sflag:s10] =	ssyncset.done $0x0  }
0x27: {  	[sflag:s10] =	ssyncadd.s32 $0xFFFFD8F0  }
0x28: {  	[tilespmem:$0x2710] =	vst v0  }
0x29: {  	[tilespmem:$0x4FB0] =	vst v0  }
0x2a: {  	[tilespmem:$0x2720] =	vst v0  }
0x2b: {  	[tilespmem:$0x4FC0] =	vst v0  }
0x2c: {  	[tilespmem:$0x2730] =	vst v0  }
0x2d: {  	[tilespmem:$0x4FD0] =	vst v0  }
0x2e: {  	[tilespmem:$0x2740] =	vst v0  }
0x2f: {  	[tilespmem:$0x4FE0] =	vst v0  }
0x30: {  	[tilespmem:$0x2750] =	vst v0  }
0x31: {  	[tilespmem:$0x4FF0] =	vst v0  }
0x32: {  	[tilespmem:$0x2760] =	vst v0  }
0x33: {  	[tilespmem:$0x5000] =	vst v0  }
0x34: {  	[tilespmem:$0x2770] =	vst v0  }
0x35: {  	[tilespmem:$0x5010] =	vst v0  }
0x36: {  	[tilespmem:$0x2780] =	vst v0  }
0x37: {  	[tilespmem:$0x5020] =	vst v0  }
0x38: {  	[tilespmem:$0x2790] =	vst v0  }
0x39: {  	[tilespmem:$0x5030] =	vst v0  }
0x3a: {  	[tilespmem:$0x27A0] =	vst v0  }
0x3b: {  	[tilespmem:$0x5040] =	vst v0  }
0x3c: {  	[tilespmem:$0x27B0] =	vst v0  }
0x3d: {  	[tilespmem:$0x5050] =	vst v0  }
0x3e: {  	[tilespmem:$0x27C0] =	vst v0  }
0x3f: {  	[tilespmem:$0x5060] =	vst v0  }
0x40: {  	[tilespmem:$0x27D0] =	vst v0  }
0x41: {  	[tilespmem:$0x5070] =	vst v0  }
0x42: {  	[tilespmem:$0x27E0] =	vst v0  }
0x43: {  	[tilespmem:$0x5080] =	vst v0  }
0x44: {  	[tilespmem:$0x27F0] =	vst v0  }
0x45: {  	[tilespmem:$0x5090] =	vst v0  }
0x46: {  	[tilespmem:$0x2800] =	vst v0  }
0x47: {  	[tilespmem:$0x50A0] =	vst v0  }
0x48: {  	[tilespmem:$0x2810] =	vst v0  }
0x49: {  	[tilespmem:$0x50B0] =	vst v0  }
0x4a: {  	[tilespmem:$0x2820] =	vst v0  }
0x4b: {  	[tilespmem:$0x50C0] =	vst v0  }
0x4c: {  	[tilespmem:$0x2830] =	vst v0  }
0x4d: {  	[tilespmem:$0x50D0] =	vst v0  }
0x4e: {  	[tilespmem:$0x2840] =	vst v0  }
0x4f: {  	[tilespmem:$0x50E0] =	vst v0  }
0x50: {  	[tilespmem:$0x2850] =	vst v0  }
0x51: {  	[tilespmem:$0x50F0] =	vst v0  }
0x52: {  	[tilespmem:$0x2860] =	vst v0  }
0x53: {  	[tilespmem:$0x5100] =	vst v0  }
0x54: {  	[tilespmem:$0x2870] =	vst v0  }
0x55: {  	[tilespmem:$0x5110] =	vst v0  }
0x56: {  	[tilespmem:$0x2880] =	vst v0  }
0x57: {  	s24 =	stileid.u32;
	[tilespmem:$0x5120] =	vst v0  }
0x58: {  	s1 =	sshll.u32 s24, $0x6;
	[tilespmem:$0x2890] =	vst v0  }
0x59: {  	s1 =	sor.u32 $0x1C04, s1;
	s5 =	rddreg [dreg:$0x11];
	[tilespmem:$0x5130] =	vst v0  }
0x5a: {  	[spmem:s12], [sflag:s1] =	dma.local [hbm:s5], $0x500  }
0x5b: {  	_ =	swait.ge [sflag:s10], $0x500  }
0x5c: {  	[sflag:s10] =	ssyncset.done $0x0  }
0x5d: {  	[sflag:s10] =	ssyncadd.s32 $0xFFFFFB00  }
0x5e: {  	[spmem:s13], [sflag:s1] =	dma.local [hbm:s8], $0x500  }
0x5f: {  	_ =	swait.ge [sflag:s10], $0x500  }
0x60: {  	[sflag:s10] =	ssyncset.done $0x0  }
0x61: {  	[sflag:s10] =	ssyncadd.s32 $0xFFFFFB00  }
0x62: {  	[bflag:$0x0] =	sbarrier.arrive $0xFFFF  }
0x63: {  	[tilespmem:s15], [sflag:$0x1] =	stream.indirect.gather [spmem:s2], $0x10, s4, s14, $0xb8;
	[tilespmem:$0xD340] =	vst v63  }
0x64: {  	_ = 	snop  }
0x65: {  	[tilespmem:s16], [sflag:$0x2] =	stream.indirect.gather [spmem:s3], $0x10, s11, s14, $0xb8;
	[tilespmem:$0xD340] =	vst v63  }
0x66: {  	_ = 	snop  }
0x67: {  	[tilespmem:s17], [sflag:$0x1] =	stream.indirect.gather [spmem:s2], $0x10, s14, s14, $0xb8;
	[tilespmem:$0xD340] =	vst v63  }
0x68: {  	s26 =	simm.s32 $0x28F0  }
0x69: {  	[tilespmem:s19], [sflag:$0x2] =	stream.indirect.gather [spmem:s3], $0x10, s26, s14, $0xb8;
	[tilespmem:$0xD340] =	vst v63  }
0x6a: {  	s5 =	simm.s32 $0xA0  }
0x6b: {  	[tilespmem:s21], [sflag:$0x1] =	stream.indirect.gather [spmem:s2], $0x10, s5, s14, $0xb8;
	[tilespmem:$0xD340] =	vst v63  }
0x6c: {  	s6 =	simm.s32 $0x2940;
	p0 =	por $0x1, $0x1  }
0x6d: {  	[tilespmem:s23], [sflag:$0x2] =	stream.indirect.gather [spmem:s3], $0x10, s6, s14, $0xb8;
	[tilespmem:$0xD340] =	vst v63  }
0x6e: {  	s7 =	simm.s32 $0xF0;
	p0 =	por p0, p0  }
0x6f: {  	[tilespmem:s25], [sflag:$0x1] =	stream.indirect.gather [spmem:s2], $0x10, s7, s14, $0xb8;
	[tilespmem:$0xD340] =	vst v63  }
0x70: {  	s22 =	simm.s32 $0x2990;
	s1 =	simm.s32 @!p0 $0x3  }
0x71: {  	[tilespmem:s28], [sflag:$0x2] =	stream.indirect.gather [spmem:s3], $0x10, s22, s14, $0xb8;
	[tilespmem:$0xD340] =	vst v63  }
0x72: {  	_ =	swait.ge @!p0 [sflag:s1], $0x500  }
0x73: {  	[sflag:s1] =	ssyncset.done @!p0 $0x0  }
0x74: {  	[sflag:s1] =	ssyncadd.s32 @!p0 $0xFFFFFB00  }
0x75: {  	_ =	swait.ge @!p0 [sflag:s1], $0x500  }
0x76: {  	[sflag:s1] =	ssyncset.done @!p0 $0x0  }
0x77: {  	[sflag:s1] =	ssyncadd.s32 @!p0 $0xFFFFFB00  }
0x78: {  	_ =	swait.ge [sflag:s29], $0x500  }
0x79: {  	[sflag:s29] =	ssyncset.done $0x0  }
0x7a: {  	[sflag:s29] =	ssyncadd.s32 $0xFFFFFB00  }
0x7b: {  	_ =	swait.ge [sflag:s30], $0x500  }
0x7c: {  	s24 =	rddreg [dreg:$0xe];
	[sflag:s30] =	ssyncset.done $0x0  }
0x7d: {  	s26 =	rddreg [dreg:$0xd];
	[sflag:s30] =	ssyncadd.s32 $0xFFFFFB00;
	s1 =	sadd.s32 $0x0, s24  }
0x7e: {  	[hbm4b:s1+s4] =	stream.linear.scatter [tilespmem:s15], [sflag:$0x3], $0x500, $0x38;
	[tilespmem:$0xD340] =	vst v63  }
0x7f: {  	s6 =	sadd.s32 $0x0, s26  }
0x80: {  	[hbm4b:s6+s4] =	stream.linear.scatter [tilespmem:s16], [sflag:$0x3], $0x500, $0x38;
	[tilespmem:$0xD340] =	vst v63  }
0x81: {  	s7 =	simm.s32 $0x140  }
0x82: {  	[tilespmem:s31], [sflag:$0x1] =	stream.indirect.gather [spmem:s2], $0x10, s7, s14, $0xb8;
	[tilespmem:$0xD340] =	vst v63  }
0x83: {  	s22 =	simm.s32 $0x29E0  }
0x84: {  	[tilespmem:s0], [sflag:$0x2] =	stream.indirect.gather [spmem:s3], $0x10, s22, s14, $0xb8;
	[tilespmem:$0xD340] =	vst v63  }
0x85: {  	_ =	swait.ge [sflag:s18], $0x500  }
0x86: {  	[sflag:s18] =	ssyncset.done $0x0  }
0x87: {  	[sflag:s18] =	ssyncadd.s32 $0xFFFFFB00  }
0x88: {  	_ =	swait.ge [sflag:s18], $0x500  }
0x89: {  	[sflag:s18] =	ssyncset.done $0x0  }
0x8a: {  	[sflag:s18] =	ssyncadd.s32 $0xFFFFFB00  }
0x8b: {  	_ =	swait.ge [sflag:s29], $0x500  }
0x8c: {  	[sflag:s29] =	ssyncset.done $0x0  }
0x8d: {  	[sflag:s29] =	ssyncadd.s32 $0xFFFFFB00  }
0x8e: {  	_ =	swait.ge [sflag:s30], $0x500  }
0x8f: {  	s24 =	rddreg [dreg:$0x9];
	[sflag:s30] =	ssyncset.done $0x0  }
0x90: {  	s26 =	rddreg [dreg:$0xa];
	[sflag:s30] =	ssyncadd.s32 $0xFFFFFB00;
	s1 =	sadd.s32 $0x0, s24  }
0x91: {  	[hbm4b:s1+s4] =	stream.linear.scatter [tilespmem:s17], [sflag:$0x3], $0x500, $0x38;
	[tilespmem:$0xD340] =	vst v63  }
0x92: {  	s6 =	sadd.s32 $0x0, s26  }
0x93: {  	[hbm4b:s6+s4] =	stream.linear.scatter [tilespmem:s19], [sflag:$0x3], $0x500, $0x38;
	[tilespmem:$0xD340] =	vst v63  }
0x94: {  	s7 =	simm.s32 $0x190  }
0x95: {  	[tilespmem:s15], [sflag:$0x1] =	stream.indirect.gather [spmem:s2], $0x10, s7, s14, $0xb8;
	[tilespmem:$0xD340] =	vst v63  }
0x96: {  	s22 =	simm.s32 $0x2A30  }
0x97: {  	[tilespmem:s16], [sflag:$0x2] =	stream.indirect.gather [spmem:s3], $0x10, s22, s14, $0xb8;
	[tilespmem:$0xD340] =	vst v63  }
0x98: {  	_ =	swait.ge [sflag:s18], $0x500  }
0x99: {  	[sflag:s18] =	ssyncset.done $0x0  }
0x9a: {  	[sflag:s18] =	ssyncadd.s32 $0xFFFFFB00  }
0x9b: {  	_ =	swait.ge [sflag:s18], $0x500  }
0x9c: {  	[sflag:s18] =	ssyncset.done $0x0  }
0x9d: {  	[sflag:s18] =	ssyncadd.s32 $0xFFFFFB00  }
0x9e: {  	_ =	swait.ge [sflag:s29], $0x500  }
0x9f: {  	[sflag:s29] =	ssyncset.done $0x0  }
0xa0: {  	[sflag:s29] =	ssyncadd.s32 $0xFFFFFB00  }
0xa1: {  	_ =	swait.ge [sflag:s30], $0x500  }
0xa2: {  	s24 =	rddreg [dreg:$0x7];
	[sflag:s30] =	ssyncset.done $0x0  }
0xa3: {  	s26 =	rddreg [dreg:$0x8];
	[sflag:s30] =	ssyncadd.s32 $0xFFFFFB00;
	s1 =	sadd.s32 $0x0, s24  }
0xa4: {  	[hbm4b:s1+s4] =	stream.linear.scatter [tilespmem:s21], [sflag:$0x3], $0x500, $0x38;
	[tilespmem:$0xD340] =	vst v63  }
0xa5: {  	s5 =	sadd.s32 $0x0, s26  }
0xa6: {  	[hbm4b:s5+s4] =	stream.linear.scatter [tilespmem:s23], [sflag:$0x3], $0x500, $0x38;
	[tilespmem:$0xD340] =	vst v63  }
0xa7: {  	s6 =	simm.s32 $0x1E0  }
0xa8: {  	[tilespmem:s17], [sflag:$0x1] =	stream.indirect.gather [spmem:s2], $0x10, s6, s14, $0xb8;
	[tilespmem:$0xD340] =	vst v63  }
0xa9: {  	s7 =	simm.s32 $0x2A80  }
0xaa: {  	[tilespmem:s19], [sflag:$0x2] =	stream.indirect.gather [spmem:s3], $0x10, s7, s14, $0xb8;
	[tilespmem:$0xD340] =	vst v63  }
0xab: {  	_ =	swait.ge [sflag:s18], $0x500  }
0xac: {  	[sflag:s18] =	ssyncset.done $0x0  }
0xad: {  	[sflag:s18] =	ssyncadd.s32 $0xFFFFFB00  }
0xae: {  	_ =	swait.ge [sflag:s18], $0x500  }
0xaf: {  	[sflag:s18] =	ssyncset.done $0x0  }
0xb0: {  	[sflag:s18] =	ssyncadd.s32 $0xFFFFFB00  }
0xb1: {  	_ =	swait.ge [sflag:s29], $0x500  }
0xb2: {  	[sflag:s29] =	ssyncset.done $0x0  }
0xb3: {  	[sflag:s29] =	ssyncadd.s32 $0xFFFFFB00  }
0xb4: {  	_ =	swait.ge [sflag:s30], $0x500  }
0xb5: {  	s22 =	rddreg [dreg:$0x5];
	[sflag:s30] =	ssyncset.done $0x0  }
0xb6: {  	s24 =	rddreg [dreg:$0x6];
	[sflag:s30] =	ssyncadd.s32 $0xFFFFFB00;
	s1 =	sadd.s32 $0x0, s22  }
0xb7: {  	[hbm4b:s1+s4] =	stream.linear.scatter [tilespmem:s25], [sflag:$0x3], $0x500, $0x38;
	[tilespmem:$0xD340] =	vst v63  }
0xb8: {  	s26 =	sadd.s32 $0x0, s24  }
0xb9: {  	[hbm4b:s26+s4] =	stream.linear.scatter [tilespmem:s28], [sflag:$0x3], $0x500, $0x38;
	[tilespmem:$0xD340] =	vst v63  }
0xba: {  	s5 =	simm.s32 $0x230  }
0xbb: {  	[tilespmem:s21], [sflag:$0x1] =	stream.indirect.gather [spmem:s2], $0x10, s5, s14, $0xb8;
	[tilespmem:$0xD340] =	vst v63  }
0xbc: {  	s6 =	simm.s32 $0x2AD0  }
0xbd: {  	[tilespmem:s23], [sflag:$0x2] =	stream.indirect.gather [spmem:s3], $0x10, s6, s14, $0xb8;
	[tilespmem:$0xD340] =	vst v63  }
0xbe: {  	_ =	swait.ge [sflag:s18], $0x500  }
0xbf: {  	[sflag:s18] =	ssyncset.done $0x0  }
0xc0: {  	[sflag:s18] =	ssyncadd.s32 $0xFFFFFB00  }
0xc1: {  	_ =	swait.ge [sflag:s18], $0x500  }
0xc2: {  	[sflag:s18] =	ssyncset.done $0x0  }
0xc3: {  	[sflag:s18] =	ssyncadd.s32 $0xFFFFFB00  }
0xc4: {  	_ =	swait.ge [sflag:s29], $0x500  }
0xc5: {  	[sflag:s29] =	ssyncset.done $0x0  }
0xc6: {  	[sflag:s29] =	ssyncadd.s32 $0xFFFFFB00  }
0xc7: {  	_ =	swait.ge [sflag:s30], $0x500  }
0xc8: {  	s7 =	rddreg [dreg:$0xb];
	[sflag:s30] =	ssyncset.done $0x0  }
0xc9: {  	s22 =	rddreg [dreg:$0xc];
	[sflag:s30] =	ssyncadd.s32 $0xFFFFFB00;
	s1 =	sadd.s32 $0x0, s7  }
0xca: {  	[hbm4b:s1+s4] =	stream.linear.scatter [tilespmem:s31], [sflag:$0x3], $0x500, $0x38;
	[tilespmem:$0xD340] =	vst v63  }
0xcb: {  	p6 =	por $0x0, $0x0;
	s24 =	sadd.s32 $0x0, s22  }
0xcc: {  	[hbm4b:s24+s4] =	stream.linear.scatter [tilespmem:s0], [sflag:$0x3], $0x500, $0x38;
	[tilespmem:$0xD340] =	vst v63  }
0xcd: {  	p0 =	por p6, p6;
	s26 =	simm.s32 $0x280;
	s22 =	simm.s32 $0x320  }
0xce: {  	[tilespmem:s25], [sflag:$0x1] =	stream.indirect.gather [spmem:s2], $0x10, s26, s14, $0xb8;
	[tilespmem:$0xD340] =	vst v63  }
0xcf: {  	s1 =	simm.s32 $0x2B20;
	s24 =	simm.s32 $0x640;
	s26 =	simm.s32 $0x640  }
.LBB2_2:
0xd0: {  	[tilespmem:s28], [sflag:$0x2] =	stream.indirect.gather [spmem:s3], $0x10, s1, s14, $0xb8;
	[tilespmem:$0xD340] =	vst v63  }
0xd1: {  	s5 =	simm.s32 @!p0 $0x3  }
0xd2: {  	_ =	swait.ge @!p0 [sflag:s5], $0x500  }
0xd3: {  	[sflag:s5] =	ssyncset.done @!p0 $0x0  }
0xd4: {  	[sflag:s5] =	ssyncadd.s32 @!p0 $0xFFFFFB00  }
0xd5: {  	_ =	swait.ge @!p0 [sflag:s5], $0x500  }
0xd6: {  	[sflag:s5] =	ssyncset.done @!p0 $0x0  }
0xd7: {  	[sflag:s5] =	ssyncadd.s32 @!p0 $0xFFFFFB00  }
0xd8: {  	_ =	swait.ge [sflag:s29], $0x500  }
0xd9: {  	[sflag:s29] =	ssyncset.done $0x0  }
0xda: {  	[sflag:s29] =	ssyncadd.s32 $0xFFFFFB00  }
0xdb: {  	_ =	swait.ge [sflag:s30], $0x500  }
0xdc: {  	s7 =	rddreg [dreg:$0xe];
	[sflag:s30] =	ssyncset.done $0x0  }
0xdd: {  	s6 =	rddreg [dreg:$0xd];
	[sflag:s30] =	ssyncadd.s32 $0xFFFFFB00;
	s5 =	sadd.s32 s22, s7  }
0xde: {  	[hbm4b:s5+s4] =	stream.linear.scatter [tilespmem:s15], [sflag:$0x3], $0x500, $0x38;
	[tilespmem:$0xD340] =	vst v63  }
0xdf: {  	s6 =	sadd.s32 s22, s6;
	s5 =	sshra.s32 s24, $0x2  }
0xe0: {  	[hbm4b:s6+s4] =	stream.linear.scatter [tilespmem:s16], [sflag:$0x3], $0x500, $0x38;
	[tilespmem:$0xD340] =	vst v63  }
0xe1: {  	s7 =	sadd.s32 $0x140, s5  }
0xe2: {  	[tilespmem:s31], [sflag:$0x1] =	stream.indirect.gather [spmem:s2], $0x10, s7, s14, $0xb8;
	[tilespmem:$0xD340] =	vst v63  }
0xe3: {  	s7 =	sadd.s32 $0x29E0, s5  }
0xe4: {  	[tilespmem:s0], [sflag:$0x2] =	stream.indirect.gather [spmem:s3], $0x10, s7, s14, $0xb8;
	[tilespmem:$0xD340] =	vst v63  }
0xe5: {  	_ =	swait.ge [sflag:s18], $0x500  }
0xe6: {  	[sflag:s18] =	ssyncset.done $0x0  }
0xe7: {  	[sflag:s18] =	ssyncadd.s32 $0xFFFFFB00  }
0xe8: {  	_ =	swait.ge [sflag:s18], $0x500  }
0xe9: {  	[sflag:s18] =	ssyncset.done $0x0  }
0xea: {  	[sflag:s18] =	ssyncadd.s32 $0xFFFFFB00  }
0xeb: {  	_ =	swait.ge [sflag:s29], $0x500  }
0xec: {  	[sflag:s29] =	ssyncset.done $0x0  }
0xed: {  	[sflag:s29] =	ssyncadd.s32 $0xFFFFFB00  }
0xee: {  	_ =	swait.ge [sflag:s30], $0x500  }
0xef: {  	s6 =	rddreg [dreg:$0x9];
	[sflag:s30] =	ssyncset.done $0x0  }
0xf0: {  	s7 =	rddreg [dreg:$0xa];
	[sflag:s30] =	ssyncadd.s32 $0xFFFFFB00;
	s6 =	sadd.s32 s22, s6  }
0xf1: {  	[hbm4b:s6+s4] =	stream.linear.scatter [tilespmem:s17], [sflag:$0x3], $0x500, $0x38;
	[tilespmem:$0xD340] =	vst v63  }
0xf2: {  	s7 =	sadd.s32 s22, s7  }
0xf3: {  	[hbm4b:s7+s4] =	stream.linear.scatter [tilespmem:s19], [sflag:$0x3], $0x500, $0x38;
	[tilespmem:$0xD340] =	vst v63  }
0xf4: {  	s7 =	sadd.s32 $0x190, s5  }
0xf5: {  	[tilespmem:s15], [sflag:$0x1] =	stream.indirect.gather [spmem:s2], $0x10, s7, s14, $0xb8;
	[tilespmem:$0xD340] =	vst v63  }
0xf6: {  	s7 =	sadd.s32 $0x2A30, s5  }
0xf7: {  	[tilespmem:s16], [sflag:$0x2] =	stream.indirect.gather [spmem:s3], $0x10, s7, s14, $0xb8;
	[tilespmem:$0xD340] =	vst v63  }
0xf8: {  	_ =	swait.ge [sflag:s18], $0x500  }
0xf9: {  	[sflag:s18] =	ssyncset.done $0x0  }
0xfa: {  	[sflag:s18] =	ssyncadd.s32 $0xFFFFFB00  }
0xfb: {  	_ =	swait.ge [sflag:s18], $0x500  }
0xfc: {  	[sflag:s18] =	ssyncset.done $0x0  }
0xfd: {  	[sflag:s18] =	ssyncadd.s32 $0xFFFFFB00  }
0xfe: {  	_ =	swait.ge [sflag:s29], $0x500  }
0xff: {  	[sflag:s29] =	ssyncset.done $0x0  }
0x100: {  	[sflag:s29] =	ssyncadd.s32 $0xFFFFFB00  }
0x101: {  	_ =	swait.ge [sflag:s30], $0x500  }
0x102: {  	s6 =	rddreg [dreg:$0x7];
	[sflag:s30] =	ssyncset.done $0x0  }
0x103: {  	s7 =	rddreg [dreg:$0x8];
	[sflag:s30] =	ssyncadd.s32 $0xFFFFFB00;
	s6 =	sadd.s32 s22, s6  }
0x104: {  	[hbm4b:s6+s4] =	stream.linear.scatter [tilespmem:s21], [sflag:$0x3], $0x500, $0x38;
	[tilespmem:$0xD340] =	vst v63  }
0x105: {  	s7 =	sadd.s32 s22, s7  }
0x106: {  	[hbm4b:s7+s4] =	stream.linear.scatter [tilespmem:s23], [sflag:$0x3], $0x500, $0x38;
	[tilespmem:$0xD340] =	vst v63  }
0x107: {  	s7 =	sadd.s32 $0x1E0, s5  }
0x108: {  	[tilespmem:s17], [sflag:$0x1] =	stream.indirect.gather [spmem:s2], $0x10, s7, s14, $0xb8;
	[tilespmem:$0xD340] =	vst v63  }
0x109: {  	s7 =	sadd.s32 $0x2A80, s5  }
0x10a: {  	[tilespmem:s19], [sflag:$0x2] =	stream.indirect.gather [spmem:s3], $0x10, s7, s14, $0xb8;
	[tilespmem:$0xD340] =	vst v63  }
0x10b: {  	_ =	swait.ge [sflag:s18], $0x500  }
0x10c: {  	[sflag:s18] =	ssyncset.done $0x0  }
0x10d: {  	[sflag:s18] =	ssyncadd.s32 $0xFFFFFB00  }
0x10e: {  	_ =	swait.ge [sflag:s18], $0x500  }
0x10f: {  	[sflag:s18] =	ssyncset.done $0x0  }
0x110: {  	[sflag:s18] =	ssyncadd.s32 $0xFFFFFB00  }
0x111: {  	_ =	swait.ge [sflag:s29], $0x500  }
0x112: {  	[sflag:s29] =	ssyncset.done $0x0  }
0x113: {  	[sflag:s29] =	ssyncadd.s32 $0xFFFFFB00  }
0x114: {  	_ =	swait.ge [sflag:s30], $0x500  }
0x115: {  	s6 =	rddreg [dreg:$0x5];
	[sflag:s30] =	ssyncset.done $0x0  }
0x116: {  	s7 =	rddreg [dreg:$0x6];
	[sflag:s30] =	ssyncadd.s32 $0xFFFFFB00;
	s6 =	sadd.s32 s22, s6  }
0x117: {  	[hbm4b:s6+s4] =	stream.linear.scatter [tilespmem:s25], [sflag:$0x3], $0x500, $0x38;
	[tilespmem:$0xD340] =	vst v63  }
0x118: {  	s7 =	sadd.s32 s22, s7  }
0x119: {  	[hbm4b:s7+s4] =	stream.linear.scatter [tilespmem:s28], [sflag:$0x3], $0x500, $0x38;
	[tilespmem:$0xD340] =	vst v63  }
0x11a: {  	s7 =	sadd.s32 $0x230, s5  }
0x11b: {  	[tilespmem:s21], [sflag:$0x1] =	stream.indirect.gather [spmem:s2], $0x10, s7, s14, $0xb8;
	[tilespmem:$0xD340] =	vst v63  }
0x11c: {  	s7 =	sadd.s32 $0x2AD0, s5  }
0x11d: {  	[tilespmem:s23], [sflag:$0x2] =	stream.indirect.gather [spmem:s3], $0x10, s7, s14, $0xb8;
	[tilespmem:$0xD340] =	vst v63  }
0x11e: {  	_ =	swait.ge [sflag:s18], $0x500  }
0x11f: {  	[sflag:s18] =	ssyncset.done $0x0  }
0x120: {  	[sflag:s18] =	ssyncadd.s32 $0xFFFFFB00  }
0x121: {  	_ =	swait.ge [sflag:s18], $0x500  }
0x122: {  	[sflag:s18] =	ssyncset.done $0x0  }
0x123: {  	[sflag:s18] =	ssyncadd.s32 $0xFFFFFB00  }
0x124: {  	_ =	swait.ge [sflag:s29], $0x500  }
0x125: {  	[sflag:s29] =	ssyncset.done $0x0  }
0x126: {  	[sflag:s29] =	ssyncadd.s32 $0xFFFFFB00  }
0x127: {  	s1 =	smov.u32 s26;
	_ =	swait.ge [sflag:s30], $0x500  }
0x128: {  	s26 =	sadd.s32 $0x320, s26;
	s6 =	rddreg [dreg:$0xb];
	[sflag:s30] =	ssyncset.done $0x0  }
0x129: {  	p1 =	sne.s32 s26, $0x4E20;
	[sflag:s30] =	ssyncadd.s32 $0xFFFFFB00;
	s6 =	sadd.s32 s22, s6  }
0x12a: {  	[hbm4b:s6+s4] =	stream.linear.scatter [tilespmem:s31], [sflag:$0x3], $0x500, $0x38;
	[tilespmem:$0xD340] =	vst v63  }
.Ltmp0:
0x12b: {  	p2 =	seq.s32 s1, $0x0;
	s7 =	rddreg [dreg:$0xc];
	(pc) =	sbr.rel @p1 .LBB2_2-.Ltmp0, $4  }
0x12c: {  	p0 =	por p2, p2;
	s24 =	sadd.s32 $0x640, s24;
	s7 =	sadd.s32 s22, s7  }
0x12d: {  	[hbm4b:s7+s4] =	stream.linear.scatter [tilespmem:s0], [sflag:$0x3], $0x500, $0x38;
	[tilespmem:$0xD340] =	vst v63  }
0x12e: {  	s22 =	smov.u32 s1;
	s1 =	sadd.s32 $0x2B20, s5;
	s7 =	sadd.s32 $0x280, s5  }
0x12f: {  	[tilespmem:s25], [sflag:$0x1] =	stream.indirect.gather [spmem:s2], $0x10, s7, s14, $0xb8;
	[tilespmem:$0xD340] =	vst v63  }
0x130: {  	[tilespmem:s28], [sflag:$0x2] =	stream.indirect.gather [spmem:s3], $0x10, s1, s14, $0xb8;
	[tilespmem:$0xD340] =	vst v63  }
0x131: {  	s1 =	simm.s32 @!p0 $0x3  }
0x132: {  	_ =	swait.ge @!p0 [sflag:s1], $0x500  }
0x133: {  	[sflag:s1] =	ssyncset.done @!p0 $0x0  }
0x134: {  	[sflag:s1] =	ssyncadd.s32 @!p0 $0xFFFFFB00  }
0x135: {  	_ =	swait.ge @!p0 [sflag:s1], $0x500  }
0x136: {  	[sflag:s1] =	ssyncset.done @!p0 $0x0  }
0x137: {  	[sflag:s1] =	ssyncadd.s32 @!p0 $0xFFFFFB00  }
0x138: {  	_ =	swait.ge [sflag:s29], $0x500  }
0x139: {  	[sflag:s29] =	ssyncset.done $0x0  }
0x13a: {  	[sflag:s29] =	ssyncadd.s32 $0xFFFFFB00  }
0x13b: {  	_ =	swait.ge [sflag:s30], $0x500  }
0x13c: {  	s7 =	rddreg [dreg:$0xe];
	[sflag:s30] =	ssyncset.done $0x0  }
0x13d: {  	s5 =	rddreg [dreg:$0xd];
	[sflag:s30] =	ssyncadd.s32 $0xFFFFFB00;
	s1 =	sadd.s32 s22, s7  }
0x13e: {  	[hbm4b:s1+s4] =	stream.linear.scatter [tilespmem:s15], [sflag:$0x3], $0x500, $0x38;
	[tilespmem:$0xD340] =	vst v63  }
0x13f: {  	s5 =	sadd.s32 s22, s5;
	s1 =	sshra.s32 s24, $0x2  }
0x140: {  	[hbm4b:s5+s4] =	stream.linear.scatter [tilespmem:s16], [sflag:$0x3], $0x500, $0x38;
	[tilespmem:$0xD340] =	vst v63  }
0x141: {  	s26 =	sadd.s32 $0x140, s1  }
0x142: {  	[tilespmem:s31], [sflag:$0x1] =	stream.indirect.gather [spmem:s2], $0x10, s26, s14, $0xb8;
	[tilespmem:$0xD340] =	vst v63  }
0x143: {  	s6 =	sadd.s32 $0x29E0, s1  }
0x144: {  	[tilespmem:s0], [sflag:$0x2] =	stream.indirect.gather [spmem:s3], $0x10, s6, s14, $0xb8;
	[tilespmem:$0xD340] =	vst v63  }
0x145: {  	_ =	swait.ge [sflag:s18], $0x500  }
0x146: {  	[sflag:s18] =	ssyncset.done $0x0  }
0x147: {  	[sflag:s18] =	ssyncadd.s32 $0xFFFFFB00  }
0x148: {  	_ =	swait.ge [sflag:s18], $0x500  }
0x149: {  	[sflag:s18] =	ssyncset.done $0x0  }
0x14a: {  	[sflag:s18] =	ssyncadd.s32 $0xFFFFFB00  }
0x14b: {  	_ =	swait.ge [sflag:s29], $0x500  }
0x14c: {  	[sflag:s29] =	ssyncset.done $0x0  }
0x14d: {  	[sflag:s29] =	ssyncadd.s32 $0xFFFFFB00  }
0x14e: {  	_ =	swait.ge [sflag:s30], $0x500  }
0x14f: {  	s7 =	rddreg [dreg:$0x9];
	[sflag:s30] =	ssyncset.done $0x0  }
0x150: {  	s6 =	rddreg [dreg:$0xa];
	[sflag:s30] =	ssyncadd.s32 $0xFFFFFB00;
	s5 =	sadd.s32 s22, s7  }
0x151: {  	[hbm4b:s5+s4] =	stream.linear.scatter [tilespmem:s17], [sflag:$0x3], $0x500, $0x38;
	[tilespmem:$0xD340] =	vst v63  }
0x152: {  	s24 =	sadd.s32 s22, s6  }
0x153: {  	[hbm4b:s24+s4] =	stream.linear.scatter [tilespmem:s19], [sflag:$0x3], $0x500, $0x38;
	[tilespmem:$0xD340] =	vst v63  }
0x154: {  	s26 =	sadd.s32 $0x190, s1  }
0x155: {  	[tilespmem:s15], [sflag:$0x1] =	stream.indirect.gather [spmem:s2], $0x10, s26, s14, $0xb8;
	[tilespmem:$0xD340] =	vst v63  }
0x156: {  	s6 =	sadd.s32 $0x2A30, s1  }
0x157: {  	[tilespmem:s16], [sflag:$0x2] =	stream.indirect.gather [spmem:s3], $0x10, s6, s14, $0xb8;
	[tilespmem:$0xD340] =	vst v63  }
0x158: {  	_ =	swait.ge [sflag:s18], $0x500  }
0x159: {  	[sflag:s18] =	ssyncset.done $0x0  }
0x15a: {  	[sflag:s18] =	ssyncadd.s32 $0xFFFFFB00  }
0x15b: {  	_ =	swait.ge [sflag:s18], $0x500  }
0x15c: {  	[sflag:s18] =	ssyncset.done $0x0  }
0x15d: {  	[sflag:s18] =	ssyncadd.s32 $0xFFFFFB00  }
0x15e: {  	_ =	swait.ge [sflag:s29], $0x500  }
0x15f: {  	[sflag:s29] =	ssyncset.done $0x0  }
0x160: {  	[sflag:s29] =	ssyncadd.s32 $0xFFFFFB00  }
0x161: {  	_ =	swait.ge [sflag:s30], $0x500  }
0x162: {  	s7 =	rddreg [dreg:$0x7];
	[sflag:s30] =	ssyncset.done $0x0  }
0x163: {  	s24 =	rddreg [dreg:$0x8];
	[sflag:s30] =	ssyncadd.s32 $0xFFFFFB00;
	s5 =	sadd.s32 s22, s7  }
0x164: {  	[hbm4b:s5+s4] =	stream.linear.scatter [tilespmem:s21], [sflag:$0x3], $0x500, $0x38;
	[tilespmem:$0xD340] =	vst v63  }
0x165: {  	s26 =	sadd.s32 s22, s24  }
0x166: {  	[hbm4b:s26+s4] =	stream.linear.scatter [tilespmem:s23], [sflag:$0x3], $0x500, $0x38;
	[tilespmem:$0xD340] =	vst v63  }
0x167: {  	s6 =	sadd.s32 $0x1E0, s1  }
0x168: {  	[tilespmem:s17], [sflag:$0x1] =	stream.indirect.gather [spmem:s2], $0x10, s6, s14, $0xb8;
	[tilespmem:$0xD340] =	vst v63  }
0x169: {  	s7 =	sadd.s32 $0x2A80, s1  }
0x16a: {  	[tilespmem:s19], [sflag:$0x2] =	stream.indirect.gather [spmem:s3], $0x10, s7, s14, $0xb8;
	[tilespmem:$0xD340] =	vst v63  }
0x16b: {  	_ =	swait.ge [sflag:s18], $0x500  }
0x16c: {  	[sflag:s18] =	ssyncset.done $0x0  }
0x16d: {  	[sflag:s18] =	ssyncadd.s32 $0xFFFFFB00  }
0x16e: {  	_ =	swait.ge [sflag:s18], $0x500  }
0x16f: {  	[sflag:s18] =	ssyncset.done $0x0  }
0x170: {  	[sflag:s18] =	ssyncadd.s32 $0xFFFFFB00  }
0x171: {  	_ =	swait.ge [sflag:s29], $0x500  }
0x172: {  	[sflag:s29] =	ssyncset.done $0x0  }
0x173: {  	[sflag:s29] =	ssyncadd.s32 $0xFFFFFB00  }
0x174: {  	_ =	swait.ge [sflag:s30], $0x500  }
0x175: {  	s24 =	rddreg [dreg:$0x5];
	[sflag:s30] =	ssyncset.done $0x0  }
0x176: {  	s26 =	rddreg [dreg:$0x6];
	[sflag:s30] =	ssyncadd.s32 $0xFFFFFB00;
	s5 =	sadd.s32 s22, s24  }
0x177: {  	[hbm4b:s5+s4] =	stream.linear.scatter [tilespmem:s25], [sflag:$0x3], $0x500, $0x38;
	[tilespmem:$0xD340] =	vst v63  }
0x178: {  	s7 =	sadd.s32 s22, s26  }
0x179: {  	[hbm4b:s7+s4] =	stream.linear.scatter [tilespmem:s28], [sflag:$0x3], $0x500, $0x38;
	[tilespmem:$0xD340] =	vst v63  }
0x17a: {  	s24 =	sadd.s32 $0x230, s1  }
0x17b: {  	[tilespmem:s21], [sflag:$0x1] =	stream.indirect.gather [spmem:s2], $0x10, s24, s14, $0xb8;
	[tilespmem:$0xD340] =	vst v63  }
0x17c: {  	s26 =	sadd.s32 $0x2AD0, s1  }
0x17d: {  	[tilespmem:s23], [sflag:$0x2] =	stream.indirect.gather [spmem:s3], $0x10, s26, s14, $0xb8;
	[tilespmem:$0xD340] =	vst v63  }
0x17e: {  	_ =	swait.ge [sflag:s18], $0x500  }
0x17f: {  	[sflag:s18] =	ssyncset.done $0x0  }
0x180: {  	[sflag:s18] =	ssyncadd.s32 $0xFFFFFB00  }
0x181: {  	_ =	swait.ge [sflag:s18], $0x500  }
0x182: {  	[sflag:s18] =	ssyncset.done $0x0  }
0x183: {  	[sflag:s18] =	ssyncadd.s32 $0xFFFFFB00  }
0x184: {  	_ =	swait.ge [sflag:s29], $0x500  }
0x185: {  	[sflag:s29] =	ssyncset.done $0x0  }
0x186: {  	[sflag:s29] =	ssyncadd.s32 $0xFFFFFB00  }
0x187: {  	_ =	swait.ge [sflag:s30], $0x500  }
0x188: {  	s6 =	rddreg [dreg:$0xb];
	[sflag:s30] =	ssyncset.done $0x0  }
0x189: {  	s7 =	rddreg [dreg:$0xc];
	[sflag:s30] =	ssyncadd.s32 $0xFFFFFB00;
	s5 =	sadd.s32 s22, s6  }
0x18a: {  	[hbm4b:s5+s4] =	stream.linear.scatter [tilespmem:s31], [sflag:$0x3], $0x500, $0x38;
	[tilespmem:$0xD340] =	vst v63  }
0x18b: {  	s24 =	sadd.s32 s22, s7  }
0x18c: {  	[hbm4b:s24+s4] =	stream.linear.scatter [tilespmem:s0], [sflag:$0x3], $0x500, $0x38;
	[tilespmem:$0xD340] =	vst v63  }
0x18d: {  	s26 =	sadd.s32 $0x280, s1  }
0x18e: {  	[tilespmem:s25], [sflag:$0x1] =	stream.indirect.gather [spmem:s2], $0x10, s26, s14, $0xb8;
	[tilespmem:$0xD340] =	vst v63  }
0x18f: {  	s1 =	sadd.s32 $0x2B20, s1  }
0x190: {  	[tilespmem:s28], [sflag:$0x2] =	stream.indirect.gather [spmem:s3], $0x10, s1, s14, $0xb8;
	[tilespmem:$0xD340] =	vst v63  }
0x191: {  	_ =	swait.ge [sflag:s18], $0x500  }
0x192: {  	[sflag:s18] =	ssyncset.done $0x0  }
0x193: {  	[sflag:s18] =	ssyncadd.s32 $0xFFFFFB00  }
0x194: {  	_ =	swait.ge [sflag:s18], $0x500  }
0x195: {  	[sflag:s18] =	ssyncset.done $0x0  }
0x196: {  	[sflag:s18] =	ssyncadd.s32 $0xFFFFFB00  }
0x197: {  	_ =	swait.ge [sflag:s29], $0x500  }
0x198: {  	[sflag:s29] =	ssyncset.done $0x0  }
0x199: {  	[sflag:s29] =	ssyncadd.s32 $0xFFFFFB00  }
0x19a: {  	_ =	swait.ge [sflag:s30], $0x500  }
0x19b: {  	[sflag:s30] =	ssyncset.done $0x0  }
0x19c: {  	[sflag:s30] =	ssyncadd.s32 $0xFFFFFB00  }
0x19d: {  	_ =	swait.ge [sflag:s29], $0x500  }
0x19e: {  	[sflag:s29] =	ssyncset.done $0x0  }
0x19f: {  	[sflag:s29] =	ssyncadd.s32 $0xFFFFFB00  }
0x1a0: {  	_ =	swait.ge [sflag:s30], $0x500  }
0x1a1: {  	[sflag:s30] =	ssyncset.done $0x0  }
0x1a2: {  	[sflag:s30] =	ssyncadd.s32 $0xFFFFFB00  }
0x1a3: {  	_ =	swait.ge [sflag:s29], $0x500  }
0x1a4: {  	[sflag:s29] =	ssyncset.done $0x0  }
0x1a5: {  	[sflag:s29] =	ssyncadd.s32 $0xFFFFFB00  }
0x1a6: {  	_ =	swait.ge [sflag:s30], $0x500  }
0x1a7: {  	[sflag:s30] =	ssyncset.done $0x0  }
0x1a8: {  	s20 =	sadd.s32 $0x1, s20;
	[sflag:s30] =	ssyncadd.s32 $0xFFFFFB00  }
0x1a9: {  	p0 =	sne.s32 s20, s9;
	_ =	swait.ge [sflag:s29], $0x500  }
.Ltmp1:
0x1aa: {  	[sflag:s29] =	ssyncset.done $0x0;
	(pc) =	sbr.rel @p0 .LBB2_1-.Ltmp1, $4  }
0x1ab: {  	[sflag:s29] =	ssyncadd.s32 $0xFFFFFB00  }
0x1ac: {  	_ =	swait.ge [sflag:s30], $0x500  }
0x1ad: {  	[sflag:s30] =	ssyncset.done $0x0  }
0x1ae: {  	[sflag:s30] =	ssyncadd.s32 $0xFFFFFB00  }
0x1af: {  	_ =	sfence.sel $0x180000  }
0x1b0: {  	[bflag:$0x0] =	sbarrier.arrive $0xFFFF  }
0x1b1: {  	_ =	strace $0x9000004D  }
0x1b2: {  	s0 =	stileid.u32;
	[bflag:$0x2] =	sbarrier.arrive $0xFFFF  }
0x1b3: {  	p0 =	sne.s32 s0, $0x0;
	s0 =	rddreg [dreg:$0x4]  }
0x1b4: {  	s0 =	sadd.s32 @!p0 $0x100000, s0  }
0x1b5: {  	[sflag:s0] =	ssyncadd.tile.s32 @!p0 $0x1;
	_ =	shalt  }
.Lfunc_end2:
_tile_overlayer_lowered:
.L_overlay_start_2:
0x1b6: {  	(tag) =	ssettag $0x2  }
0x1b7: {  	s0 =	rddreg [dreg:$0x0];
	s2 =	stileid.u32  }
0x1b8: {  	s1 =	rddreg [dreg:$0x1];
	p0 =	sne.s32 s2, $0x0  }
0x1b9: {  	s3 =	rddreg [dreg:$0x2];
	[bflag:$0x3] =	sbarrier.arrive $0xFFFF;
	s2 =	simm.s32 @!p0 $0x1C04  }
0x1ba: {  	[timem:s3], [sflag:s2] =	dma.local @!p0 [hbm:s0], s1  }
0x1bb: {  	s0 =	simm.s32 @!p0 $0x4  }
0x1bc: {  	_ =	swait.ge @!p0 [sflag:s0], s1  }
0x1bd: {  	s1 =	ssub.s32 @!p0 $0x0, s1;
	[sflag:s0] =	ssyncset.done @!p0 $0x0  }
0x1be: {  	[sflag:s0] =	ssyncadd.s32 @!p0 s1  }
0x1bf: {  	[bflag:$0x3] =	sbarrier.arrive $0xFFFF  }
0x1c0: {  	_ =	shalt  }

// kernel: kernel.9.cloned.1.call-start
scs
__scs_entry_jumppad:
0x0: {  	(pc) =	sbr.rel $0x88, $3  }
0x1: {  	(tag) =	ssettag $0x0;
	lr =	simm.s32 $0x1  }
0x2: {  	[smem:$0x3F95] =	sst lr;
	_ =	strace $0xD0000000  }
0x3: {  	_ = 	snop  }
0x4: {  	_ = 	snop  }
0x5: {  	_ = 	snop  }
0x6: {  	_ = 	snop  }
0x7: {  	_ = 	snop  }
__scs_overlays_trampoline_lowered:
0x8: {  	[smem:$0x3FA4] =	sst s0  }
0x9: {  	[smem:$0x3FA5] =	sst s1  }
0xa: {  	[smem:$0x3FA6] =	sst s2  }
0xb: {  	[smem:$0x3FA7] =	sst s3  }
0xc: {  	[smem:$0x3FA8] =	sst s4  }
0xd: {  	[smem:$0x3FA9] =	sst s5  }
0xe: {  	[smem:$0x3FAA] =	sst s6  }
0xf: {  	[smem:$0x3FAB] =	sst s7  }
0x10: {  	[smem:$0x3FAC] =	sst s8  }
0x11: {  	[smem:$0x3FAD] =	sst s9;
	s0 =	simm.s32 @!p0 $0x0  }
0x12: {  	s1 =	sld [smem:$0x3F93];
	s0 =	simm.s32 @p0 $0x1  }
0x13: {  	[smem:$0x3FAE] =	sst s0;
	s0 =	simm.s32 @!p1 $0x0  }
0x14: {  	s2 =	sld [smem:$0x3F92];
	s0 =	simm.s32 @p1 $0x1  }
0x15: {  	[smem:$0x3FAF] =	sst s0;
	s0 =	simm.s32 @!p2 $0x0  }
0x16: {  	s3 =	sld [smem:$0x3FDB];
	s0 =	simm.s32 @p2 $0x1  }
0x17: {  	s4 =	simm.s32 $0x1BF5;
	[smem:$0x3FB1] =	sst s0  }
0x18: {  	s0 =	sld [smem:$0x3F94];
	_ =	swait.ge [sflag:s4], $0x0  }
0x19: {  	s7 =	sld [smem:$0x3F95]  }
0x1a: {  	s8 =	sadd.s32 $0xFFFFE003, lr  }
0x1b: {  	s9 =	sadd.s32 $0xFFFFFEF7, lr;
	s5 =	simm.s32 $0xFFFFFFFF;
	p2 =	slt.u32 s8, $0xFFFFF086  }
0x1c: {  	p1 =	slt.u32 s9, $0xF7A;
	s5 =	simm.s32 @!p2 $0x0  }
0x1d: {  	s5 =	simm.s32 @p1 $0x1;
	p0 =	seq.s32 s7, s2  }
0x1e: {  	s7 =	smul.u32 @!p0 $0xF7A, s2;
	p2 =	seq.s32 @!p0 s5, $0x0  }
0x1f: {  	s9 =	smul.u32 $0xF7A, s1;
	s8 =	simm.s32 @!p0 $0x1BF5;
	p2 =	por !p2, p0  }
0x20: {  	[sflag:s8] =	ssyncset.s32 @!p0 $0xFFFFF086;
	s6 =	sadd.s32 @!p0 s3, s7;
	s7 =	simm.s32 @!p0 $0x108  }
0x21: {  	s3 =	sadd.s32 s3, s9;
	s6 =	sadd.s32 @!p0 $0x88, s6;
	s7 =	simm.s32 @p2 $0x1082  }
0x22: {  	[simem:s7], [sflag:s8] =	dma.local @!p0 [hbm:s6], $0xF7A  }
0x23: {  	s9 =	sor.u32 $0xD0000000, s2;
	s6 =	simm.s32 $0x108;
	_ =	swait.ge @!p0 [sflag:s8], $0x0  }
0x24: {  	s3 =	sadd.s32 $0x88, s3;
	s6 =	simm.s32 @!p1 $0x1082;
	[sflag:s4] =	ssyncset.s32 $0xFFFFF086  }
0x25: {  	[simem:s6], [sflag:s4] =	dma.local [hbm:s3], $0xF7A  }
0x26: {  	[smem:$0x3F95] =	sst s1;
	(tag) =	ssettag s2;
	_ =	strace s9  }
0x27: {  	s1 =	sld [smem:$0x3FA5]  }
0x28: {  	s2 =	sld [smem:$0x3FA6]  }
0x29: {  	s4 =	sld [smem:$0x3FA8]  }
0x2a: {  	p0 =	seq.s32 s5, $0x0;
	s5 =	sld [smem:$0x3FA9]  }
0x2b: {  	s6 =	sld [smem:$0x3FAA]  }
0x2c: {  	s7 =	sld [smem:$0x3FAB]  }
0x2d: {  	s3 =	simm.s32 $0x108;
	s8 =	sld [smem:$0x3FAC]  }
0x2e: {  	s3 =	simm.s32 @!p0 $0x1082;
	s9 =	sld [smem:$0x3FAD]  }
0x2f: {  	lr =	sadd.s32 s0, s3;
	s0 =	sld [smem:$0x3FA4]  }
0x30: {  	s3 =	sld [smem:$0x3FA7]  }
0x31: {  	[smem:$0x3FB0] =	sst s10  }
0x32: {  	s10 =	sld [smem:$0x3FAE];
	_ =	sdelay $0x3  }
0x33: {  	p0 =	seq.s32 s10, $0x1;
	s10 =	sld [smem:$0x3FB0];
	_ =	sdelay $0x3  }
0x34: {  	[smem:$0x3FB0] =	sst s10  }
0x35: {  	s10 =	sld [smem:$0x3FAF];
	_ =	sdelay $0x3  }
0x36: {  	p1 =	seq.s32 s10, $0x1;
	s10 =	sld [smem:$0x3FB0];
	_ =	sdelay $0x3  }
0x37: {  	[smem:$0x3FB0] =	sst s10  }
0x38: {  	s10 =	sld [smem:$0x3FB1]  }
0x39: {  	_ = 	snop;
	(pc) =	sbr.ind lr, $3  }
0x3a: {  	_ = 	snop  }
0x3b: {  	_ = 	snop  }
0x3c: {  	p2 =	seq.s32 s10, $0x1;
	s10 =	sld [smem:$0x3FB0]  }
0x3d: {  	_ =	shalt  }
0x3e: {  	_ =	shalt  }
0x3f: {  	_ =	shalt  }
0x40: {  	_ =	shalt  }
0x41: {  	_ =	shalt  }
0x42: {  	_ =	shalt  }
0x43: {  	_ =	shalt  }
0x44: {  	_ =	shalt  }
0x45: {  	_ =	shalt  }
0x46: {  	_ =	shalt  }
0x47: {  	_ =	shalt  }
0x48: {  	_ =	shalt  }
0x49: {  	_ =	shalt  }
0x4a: {  	_ =	shalt  }
0x4b: {  	_ =	shalt  }
0x4c: {  	_ =	shalt  }
0x4d: {  	_ =	shalt  }
0x4e: {  	_ =	shalt  }
0x4f: {  	_ =	shalt  }
0x50: {  	_ =	shalt  }
0x51: {  	_ =	shalt  }
0x52: {  	_ =	shalt  }
0x53: {  	_ =	shalt  }
0x54: {  	_ =	shalt  }
0x55: {  	_ =	shalt  }
0x56: {  	_ =	shalt  }
0x57: {  	_ =	shalt  }
0x58: {  	_ =	shalt  }
0x59: {  	_ =	shalt  }
0x5a: {  	_ =	shalt  }
0x5b: {  	_ =	shalt  }
0x5c: {  	_ =	shalt  }
0x5d: {  	_ =	shalt  }
0x5e: {  	_ =	shalt  }
0x5f: {  	_ =	shalt  }
0x60: {  	_ =	shalt  }
0x61: {  	_ =	shalt  }
0x62: {  	_ =	shalt  }
0x63: {  	_ =	shalt  }
0x64: {  	_ =	shalt  }
0x65: {  	_ =	shalt  }
0x66: {  	_ =	shalt  }
0x67: {  	_ =	shalt  }
0x68: {  	_ =	shalt  }
0x69: {  	_ =	shalt  }
0x6a: {  	_ =	shalt  }
0x6b: {  	_ =	shalt  }
0x6c: {  	_ =	shalt  }
0x6d: {  	_ =	shalt  }
0x6e: {  	_ =	shalt  }
0x6f: {  	_ =	shalt  }
0x70: {  	_ =	shalt  }
0x71: {  	_ =	shalt  }
0x72: {  	_ =	shalt  }
0x73: {  	_ =	shalt  }
0x74: {  	_ =	shalt  }
0x75: {  	_ =	shalt  }
0x76: {  	_ =	shalt  }
0x77: {  	_ =	shalt  }
0x78: {  	_ =	shalt  }
0x79: {  	_ =	shalt  }
0x7a: {  	_ =	shalt  }
0x7b: {  	_ =	shalt  }
0x7c: {  	_ =	shalt  }
0x7d: {  	_ =	shalt  }
0x7e: {  	_ =	shalt  }
0x7f: {  	_ =	shalt  }
0x80: {  	_ =	shalt  }
0x81: {  	_ =	shalt  }
0x82: {  	_ =	shalt  }
0x83: {  	_ =	shalt  }
0x84: {  	_ =	shalt  }
0x85: {  	_ =	shalt  }
0x86: {  	_ =	shalt  }
0x87: {  	_ =	shalt  }
.Lfunc_end0:
.L_simem_size_0:
called_computation_lowered:
.L_overlay_start_0:
0x88: {  	s2 =	sld [smem:$0x3FD9]  }
0x89: {  	s3 =	sld [smem:$0x3FFE];
	_ =	sdelay $0x1  }
0x8a: {  	s1 =	srdreg.scid  }
0x8b: {  	s0 =	sand.u32 $0x1, s1  }
0x8c: {  	s17 =	sshll.u32 s0, $0xA;
	s2 =	sadd.s32 s3, s2  }
0x8d: {  	s2 =	sadd.s32 s2, s17  }
0x8e: {  	[smem:$0x3FBC] =	sst s2  }
0x8f: {  	_ = 	snop  }
0x90: {  	s2 =	sld [smem:$0x3FD0];
	(tm) =	ssettm $0x1  }
0x91: {  	s18 =	sld [smem:$0x3FFB];
	_ =	sdelay $0x3  }
0x92: {  	_ =	strace s18  }
0x93: {  	s3 =	sld [smem:$0x3FFC];
	_ =	sdelay $0x3  }
0x94: {  	_ =	strace s3  }
0x95: {  	s3 =	sld [smem:$0x3FFD];
	_ =	sdelay $0x3  }
0x96: {  	_ =	strace s3  }
0x97: {  	_ =	strace $0x8FFFFFFF  }
0x98: {  	s19 =	sld [smem:$0x3FDB];
	_ =	sdelay $0x1  }
0x99: {  	s4 =	simm.s32 $_scs_section_size  }
0x9a: {  	s5 =	simm.s32 $_size__tile_overlayer_lowered;
	s6 =	simm.s32 $_tile_overlayer_lowered  }
0x9b: {  	s22 =	simm.s32 $0x1BFF;
	s21 =	sshll.u32 s6, $0x1;
	s3 =	sadd.s32 s4, s19  }
0x9c: {  	s7 =	simm.s32 $0x0;
	s20 =	sshll.u32 s5, $0x1;
	s5 =	sadd.s32 s21, s3  }
0x9d: {  	[timem:s7], [sflag:s22] =	dma.local [hbm:s5], s20  }
0x9e: {  	_ =	swait.ge [sflag:s22], s20  }
0x9f: {  	s4 =	ssub.s32 $0x0, s20;
	[sflag:s22] =	ssyncset.done $0x0  }
0xa0: {  	[sflag:s22] =	ssyncadd.s32 s4;
	_ =	sdelay $0x1  }
0xa1: {  	s23 =	simm.s32 $0x1B8B  }
0xa2: {  	_ =	swait.ge [sflag:s23], $0x1  }
0xa3: {  	[sflag:s23] =	ssyncset.done $0x0  }
0xa4: {  	s25 =	simm.s32 $0x1B8E;
	s24 =	sld [smem:$0x3FFE];
	[sflag:s23] =	ssyncadd.s32 $0xFFFFFFFF  }
0xa5: {  	s26 =	simm.s32 $execute0_lowered;
	[smem:$0x3FD2] =	sst s25  }
0xa6: {  	s5 =	sshll.u32 s26, $0x1;
	_ =	strace $0x80000046;
	[dreg:$0x1] =	wrdreg $0xFFFFFFFF  }
0xa7: {  	s28 =	simm.s32 $_size_execute0_lowered;
	s3 =	sadd.s32 s3, s5;
	[dreg:$0x0] =	wrdreg $0x0  }
0xa8: {  	s5 =	sshll.u32 s28, $0x1;
	[dreg:$0x2] =	wrdreg s3  }
0xa9: {  	[dreg:$0x3] =	wrdreg s5  }
0xaa: {  	[dreg:$0x4] =	wrdreg $0xC0  }
0xab: {  	_ =	task [dreg:s7], $0x5FFFF  }
0xac: {  	[dreg:$0x1] =	wrdreg $0xFFFFFFFF  }
0xad: {  	[dreg:$0x0] =	wrdreg $0x60  }
0xae: {  	[dreg:$0x2] =	wrdreg s24  }
0xaf: {  	[dreg:$0x3] =	wrdreg s2  }
0xb0: {  	[dreg:$0x4] =	wrdreg $0xBDB00  }
0xb1: {  	[dreg:$0x5] =	wrdreg $0xE5B00  }
0xb2: {  	[dreg:$0x6] =	wrdreg $0x95B00  }
0xb3: {  	[dreg:$0x7] =	wrdreg $0x9  }
0xb4: {  	_ =	task.clear_ibuf [dreg:s7], $0x8FFFF;
	_ =	strace $0x90000046  }
0xb5: {  	s29 =	simm.s32 $0x9;
	_ =	strace $0x80000048  }
0xb6: {  	_ =	swait.ge [sflag:s29], $0x1  }
0xb7: {  	[sflag:s29] =	ssyncadd.s32 $0xFFFFFFFF  }
0xb8: {  	_ =	strace $0x90000048  }
0xb9: {  	_ =	sfence  }
0xba: {  	s30 =	sld [smem:$0x0];
	_ =	sdelay $0x2  }
0xbb: {  	s31 =	sshll.u32 s1, $0xD;
	s1 =	sshrl.u32 s1, $0x2  }
0xbc: {  	s3 =	sand.u32 $0x4000, s31;
	s1 =	sadd.s32 s1, s30  }
0xbd: {  	s0 =	sor.u32 s3, s0;
	s1 =	sshll.u32 s1, $0x11  }
0xbe: {  	s0 =	sor.u32 s1, s0  }
0xbf: {  	s0 =	sadd.s32 $0x8F2B, s0  }
0xc0: {  	[sflag:s0] =	ssyncadd.remote.s32 $0x1  }
0xc1: {  	_ =	sfence.sel $0xFFFF  }
0xc2: {  	[dreg:$0x0] =	wrdreg $0xFFFFFFFF;
	(pc) =	sbr.abs _section_cstart, $3  }
0xc3: {  	[dreg:$0x1] =	wrdreg $0xFFFFFFFF  }
0xc4: {  	_ =	task.clear_ibuf [dreg:s7], $0x2FFFF;
	_ =	strace $0x9FFFFFFF  }
0xc5: {  	(tm) =	ssettm $0x7FFFFFFF  }
tec
execute0_lowered:
.L_overlay_start_1:
0x0: {  	(tag) =	ssettag $0x1  }
0x1: {  	s0 =	rddreg [dreg:$0x0]  }
0x2: {  	s2 =	rddreg [dreg:$0x1]  }
0x3: {  	s1 =	rddreg [dreg:$0x2];
	s18 =	stileid.u32  }
0x4: {  	s4 =	srdreg.scid;
	s3 =	rddreg [dreg:$0x3];
	s15 =	simm.s32 $0x4  }
0x5: {  	s16 =	simm.s32 $0x28A0;
	s17 =	simm.s32 $0x68B0;
	s28 =	simm.s32 $0x5EB0  }
0x6: {  	s29 =	simm.s32 $0x1;
	s31 =	simm.s32 $0x63B0;
	s30 =	simm.s32 $0x2940  }
0x7: {  	s6 =	sand.u32 $0x1, s4;
	s5 =	sshll.u32 s18, $0x1;
	s4 =	rddreg [dreg:$0x4]  }
0x8: {  	s7 =	smul.u32 $0x2800, s18;
	s22 =	sadd.s32 $0x1CC00, s0;
	s26 =	sshll.u32 s18, $0x6  }
0x9: {  	s18 =	simm.s32 $0x6DB0;
	s8 =	sor.u32 s6, s5;
	s5 =	simm.s32 $0x0  }
0xa: {  	s10 =	smul.u32 $0x28000, s6;
	s6 =	ssub.s32 $0x2, s6;
	s19 =	sor.u32 $0x1C04, s26  }
0xb: {  	s26 =	simm.s32 $0x2990;
	s8 =	smul.u32 $0x4E2, s8;
	[smem:$0x7FF] =	sst s5  }
0xc: {  	s9 =	sshrl.u32 s7, $0x3;
	s23 =	sshrl.u32 s6, $0x1;
	_ =	strace $0x80000047  }
0xd: {  	s11 =	sadd.s32 s9, s0;
	s21 =	sadd.s32 s7, s10;
	[dreg:$0x6] =	wrdreg s22  }
0xe: {  	s6 =	ssub.s32 s6, s23;
	s9 =	sadd.s32 s7, s1;
	s10 =	sadd.s32 s7, s3  }
0xf: {  	s7 =	sadd.s32 s7, s4;
	s22 =	simm.s32 $0x4FB0;
	s23 =	simm.s32 $0x54B0  }
0x10: {  	s8 =	sadd.s32 s8, s0;
	s12 =	sshrl.u32 s21, $0x3;
	s25 =	sadd.s32 $0x17C00, s11  }
0x11: {  	s14 =	smax.u32 s6, $0x1;
	s20 =	sshrl.u32 s7, $0x3;
	s21 =	simm.s32 $0x50  }
0x12: {  	s6 =	simm.s32 $0x29E0;
	s24 =	sadd.s32 $0x4000, s8;
	[dreg:$0x9] =	wrdreg s25  }
0x13: {  	s7 =	simm.s32 $0x0;
	s8 =	sadd.s32 $0xDE00, s8;
	[dreg:$0x7] =	wrdreg s24  }
0x14: {  	s0 =	sadd.s32 s12, s0;
	s2 =	sadd.s32 s2, s12;
	[dreg:$0x8] =	wrdreg s8  }
0x15: {  	s25 =	simm.s32 $0x59B0;
	[dreg:$0xa] =	wrdreg s2;
	s13 =	sadd.s32 $0x1CE00, s0  }
0x16: {  	v0 =	vimm.s32 $0x0;
	v1 =	vimm.f32 $0.0e+00;
	s2 =	simm.s32 $0x2;
	s0 =	simm.s32 $0x3;
	s24 =	simm.s32 $0x28F0  }
.LBB2_1:
0x17: {  	s8 =	rddreg [dreg:$0x7]  }
0x18: {  	[tilespmem:s5], [sflag:$0x4] =	stream.linear.gather [hbm4b:s8+s5], $0x2710, $0x38;
	[tilespmem:$0x10DB0] =	vst v63  }
0x19: {  	_ =	swait.ge [sflag:s15], $0x2710  }
0x1a: {  	[sflag:s15] =	ssyncset.done $0x0  }
0x1b: {  	s11 =	rddreg [dreg:$0x8];
	[sflag:s15] =	ssyncadd.s32 $0xFFFFD8F0  }
0x1c: {  	[tilespmem:s16], [sflag:$0x4] =	stream.linear.gather [hbm4b:s11+s5], $0x2710, $0x38;
	[tilespmem:$0x10DB0] =	vst v63  }
0x1d: {  	_ =	swait.ge [sflag:s15], $0x2710  }
0x1e: {  	[sflag:s15] =	ssyncset.done $0x0  }
0x1f: {  	s12 =	rddreg [dreg:$0x6];
	[sflag:s15] =	ssyncadd.s32 $0xFFFFD8F0  }
0x20: {  	[tilespmem:s17], [sflag:$0x4] =	stream.linear.gather [hbm4b:s12+s5], $0x500, $0x38;
	[tilespmem:$0x10DB0] =	vst v63  }
0x21: {  	_ =	swait.ge [sflag:s15], $0x500  }
0x22: {  	[sflag:s15] =	ssyncset.done $0x0  }
0x23: {  	[sflag:s15] =	ssyncadd.s32 $0xFFFFFB00  }
0x24: {  	[tilespmem:$0x2710] =	vst v0  }
0x25: {  	[tilespmem:$0x2720] =	vst v0  }
0x26: {  	[tilespmem:$0x2730] =	vst v0  }
0x27: {  	[tilespmem:$0x2740] =	vst v0  }
0x28: {  	[tilespmem:$0x2750] =	vst v0  }
0x29: {  	[tilespmem:$0x2760] =	vst v0  }
0x2a: {  	[tilespmem:$0x2770] =	vst v0  }
0x2b: {  	[tilespmem:$0x2780] =	vst v0  }
0x2c: {  	[tilespmem:$0x2790] =	vst v0  }
0x2d: {  	[tilespmem:$0x27A0] =	vst v0  }
0x2e: {  	[tilespmem:$0x27B0] =	vst v0  }
0x2f: {  	[tilespmem:$0x27C0] =	vst v0  }
0x30: {  	[tilespmem:$0x27D0] =	vst v0  }
0x31: {  	[tilespmem:$0x27E0] =	vst v0  }
0x32: {  	[tilespmem:$0x27F0] =	vst v0  }
0x33: {  	[tilespmem:$0x2800] =	vst v0  }
0x34: {  	[tilespmem:$0x2810] =	vst v0  }
0x35: {  	[tilespmem:$0x2820] =	vst v0  }
0x36: {  	[tilespmem:$0x2830] =	vst v0  }
0x37: {  	[tilespmem:$0x2840] =	vst v0  }
0x38: {  	[tilespmem:$0x2850] =	vst v0  }
0x39: {  	[tilespmem:$0x2860] =	vst v0  }
0x3a: {  	[tilespmem:$0x2870] =	vst v0  }
0x3b: {  	[tilespmem:$0x2880] =	vst v0  }
0x3c: {  	s8 =	simm.s32 $0x40;
	s11 =	simm.s32 $0x0;
	[tilespmem:$0x2890] =	vst v0  }
.LBB2_2:
0x3d: {  	p0 =	sne.s32 s8, $0x9FC0;
	[tilespmem:s11+$0x6DB0] =	vst v1;
	s11 =	smov.u32 s8;
	s8 =	sadd.s32 $0x40, s8  }
.Ltmp0:
0x3e: {  	(pc) =	sbr.rel @p0 .LBB2_2-.Ltmp0, $2  }
0x3f: {  	_ =	sdelay $0x2  }
0x40: {  	s11 =	sshra.s32 s11, $0x2  }
0x41: {  	[tilespmem:s11+$0x6DB0] =	vst v1  }
0x42: {  	[spmem:s9] =	stream.linear.scatter [tilespmem:s18], [sflag:$0x4], $0x2800, $0x38;
	[tilespmem:$0x10DB0] =	vst v63  }
0x43: {  	_ =	swait.ge [sflag:s15], $0x2800  }
0x44: {  	[sflag:s15] =	ssyncset.done $0x0  }
0x45: {  	[sflag:s15] =	ssyncadd.s32 $0xFFFFD800  }
0x46: {  	[spmem:s10] =	stream.linear.scatter [tilespmem:s18], [sflag:$0x4], $0x2800, $0x38;
	[tilespmem:$0x10DB0] =	vst v63  }
0x47: {  	_ =	swait.ge [sflag:s15], $0x2800  }
0x48: {  	[sflag:s15] =	ssyncset.done $0x0  }
0x49: {  	s8 =	rddreg [dreg:$0x9];
	[sflag:s15] =	ssyncadd.s32 $0xFFFFD800  }
0x4a: {  	[spmem:s20], [sflag:s19] =	dma.local [hbm:s8], $0x500  }
0x4b: {  	_ =	swait.ge [sflag:s15], $0x500  }
0x4c: {  	[sflag:s15] =	ssyncset.done $0x0  }
0x4d: {  	[sflag:s15] =	ssyncadd.s32 $0xFFFFFB00  }
0x4e: {  	s12 =	simm.s32 $0x0;
	[bflag:$0x0] =	sbarrier.arrive $0xFFFF  }
0x4f: {  	[tilespmem:s22], [sflag:$0x1] =	stream.indirect.gather [spmem:s4], $0x10, s12, s21, $0xb8;
	[tilespmem:$0x10DB0] =	vst v63  }
0x50: {  	_ = 	snop  }
0x51: {  	[tilespmem:s23], [sflag:$0x1] =	stream.indirect.gather [spmem:s4], $0x10, s21, s21, $0xb8;
	[tilespmem:$0x10DB0] =	vst v63  }
0x52: {  	s11 =	simm.s32 $0xA0  }
0x53: {  	[tilespmem:s25], [sflag:$0x1] =	stream.indirect.gather [spmem:s4], $0x10, s11, s21, $0xb8;
	[tilespmem:$0x10DB0] =	vst v63  }
0x54: {  	s12 =	simm.s32 $0xF0  }
0x55: {  	[tilespmem:s28], [sflag:$0x1] =	stream.indirect.gather [spmem:s4], $0x10, s12, s21, $0xb8;
	[tilespmem:$0x10DB0] =	vst v63  }
0x56: {  	_ =	swait.ge [sflag:s29], $0x500  }
0x57: {  	[sflag:s29] =	ssyncset.done $0x0  }
0x58: {  	[sflag:s29] =	ssyncadd.s32 $0xFFFFFB00  }
0x59: {  	[spmem:s1] =	stream.indirect.scatter.add.f32 [tilespmem:s22], [sflag:$0x2], $0x10, s16, s21, $0xb8;
	[tilespmem:$0x10DB0] =	vst v63  }
0x5a: {  	_ = 	snop  }
0x5b: {  	[spmem:s3] =	stream.indirect.scatter.add.f32 [tilespmem:s17], [sflag:$0x3], $0x10, s16, s21, $0xb8;
	[tilespmem:$0x10DB0] =	vst v63  }
0x5c: {  	s11 =	simm.s32 $0x140  }
0x5d: {  	[tilespmem:s31], [sflag:$0x1] =	stream.indirect.gather [spmem:s4], $0x10, s11, s21, $0xb8;
	[tilespmem:$0x10DB0] =	vst v63  }
0x5e: {  	_ =	swait.ge [sflag:s2], $0x500  }
0x5f: {  	[sflag:s2] =	ssyncset.done $0x0  }
0x60: {  	[sflag:s2] =	ssyncadd.s32 $0xFFFFFB00  }
0x61: {  	_ =	swait.ge [sflag:s0], $0x500  }
0x62: {  	[sflag:s0] =	ssyncset.done $0x0  }
0x63: {  	[sflag:s0] =	ssyncadd.s32 $0xFFFFFB00  }
0x64: {  	_ =	swait.ge [sflag:s29], $0x500  }
0x65: {  	[sflag:s29] =	ssyncset.done $0x0  }
0x66: {  	[sflag:s29] =	ssyncadd.s32 $0xFFFFFB00  }
0x67: {  	[spmem:s1] =	stream.indirect.scatter.add.f32 [tilespmem:s23], [sflag:$0x2], $0x10, s24, s21, $0xb8;
	[tilespmem:$0x10DB0] =	vst v63  }
0x68: {  	_ = 	snop  }
0x69: {  	[spmem:s3] =	stream.indirect.scatter.add.f32 [tilespmem:s17], [sflag:$0x3], $0x10, s24, s21, $0xb8;
	[tilespmem:$0x10DB0] =	vst v63  }
0x6a: {  	s12 =	simm.s32 $0x190  }
0x6b: {  	[tilespmem:s22], [sflag:$0x1] =	stream.indirect.gather [spmem:s4], $0x10, s12, s21, $0xb8;
	[tilespmem:$0x10DB0] =	vst v63  }
0x6c: {  	_ =	swait.ge [sflag:s2], $0x500  }
0x6d: {  	[sflag:s2] =	ssyncset.done $0x0  }
0x6e: {  	[sflag:s2] =	ssyncadd.s32 $0xFFFFFB00  }
0x6f: {  	_ =	swait.ge [sflag:s0], $0x500  }
0x70: {  	[sflag:s0] =	ssyncset.done $0x0  }
0x71: {  	[sflag:s0] =	ssyncadd.s32 $0xFFFFFB00  }
0x72: {  	_ =	swait.ge [sflag:s29], $0x500  }
0x73: {  	[sflag:s29] =	ssyncset.done $0x0  }
0x74: {  	[sflag:s29] =	ssyncadd.s32 $0xFFFFFB00  }
0x75: {  	[spmem:s1] =	stream.indirect.scatter.add.f32 [tilespmem:s25], [sflag:$0x2], $0x10, s30, s21, $0xb8;
	[tilespmem:$0x10DB0] =	vst v63  }
0x76: {  	_ = 	snop  }
0x77: {  	[spmem:s3] =	stream.indirect.scatter.add.f32 [tilespmem:s17], [sflag:$0x3], $0x10, s30, s21, $0xb8;
	[tilespmem:$0x10DB0] =	vst v63  }
0x78: {  	s11 =	simm.s32 $0x1E0  }
0x79: {  	[tilespmem:s23], [sflag:$0x1] =	stream.indirect.gather [spmem:s4], $0x10, s11, s21, $0xb8;
	[tilespmem:$0x10DB0] =	vst v63  }
0x7a: {  	_ =	swait.ge [sflag:s2], $0x500  }
0x7b: {  	[sflag:s2] =	ssyncset.done $0x0  }
0x7c: {  	[sflag:s2] =	ssyncadd.s32 $0xFFFFFB00  }
0x7d: {  	_ =	swait.ge [sflag:s0], $0x500  }
0x7e: {  	[sflag:s0] =	ssyncset.done $0x0  }
0x7f: {  	[sflag:s0] =	ssyncadd.s32 $0xFFFFFB00  }
0x80: {  	_ =	swait.ge [sflag:s29], $0x500  }
0x81: {  	[sflag:s29] =	ssyncset.done $0x0  }
0x82: {  	[sflag:s29] =	ssyncadd.s32 $0xFFFFFB00  }
0x83: {  	[spmem:s1] =	stream.indirect.scatter.add.f32 [tilespmem:s28], [sflag:$0x2], $0x10, s26, s21, $0xb8;
	[tilespmem:$0x10DB0] =	vst v63  }
0x84: {  	_ = 	snop  }
0x85: {  	[spmem:s3] =	stream.indirect.scatter.add.f32 [tilespmem:s17], [sflag:$0x3], $0x10, s26, s21, $0xb8;
	[tilespmem:$0x10DB0] =	vst v63  }
0x86: {  	s12 =	simm.s32 $0x230  }
0x87: {  	[tilespmem:s25], [sflag:$0x1] =	stream.indirect.gather [spmem:s4], $0x10, s12, s21, $0xb8;
	[tilespmem:$0x10DB0] =	vst v63  }
0x88: {  	_ =	swait.ge [sflag:s2], $0x500  }
0x89: {  	[sflag:s2] =	ssyncset.done $0x0  }
0x8a: {  	[sflag:s2] =	ssyncadd.s32 $0xFFFFFB00  }
0x8b: {  	_ =	swait.ge [sflag:s0], $0x500  }
0x8c: {  	[sflag:s0] =	ssyncset.done $0x0  }
0x8d: {  	[sflag:s0] =	ssyncadd.s32 $0xFFFFFB00  }
0x8e: {  	_ =	swait.ge [sflag:s29], $0x500  }
0x8f: {  	[sflag:s29] =	ssyncset.done $0x0  }
0x90: {  	[sflag:s29] =	ssyncadd.s32 $0xFFFFFB00  }
0x91: {  	[spmem:s1] =	stream.indirect.scatter.add.f32 [tilespmem:s31], [sflag:$0x2], $0x10, s6, s21, $0xb8;
	[tilespmem:$0x10DB0] =	vst v63  }
0x92: {  	_ = 	snop  }
0x93: {  	[spmem:s3] =	stream.indirect.scatter.add.f32 [tilespmem:s17], [sflag:$0x3], $0x10, s6, s21, $0xb8;
	[tilespmem:$0x10DB0] =	vst v63  }
0x94: {  	s11 =	simm.s32 $0x280  }
0x95: {  	[tilespmem:s28], [sflag:$0x1] =	stream.indirect.gather [spmem:s4], $0x10, s11, s21, $0xb8;
	[tilespmem:$0x10DB0] =	vst v63  }
0x96: {  	_ =	swait.ge [sflag:s2], $0x500  }
0x97: {  	[sflag:s2] =	ssyncset.done $0x0  }
0x98: {  	[sflag:s2] =	ssyncadd.s32 $0xFFFFFB00  }
0x99: {  	_ =	swait.ge [sflag:s0], $0x500  }
0x9a: {  	[sflag:s0] =	ssyncset.done $0x0  }
0x9b: {  	[sflag:s0] =	ssyncadd.s32 $0xFFFFFB00  }
0x9c: {  	_ =	swait.ge [sflag:s29], $0x500  }
0x9d: {  	[sflag:s29] =	ssyncset.done $0x0  }
0x9e: {  	s12 =	simm.s32 $0x2A30;
	[sflag:s29] =	ssyncadd.s32 $0xFFFFFB00  }
0x9f: {  	[spmem:s1] =	stream.indirect.scatter.add.f32 [tilespmem:s22], [sflag:$0x2], $0x10, s12, s21, $0xb8;
	[tilespmem:$0x10DB0] =	vst v63  }
0xa0: {  	_ = 	snop  }
0xa1: {  	[spmem:s3] =	stream.indirect.scatter.add.f32 [tilespmem:s17], [sflag:$0x3], $0x10, s12, s21, $0xb8;
	[tilespmem:$0x10DB0] =	vst v63  }
0xa2: {  	s11 =	simm.s32 $0x2D0  }
0xa3: {  	[tilespmem:s31], [sflag:$0x1] =	stream.indirect.gather [spmem:s4], $0x10, s11, s21, $0xb8;
	[tilespmem:$0x10DB0] =	vst v63  }
0xa4: {  	_ =	swait.ge [sflag:s2], $0x500  }
0xa5: {  	[sflag:s2] =	ssyncset.done $0x0  }
0xa6: {  	[sflag:s2] =	ssyncadd.s32 $0xFFFFFB00  }
0xa7: {  	_ =	swait.ge [sflag:s0], $0x500  }
0xa8: {  	[sflag:s0] =	ssyncset.done $0x0  }
0xa9: {  	[sflag:s0] =	ssyncadd.s32 $0xFFFFFB00  }
0xaa: {  	_ =	swait.ge [sflag:s29], $0x500  }
0xab: {  	[sflag:s29] =	ssyncset.done $0x0  }
0xac: {  	s12 =	simm.s32 $0x2A80;
	[sflag:s29] =	ssyncadd.s32 $0xFFFFFB00  }
0xad: {  	[spmem:s1] =	stream.indirect.scatter.add.f32 [tilespmem:s23], [sflag:$0x2], $0x10, s12, s21, $0xb8;
	[tilespmem:$0x10DB0] =	vst v63  }
0xae: {  	_ = 	snop  }
0xaf: {  	[spmem:s3] =	stream.indirect.scatter.add.f32 [tilespmem:s17], [sflag:$0x3], $0x10, s12, s21, $0xb8;
	[tilespmem:$0x10DB0] =	vst v63  }
0xb0: {  	s11 =	simm.s32 $0x320  }
0xb1: {  	[tilespmem:s22], [sflag:$0x1] =	stream.indirect.gather [spmem:s4], $0x10, s11, s21, $0xb8;
	[tilespmem:$0x10DB0] =	vst v63  }
0xb2: {  	_ =	swait.ge [sflag:s2], $0x500  }
0xb3: {  	[sflag:s2] =	ssyncset.done $0x0  }
0xb4: {  	[sflag:s2] =	ssyncadd.s32 $0xFFFFFB00  }
0xb5: {  	_ =	swait.ge [sflag:s0], $0x500  }
0xb6: {  	[sflag:s0] =	ssyncset.done $0x0  }
0xb7: {  	[sflag:s0] =	ssyncadd.s32 $0xFFFFFB00  }
0xb8: {  	_ =	swait.ge [sflag:s29], $0x500  }
0xb9: {  	[sflag:s29] =	ssyncset.done $0x0  }
0xba: {  	s12 =	simm.s32 $0x2AD0;
	[sflag:s29] =	ssyncadd.s32 $0xFFFFFB00  }
0xbb: {  	[spmem:s1] =	stream.indirect.scatter.add.f32 [tilespmem:s25], [sflag:$0x2], $0x10, s12, s21, $0xb8;
	[tilespmem:$0x10DB0] =	vst v63  }
0xbc: {  	_ = 	snop  }
0xbd: {  	[spmem:s3] =	stream.indirect.scatter.add.f32 [tilespmem:s17], [sflag:$0x3], $0x10, s12, s21, $0xb8;
	[tilespmem:$0x10DB0] =	vst v63  }
0xbe: {  	s11 =	simm.s32 $0x370  }
0xbf: {  	[tilespmem:s23], [sflag:$0x1] =	stream.indirect.gather [spmem:s4], $0x10, s11, s21, $0xb8;
	[tilespmem:$0x10DB0] =	vst v63  }
0xc0: {  	_ =	swait.ge [sflag:s2], $0x500  }
0xc1: {  	[sflag:s2] =	ssyncset.done $0x0  }
0xc2: {  	[sflag:s2] =	ssyncadd.s32 $0xFFFFFB00  }
0xc3: {  	_ =	swait.ge [sflag:s0], $0x500  }
0xc4: {  	[sflag:s0] =	ssyncset.done $0x0  }
0xc5: {  	[sflag:s0] =	ssyncadd.s32 $0xFFFFFB00  }
0xc6: {  	_ =	swait.ge [sflag:s29], $0x500  }
0xc7: {  	[sflag:s29] =	ssyncset.done $0x0  }
0xc8: {  	s12 =	simm.s32 $0x2B20;
	[sflag:s29] =	ssyncadd.s32 $0xFFFFFB00  }
0xc9: {  	[spmem:s1] =	stream.indirect.scatter.add.f32 [tilespmem:s28], [sflag:$0x2], $0x10, s12, s21, $0xb8;
	[tilespmem:$0x10DB0] =	vst v63  }
0xca: {  	_ = 	snop  }
0xcb: {  	[spmem:s3] =	stream.indirect.scatter.add.f32 [tilespmem:s17], [sflag:$0x3], $0x10, s12, s21, $0xb8;
	[tilespmem:$0x10DB0] =	vst v63  }
0xcc: {  	s11 =	simm.s32 $0x3C0  }
0xcd: {  	[tilespmem:s25], [sflag:$0x1] =	stream.indirect.gather [spmem:s4], $0x10, s11, s21, $0xb8;
	[tilespmem:$0x10DB0] =	vst v63  }
0xce: {  	_ =	swait.ge [sflag:s2], $0x500  }
0xcf: {  	[sflag:s2] =	ssyncset.done $0x0  }
0xd0: {  	[sflag:s2] =	ssyncadd.s32 $0xFFFFFB00  }
0xd1: {  	_ =	swait.ge [sflag:s0], $0x500  }
0xd2: {  	[sflag:s0] =	ssyncset.done $0x0  }
0xd3: {  	[sflag:s0] =	ssyncadd.s32 $0xFFFFFB00  }
0xd4: {  	_ =	swait.ge [sflag:s29], $0x500  }
0xd5: {  	[sflag:s29] =	ssyncset.done $0x0  }
0xd6: {  	s12 =	simm.s32 $0x2B70;
	[sflag:s29] =	ssyncadd.s32 $0xFFFFFB00  }
0xd7: {  	[spmem:s1] =	stream.indirect.scatter.add.f32 [tilespmem:s31], [sflag:$0x2], $0x10, s12, s21, $0xb8;
	[tilespmem:$0x10DB0] =	vst v63  }
0xd8: {  	s8 =	simm.s32 $0x640;
	s11 =	simm.s32 $0x410  }
0xd9: {  	[spmem:s3] =	stream.indirect.scatter.add.f32 [tilespmem:s17], [sflag:$0x3], $0x10, s12, s21, $0xb8;
	[tilespmem:$0x10DB0] =	vst v63  }
.LBB2_4:
0xda: {  	[tilespmem:s28], [sflag:$0x1] =	stream.indirect.gather [spmem:s4], $0x10, s11, s21, $0xb8;
	[tilespmem:$0x10DB0] =	vst v63  }
0xdb: {  	s11 =	smov.u32 s8  }
0xdc: {  	p0 =	sne.s32 s8, $0x8FC0;
	s8 =	sadd.s32 $0x640, s8;
	_ =	swait.ge [sflag:s2], $0x500  }
0xdd: {  	[sflag:s2] =	ssyncset.done $0x0  }
0xde: {  	[sflag:s2] =	ssyncadd.s32 $0xFFFFFB00  }
0xdf: {  	_ =	swait.ge [sflag:s0], $0x500  }
0xe0: {  	[sflag:s0] =	ssyncset.done $0x0  }
0xe1: {  	[sflag:s0] =	ssyncadd.s32 $0xFFFFFB00  }
0xe2: {  	_ =	swait.ge [sflag:s29], $0x500  }
0xe3: {  	s11 =	sshra.s32 s11, $0x2;
	[sflag:s29] =	ssyncset.done $0x0  }
0xe4: {  	s12 =	sadd.s32 $0x2A30, s11;
	[sflag:s29] =	ssyncadd.s32 $0xFFFFFB00  }
0xe5: {  	[spmem:s1] =	stream.indirect.scatter.add.f32 [tilespmem:s22], [sflag:$0x2], $0x10, s12, s21, $0xb8;
	[tilespmem:$0x10DB0] =	vst v63  }
0xe6: {  	_ = 	snop  }
0xe7: {  	[spmem:s3] =	stream.indirect.scatter.add.f32 [tilespmem:s17], [sflag:$0x3], $0x10, s12, s21, $0xb8;
	[tilespmem:$0x10DB0] =	vst v63  }
0xe8: {  	s12 =	sadd.s32 $0x2D0, s11  }
0xe9: {  	[tilespmem:s31], [sflag:$0x1] =	stream.indirect.gather [spmem:s4], $0x10, s12, s21, $0xb8;
	[tilespmem:$0x10DB0] =	vst v63  }
0xea: {  	_ =	swait.ge [sflag:s2], $0x500  }
0xeb: {  	[sflag:s2] =	ssyncset.done $0x0  }
0xec: {  	[sflag:s2] =	ssyncadd.s32 $0xFFFFFB00  }
0xed: {  	_ =	swait.ge [sflag:s0], $0x500  }
0xee: {  	[sflag:s0] =	ssyncset.done $0x0  }
0xef: {  	[sflag:s0] =	ssyncadd.s32 $0xFFFFFB00  }
0xf0: {  	_ =	swait.ge [sflag:s29], $0x500  }
0xf1: {  	[sflag:s29] =	ssyncset.done $0x0  }
0xf2: {  	s12 =	sadd.s32 $0x2A80, s11;
	[sflag:s29] =	ssyncadd.s32 $0xFFFFFB00  }
0xf3: {  	[spmem:s1] =	stream.indirect.scatter.add.f32 [tilespmem:s23], [sflag:$0x2], $0x10, s12, s21, $0xb8;
	[tilespmem:$0x10DB0] =	vst v63  }
0xf4: {  	_ = 	snop  }
0xf5: {  	[spmem:s3] =	stream.indirect.scatter.add.f32 [tilespmem:s17], [sflag:$0x3], $0x10, s12, s21, $0xb8;
	[tilespmem:$0x10DB0] =	vst v63  }
0xf6: {  	s12 =	sadd.s32 $0x320, s11  }
0xf7: {  	[tilespmem:s22], [sflag:$0x1] =	stream.indirect.gather [spmem:s4], $0x10, s12, s21, $0xb8;
	[tilespmem:$0x10DB0] =	vst v63  }
0xf8: {  	_ =	swait.ge [sflag:s2], $0x500  }
0xf9: {  	[sflag:s2] =	ssyncset.done $0x0  }
0xfa: {  	[sflag:s2] =	ssyncadd.s32 $0xFFFFFB00  }
0xfb: {  	_ =	swait.ge [sflag:s0], $0x500  }
0xfc: {  	[sflag:s0] =	ssyncset.done $0x0  }
0xfd: {  	[sflag:s0] =	ssyncadd.s32 $0xFFFFFB00  }
0xfe: {  	_ =	swait.ge [sflag:s29], $0x500  }
0xff: {  	[sflag:s29] =	ssyncset.done $0x0  }
0x100: {  	s12 =	sadd.s32 $0x2AD0, s11;
	[sflag:s29] =	ssyncadd.s32 $0xFFFFFB00  }
0x101: {  	[spmem:s1] =	stream.indirect.scatter.add.f32 [tilespmem:s25], [sflag:$0x2], $0x10, s12, s21, $0xb8;
	[tilespmem:$0x10DB0] =	vst v63  }
0x102: {  	_ = 	snop  }
0x103: {  	[spmem:s3] =	stream.indirect.scatter.add.f32 [tilespmem:s17], [sflag:$0x3], $0x10, s12, s21, $0xb8;
	[tilespmem:$0x10DB0] =	vst v63  }
0x104: {  	s12 =	sadd.s32 $0x370, s11  }
0x105: {  	[tilespmem:s23], [sflag:$0x1] =	stream.indirect.gather [spmem:s4], $0x10, s12, s21, $0xb8;
	[tilespmem:$0x10DB0] =	vst v63  }
0x106: {  	_ =	swait.ge [sflag:s2], $0x500  }
0x107: {  	[sflag:s2] =	ssyncset.done $0x0  }
0x108: {  	[sflag:s2] =	ssyncadd.s32 $0xFFFFFB00  }
0x109: {  	_ =	swait.ge [sflag:s0], $0x500  }
0x10a: {  	[sflag:s0] =	ssyncset.done $0x0  }
0x10b: {  	[sflag:s0] =	ssyncadd.s32 $0xFFFFFB00  }
0x10c: {  	_ =	swait.ge [sflag:s29], $0x500  }
0x10d: {  	[sflag:s29] =	ssyncset.done $0x0  }
0x10e: {  	s12 =	sadd.s32 $0x2B20, s11;
	[sflag:s29] =	ssyncadd.s32 $0xFFFFFB00  }
0x10f: {  	[spmem:s1] =	stream.indirect.scatter.add.f32 [tilespmem:s28], [sflag:$0x2], $0x10, s12, s21, $0xb8;
	[tilespmem:$0x10DB0] =	vst v63  }
0x110: {  	_ = 	snop  }
0x111: {  	[spmem:s3] =	stream.indirect.scatter.add.f32 [tilespmem:s17], [sflag:$0x3], $0x10, s12, s21, $0xb8;
	[tilespmem:$0x10DB0] =	vst v63  }
0x112: {  	s12 =	sadd.s32 $0x3C0, s11  }
0x113: {  	[tilespmem:s25], [sflag:$0x1] =	stream.indirect.gather [spmem:s4], $0x10, s12, s21, $0xb8;
	[tilespmem:$0x10DB0] =	vst v63  }
0x114: {  	_ =	swait.ge [sflag:s2], $0x500  }
0x115: {  	[sflag:s2] =	ssyncset.done $0x0  }
0x116: {  	[sflag:s2] =	ssyncadd.s32 $0xFFFFFB00  }
0x117: {  	_ =	swait.ge [sflag:s0], $0x500  }
0x118: {  	[sflag:s0] =	ssyncset.done $0x0  }
0x119: {  	[sflag:s0] =	ssyncadd.s32 $0xFFFFFB00  }
0x11a: {  	_ =	swait.ge [sflag:s29], $0x500  }
0x11b: {  	[sflag:s29] =	ssyncset.done $0x0  }
.Ltmp1:
0x11c: {  	s12 =	sadd.s32 $0x2B70, s11;
	[sflag:s29] =	ssyncadd.s32 $0xFFFFFB00;
	(pc) =	sbr.rel @p0 .LBB2_4-.Ltmp1, $4  }
0x11d: {  	[spmem:s1] =	stream.indirect.scatter.add.f32 [tilespmem:s31], [sflag:$0x2], $0x10, s12, s21, $0xb8;
	[tilespmem:$0x10DB0] =	vst v63  }
0x11e: {  	_ = 	snop  }
0x11f: {  	[spmem:s3] =	stream.indirect.scatter.add.f32 [tilespmem:s17], [sflag:$0x3], $0x10, s12, s21, $0xb8;
	[tilespmem:$0x10DB0] =	vst v63  }
0x120: {  	s11 =	sadd.s32 $0x410, s11  }
0x121: {  	[tilespmem:s28], [sflag:$0x1] =	stream.indirect.gather [spmem:s4], $0x10, s11, s21, $0xb8;
	[tilespmem:$0x10DB0] =	vst v63  }
0x122: {  	_ =	swait.ge [sflag:s2], $0x500  }
0x123: {  	[sflag:s2] =	ssyncset.done $0x0  }
0x124: {  	[sflag:s2] =	ssyncadd.s32 $0xFFFFFB00  }
0x125: {  	_ =	swait.ge [sflag:s0], $0x500  }
0x126: {  	[sflag:s0] =	ssyncset.done $0x0  }
0x127: {  	[sflag:s0] =	ssyncadd.s32 $0xFFFFFB00  }
0x128: {  	_ =	swait.ge [sflag:s29], $0x500  }
0x129: {  	[sflag:s29] =	ssyncset.done $0x0  }
0x12a: {  	[sflag:s29] =	ssyncadd.s32 $0xFFFFFB00  }
0x12b: {  	_ =	swait.ge [sflag:s29], $0x500  }
0x12c: {  	[sflag:s29] =	ssyncset.done $0x0  }
0x12d: {  	[sflag:s29] =	ssyncadd.s32 $0xFFFFFB00  }
0x12e: {  	_ =	swait.ge [sflag:s29], $0x500  }
0x12f: {  	[sflag:s29] =	ssyncset.done $0x0  }
0x130: {  	[sflag:s29] =	ssyncadd.s32 $0xFFFFFB00  }
0x131: {  	_ =	swait.ge [sflag:s29], $0x500  }
0x132: {  	[sflag:s29] =	ssyncset.done $0x0  }
0x133: {  	[sflag:s29] =	ssyncadd.s32 $0xFFFFFB00  }
0x134: {  	[bflag:$0x0] =	sbarrier.arrive $0xFFFF  }
0x135: {  	s8 =	sshrl.u32 s9, $0x3;
	s12 =	rddreg [dreg:$0xa]  }
0x136: {  	[hbm:s12], [sflag:s19] =	dma.local [spmem:s8], $0x500  }
0x137: {  	s7 =	sadd.s32 $0x1, s7;
	_ =	swait.ge [sflag:s15], $0x500  }
0x138: {  	p0 =	sne.s32 s7, s14;
	[sflag:s15] =	ssyncset.done $0x0  }
.Ltmp2:
0x139: {  	s12 =	sshrl.u32 s10, $0x3;
	[sflag:s15] =	ssyncadd.s32 $0xFFFFFB00;
	(pc) =	sbr.rel @p0 .LBB2_1-.Ltmp2, $4  }
0x13a: {  	[hbm:s13], [sflag:s19] =	dma.local [spmem:s12], $0x500  }
0x13b: {  	_ =	swait.ge [sflag:s15], $0x500  }
0x13c: {  	[sflag:s15] =	ssyncset.done $0x0  }
0x13d: {  	[sflag:s15] =	ssyncadd.s32 $0xFFFFFB00  }
0x13e: {  	_ =	sfence.sel $0x180000  }
0x13f: {  	[bflag:$0x0] =	sbarrier.arrive $0xFFFF  }
0x140: {  	_ =	strace $0x90000047  }
0x141: {  	s0 =	stileid.u32;
	[bflag:$0x2] =	sbarrier.arrive $0xFFFF  }
0x142: {  	p0 =	sne.s32 s0, $0x0;
	s0 =	rddreg [dreg:$0x5]  }
0x143: {  	s0 =	sadd.s32 @!p0 $0x100000, s0  }
0x144: {  	[sflag:s0] =	ssyncadd.tile.s32 @!p0 $0x1;
	_ =	shalt  }
.Lfunc_end2:
_tile_overlayer_lowered:
.L_overlay_start_2:
0x145: {  	(tag) =	ssettag $0x2  }
0x146: {  	s0 =	rddreg [dreg:$0x0];
	s2 =	stileid.u32  }
0x147: {  	s1 =	rddreg [dreg:$0x1];
	p0 =	sne.s32 s2, $0x0  }
0x148: {  	s3 =	rddreg [dreg:$0x2];
	[bflag:$0x3] =	sbarrier.arrive $0xFFFF;
	s2 =	simm.s32 @!p0 $0x1C04  }
0x149: {  	[timem:s3], [sflag:s2] =	dma.local @!p0 [hbm:s0], s1  }
0x14a: {  	s0 =	simm.s32 @!p0 $0x4  }
0x14b: {  	_ =	swait.ge @!p0 [sflag:s0], s1  }
0x14c: {  	s1 =	ssub.s32 @!p0 $0x0, s1;
	[sflag:s0] =	ssyncset.done @!p0 $0x0  }
0x14d: {  	[sflag:s0] =	ssyncadd.s32 @!p0 s1  }
0x14e: {  	[bflag:$0x3] =	sbarrier.arrive $0xFFFF  }
0x14f: {  	_ =	shalt  }

</sc_bundles>
